<compile_context>
chip_gen: v7x
topology: tpu7x:2x2x1
jax: 0.10.2.dev20260603
libtpu: 0.0.44.dev20260713+nightly
codegen_flags: <defaults>
</compile_context>

<pallas_src>
import functools
import jax
import jax.numpy as jnp
from jax import lax
from jax.experimental import pallas as pl
from jax.experimental.pallas import tpu as pltpu
from jax.experimental.pallas import tpu_sc as plsc

_TM = 4096

_NC = 2
_NS = 16
_NW = _NC * _NS
_L = 16


def _logits_block(x_ref, w_ref, b_ref, out_ref):
    out_ref[...] = (
        jnp.dot(x_ref[...], w_ref[...], preferred_element_type=jnp.float32)
        + b_ref[...]
    )


def _tc_logits(x, w_t, b2):
    n_tokens, d_model = x.shape
    n_experts = w_t.shape[1]
    return pl.pallas_call(
        _logits_block,
        grid=(n_tokens // _TM,),
        in_specs=[
            pl.BlockSpec((_TM, d_model), lambda i: (i, 0)),
            pl.BlockSpec((d_model, n_experts), lambda i: (0, 0)),
            pl.BlockSpec((1, n_experts), lambda i: (0, 0)),
        ],
        out_specs=pl.BlockSpec((_TM, n_experts), lambda i: (i, 0)),
        out_shape=jax.ShapeDtypeStruct((n_tokens, n_experts), jnp.float32),
    )(x, w_t, b2)


def _make_sc_topk(n_tokens, n_experts):
    tok_per_w = n_tokens // _NW
    half = tok_per_w // 2
    n_tiles = half // _L

    mesh = plsc.VectorSubcoreMesh(
        core_axis_name="c", subcore_axis_name="s",
        num_cores=_NC, num_subcores=_NS,
    )

    @functools.partial(
        pl.kernel,
        out_type=[
            jax.ShapeDtypeStruct((n_tokens * n_experts,), jnp.float32),
            jax.ShapeDtypeStruct((n_tokens * 2,), jnp.int32),
        ],
        mesh=mesh,
        scratch_types=[
            pltpu.VMEM((half * n_experts,), jnp.float32),
            pltpu.VMEM((half * n_experts,), jnp.float32),
            pltpu.VMEM((half * 2,), jnp.int32),
        ],
        compiler_params=pltpu.CompilerParams(needs_layout_passes=False),
    )
    def sc_topk(logits_hbm, gates_hbm, idx_hbm, in_v, out_v, idx_v):
        wid = lax.axis_index("s") * _NC + lax.axis_index("c")
        lane = lax.iota(jnp.int32, _L)
        zeros16 = jnp.zeros((_L,), jnp.float32)
        neginf = jnp.full((_L,), -jnp.inf, jnp.float32)
        izero = jnp.zeros((_L,), jnp.int32)

        for h in range(2):
            base = wid * tok_per_w + h * half

            pltpu.sync_copy(
                logits_hbm.at[pl.ds(base * n_experts, half * n_experts)], in_v
            )

            def tile_body(t, _):
                rbase = (t * _L + lane) * n_experts

                for k in range(_L * n_experts // _L):
                    out_v[pl.ds(t * (_L * n_experts) + k * _L, _L)] = zeros16

                m1, i1 = neginf, izero
                m2, i2 = neginf, izero
                for e in range(n_experts):
                    v = plsc.load_gather(in_v, [rbase + e])
                    ev = jnp.full((_L,), e, jnp.int32)
                    gt1 = v > m1
                    gt2 = v > m2
                    m2 = jnp.where(gt1, m1, jnp.where(gt2, v, m2))
                    i2 = jnp.where(gt1, i1, jnp.where(gt2, ev, i2))
                    m1 = jnp.where(gt1, v, m1)
                    i1 = jnp.where(gt1, ev, i1)

                tt = jnp.exp(m2 - m1)
                denom = 1.0 + tt
                g1 = 1.0 / denom
                g2 = tt / denom

                plsc.store_scatter(out_v, [rbase + i1], g1)
                plsc.store_scatter(out_v, [rbase + i2], g2)

                rows2 = (t * _L + lane) * 2
                plsc.store_scatter(idx_v, [rows2], i1)
                plsc.store_scatter(idx_v, [rows2 + 1], i2)
                return _

            lax.fori_loop(0, n_tiles, tile_body, 0)

            pltpu.sync_copy(
                out_v, gates_hbm.at[pl.ds(base * n_experts, half * n_experts)]
            )
            pltpu.sync_copy(idx_v, idx_hbm.at[pl.ds(base * 2, half * 2)])

    return sc_topk


def kernel(x, gate_W, gate_b):
    n_tokens, d_model = x.shape
    n_experts = gate_W.shape[0]
    w_t = gate_W.T
    b2 = gate_b.reshape(1, n_experts)

    logits = _tc_logits(x, w_t, b2)
    sc_topk = _make_sc_topk(n_tokens, n_experts)
    gates_flat, idx_flat = sc_topk(logits.reshape(-1))
    return (
        gates_flat.reshape(n_tokens, n_experts),
        idx_flat.reshape(n_tokens, 2),
    )

# --- scband reference (transcript-rebuilt; emitter-appended) ---
"""Pipeline reference for scband-noisy-top-krouter-9431748182292 (READ-ONLY COPY).

The authoritative reference and input builder live on the scoring server;
editing this copy changes nothing except your own understanding.
"""

import jax, jax.numpy as jnp
import numpy as np

NUM_TOKENS = 32768
D_MODEL = 768
NUM_EXPERTS = 64
TOP_K = 2

def setup_inputs(seed: int = 0) -> dict:
    key = jax.random.key(seed)
    k1, k2, k3 = jax.random.split(key, 3)
    x = jax.random.normal(k1, (NUM_TOKENS, D_MODEL), dtype=jnp.float32)
    gate_W = jax.random.normal(k2, (NUM_EXPERTS, D_MODEL), dtype=jnp.float32) * 0.02
    gate_b = jnp.zeros((NUM_EXPERTS,), dtype=jnp.float32)
    return {"x": x, "gate_W": gate_W, "gate_b": gate_b}

def reference(x, gate_W, gate_b):
    # Eval-mode forward: noise branch is skipped (self.training == False).
    logits = x @ gate_W.T + gate_b
    top_k_logits, top_k_indices = jax.lax.top_k(logits, TOP_K)
    top_k_gates = jax.nn.softmax(top_k_logits, axis=1)
    rows = jnp.arange(logits.shape[0])[:, None]
    gates = jnp.zeros_like(logits).at[rows, top_k_indices].set(top_k_gates)
    return (gates, top_k_indices)

if __name__ == "__main__":
    import jax
    _d = setup_inputs()
    print(jax.jit(kernel)(*tuple(_d.values())))

</pallas_src>

<mosaic_0001>
#map = affine_map<(d0, d1) -> (0)>
module attributes {stable_mosaic.version = 14 : i64} {
  func.func @sc_topk(%arg0: i32, %arg1: i32, %arg2: memref<2097152xf32, #tpu.memory_space<hbm>>, %arg3: memref<2097152xf32, #tpu.memory_space<hbm>>, %arg4: memref<65536xi32, #tpu.memory_space<hbm>>, %arg5: memref<32768xf32, #tpu.memory_space<vmem>>, %arg6: memref<32768xf32, #tpu.memory_space<vmem>>, %arg7: memref<1024xi32, #tpu.memory_space<vmem>>) attributes {dimension_semantics = [#tpu.dimension_semantics<core_parallel>, #tpu.dimension_semantics<subcore_parallel>], iteration_bounds = array<i64: 2, 16>, scalar_prefetch = 0 : i64, scratch_operands = 3 : i64, tpu.core_type = #tpu.core_type<sc_vector_subcore>, window_params = [{transform_indices = #map}, {transform_indices = #map}, {transform_indices = #map}]} {
    %mul3A = arith.constant 2 : i32
    %mul3A_0 = arith.muli %arg1, %mul3A : i32
    %add3A = arith.addi %mul3A_0, %arg0 : i32
    %iota3A = tpu.iota {dimensions = array<i32: 0>} : vector<16xi32>
    %broadcast_in_dim3A = arith.constant 0.000000e+00 : f32
    %broadcast_in_dim3A_1 = vector.broadcast %broadcast_in_dim3A : f32 to vector<16xf32>
    %broadcast_in_dim3A_2 = arith.constant 0xFF800000 : f32
    %broadcast_in_dim3A_3 = vector.broadcast %broadcast_in_dim3A_2 : f32 to vector<16xf32>
    %broadcast_in_dim3A_4 = arith.constant 0 : i32
    %broadcast_in_dim3A_5 = vector.broadcast %broadcast_in_dim3A_4 : i32 to vector<16xi32>
    %mul3A_6 = arith.constant 1024 : i32
    %mul3A_7 = arith.muli %add3A, %mul3A_6 : i32
    %add3A_8 = arith.constant 0 : i32
    %add3A_9 = arith.addi %mul3A_7, %add3A_8 : i32
    %mul3A_10 = arith.constant 64 : i32
    %mul3A_11 = arith.muli %add3A_9, %mul3A_10 : i32
    "tpu.region"() ({
      %run_scoped3A = tpu.sem_alloc : memref<!tpu.dma_semaphore, #tpu.memory_space<semaphore_mem>>
      %dma_start3A = tpu.memref_slice %arg2[%mul3A_11] : memref<2097152xf32, #tpu.memory_space<hbm>> -> memref<32768xf32, #tpu.memory_space<hbm>>
      %dma_start3A_37 = tpu.memref_slice %arg2[%mul3A_11] : memref<2097152xf32, #tpu.memory_space<hbm>> -> memref<32768xf32, #tpu.memory_space<hbm>>
      tpu.enqueue_dma source(%dma_start3A_37 : memref<32768xf32, #tpu.memory_space<hbm>>) target(%arg5 : memref<32768xf32, #tpu.memory_space<vmem>>) target_semaphore(%run_scoped3A : memref<!tpu.dma_semaphore, #tpu.memory_space<semaphore_mem>>)
      %dma_wait3A = tpu.memref_slice %arg2[%mul3A_11] : memref<2097152xf32, #tpu.memory_space<hbm>> -> memref<32768xf32, #tpu.memory_space<hbm>>
      %dma_wait3A_38 = tpu.memref_slice %arg2[%mul3A_11] : memref<2097152xf32, #tpu.memory_space<hbm>> -> memref<32768xf32, #tpu.memory_space<hbm>>
      tpu.wait_dma2 semaphore(%run_scoped3A : memref<!tpu.dma_semaphore, #tpu.memory_space<semaphore_mem>>) src(%dma_wait3A_38 : memref<32768xf32, #tpu.memory_space<hbm>>) dst(%arg5 : memref<32768xf32, #tpu.memory_space<vmem>>)
      tpu.yield
    }) : () -> ()
    %scan3A = arith.constant 0 : i32
    %scan3A_12 = arith.constant 0 : i32
    %scan3A_13 = arith.constant 32 : i32
    %scan3A_14 = arith.addi %scan3A_12, %scan3A_13 : i32
    %scan3A_15 = arith.constant 1 : i32
    scf.for %scan3A_37 = %scan3A_12 to %scan3A_14 step %scan3A_15  : i32 {
      %mul3A_38 = arith.constant 16 : i32
      %mul3A_39 = arith.muli %scan3A_37, %mul3A_38 : i32
      %add3A_40 = vector.broadcast %mul3A_39 : i32 to vector<16xi32>
      %add3A_41 = arith.addi %add3A_40, %iota3A : vector<16xi32>
      %mul3A_42 = arith.constant 64 : i32
      %mul3A_43 = vector.broadcast %mul3A_42 : i32 to vector<16xi32>
      %mul3A_44 = arith.muli %add3A_41, %mul3A_43 : vector<16xi32>
      %mul3A_45 = arith.constant 1024 : i32
      %mul3A_46 = arith.muli %scan3A_37, %mul3A_45 : i32
      %add3A_47 = arith.constant 0 : i32
      %add3A_48 = arith.addi %mul3A_46, %add3A_47 : i32
      %swap3A = arith.index_cast %add3A_48 : i32 to index
      %swap3A_49 = tpu.vector_load %arg6[%swap3A] {strides = array<i32>} : memref<32768xf32, #tpu.memory_space<vmem>>, vector<16xf32>,
      tpu.vector_store %arg6[%swap3A], %broadcast_in_dim3A_1 {strides = array<i32>} : memref<32768xf32, #tpu.memory_space<vmem>>, vector<16xf32>,
      %mul3A_50 = arith.constant 1024 : i32
      %mul3A_51 = arith.muli %scan3A_37, %mul3A_50 : i32
      %add3A_52 = arith.constant 16 : i32
      %add3A_53 = arith.addi %mul3A_51, %add3A_52 : i32
      %swap3A_54 = arith.index_cast %add3A_53 : i32 to index
      %swap3A_55 = tpu.vector_load %arg6[%swap3A_54] {strides = array<i32>} : memref<32768xf32, #tpu.memory_space<vmem>>, vector<16xf32>,
      tpu.vector_store %arg6[%swap3A_54], %broadcast_in_dim3A_1 {strides = array<i32>} : memref<32768xf32, #tpu.memory_space<vmem>>, vector<16xf32>,
      %mul3A_56 = arith.constant 1024 : i32
      %mul3A_57 = arith.muli %scan3A_37, %mul3A_56 : i32
      %add3A_58 = arith.constant 32 : i32
      %add3A_59 = arith.addi %mul3A_57, %add3A_58 : i32
      %swap3A_60 = arith.index_cast %add3A_59 : i32 to index
      %swap3A_61 = tpu.vector_load %arg6[%swap3A_60] {strides = array<i32>} : memref<32768xf32, #tpu.memory_space<vmem>>, vector<16xf32>,
      tpu.vector_store %arg6[%swap3A_60], %broadcast_in_dim3A_1 {strides = array<i32>} : memref<32768xf32, #tpu.memory_space<vmem>>, vector<16xf32>,
      %mul3A_62 = arith.constant 1024 : i32
      %mul3A_63 = arith.muli %scan3A_37, %mul3A_62 : i32
      %add3A_64 = arith.constant 48 : i32
      %add3A_65 = arith.addi %mul3A_63, %add3A_64 : i32
      %swap3A_66 = arith.index_cast %add3A_65 : i32 to index
      %swap3A_67 = tpu.vector_load %arg6[%swap3A_66] {strides = array<i32>} : memref<32768xf32, #tpu.memory_space<vmem>>, vector<16xf32>,
      tpu.vector_store %arg6[%swap3A_66], %broadcast_in_dim3A_1 {strides = array<i32>} : memref<32768xf32, #tpu.memory_space<vmem>>, vector<16xf32>,
      %mul3A_68 = arith.constant 1024 : i32
      %mul3A_69 = arith.muli %scan3A_37, %mul3A_68 : i32
      %add3A_70 = arith.constant 64 : i32
      %add3A_71 = arith.addi %mul3A_69, %add3A_70 : i32
      %swap3A_72 = arith.index_cast %add3A_71 : i32 to index
      %swap3A_73 = tpu.vector_load %arg6[%swap3A_72] {strides = array<i32>} : memref<32768xf32, #tpu.memory_space<vmem>>, vector<16xf32>,
      tpu.vector_store %arg6[%swap3A_72], %broadcast_in_dim3A_1 {strides = array<i32>} : memref<32768xf32, #tpu.memory_space<vmem>>, vector<16xf32>,
      %mul3A_74 = arith.constant 1024 : i32
      %mul3A_75 = arith.muli %scan3A_37, %mul3A_74 : i32
      %add3A_76 = arith.constant 80 : i32
      %add3A_77 = arith.addi %mul3A_75, %add3A_76 : i32
      %swap3A_78 = arith.index_cast %add3A_77 : i32 to index
      %swap3A_79 = tpu.vector_load %arg6[%swap3A_78] {strides = array<i32>} : memref<32768xf32, #tpu.memory_space<vmem>>, vector<16xf32>,
      tpu.vector_store %arg6[%swap3A_78], %broadcast_in_dim3A_1 {strides = array<i32>} : memref<32768xf32, #tpu.memory_space<vmem>>, vector<16xf32>,
      %mul3A_80 = arith.constant 1024 : i32
      %mul3A_81 = arith.muli %scan3A_37, %mul3A_80 : i32
      %add3A_82 = arith.constant 96 : i32
      %add3A_83 = arith.addi %mul3A_81, %add3A_82 : i32
      %swap3A_84 = arith.index_cast %add3A_83 : i32 to index
      %swap3A_85 = tpu.vector_load %arg6[%swap3A_84] {strides = array<i32>} : memref<32768xf32, #tpu.memory_space<vmem>>, vector<16xf32>,
      tpu.vector_store %arg6[%swap3A_84], %broadcast_in_dim3A_1 {strides = array<i32>} : memref<32768xf32, #tpu.memory_space<vmem>>, vector<16xf32>,
      %mul3A_86 = arith.constant 1024 : i32
      %mul3A_87 = arith.muli %scan3A_37, %mul3A_86 : i32
      %add3A_88 = arith.constant 112 : i32
      %add3A_89 = arith.addi %mul3A_87, %add3A_88 : i32
      %swap3A_90 = arith.index_cast %add3A_89 : i32 to index
      %swap3A_91 = tpu.vector_load %arg6[%swap3A_90] {strides = array<i32>} : memref<32768xf32, #tpu.memory_space<vmem>>, vector<16xf32>,
      tpu.vector_store %arg6[%swap3A_90], %broadcast_in_dim3A_1 {strides = array<i32>} : memref<32768xf32, #tpu.memory_space<vmem>>, vector<16xf32>,
      %mul3A_92 = arith.constant 1024 : i32
      %mul3A_93 = arith.muli %scan3A_37, %mul3A_92 : i32
      %add3A_94 = arith.constant 128 : i32
      %add3A_95 = arith.addi %mul3A_93, %add3A_94 : i32
      %swap3A_96 = arith.index_cast %add3A_95 : i32 to index
      %swap3A_97 = tpu.vector_load %arg6[%swap3A_96] {strides = array<i32>} : memref<32768xf32, #tpu.memory_space<vmem>>, vector<16xf32>,
      tpu.vector_store %arg6[%swap3A_96], %broadcast_in_dim3A_1 {strides = array<i32>} : memref<32768xf32, #tpu.memory_space<vmem>>, vector<16xf32>,
      %mul3A_98 = arith.constant 1024 : i32
      %mul3A_99 = arith.muli %scan3A_37, %mul3A_98 : i32
      %add3A_100 = arith.constant 144 : i32
      %add3A_101 = arith.addi %mul3A_99, %add3A_100 : i32
      %swap3A_102 = arith.index_cast %add3A_101 : i32 to index
      %swap3A_103 = tpu.vector_load %arg6[%swap3A_102] {strides = array<i32>} : memref<32768xf32, #tpu.memory_space<vmem>>, vector<16xf32>,
      tpu.vector_store %arg6[%swap3A_102], %broadcast_in_dim3A_1 {strides = array<i32>} : memref<32768xf32, #tpu.memory_space<vmem>>, vector<16xf32>,
      %mul3A_104 = arith.constant 1024 : i32
      %mul3A_105 = arith.muli %scan3A_37, %mul3A_104 : i32
      %add3A_106 = arith.constant 160 : i32
      %add3A_107 = arith.addi %mul3A_105, %add3A_106 : i32
      %swap3A_108 = arith.index_cast %add3A_107 : i32 to index
      %swap3A_109 = tpu.vector_load %arg6[%swap3A_108] {strides = array<i32>} : memref<32768xf32, #tpu.memory_space<vmem>>, vector<16xf32>,
      tpu.vector_store %arg6[%swap3A_108], %broadcast_in_dim3A_1 {strides = array<i32>} : memref<32768xf32, #tpu.memory_space<vmem>>, vector<16xf32>,
      %mul3A_110 = arith.constant 1024 : i32
      %mul3A_111 = arith.muli %scan3A_37, %mul3A_110 : i32
      %add3A_112 = arith.constant 176 : i32
      %add3A_113 = arith.addi %mul3A_111, %add3A_112 : i32
      %swap3A_114 = arith.index_cast %add3A_113 : i32 to index
      %swap3A_115 = tpu.vector_load %arg6[%swap3A_114] {strides = array<i32>} : memref<32768xf32, #tpu.memory_space<vmem>>, vector<16xf32>,
      tpu.vector_store %arg6[%swap3A_114], %broadcast_in_dim3A_1 {strides = array<i32>} : memref<32768xf32, #tpu.memory_space<vmem>>, vector<16xf32>,
      %mul3A_116 = arith.constant 1024 : i32
      %mul3A_117 = arith.muli %scan3A_37, %mul3A_116 : i32
      %add3A_118 = arith.constant 192 : i32
      %add3A_119 = arith.addi %mul3A_117, %add3A_118 : i32
      %swap3A_120 = arith.index_cast %add3A_119 : i32 to index
      %swap3A_121 = tpu.vector_load %arg6[%swap3A_120] {strides = array<i32>} : memref<32768xf32, #tpu.memory_space<vmem>>, vector<16xf32>,
      tpu.vector_store %arg6[%swap3A_120], %broadcast_in_dim3A_1 {strides = array<i32>} : memref<32768xf32, #tpu.memory_space<vmem>>, vector<16xf32>,
      %mul3A_122 = arith.constant 1024 : i32
      %mul3A_123 = arith.muli %scan3A_37, %mul3A_122 : i32
      %add3A_124 = arith.constant 208 : i32
      %add3A_125 = arith.addi %mul3A_123, %add3A_124 : i32
      %swap3A_126 = arith.index_cast %add3A_125 : i32 to index
      %swap3A_127 = tpu.vector_load %arg6[%swap3A_126] {strides = array<i32>} : memref<32768xf32, #tpu.memory_space<vmem>>, vector<16xf32>,
      tpu.vector_store %arg6[%swap3A_126], %broadcast_in_dim3A_1 {strides = array<i32>} : memref<32768xf32, #tpu.memory_space<vmem>>, vector<16xf32>,
      %mul3A_128 = arith.constant 1024 : i32
      %mul3A_129 = arith.muli %scan3A_37, %mul3A_128 : i32
      %add3A_130 = arith.constant 224 : i32
      %add3A_131 = arith.addi %mul3A_129, %add3A_130 : i32
      %swap3A_132 = arith.index_cast %add3A_131 : i32 to index
      %swap3A_133 = tpu.vector_load %arg6[%swap3A_132] {strides = array<i32>} : memref<32768xf32, #tpu.memory_space<vmem>>, vector<16xf32>,
      tpu.vector_store %arg6[%swap3A_132], %broadcast_in_dim3A_1 {strides = array<i32>} : memref<32768xf32, #tpu.memory_space<vmem>>, vector<16xf32>,
      %mul3A_134 = arith.constant 1024 : i32
      %mul3A_135 = arith.muli %scan3A_37, %mul3A_134 : i32
      %add3A_136 = arith.constant 240 : i32
      %add3A_137 = arith.addi %mul3A_135, %add3A_136 : i32
      %swap3A_138 = arith.index_cast %add3A_137 : i32 to index
      %swap3A_139 = tpu.vector_load %arg6[%swap3A_138] {strides = array<i32>} : memref<32768xf32, #tpu.memory_space<vmem>>, vector<16xf32>,
      tpu.vector_store %arg6[%swap3A_138], %broadcast_in_dim3A_1 {strides = array<i32>} : memref<32768xf32, #tpu.memory_space<vmem>>, vector<16xf32>,
      %mul3A_140 = arith.constant 1024 : i32
      %mul3A_141 = arith.muli %scan3A_37, %mul3A_140 : i32
      %add3A_142 = arith.constant 256 : i32
      %add3A_143 = arith.addi %mul3A_141, %add3A_142 : i32
      %swap3A_144 = arith.index_cast %add3A_143 : i32 to index
      %swap3A_145 = tpu.vector_load %arg6[%swap3A_144] {strides = array<i32>} : memref<32768xf32, #tpu.memory_space<vmem>>, vector<16xf32>,
      tpu.vector_store %arg6[%swap3A_144], %broadcast_in_dim3A_1 {strides = array<i32>} : memref<32768xf32, #tpu.memory_space<vmem>>, vector<16xf32>,
      %mul3A_146 = arith.constant 1024 : i32
      %mul3A_147 = arith.muli %scan3A_37, %mul3A_146 : i32
      %add3A_148 = arith.constant 272 : i32
      %add3A_149 = arith.addi %mul3A_147, %add3A_148 : i32
      %swap3A_150 = arith.index_cast %add3A_149 : i32 to index
      %swap3A_151 = tpu.vector_load %arg6[%swap3A_150] {strides = array<i32>} : memref<32768xf32, #tpu.memory_space<vmem>>, vector<16xf32>,
      tpu.vector_store %arg6[%swap3A_150], %broadcast_in_dim3A_1 {strides = array<i32>} : memref<32768xf32, #tpu.memory_space<vmem>>, vector<16xf32>,
      %mul3A_152 = arith.constant 1024 : i32
      %mul3A_153 = arith.muli %scan3A_37, %mul3A_152 : i32
      %add3A_154 = arith.constant 288 : i32
      %add3A_155 = arith.addi %mul3A_153, %add3A_154 : i32
      %swap3A_156 = arith.index_cast %add3A_155 : i32 to index
      %swap3A_157 = tpu.vector_load %arg6[%swap3A_156] {strides = array<i32>} : memref<32768xf32, #tpu.memory_space<vmem>>, vector<16xf32>,
      tpu.vector_store %arg6[%swap3A_156], %broadcast_in_dim3A_1 {strides = array<i32>} : memref<32768xf32, #tpu.memory_space<vmem>>, vector<16xf32>,
      %mul3A_158 = arith.constant 1024 : i32
      %mul3A_159 = arith.muli %scan3A_37, %mul3A_158 : i32
      %add3A_160 = arith.constant 304 : i32
      %add3A_161 = arith.addi %mul3A_159, %add3A_160 : i32
      %swap3A_162 = arith.index_cast %add3A_161 : i32 to index
      %swap3A_163 = tpu.vector_load %arg6[%swap3A_162] {strides = array<i32>} : memref<32768xf32, #tpu.memory_space<vmem>>, vector<16xf32>,
      tpu.vector_store %arg6[%swap3A_162], %broadcast_in_dim3A_1 {strides = array<i32>} : memref<32768xf32, #tpu.memory_space<vmem>>, vector<16xf32>,
      %mul3A_164 = arith.constant 1024 : i32
      %mul3A_165 = arith.muli %scan3A_37, %mul3A_164 : i32
      %add3A_166 = arith.constant 320 : i32
      %add3A_167 = arith.addi %mul3A_165, %add3A_166 : i32
      %swap3A_168 = arith.index_cast %add3A_167 : i32 to index
      %swap3A_169 = tpu.vector_load %arg6[%swap3A_168] {strides = array<i32>} : memref<32768xf32, #tpu.memory_space<vmem>>, vector<16xf32>,
      tpu.vector_store %arg6[%swap3A_168], %broadcast_in_dim3A_1 {strides = array<i32>} : memref<32768xf32, #tpu.memory_space<vmem>>, vector<16xf32>,
      %mul3A_170 = arith.constant 1024 : i32
      %mul3A_171 = arith.muli %scan3A_37, %mul3A_170 : i32
      %add3A_172 = arith.constant 336 : i32
      %add3A_173 = arith.addi %mul3A_171, %add3A_172 : i32
      %swap3A_174 = arith.index_cast %add3A_173 : i32 to index
      %swap3A_175 = tpu.vector_load %arg6[%swap3A_174] {strides = array<i32>} : memref<32768xf32, #tpu.memory_space<vmem>>, vector<16xf32>,
      tpu.vector_store %arg6[%swap3A_174], %broadcast_in_dim3A_1 {strides = array<i32>} : memref<32768xf32, #tpu.memory_space<vmem>>, vector<16xf32>,
      %mul3A_176 = arith.constant 1024 : i32
      %mul3A_177 = arith.muli %scan3A_37, %mul3A_176 : i32
      %add3A_178 = arith.constant 352 : i32
      %add3A_179 = arith.addi %mul3A_177, %add3A_178 : i32
      %swap3A_180 = arith.index_cast %add3A_179 : i32 to index
      %swap3A_181 = tpu.vector_load %arg6[%swap3A_180] {strides = array<i32>} : memref<32768xf32, #tpu.memory_space<vmem>>, vector<16xf32>,
      tpu.vector_store %arg6[%swap3A_180], %broadcast_in_dim3A_1 {strides = array<i32>} : memref<32768xf32, #tpu.memory_space<vmem>>, vector<16xf32>,
      %mul3A_182 = arith.constant 1024 : i32
      %mul3A_183 = arith.muli %scan3A_37, %mul3A_182 : i32
      %add3A_184 = arith.constant 368 : i32
      %add3A_185 = arith.addi %mul3A_183, %add3A_184 : i32
      %swap3A_186 = arith.index_cast %add3A_185 : i32 to index
      %swap3A_187 = tpu.vector_load %arg6[%swap3A_186] {strides = array<i32>} : memref<32768xf32, #tpu.memory_space<vmem>>, vector<16xf32>,
      tpu.vector_store %arg6[%swap3A_186], %broadcast_in_dim3A_1 {strides = array<i32>} : memref<32768xf32, #tpu.memory_space<vmem>>, vector<16xf32>,
      %mul3A_188 = arith.constant 1024 : i32
      %mul3A_189 = arith.muli %scan3A_37, %mul3A_188 : i32
      %add3A_190 = arith.constant 384 : i32
      %add3A_191 = arith.addi %mul3A_189, %add3A_190 : i32
      %swap3A_192 = arith.index_cast %add3A_191 : i32 to index
      %swap3A_193 = tpu.vector_load %arg6[%swap3A_192] {strides = array<i32>} : memref<32768xf32, #tpu.memory_space<vmem>>, vector<16xf32>,
      tpu.vector_store %arg6[%swap3A_192], %broadcast_in_dim3A_1 {strides = array<i32>} : memref<32768xf32, #tpu.memory_space<vmem>>, vector<16xf32>,
      %mul3A_194 = arith.constant 1024 : i32
      %mul3A_195 = arith.muli %scan3A_37, %mul3A_194 : i32
      %add3A_196 = arith.constant 400 : i32
      %add3A_197 = arith.addi %mul3A_195, %add3A_196 : i32
      %swap3A_198 = arith.index_cast %add3A_197 : i32 to index
      %swap3A_199 = tpu.vector_load %arg6[%swap3A_198] {strides = array<i32>} : memref<32768xf32, #tpu.memory_space<vmem>>, vector<16xf32>,
      tpu.vector_store %arg6[%swap3A_198], %broadcast_in_dim3A_1 {strides = array<i32>} : memref<32768xf32, #tpu.memory_space<vmem>>, vector<16xf32>,
      %mul3A_200 = arith.constant 1024 : i32
      %mul3A_201 = arith.muli %scan3A_37, %mul3A_200 : i32
      %add3A_202 = arith.constant 416 : i32
      %add3A_203 = arith.addi %mul3A_201, %add3A_202 : i32
      %swap3A_204 = arith.index_cast %add3A_203 : i32 to index
      %swap3A_205 = tpu.vector_load %arg6[%swap3A_204] {strides = array<i32>} : memref<32768xf32, #tpu.memory_space<vmem>>, vector<16xf32>,
      tpu.vector_store %arg6[%swap3A_204], %broadcast_in_dim3A_1 {strides = array<i32>} : memref<32768xf32, #tpu.memory_space<vmem>>, vector<16xf32>,
      %mul3A_206 = arith.constant 1024 : i32
      %mul3A_207 = arith.muli %scan3A_37, %mul3A_206 : i32
      %add3A_208 = arith.constant 432 : i32
      %add3A_209 = arith.addi %mul3A_207, %add3A_208 : i32
      %swap3A_210 = arith.index_cast %add3A_209 : i32 to index
      %swap3A_211 = tpu.vector_load %arg6[%swap3A_210] {strides = array<i32>} : memref<32768xf32, #tpu.memory_space<vmem>>, vector<16xf32>,
      tpu.vector_store %arg6[%swap3A_210], %broadcast_in_dim3A_1 {strides = array<i32>} : memref<32768xf32, #tpu.memory_space<vmem>>, vector<16xf32>,
      %mul3A_212 = arith.constant 1024 : i32
      %mul3A_213 = arith.muli %scan3A_37, %mul3A_212 : i32
      %add3A_214 = arith.constant 448 : i32
      %add3A_215 = arith.addi %mul3A_213, %add3A_214 : i32
      %swap3A_216 = arith.index_cast %add3A_215 : i32 to index
      %swap3A_217 = tpu.vector_load %arg6[%swap3A_216] {strides = array<i32>} : memref<32768xf32, #tpu.memory_space<vmem>>, vector<16xf32>,
      tpu.vector_store %arg6[%swap3A_216], %broadcast_in_dim3A_1 {strides = array<i32>} : memref<32768xf32, #tpu.memory_space<vmem>>, vector<16xf32>,
      %mul3A_218 = arith.constant 1024 : i32
      %mul3A_219 = arith.muli %scan3A_37, %mul3A_218 : i32
      %add3A_220 = arith.constant 464 : i32
      %add3A_221 = arith.addi %mul3A_219, %add3A_220 : i32
      %swap3A_222 = arith.index_cast %add3A_221 : i32 to index
      %swap3A_223 = tpu.vector_load %arg6[%swap3A_222] {strides = array<i32>} : memref<32768xf32, #tpu.memory_space<vmem>>, vector<16xf32>,
      tpu.vector_store %arg6[%swap3A_222], %broadcast_in_dim3A_1 {strides = array<i32>} : memref<32768xf32, #tpu.memory_space<vmem>>, vector<16xf32>,
      %mul3A_224 = arith.constant 1024 : i32
      %mul3A_225 = arith.muli %scan3A_37, %mul3A_224 : i32
      %add3A_226 = arith.constant 480 : i32
      %add3A_227 = arith.addi %mul3A_225, %add3A_226 : i32
      %swap3A_228 = arith.index_cast %add3A_227 : i32 to index
      %swap3A_229 = tpu.vector_load %arg6[%swap3A_228] {strides = array<i32>} : memref<32768xf32, #tpu.memory_space<vmem>>, vector<16xf32>,
      tpu.vector_store %arg6[%swap3A_228], %broadcast_in_dim3A_1 {strides = array<i32>} : memref<32768xf32, #tpu.memory_space<vmem>>, vector<16xf32>,
      %mul3A_230 = arith.constant 1024 : i32
      %mul3A_231 = arith.muli %scan3A_37, %mul3A_230 : i32
      %add3A_232 = arith.constant 496 : i32
      %add3A_233 = arith.addi %mul3A_231, %add3A_232 : i32
      %swap3A_234 = arith.index_cast %add3A_233 : i32 to index
      %swap3A_235 = tpu.vector_load %arg6[%swap3A_234] {strides = array<i32>} : memref<32768xf32, #tpu.memory_space<vmem>>, vector<16xf32>,
      tpu.vector_store %arg6[%swap3A_234], %broadcast_in_dim3A_1 {strides = array<i32>} : memref<32768xf32, #tpu.memory_space<vmem>>, vector<16xf32>,
      %mul3A_236 = arith.constant 1024 : i32
      %mul3A_237 = arith.muli %scan3A_37, %mul3A_236 : i32
      %add3A_238 = arith.constant 512 : i32
      %add3A_239 = arith.addi %mul3A_237, %add3A_238 : i32
      %swap3A_240 = arith.index_cast %add3A_239 : i32 to index
      %swap3A_241 = tpu.vector_load %arg6[%swap3A_240] {strides = array<i32>} : memref<32768xf32, #tpu.memory_space<vmem>>, vector<16xf32>,
      tpu.vector_store %arg6[%swap3A_240], %broadcast_in_dim3A_1 {strides = array<i32>} : memref<32768xf32, #tpu.memory_space<vmem>>, vector<16xf32>,
      %mul3A_242 = arith.constant 1024 : i32
      %mul3A_243 = arith.muli %scan3A_37, %mul3A_242 : i32
      %add3A_244 = arith.constant 528 : i32
      %add3A_245 = arith.addi %mul3A_243, %add3A_244 : i32
      %swap3A_246 = arith.index_cast %add3A_245 : i32 to index
      %swap3A_247 = tpu.vector_load %arg6[%swap3A_246] {strides = array<i32>} : memref<32768xf32, #tpu.memory_space<vmem>>, vector<16xf32>,
      tpu.vector_store %arg6[%swap3A_246], %broadcast_in_dim3A_1 {strides = array<i32>} : memref<32768xf32, #tpu.memory_space<vmem>>, vector<16xf32>,
      %mul3A_248 = arith.constant 1024 : i32
      %mul3A_249 = arith.muli %scan3A_37, %mul3A_248 : i32
      %add3A_250 = arith.constant 544 : i32
      %add3A_251 = arith.addi %mul3A_249, %add3A_250 : i32
      %swap3A_252 = arith.index_cast %add3A_251 : i32 to index
      %swap3A_253 = tpu.vector_load %arg6[%swap3A_252] {strides = array<i32>} : memref<32768xf32, #tpu.memory_space<vmem>>, vector<16xf32>,
      tpu.vector_store %arg6[%swap3A_252], %broadcast_in_dim3A_1 {strides = array<i32>} : memref<32768xf32, #tpu.memory_space<vmem>>, vector<16xf32>,
      %mul3A_254 = arith.constant 1024 : i32
      %mul3A_255 = arith.muli %scan3A_37, %mul3A_254 : i32
      %add3A_256 = arith.constant 560 : i32
      %add3A_257 = arith.addi %mul3A_255, %add3A_256 : i32
      %swap3A_258 = arith.index_cast %add3A_257 : i32 to index
      %swap3A_259 = tpu.vector_load %arg6[%swap3A_258] {strides = array<i32>} : memref<32768xf32, #tpu.memory_space<vmem>>, vector<16xf32>,
      tpu.vector_store %arg6[%swap3A_258], %broadcast_in_dim3A_1 {strides = array<i32>} : memref<32768xf32, #tpu.memory_space<vmem>>, vector<16xf32>,
      %mul3A_260 = arith.constant 1024 : i32
      %mul3A_261 = arith.muli %scan3A_37, %mul3A_260 : i32
      %add3A_262 = arith.constant 576 : i32
      %add3A_263 = arith.addi %mul3A_261, %add3A_262 : i32
      %swap3A_264 = arith.index_cast %add3A_263 : i32 to index
      %swap3A_265 = tpu.vector_load %arg6[%swap3A_264] {strides = array<i32>} : memref<32768xf32, #tpu.memory_space<vmem>>, vector<16xf32>,
      tpu.vector_store %arg6[%swap3A_264], %broadcast_in_dim3A_1 {strides = array<i32>} : memref<32768xf32, #tpu.memory_space<vmem>>, vector<16xf32>,
      %mul3A_266 = arith.constant 1024 : i32
      %mul3A_267 = arith.muli %scan3A_37, %mul3A_266 : i32
      %add3A_268 = arith.constant 592 : i32
      %add3A_269 = arith.addi %mul3A_267, %add3A_268 : i32
      %swap3A_270 = arith.index_cast %add3A_269 : i32 to index
      %swap3A_271 = tpu.vector_load %arg6[%swap3A_270] {strides = array<i32>} : memref<32768xf32, #tpu.memory_space<vmem>>, vector<16xf32>,
      tpu.vector_store %arg6[%swap3A_270], %broadcast_in_dim3A_1 {strides = array<i32>} : memref<32768xf32, #tpu.memory_space<vmem>>, vector<16xf32>,
      %mul3A_272 = arith.constant 1024 : i32
      %mul3A_273 = arith.muli %scan3A_37, %mul3A_272 : i32
      %add3A_274 = arith.constant 608 : i32
      %add3A_275 = arith.addi %mul3A_273, %add3A_274 : i32
      %swap3A_276 = arith.index_cast %add3A_275 : i32 to index
      %swap3A_277 = tpu.vector_load %arg6[%swap3A_276] {strides = array<i32>} : memref<32768xf32, #tpu.memory_space<vmem>>, vector<16xf32>,
      tpu.vector_store %arg6[%swap3A_276], %broadcast_in_dim3A_1 {strides = array<i32>} : memref<32768xf32, #tpu.memory_space<vmem>>, vector<16xf32>,
      %mul3A_278 = arith.constant 1024 : i32
      %mul3A_279 = arith.muli %scan3A_37, %mul3A_278 : i32
      %add3A_280 = arith.constant 624 : i32
      %add3A_281 = arith.addi %mul3A_279, %add3A_280 : i32
      %swap3A_282 = arith.index_cast %add3A_281 : i32 to index
      %swap3A_283 = tpu.vector_load %arg6[%swap3A_282] {strides = array<i32>} : memref<32768xf32, #tpu.memory_space<vmem>>, vector<16xf32>,
      tpu.vector_store %arg6[%swap3A_282], %broadcast_in_dim3A_1 {strides = array<i32>} : memref<32768xf32, #tpu.memory_space<vmem>>, vector<16xf32>,
      %mul3A_284 = arith.constant 1024 : i32
      %mul3A_285 = arith.muli %scan3A_37, %mul3A_284 : i32
      %add3A_286 = arith.constant 640 : i32
      %add3A_287 = arith.addi %mul3A_285, %add3A_286 : i32
      %swap3A_288 = arith.index_cast %add3A_287 : i32 to index
      %swap3A_289 = tpu.vector_load %arg6[%swap3A_288] {strides = array<i32>} : memref<32768xf32, #tpu.memory_space<vmem>>, vector<16xf32>,
      tpu.vector_store %arg6[%swap3A_288], %broadcast_in_dim3A_1 {strides = array<i32>} : memref<32768xf32, #tpu.memory_space<vmem>>, vector<16xf32>,
      %mul3A_290 = arith.constant 1024 : i32
      %mul3A_291 = arith.muli %scan3A_37, %mul3A_290 : i32
      %add3A_292 = arith.constant 656 : i32
      %add3A_293 = arith.addi %mul3A_291, %add3A_292 : i32
      %swap3A_294 = arith.index_cast %add3A_293 : i32 to index
      %swap3A_295 = tpu.vector_load %arg6[%swap3A_294] {strides = array<i32>} : memref<32768xf32, #tpu.memory_space<vmem>>, vector<16xf32>,
      tpu.vector_store %arg6[%swap3A_294], %broadcast_in_dim3A_1 {strides = array<i32>} : memref<32768xf32, #tpu.memory_space<vmem>>, vector<16xf32>,
      %mul3A_296 = arith.constant 1024 : i32
      %mul3A_297 = arith.muli %scan3A_37, %mul3A_296 : i32
      %add3A_298 = arith.constant 672 : i32
      %add3A_299 = arith.addi %mul3A_297, %add3A_298 : i32
      %swap3A_300 = arith.index_cast %add3A_299 : i32 to index
      %swap3A_301 = tpu.vector_load %arg6[%swap3A_300] {strides = array<i32>} : memref<32768xf32, #tpu.memory_space<vmem>>, vector<16xf32>,
      tpu.vector_store %arg6[%swap3A_300], %broadcast_in_dim3A_1 {strides = array<i32>} : memref<32768xf32, #tpu.memory_space<vmem>>, vector<16xf32>,
      %mul3A_302 = arith.constant 1024 : i32
      %mul3A_303 = arith.muli %scan3A_37, %mul3A_302 : i32
      %add3A_304 = arith.constant 688 : i32
      %add3A_305 = arith.addi %mul3A_303, %add3A_304 : i32
      %swap3A_306 = arith.index_cast %add3A_305 : i32 to index
      %swap3A_307 = tpu.vector_load %arg6[%swap3A_306] {strides = array<i32>} : memref<32768xf32, #tpu.memory_space<vmem>>, vector<16xf32>,
      tpu.vector_store %arg6[%swap3A_306], %broadcast_in_dim3A_1 {strides = array<i32>} : memref<32768xf32, #tpu.memory_space<vmem>>, vector<16xf32>,
      %mul3A_308 = arith.constant 1024 : i32
      %mul3A_309 = arith.muli %scan3A_37, %mul3A_308 : i32
      %add3A_310 = arith.constant 704 : i32
      %add3A_311 = arith.addi %mul3A_309, %add3A_310 : i32
      %swap3A_312 = arith.index_cast %add3A_311 : i32 to index
      %swap3A_313 = tpu.vector_load %arg6[%swap3A_312] {strides = array<i32>} : memref<32768xf32, #tpu.memory_space<vmem>>, vector<16xf32>,
      tpu.vector_store %arg6[%swap3A_312], %broadcast_in_dim3A_1 {strides = array<i32>} : memref<32768xf32, #tpu.memory_space<vmem>>, vector<16xf32>,
      %mul3A_314 = arith.constant 1024 : i32
      %mul3A_315 = arith.muli %scan3A_37, %mul3A_314 : i32
      %add3A_316 = arith.constant 720 : i32
      %add3A_317 = arith.addi %mul3A_315, %add3A_316 : i32
      %swap3A_318 = arith.index_cast %add3A_317 : i32 to index
      %swap3A_319 = tpu.vector_load %arg6[%swap3A_318] {strides = array<i32>} : memref<32768xf32, #tpu.memory_space<vmem>>, vector<16xf32>,
      tpu.vector_store %arg6[%swap3A_318], %broadcast_in_dim3A_1 {strides = array<i32>} : memref<32768xf32, #tpu.memory_space<vmem>>, vector<16xf32>,
      %mul3A_320 = arith.constant 1024 : i32
      %mul3A_321 = arith.muli %scan3A_37, %mul3A_320 : i32
      %add3A_322 = arith.constant 736 : i32
      %add3A_323 = arith.addi %mul3A_321, %add3A_322 : i32
      %swap3A_324 = arith.index_cast %add3A_323 : i32 to index
      %swap3A_325 = tpu.vector_load %arg6[%swap3A_324] {strides = array<i32>} : memref<32768xf32, #tpu.memory_space<vmem>>, vector<16xf32>,
      tpu.vector_store %arg6[%swap3A_324], %broadcast_in_dim3A_1 {strides = array<i32>} : memref<32768xf32, #tpu.memory_space<vmem>>, vector<16xf32>,
      %mul3A_326 = arith.constant 1024 : i32
      %mul3A_327 = arith.muli %scan3A_37, %mul3A_326 : i32
      %add3A_328 = arith.constant 752 : i32
      %add3A_329 = arith.addi %mul3A_327, %add3A_328 : i32
      %swap3A_330 = arith.index_cast %add3A_329 : i32 to index
      %swap3A_331 = tpu.vector_load %arg6[%swap3A_330] {strides = array<i32>} : memref<32768xf32, #tpu.memory_space<vmem>>, vector<16xf32>,
      tpu.vector_store %arg6[%swap3A_330], %broadcast_in_dim3A_1 {strides = array<i32>} : memref<32768xf32, #tpu.memory_space<vmem>>, vector<16xf32>,
      %mul3A_332 = arith.constant 1024 : i32
      %mul3A_333 = arith.muli %scan3A_37, %mul3A_332 : i32
      %add3A_334 = arith.constant 768 : i32
      %add3A_335 = arith.addi %mul3A_333, %add3A_334 : i32
      %swap3A_336 = arith.index_cast %add3A_335 : i32 to index
      %swap3A_337 = tpu.vector_load %arg6[%swap3A_336] {strides = array<i32>} : memref<32768xf32, #tpu.memory_space<vmem>>, vector<16xf32>,
      tpu.vector_store %arg6[%swap3A_336], %broadcast_in_dim3A_1 {strides = array<i32>} : memref<32768xf32, #tpu.memory_space<vmem>>, vector<16xf32>,
      %mul3A_338 = arith.constant 1024 : i32
      %mul3A_339 = arith.muli %scan3A_37, %mul3A_338 : i32
      %add3A_340 = arith.constant 784 : i32
      %add3A_341 = arith.addi %mul3A_339, %add3A_340 : i32
      %swap3A_342 = arith.index_cast %add3A_341 : i32 to index
      %swap3A_343 = tpu.vector_load %arg6[%swap3A_342] {strides = array<i32>} : memref<32768xf32, #tpu.memory_space<vmem>>, vector<16xf32>,
      tpu.vector_store %arg6[%swap3A_342], %broadcast_in_dim3A_1 {strides = array<i32>} : memref<32768xf32, #tpu.memory_space<vmem>>, vector<16xf32>,
      %mul3A_344 = arith.constant 1024 : i32
      %mul3A_345 = arith.muli %scan3A_37, %mul3A_344 : i32
      %add3A_346 = arith.constant 800 : i32
      %add3A_347 = arith.addi %mul3A_345, %add3A_346 : i32
      %swap3A_348 = arith.index_cast %add3A_347 : i32 to index
      %swap3A_349 = tpu.vector_load %arg6[%swap3A_348] {strides = array<i32>} : memref<32768xf32, #tpu.memory_space<vmem>>, vector<16xf32>,
      tpu.vector_store %arg6[%swap3A_348], %broadcast_in_dim3A_1 {strides = array<i32>} : memref<32768xf32, #tpu.memory_space<vmem>>, vector<16xf32>,
      %mul3A_350 = arith.constant 1024 : i32
      %mul3A_351 = arith.muli %scan3A_37, %mul3A_350 : i32
      %add3A_352 = arith.constant 816 : i32
      %add3A_353 = arith.addi %mul3A_351, %add3A_352 : i32
      %swap3A_354 = arith.index_cast %add3A_353 : i32 to index
      %swap3A_355 = tpu.vector_load %arg6[%swap3A_354] {strides = array<i32>} : memref<32768xf32, #tpu.memory_space<vmem>>, vector<16xf32>,
      tpu.vector_store %arg6[%swap3A_354], %broadcast_in_dim3A_1 {strides = array<i32>} : memref<32768xf32, #tpu.memory_space<vmem>>, vector<16xf32>,
      %mul3A_356 = arith.constant 1024 : i32
      %mul3A_357 = arith.muli %scan3A_37, %mul3A_356 : i32
      %add3A_358 = arith.constant 832 : i32
      %add3A_359 = arith.addi %mul3A_357, %add3A_358 : i32
      %swap3A_360 = arith.index_cast %add3A_359 : i32 to index
      %swap3A_361 = tpu.vector_load %arg6[%swap3A_360] {strides = array<i32>} : memref<32768xf32, #tpu.memory_space<vmem>>, vector<16xf32>,
      tpu.vector_store %arg6[%swap3A_360], %broadcast_in_dim3A_1 {strides = array<i32>} : memref<32768xf32, #tpu.memory_space<vmem>>, vector<16xf32>,
      %mul3A_362 = arith.constant 1024 : i32
      %mul3A_363 = arith.muli %scan3A_37, %mul3A_362 : i32
      %add3A_364 = arith.constant 848 : i32
      %add3A_365 = arith.addi %mul3A_363, %add3A_364 : i32
      %swap3A_366 = arith.index_cast %add3A_365 : i32 to index
      %swap3A_367 = tpu.vector_load %arg6[%swap3A_366] {strides = array<i32>} : memref<32768xf32, #tpu.memory_space<vmem>>, vector<16xf32>,
      tpu.vector_store %arg6[%swap3A_366], %broadcast_in_dim3A_1 {strides = array<i32>} : memref<32768xf32, #tpu.memory_space<vmem>>, vector<16xf32>,
      %mul3A_368 = arith.constant 1024 : i32
      %mul3A_369 = arith.muli %scan3A_37, %mul3A_368 : i32
      %add3A_370 = arith.constant 864 : i32
      %add3A_371 = arith.addi %mul3A_369, %add3A_370 : i32
      %swap3A_372 = arith.index_cast %add3A_371 : i32 to index
      %swap3A_373 = tpu.vector_load %arg6[%swap3A_372] {strides = array<i32>} : memref<32768xf32, #tpu.memory_space<vmem>>, vector<16xf32>,
      tpu.vector_store %arg6[%swap3A_372], %broadcast_in_dim3A_1 {strides = array<i32>} : memref<32768xf32, #tpu.memory_space<vmem>>, vector<16xf32>,
      %mul3A_374 = arith.constant 1024 : i32
      %mul3A_375 = arith.muli %scan3A_37, %mul3A_374 : i32
      %add3A_376 = arith.constant 880 : i32
      %add3A_377 = arith.addi %mul3A_375, %add3A_376 : i32
      %swap3A_378 = arith.index_cast %add3A_377 : i32 to index
      %swap3A_379 = tpu.vector_load %arg6[%swap3A_378] {strides = array<i32>} : memref<32768xf32, #tpu.memory_space<vmem>>, vector<16xf32>,
      tpu.vector_store %arg6[%swap3A_378], %broadcast_in_dim3A_1 {strides = array<i32>} : memref<32768xf32, #tpu.memory_space<vmem>>, vector<16xf32>,
      %mul3A_380 = arith.constant 1024 : i32
      %mul3A_381 = arith.muli %scan3A_37, %mul3A_380 : i32
      %add3A_382 = arith.constant 896 : i32
      %add3A_383 = arith.addi %mul3A_381, %add3A_382 : i32
      %swap3A_384 = arith.index_cast %add3A_383 : i32 to index
      %swap3A_385 = tpu.vector_load %arg6[%swap3A_384] {strides = array<i32>} : memref<32768xf32, #tpu.memory_space<vmem>>, vector<16xf32>,
      tpu.vector_store %arg6[%swap3A_384], %broadcast_in_dim3A_1 {strides = array<i32>} : memref<32768xf32, #tpu.memory_space<vmem>>, vector<16xf32>,
      %mul3A_386 = arith.constant 1024 : i32
      %mul3A_387 = arith.muli %scan3A_37, %mul3A_386 : i32
      %add3A_388 = arith.constant 912 : i32
      %add3A_389 = arith.addi %mul3A_387, %add3A_388 : i32
      %swap3A_390 = arith.index_cast %add3A_389 : i32 to index
      %swap3A_391 = tpu.vector_load %arg6[%swap3A_390] {strides = array<i32>} : memref<32768xf32, #tpu.memory_space<vmem>>, vector<16xf32>,
      tpu.vector_store %arg6[%swap3A_390], %broadcast_in_dim3A_1 {strides = array<i32>} : memref<32768xf32, #tpu.memory_space<vmem>>, vector<16xf32>,
      %mul3A_392 = arith.constant 1024 : i32
      %mul3A_393 = arith.muli %scan3A_37, %mul3A_392 : i32
      %add3A_394 = arith.constant 928 : i32
      %add3A_395 = arith.addi %mul3A_393, %add3A_394 : i32
      %swap3A_396 = arith.index_cast %add3A_395 : i32 to index
      %swap3A_397 = tpu.vector_load %arg6[%swap3A_396] {strides = array<i32>} : memref<32768xf32, #tpu.memory_space<vmem>>, vector<16xf32>,
      tpu.vector_store %arg6[%swap3A_396], %broadcast_in_dim3A_1 {strides = array<i32>} : memref<32768xf32, #tpu.memory_space<vmem>>, vector<16xf32>,
      %mul3A_398 = arith.constant 1024 : i32
      %mul3A_399 = arith.muli %scan3A_37, %mul3A_398 : i32
      %add3A_400 = arith.constant 944 : i32
      %add3A_401 = arith.addi %mul3A_399, %add3A_400 : i32
      %swap3A_402 = arith.index_cast %add3A_401 : i32 to index
      %swap3A_403 = tpu.vector_load %arg6[%swap3A_402] {strides = array<i32>} : memref<32768xf32, #tpu.memory_space<vmem>>, vector<16xf32>,
      tpu.vector_store %arg6[%swap3A_402], %broadcast_in_dim3A_1 {strides = array<i32>} : memref<32768xf32, #tpu.memory_space<vmem>>, vector<16xf32>,
      %mul3A_404 = arith.constant 1024 : i32
      %mul3A_405 = arith.muli %scan3A_37, %mul3A_404 : i32
      %add3A_406 = arith.constant 960 : i32
      %add3A_407 = arith.addi %mul3A_405, %add3A_406 : i32
      %swap3A_408 = arith.index_cast %add3A_407 : i32 to index
      %swap3A_409 = tpu.vector_load %arg6[%swap3A_408] {strides = array<i32>} : memref<32768xf32, #tpu.memory_space<vmem>>, vector<16xf32>,
      tpu.vector_store %arg6[%swap3A_408], %broadcast_in_dim3A_1 {strides = array<i32>} : memref<32768xf32, #tpu.memory_space<vmem>>, vector<16xf32>,
      %mul3A_410 = arith.constant 1024 : i32
      %mul3A_411 = arith.muli %scan3A_37, %mul3A_410 : i32
      %add3A_412 = arith.constant 976 : i32
      %add3A_413 = arith.addi %mul3A_411, %add3A_412 : i32
      %swap3A_414 = arith.index_cast %add3A_413 : i32 to index
      %swap3A_415 = tpu.vector_load %arg6[%swap3A_414] {strides = array<i32>} : memref<32768xf32, #tpu.memory_space<vmem>>, vector<16xf32>,
      tpu.vector_store %arg6[%swap3A_414], %broadcast_in_dim3A_1 {strides = array<i32>} : memref<32768xf32, #tpu.memory_space<vmem>>, vector<16xf32>,
      %mul3A_416 = arith.constant 1024 : i32
      %mul3A_417 = arith.muli %scan3A_37, %mul3A_416 : i32
      %add3A_418 = arith.constant 992 : i32
      %add3A_419 = arith.addi %mul3A_417, %add3A_418 : i32
      %swap3A_420 = arith.index_cast %add3A_419 : i32 to index
      %swap3A_421 = tpu.vector_load %arg6[%swap3A_420] {strides = array<i32>} : memref<32768xf32, #tpu.memory_space<vmem>>, vector<16xf32>,
      tpu.vector_store %arg6[%swap3A_420], %broadcast_in_dim3A_1 {strides = array<i32>} : memref<32768xf32, #tpu.memory_space<vmem>>, vector<16xf32>,
      %mul3A_422 = arith.constant 1024 : i32
      %mul3A_423 = arith.muli %scan3A_37, %mul3A_422 : i32
      %add3A_424 = arith.constant 1008 : i32
      %add3A_425 = arith.addi %mul3A_423, %add3A_424 : i32
      %swap3A_426 = arith.index_cast %add3A_425 : i32 to index
      %swap3A_427 = tpu.vector_load %arg6[%swap3A_426] {strides = array<i32>} : memref<32768xf32, #tpu.memory_space<vmem>>, vector<16xf32>,
      tpu.vector_store %arg6[%swap3A_426], %broadcast_in_dim3A_1 {strides = array<i32>} : memref<32768xf32, #tpu.memory_space<vmem>>, vector<16xf32>,
      %add3A_428 = arith.constant 0 : i32
      %add3A_429 = vector.broadcast %add3A_428 : i32 to vector<16xi32>
      %add3A_430 = arith.addi %mul3A_44, %add3A_429 : vector<16xi32>
      %gather3A = tpu.vector_load_idx %arg5[%add3A_430] : memref<32768xf32, #tpu.memory_space<vmem>>[vector<16xi32>], vector<16xf32>,
      %broadcast_in_dim3A_431 = arith.constant 0 : i32
      %broadcast_in_dim3A_432 = vector.broadcast %broadcast_in_dim3A_431 : i32 to vector<16xi32>
      %gt3A = arith.cmpf ogt, %gather3A, %broadcast_in_dim3A_3 : vector<16xf32>
      %gt3A_433 = arith.cmpf ogt, %gather3A, %broadcast_in_dim3A_3 : vector<16xf32>
      %select_n3A = arith.select %gt3A_433, %gather3A, %broadcast_in_dim3A_3 : vector<16xi1>, vector<16xf32>
      %select_n3A_434 = arith.select %gt3A, %broadcast_in_dim3A_3, %select_n3A : vector<16xi1>, vector<16xf32>
      %select_n3A_435 = arith.select %gt3A_433, %broadcast_in_dim3A_432, %broadcast_in_dim3A_5 : vector<16xi1>, vector<16xi32>
      %select_n3A_436 = arith.select %gt3A, %broadcast_in_dim3A_5, %select_n3A_435 : vector<16xi1>, vector<16xi32>
      %select_n3A_437 = arith.select %gt3A, %gather3A, %broadcast_in_dim3A_3 : vector<16xi1>, vector<16xf32>
      %select_n3A_438 = arith.select %gt3A, %broadcast_in_dim3A_432, %broadcast_in_dim3A_5 : vector<16xi1>, vector<16xi32>
      %add3A_439 = arith.constant 1 : i32
      %add3A_440 = vector.broadcast %add3A_439 : i32 to vector<16xi32>
      %add3A_441 = arith.addi %mul3A_44, %add3A_440 : vector<16xi32>
      %gather3A_442 = tpu.vector_load_idx %arg5[%add3A_441] : memref<32768xf32, #tpu.memory_space<vmem>>[vector<16xi32>], vector<16xf32>,
      %broadcast_in_dim3A_443 = arith.constant 1 : i32
      %broadcast_in_dim3A_444 = vector.broadcast %broadcast_in_dim3A_443 : i32 to vector<16xi32>
      %gt3A_445 = arith.cmpf ogt, %gather3A_442, %select_n3A_437 : vector<16xf32>
      %gt3A_446 = arith.cmpf ogt, %gather3A_442, %select_n3A_434 : vector<16xf32>
      %select_n3A_447 = arith.select %gt3A_446, %gather3A_442, %select_n3A_434 : vector<16xi1>, vector<16xf32>
      %select_n3A_448 = arith.select %gt3A_445, %select_n3A_437, %select_n3A_447 : vector<16xi1>, vector<16xf32>
      %select_n3A_449 = arith.select %gt3A_446, %broadcast_in_dim3A_444, %select_n3A_436 : vector<16xi1>, vector<16xi32>
      %select_n3A_450 = arith.select %gt3A_445, %select_n3A_438, %select_n3A_449 : vector<16xi1>, vector<16xi32>
      %select_n3A_451 = arith.select %gt3A_445, %gather3A_442, %select_n3A_437 : vector<16xi1>, vector<16xf32>
      %select_n3A_452 = arith.select %gt3A_445, %broadcast_in_dim3A_444, %select_n3A_438 : vector<16xi1>, vector<16xi32>
      %add3A_453 = arith.constant 2 : i32
      %add3A_454 = vector.broadcast %add3A_453 : i32 to vector<16xi32>
      %add3A_455 = arith.addi %mul3A_44, %add3A_454 : vector<16xi32>
      %gather3A_456 = tpu.vector_load_idx %arg5[%add3A_455] : memref<32768xf32, #tpu.memory_space<vmem>>[vector<16xi32>], vector<16xf32>,
      %broadcast_in_dim3A_457 = arith.constant 2 : i32
      %broadcast_in_dim3A_458 = vector.broadcast %broadcast_in_dim3A_457 : i32 to vector<16xi32>
      %gt3A_459 = arith.cmpf ogt, %gather3A_456, %select_n3A_451 : vector<16xf32>
      %gt3A_460 = arith.cmpf ogt, %gather3A_456, %select_n3A_448 : vector<16xf32>
      %select_n3A_461 = arith.select %gt3A_460, %gather3A_456, %select_n3A_448 : vector<16xi1>, vector<16xf32>
      %select_n3A_462 = arith.select %gt3A_459, %select_n3A_451, %select_n3A_461 : vector<16xi1>, vector<16xf32>
      %select_n3A_463 = arith.select %gt3A_460, %broadcast_in_dim3A_458, %select_n3A_450 : vector<16xi1>, vector<16xi32>
      %select_n3A_464 = arith.select %gt3A_459, %select_n3A_452, %select_n3A_463 : vector<16xi1>, vector<16xi32>
      %select_n3A_465 = arith.select %gt3A_459, %gather3A_456, %select_n3A_451 : vector<16xi1>, vector<16xf32>
      %select_n3A_466 = arith.select %gt3A_459, %broadcast_in_dim3A_458, %select_n3A_452 : vector<16xi1>, vector<16xi32>
      %add3A_467 = arith.constant 3 : i32
      %add3A_468 = vector.broadcast %add3A_467 : i32 to vector<16xi32>
      %add3A_469 = arith.addi %mul3A_44, %add3A_468 : vector<16xi32>
      %gather3A_470 = tpu.vector_load_idx %arg5[%add3A_469] : memref<32768xf32, #tpu.memory_space<vmem>>[vector<16xi32>], vector<16xf32>,
      %broadcast_in_dim3A_471 = arith.constant 3 : i32
      %broadcast_in_dim3A_472 = vector.broadcast %broadcast_in_dim3A_471 : i32 to vector<16xi32>
      %gt3A_473 = arith.cmpf ogt, %gather3A_470, %select_n3A_465 : vector<16xf32>
      %gt3A_474 = arith.cmpf ogt, %gather3A_470, %select_n3A_462 : vector<16xf32>
      %select_n3A_475 = arith.select %gt3A_474, %gather3A_470, %select_n3A_462 : vector<16xi1>, vector<16xf32>
      %select_n3A_476 = arith.select %gt3A_473, %select_n3A_465, %select_n3A_475 : vector<16xi1>, vector<16xf32>
      %select_n3A_477 = arith.select %gt3A_474, %broadcast_in_dim3A_472, %select_n3A_464 : vector<16xi1>, vector<16xi32>
      %select_n3A_478 = arith.select %gt3A_473, %select_n3A_466, %select_n3A_477 : vector<16xi1>, vector<16xi32>
      %select_n3A_479 = arith.select %gt3A_473, %gather3A_470, %select_n3A_465 : vector<16xi1>, vector<16xf32>
      %select_n3A_480 = arith.select %gt3A_473, %broadcast_in_dim3A_472, %select_n3A_466 : vector<16xi1>, vector<16xi32>
      %add3A_481 = arith.constant 4 : i32
      %add3A_482 = vector.broadcast %add3A_481 : i32 to vector<16xi32>
      %add3A_483 = arith.addi %mul3A_44, %add3A_482 : vector<16xi32>
      %gather3A_484 = tpu.vector_load_idx %arg5[%add3A_483] : memref<32768xf32, #tpu.memory_space<vmem>>[vector<16xi32>], vector<16xf32>,
      %broadcast_in_dim3A_485 = arith.constant 4 : i32
      %broadcast_in_dim3A_486 = vector.broadcast %broadcast_in_dim3A_485 : i32 to vector<16xi32>
      %gt3A_487 = arith.cmpf ogt, %gather3A_484, %select_n3A_479 : vector<16xf32>
      %gt3A_488 = arith.cmpf ogt, %gather3A_484, %select_n3A_476 : vector<16xf32>
      %select_n3A_489 = arith.select %gt3A_488, %gather3A_484, %select_n3A_476 : vector<16xi1>, vector<16xf32>
      %select_n3A_490 = arith.select %gt3A_487, %select_n3A_479, %select_n3A_489 : vector<16xi1>, vector<16xf32>
      %select_n3A_491 = arith.select %gt3A_488, %broadcast_in_dim3A_486, %select_n3A_478 : vector<16xi1>, vector<16xi32>
      %select_n3A_492 = arith.select %gt3A_487, %select_n3A_480, %select_n3A_491 : vector<16xi1>, vector<16xi32>
      %select_n3A_493 = arith.select %gt3A_487, %gather3A_484, %select_n3A_479 : vector<16xi1>, vector<16xf32>
      %select_n3A_494 = arith.select %gt3A_487, %broadcast_in_dim3A_486, %select_n3A_480 : vector<16xi1>, vector<16xi32>
      %add3A_495 = arith.constant 5 : i32
      %add3A_496 = vector.broadcast %add3A_495 : i32 to vector<16xi32>
      %add3A_497 = arith.addi %mul3A_44, %add3A_496 : vector<16xi32>
      %gather3A_498 = tpu.vector_load_idx %arg5[%add3A_497] : memref<32768xf32, #tpu.memory_space<vmem>>[vector<16xi32>], vector<16xf32>,
      %broadcast_in_dim3A_499 = arith.constant 5 : i32
      %broadcast_in_dim3A_500 = vector.broadcast %broadcast_in_dim3A_499 : i32 to vector<16xi32>
      %gt3A_501 = arith.cmpf ogt, %gather3A_498, %select_n3A_493 : vector<16xf32>
      %gt3A_502 = arith.cmpf ogt, %gather3A_498, %select_n3A_490 : vector<16xf32>
      %select_n3A_503 = arith.select %gt3A_502, %gather3A_498, %select_n3A_490 : vector<16xi1>, vector<16xf32>
      %select_n3A_504 = arith.select %gt3A_501, %select_n3A_493, %select_n3A_503 : vector<16xi1>, vector<16xf32>
      %select_n3A_505 = arith.select %gt3A_502, %broadcast_in_dim3A_500, %select_n3A_492 : vector<16xi1>, vector<16xi32>
      %select_n3A_506 = arith.select %gt3A_501, %select_n3A_494, %select_n3A_505 : vector<16xi1>, vector<16xi32>
      %select_n3A_507 = arith.select %gt3A_501, %gather3A_498, %select_n3A_493 : vector<16xi1>, vector<16xf32>
      %select_n3A_508 = arith.select %gt3A_501, %broadcast_in_dim3A_500, %select_n3A_494 : vector<16xi1>, vector<16xi32>
      %add3A_509 = arith.constant 6 : i32
      %add3A_510 = vector.broadcast %add3A_509 : i32 to vector<16xi32>
      %add3A_511 = arith.addi %mul3A_44, %add3A_510 : vector<16xi32>
      %gather3A_512 = tpu.vector_load_idx %arg5[%add3A_511] : memref<32768xf32, #tpu.memory_space<vmem>>[vector<16xi32>], vector<16xf32>,
      %broadcast_in_dim3A_513 = arith.constant 6 : i32
      %broadcast_in_dim3A_514 = vector.broadcast %broadcast_in_dim3A_513 : i32 to vector<16xi32>
      %gt3A_515 = arith.cmpf ogt, %gather3A_512, %select_n3A_507 : vector<16xf32>
      %gt3A_516 = arith.cmpf ogt, %gather3A_512, %select_n3A_504 : vector<16xf32>
      %select_n3A_517 = arith.select %gt3A_516, %gather3A_512, %select_n3A_504 : vector<16xi1>, vector<16xf32>
      %select_n3A_518 = arith.select %gt3A_515, %select_n3A_507, %select_n3A_517 : vector<16xi1>, vector<16xf32>
      %select_n3A_519 = arith.select %gt3A_516, %broadcast_in_dim3A_514, %select_n3A_506 : vector<16xi1>, vector<16xi32>
      %select_n3A_520 = arith.select %gt3A_515, %select_n3A_508, %select_n3A_519 : vector<16xi1>, vector<16xi32>
      %select_n3A_521 = arith.select %gt3A_515, %gather3A_512, %select_n3A_507 : vector<16xi1>, vector<16xf32>
      %select_n3A_522 = arith.select %gt3A_515, %broadcast_in_dim3A_514, %select_n3A_508 : vector<16xi1>, vector<16xi32>
      %add3A_523 = arith.constant 7 : i32
      %add3A_524 = vector.broadcast %add3A_523 : i32 to vector<16xi32>
      %add3A_525 = arith.addi %mul3A_44, %add3A_524 : vector<16xi32>
      %gather3A_526 = tpu.vector_load_idx %arg5[%add3A_525] : memref<32768xf32, #tpu.memory_space<vmem>>[vector<16xi32>], vector<16xf32>,
      %broadcast_in_dim3A_527 = arith.constant 7 : i32
      %broadcast_in_dim3A_528 = vector.broadcast %broadcast_in_dim3A_527 : i32 to vector<16xi32>
      %gt3A_529 = arith.cmpf ogt, %gather3A_526, %select_n3A_521 : vector<16xf32>
      %gt3A_530 = arith.cmpf ogt, %gather3A_526, %select_n3A_518 : vector<16xf32>
      %select_n3A_531 = arith.select %gt3A_530, %gather3A_526, %select_n3A_518 : vector<16xi1>, vector<16xf32>
      %select_n3A_532 = arith.select %gt3A_529, %select_n3A_521, %select_n3A_531 : vector<16xi1>, vector<16xf32>
      %select_n3A_533 = arith.select %gt3A_530, %broadcast_in_dim3A_528, %select_n3A_520 : vector<16xi1>, vector<16xi32>
      %select_n3A_534 = arith.select %gt3A_529, %select_n3A_522, %select_n3A_533 : vector<16xi1>, vector<16xi32>
      %select_n3A_535 = arith.select %gt3A_529, %gather3A_526, %select_n3A_521 : vector<16xi1>, vector<16xf32>
      %select_n3A_536 = arith.select %gt3A_529, %broadcast_in_dim3A_528, %select_n3A_522 : vector<16xi1>, vector<16xi32>
      %add3A_537 = arith.constant 8 : i32
      %add3A_538 = vector.broadcast %add3A_537 : i32 to vector<16xi32>
      %add3A_539 = arith.addi %mul3A_44, %add3A_538 : vector<16xi32>
      %gather3A_540 = tpu.vector_load_idx %arg5[%add3A_539] : memref<32768xf32, #tpu.memory_space<vmem>>[vector<16xi32>], vector<16xf32>,
      %broadcast_in_dim3A_541 = arith.constant 8 : i32
      %broadcast_in_dim3A_542 = vector.broadcast %broadcast_in_dim3A_541 : i32 to vector<16xi32>
      %gt3A_543 = arith.cmpf ogt, %gather3A_540, %select_n3A_535 : vector<16xf32>
      %gt3A_544 = arith.cmpf ogt, %gather3A_540, %select_n3A_532 : vector<16xf32>
      %select_n3A_545 = arith.select %gt3A_544, %gather3A_540, %select_n3A_532 : vector<16xi1>, vector<16xf32>
      %select_n3A_546 = arith.select %gt3A_543, %select_n3A_535, %select_n3A_545 : vector<16xi1>, vector<16xf32>
      %select_n3A_547 = arith.select %gt3A_544, %broadcast_in_dim3A_542, %select_n3A_534 : vector<16xi1>, vector<16xi32>
      %select_n3A_548 = arith.select %gt3A_543, %select_n3A_536, %select_n3A_547 : vector<16xi1>, vector<16xi32>
      %select_n3A_549 = arith.select %gt3A_543, %gather3A_540, %select_n3A_535 : vector<16xi1>, vector<16xf32>
      %select_n3A_550 = arith.select %gt3A_543, %broadcast_in_dim3A_542, %select_n3A_536 : vector<16xi1>, vector<16xi32>
      %add3A_551 = arith.constant 9 : i32
      %add3A_552 = vector.broadcast %add3A_551 : i32 to vector<16xi32>
      %add3A_553 = arith.addi %mul3A_44, %add3A_552 : vector<16xi32>
      %gather3A_554 = tpu.vector_load_idx %arg5[%add3A_553] : memref<32768xf32, #tpu.memory_space<vmem>>[vector<16xi32>], vector<16xf32>,
      %broadcast_in_dim3A_555 = arith.constant 9 : i32
      %broadcast_in_dim3A_556 = vector.broadcast %broadcast_in_dim3A_555 : i32 to vector<16xi32>
      %gt3A_557 = arith.cmpf ogt, %gather3A_554, %select_n3A_549 : vector<16xf32>
      %gt3A_558 = arith.cmpf ogt, %gather3A_554, %select_n3A_546 : vector<16xf32>
      %select_n3A_559 = arith.select %gt3A_558, %gather3A_554, %select_n3A_546 : vector<16xi1>, vector<16xf32>
      %select_n3A_560 = arith.select %gt3A_557, %select_n3A_549, %select_n3A_559 : vector<16xi1>, vector<16xf32>
      %select_n3A_561 = arith.select %gt3A_558, %broadcast_in_dim3A_556, %select_n3A_548 : vector<16xi1>, vector<16xi32>
      %select_n3A_562 = arith.select %gt3A_557, %select_n3A_550, %select_n3A_561 : vector<16xi1>, vector<16xi32>
      %select_n3A_563 = arith.select %gt3A_557, %gather3A_554, %select_n3A_549 : vector<16xi1>, vector<16xf32>
      %select_n3A_564 = arith.select %gt3A_557, %broadcast_in_dim3A_556, %select_n3A_550 : vector<16xi1>, vector<16xi32>
      %add3A_565 = arith.constant 10 : i32
      %add3A_566 = vector.broadcast %add3A_565 : i32 to vector<16xi32>
      %add3A_567 = arith.addi %mul3A_44, %add3A_566 : vector<16xi32>
      %gather3A_568 = tpu.vector_load_idx %arg5[%add3A_567] : memref<32768xf32, #tpu.memory_space<vmem>>[vector<16xi32>], vector<16xf32>,
      %broadcast_in_dim3A_569 = arith.constant 10 : i32
      %broadcast_in_dim3A_570 = vector.broadcast %broadcast_in_dim3A_569 : i32 to vector<16xi32>
      %gt3A_571 = arith.cmpf ogt, %gather3A_568, %select_n3A_563 : vector<16xf32>
      %gt3A_572 = arith.cmpf ogt, %gather3A_568, %select_n3A_560 : vector<16xf32>
      %select_n3A_573 = arith.select %gt3A_572, %gather3A_568, %select_n3A_560 : vector<16xi1>, vector<16xf32>
      %select_n3A_574 = arith.select %gt3A_571, %select_n3A_563, %select_n3A_573 : vector<16xi1>, vector<16xf32>
      %select_n3A_575 = arith.select %gt3A_572, %broadcast_in_dim3A_570, %select_n3A_562 : vector<16xi1>, vector<16xi32>
      %select_n3A_576 = arith.select %gt3A_571, %select_n3A_564, %select_n3A_575 : vector<16xi1>, vector<16xi32>
      %select_n3A_577 = arith.select %gt3A_571, %gather3A_568, %select_n3A_563 : vector<16xi1>, vector<16xf32>
      %select_n3A_578 = arith.select %gt3A_571, %broadcast_in_dim3A_570, %select_n3A_564 : vector<16xi1>, vector<16xi32>
      %add3A_579 = arith.constant 11 : i32
      %add3A_580 = vector.broadcast %add3A_579 : i32 to vector<16xi32>
      %add3A_581 = arith.addi %mul3A_44, %add3A_580 : vector<16xi32>
      %gather3A_582 = tpu.vector_load_idx %arg5[%add3A_581] : memref<32768xf32, #tpu.memory_space<vmem>>[vector<16xi32>], vector<16xf32>,
      %broadcast_in_dim3A_583 = arith.constant 11 : i32
      %broadcast_in_dim3A_584 = vector.broadcast %broadcast_in_dim3A_583 : i32 to vector<16xi32>
      %gt3A_585 = arith.cmpf ogt, %gather3A_582, %select_n3A_577 : vector<16xf32>
      %gt3A_586 = arith.cmpf ogt, %gather3A_582, %select_n3A_574 : vector<16xf32>
      %select_n3A_587 = arith.select %gt3A_586, %gather3A_582, %select_n3A_574 : vector<16xi1>, vector<16xf32>
      %select_n3A_588 = arith.select %gt3A_585, %select_n3A_577, %select_n3A_587 : vector<16xi1>, vector<16xf32>
      %select_n3A_589 = arith.select %gt3A_586, %broadcast_in_dim3A_584, %select_n3A_576 : vector<16xi1>, vector<16xi32>
      %select_n3A_590 = arith.select %gt3A_585, %select_n3A_578, %select_n3A_589 : vector<16xi1>, vector<16xi32>
      %select_n3A_591 = arith.select %gt3A_585, %gather3A_582, %select_n3A_577 : vector<16xi1>, vector<16xf32>
      %select_n3A_592 = arith.select %gt3A_585, %broadcast_in_dim3A_584, %select_n3A_578 : vector<16xi1>, vector<16xi32>
      %add3A_593 = arith.constant 12 : i32
      %add3A_594 = vector.broadcast %add3A_593 : i32 to vector<16xi32>
      %add3A_595 = arith.addi %mul3A_44, %add3A_594 : vector<16xi32>
      %gather3A_596 = tpu.vector_load_idx %arg5[%add3A_595] : memref<32768xf32, #tpu.memory_space<vmem>>[vector<16xi32>], vector<16xf32>,
      %broadcast_in_dim3A_597 = arith.constant 12 : i32
      %broadcast_in_dim3A_598 = vector.broadcast %broadcast_in_dim3A_597 : i32 to vector<16xi32>
      %gt3A_599 = arith.cmpf ogt, %gather3A_596, %select_n3A_591 : vector<16xf32>
      %gt3A_600 = arith.cmpf ogt, %gather3A_596, %select_n3A_588 : vector<16xf32>
      %select_n3A_601 = arith.select %gt3A_600, %gather3A_596, %select_n3A_588 : vector<16xi1>, vector<16xf32>
      %select_n3A_602 = arith.select %gt3A_599, %select_n3A_591, %select_n3A_601 : vector<16xi1>, vector<16xf32>
      %select_n3A_603 = arith.select %gt3A_600, %broadcast_in_dim3A_598, %select_n3A_590 : vector<16xi1>, vector<16xi32>
      %select_n3A_604 = arith.select %gt3A_599, %select_n3A_592, %select_n3A_603 : vector<16xi1>, vector<16xi32>
      %select_n3A_605 = arith.select %gt3A_599, %gather3A_596, %select_n3A_591 : vector<16xi1>, vector<16xf32>
      %select_n3A_606 = arith.select %gt3A_599, %broadcast_in_dim3A_598, %select_n3A_592 : vector<16xi1>, vector<16xi32>
      %add3A_607 = arith.constant 13 : i32
      %add3A_608 = vector.broadcast %add3A_607 : i32 to vector<16xi32>
      %add3A_609 = arith.addi %mul3A_44, %add3A_608 : vector<16xi32>
      %gather3A_610 = tpu.vector_load_idx %arg5[%add3A_609] : memref<32768xf32, #tpu.memory_space<vmem>>[vector<16xi32>], vector<16xf32>,
      %broadcast_in_dim3A_611 = arith.constant 13 : i32
      %broadcast_in_dim3A_612 = vector.broadcast %broadcast_in_dim3A_611 : i32 to vector<16xi32>
      %gt3A_613 = arith.cmpf ogt, %gather3A_610, %select_n3A_605 : vector<16xf32>
      %gt3A_614 = arith.cmpf ogt, %gather3A_610, %select_n3A_602 : vector<16xf32>
      %select_n3A_615 = arith.select %gt3A_614, %gather3A_610, %select_n3A_602 : vector<16xi1>, vector<16xf32>
      %select_n3A_616 = arith.select %gt3A_613, %select_n3A_605, %select_n3A_615 : vector<16xi1>, vector<16xf32>
      %select_n3A_617 = arith.select %gt3A_614, %broadcast_in_dim3A_612, %select_n3A_604 : vector<16xi1>, vector<16xi32>
      %select_n3A_618 = arith.select %gt3A_613, %select_n3A_606, %select_n3A_617 : vector<16xi1>, vector<16xi32>
      %select_n3A_619 = arith.select %gt3A_613, %gather3A_610, %select_n3A_605 : vector<16xi1>, vector<16xf32>
      %select_n3A_620 = arith.select %gt3A_613, %broadcast_in_dim3A_612, %select_n3A_606 : vector<16xi1>, vector<16xi32>
      %add3A_621 = arith.constant 14 : i32
      %add3A_622 = vector.broadcast %add3A_621 : i32 to vector<16xi32>
      %add3A_623 = arith.addi %mul3A_44, %add3A_622 : vector<16xi32>
      %gather3A_624 = tpu.vector_load_idx %arg5[%add3A_623] : memref<32768xf32, #tpu.memory_space<vmem>>[vector<16xi32>], vector<16xf32>,
      %broadcast_in_dim3A_625 = arith.constant 14 : i32
      %broadcast_in_dim3A_626 = vector.broadcast %broadcast_in_dim3A_625 : i32 to vector<16xi32>
      %gt3A_627 = arith.cmpf ogt, %gather3A_624, %select_n3A_619 : vector<16xf32>
      %gt3A_628 = arith.cmpf ogt, %gather3A_624, %select_n3A_616 : vector<16xf32>
      %select_n3A_629 = arith.select %gt3A_628, %gather3A_624, %select_n3A_616 : vector<16xi1>, vector<16xf32>
      %select_n3A_630 = arith.select %gt3A_627, %select_n3A_619, %select_n3A_629 : vector<16xi1>, vector<16xf32>
      %select_n3A_631 = arith.select %gt3A_628, %broadcast_in_dim3A_626, %select_n3A_618 : vector<16xi1>, vector<16xi32>
      %select_n3A_632 = arith.select %gt3A_627, %select_n3A_620, %select_n3A_631 : vector<16xi1>, vector<16xi32>
      %select_n3A_633 = arith.select %gt3A_627, %gather3A_624, %select_n3A_619 : vector<16xi1>, vector<16xf32>
      %select_n3A_634 = arith.select %gt3A_627, %broadcast_in_dim3A_626, %select_n3A_620 : vector<16xi1>, vector<16xi32>
      %add3A_635 = arith.constant 15 : i32
      %add3A_636 = vector.broadcast %add3A_635 : i32 to vector<16xi32>
      %add3A_637 = arith.addi %mul3A_44, %add3A_636 : vector<16xi32>
      %gather3A_638 = tpu.vector_load_idx %arg5[%add3A_637] : memref<32768xf32, #tpu.memory_space<vmem>>[vector<16xi32>], vector<16xf32>,
      %broadcast_in_dim3A_639 = arith.constant 15 : i32
      %broadcast_in_dim3A_640 = vector.broadcast %broadcast_in_dim3A_639 : i32 to vector<16xi32>
      %gt3A_641 = arith.cmpf ogt, %gather3A_638, %select_n3A_633 : vector<16xf32>
      %gt3A_642 = arith.cmpf ogt, %gather3A_638, %select_n3A_630 : vector<16xf32>
      %select_n3A_643 = arith.select %gt3A_642, %gather3A_638, %select_n3A_630 : vector<16xi1>, vector<16xf32>
      %select_n3A_644 = arith.select %gt3A_641, %select_n3A_633, %select_n3A_643 : vector<16xi1>, vector<16xf32>
      %select_n3A_645 = arith.select %gt3A_642, %broadcast_in_dim3A_640, %select_n3A_632 : vector<16xi1>, vector<16xi32>
      %select_n3A_646 = arith.select %gt3A_641, %select_n3A_634, %select_n3A_645 : vector<16xi1>, vector<16xi32>
      %select_n3A_647 = arith.select %gt3A_641, %gather3A_638, %select_n3A_633 : vector<16xi1>, vector<16xf32>
      %select_n3A_648 = arith.select %gt3A_641, %broadcast_in_dim3A_640, %select_n3A_634 : vector<16xi1>, vector<16xi32>
      %add3A_649 = arith.constant 16 : i32
      %add3A_650 = vector.broadcast %add3A_649 : i32 to vector<16xi32>
      %add3A_651 = arith.addi %mul3A_44, %add3A_650 : vector<16xi32>
      %gather3A_652 = tpu.vector_load_idx %arg5[%add3A_651] : memref<32768xf32, #tpu.memory_space<vmem>>[vector<16xi32>], vector<16xf32>,
      %broadcast_in_dim3A_653 = arith.constant 16 : i32
      %broadcast_in_dim3A_654 = vector.broadcast %broadcast_in_dim3A_653 : i32 to vector<16xi32>
      %gt3A_655 = arith.cmpf ogt, %gather3A_652, %select_n3A_647 : vector<16xf32>
      %gt3A_656 = arith.cmpf ogt, %gather3A_652, %select_n3A_644 : vector<16xf32>
      %select_n3A_657 = arith.select %gt3A_656, %gather3A_652, %select_n3A_644 : vector<16xi1>, vector<16xf32>
      %select_n3A_658 = arith.select %gt3A_655, %select_n3A_647, %select_n3A_657 : vector<16xi1>, vector<16xf32>
      %select_n3A_659 = arith.select %gt3A_656, %broadcast_in_dim3A_654, %select_n3A_646 : vector<16xi1>, vector<16xi32>
      %select_n3A_660 = arith.select %gt3A_655, %select_n3A_648, %select_n3A_659 : vector<16xi1>, vector<16xi32>
      %select_n3A_661 = arith.select %gt3A_655, %gather3A_652, %select_n3A_647 : vector<16xi1>, vector<16xf32>
      %select_n3A_662 = arith.select %gt3A_655, %broadcast_in_dim3A_654, %select_n3A_648 : vector<16xi1>, vector<16xi32>
      %add3A_663 = arith.constant 17 : i32
      %add3A_664 = vector.broadcast %add3A_663 : i32 to vector<16xi32>
      %add3A_665 = arith.addi %mul3A_44, %add3A_664 : vector<16xi32>
      %gather3A_666 = tpu.vector_load_idx %arg5[%add3A_665] : memref<32768xf32, #tpu.memory_space<vmem>>[vector<16xi32>], vector<16xf32>,
      %broadcast_in_dim3A_667 = arith.constant 17 : i32
      %broadcast_in_dim3A_668 = vector.broadcast %broadcast_in_dim3A_667 : i32 to vector<16xi32>
      %gt3A_669 = arith.cmpf ogt, %gather3A_666, %select_n3A_661 : vector<16xf32>
      %gt3A_670 = arith.cmpf ogt, %gather3A_666, %select_n3A_658 : vector<16xf32>
      %select_n3A_671 = arith.select %gt3A_670, %gather3A_666, %select_n3A_658 : vector<16xi1>, vector<16xf32>
      %select_n3A_672 = arith.select %gt3A_669, %select_n3A_661, %select_n3A_671 : vector<16xi1>, vector<16xf32>
      %select_n3A_673 = arith.select %gt3A_670, %broadcast_in_dim3A_668, %select_n3A_660 : vector<16xi1>, vector<16xi32>
      %select_n3A_674 = arith.select %gt3A_669, %select_n3A_662, %select_n3A_673 : vector<16xi1>, vector<16xi32>
      %select_n3A_675 = arith.select %gt3A_669, %gather3A_666, %select_n3A_661 : vector<16xi1>, vector<16xf32>
      %select_n3A_676 = arith.select %gt3A_669, %broadcast_in_dim3A_668, %select_n3A_662 : vector<16xi1>, vector<16xi32>
      %add3A_677 = arith.constant 18 : i32
      %add3A_678 = vector.broadcast %add3A_677 : i32 to vector<16xi32>
      %add3A_679 = arith.addi %mul3A_44, %add3A_678 : vector<16xi32>
      %gather3A_680 = tpu.vector_load_idx %arg5[%add3A_679] : memref<32768xf32, #tpu.memory_space<vmem>>[vector<16xi32>], vector<16xf32>,
      %broadcast_in_dim3A_681 = arith.constant 18 : i32
      %broadcast_in_dim3A_682 = vector.broadcast %broadcast_in_dim3A_681 : i32 to vector<16xi32>
      %gt3A_683 = arith.cmpf ogt, %gather3A_680, %select_n3A_675 : vector<16xf32>
      %gt3A_684 = arith.cmpf ogt, %gather3A_680, %select_n3A_672 : vector<16xf32>
      %select_n3A_685 = arith.select %gt3A_684, %gather3A_680, %select_n3A_672 : vector<16xi1>, vector<16xf32>
      %select_n3A_686 = arith.select %gt3A_683, %select_n3A_675, %select_n3A_685 : vector<16xi1>, vector<16xf32>
      %select_n3A_687 = arith.select %gt3A_684, %broadcast_in_dim3A_682, %select_n3A_674 : vector<16xi1>, vector<16xi32>
      %select_n3A_688 = arith.select %gt3A_683, %select_n3A_676, %select_n3A_687 : vector<16xi1>, vector<16xi32>
      %select_n3A_689 = arith.select %gt3A_683, %gather3A_680, %select_n3A_675 : vector<16xi1>, vector<16xf32>
      %select_n3A_690 = arith.select %gt3A_683, %broadcast_in_dim3A_682, %select_n3A_676 : vector<16xi1>, vector<16xi32>
      %add3A_691 = arith.constant 19 : i32
      %add3A_692 = vector.broadcast %add3A_691 : i32 to vector<16xi32>
      %add3A_693 = arith.addi %mul3A_44, %add3A_692 : vector<16xi32>
      %gather3A_694 = tpu.vector_load_idx %arg5[%add3A_693] : memref<32768xf32, #tpu.memory_space<vmem>>[vector<16xi32>], vector<16xf32>,
      %broadcast_in_dim3A_695 = arith.constant 19 : i32
      %broadcast_in_dim3A_696 = vector.broadcast %broadcast_in_dim3A_695 : i32 to vector<16xi32>
      %gt3A_697 = arith.cmpf ogt, %gather3A_694, %select_n3A_689 : vector<16xf32>
      %gt3A_698 = arith.cmpf ogt, %gather3A_694, %select_n3A_686 : vector<16xf32>
      %select_n3A_699 = arith.select %gt3A_698, %gather3A_694, %select_n3A_686 : vector<16xi1>, vector<16xf32>
      %select_n3A_700 = arith.select %gt3A_697, %select_n3A_689, %select_n3A_699 : vector<16xi1>, vector<16xf32>
      %select_n3A_701 = arith.select %gt3A_698, %broadcast_in_dim3A_696, %select_n3A_688 : vector<16xi1>, vector<16xi32>
      %select_n3A_702 = arith.select %gt3A_697, %select_n3A_690, %select_n3A_701 : vector<16xi1>, vector<16xi32>
      %select_n3A_703 = arith.select %gt3A_697, %gather3A_694, %select_n3A_689 : vector<16xi1>, vector<16xf32>
      %select_n3A_704 = arith.select %gt3A_697, %broadcast_in_dim3A_696, %select_n3A_690 : vector<16xi1>, vector<16xi32>
      %add3A_705 = arith.constant 20 : i32
      %add3A_706 = vector.broadcast %add3A_705 : i32 to vector<16xi32>
      %add3A_707 = arith.addi %mul3A_44, %add3A_706 : vector<16xi32>
      %gather3A_708 = tpu.vector_load_idx %arg5[%add3A_707] : memref<32768xf32, #tpu.memory_space<vmem>>[vector<16xi32>], vector<16xf32>,
      %broadcast_in_dim3A_709 = arith.constant 20 : i32
      %broadcast_in_dim3A_710 = vector.broadcast %broadcast_in_dim3A_709 : i32 to vector<16xi32>
      %gt3A_711 = arith.cmpf ogt, %gather3A_708, %select_n3A_703 : vector<16xf32>
      %gt3A_712 = arith.cmpf ogt, %gather3A_708, %select_n3A_700 : vector<16xf32>
      %select_n3A_713 = arith.select %gt3A_712, %gather3A_708, %select_n3A_700 : vector<16xi1>, vector<16xf32>
      %select_n3A_714 = arith.select %gt3A_711, %select_n3A_703, %select_n3A_713 : vector<16xi1>, vector<16xf32>
      %select_n3A_715 = arith.select %gt3A_712, %broadcast_in_dim3A_710, %select_n3A_702 : vector<16xi1>, vector<16xi32>
      %select_n3A_716 = arith.select %gt3A_711, %select_n3A_704, %select_n3A_715 : vector<16xi1>, vector<16xi32>
      %select_n3A_717 = arith.select %gt3A_711, %gather3A_708, %select_n3A_703 : vector<16xi1>, vector<16xf32>
      %select_n3A_718 = arith.select %gt3A_711, %broadcast_in_dim3A_710, %select_n3A_704 : vector<16xi1>, vector<16xi32>
      %add3A_719 = arith.constant 21 : i32
      %add3A_720 = vector.broadcast %add3A_719 : i32 to vector<16xi32>
      %add3A_721 = arith.addi %mul3A_44, %add3A_720 : vector<16xi32>
      %gather3A_722 = tpu.vector_load_idx %arg5[%add3A_721] : memref<32768xf32, #tpu.memory_space<vmem>>[vector<16xi32>], vector<16xf32>,
      %broadcast_in_dim3A_723 = arith.constant 21 : i32
      %broadcast_in_dim3A_724 = vector.broadcast %broadcast_in_dim3A_723 : i32 to vector<16xi32>
      %gt3A_725 = arith.cmpf ogt, %gather3A_722, %select_n3A_717 : vector<16xf32>
      %gt3A_726 = arith.cmpf ogt, %gather3A_722, %select_n3A_714 : vector<16xf32>
      %select_n3A_727 = arith.select %gt3A_726, %gather3A_722, %select_n3A_714 : vector<16xi1>, vector<16xf32>
      %select_n3A_728 = arith.select %gt3A_725, %select_n3A_717, %select_n3A_727 : vector<16xi1>, vector<16xf32>
      %select_n3A_729 = arith.select %gt3A_726, %broadcast_in_dim3A_724, %select_n3A_716 : vector<16xi1>, vector<16xi32>
      %select_n3A_730 = arith.select %gt3A_725, %select_n3A_718, %select_n3A_729 : vector<16xi1>, vector<16xi32>
      %select_n3A_731 = arith.select %gt3A_725, %gather3A_722, %select_n3A_717 : vector<16xi1>, vector<16xf32>
      %select_n3A_732 = arith.select %gt3A_725, %broadcast_in_dim3A_724, %select_n3A_718 : vector<16xi1>, vector<16xi32>
      %add3A_733 = arith.constant 22 : i32
      %add3A_734 = vector.broadcast %add3A_733 : i32 to vector<16xi32>
      %add3A_735 = arith.addi %mul3A_44, %add3A_734 : vector<16xi32>
      %gather3A_736 = tpu.vector_load_idx %arg5[%add3A_735] : memref<32768xf32, #tpu.memory_space<vmem>>[vector<16xi32>], vector<16xf32>,
      %broadcast_in_dim3A_737 = arith.constant 22 : i32
      %broadcast_in_dim3A_738 = vector.broadcast %broadcast_in_dim3A_737 : i32 to vector<16xi32>
      %gt3A_739 = arith.cmpf ogt, %gather3A_736, %select_n3A_731 : vector<16xf32>
      %gt3A_740 = arith.cmpf ogt, %gather3A_736, %select_n3A_728 : vector<16xf32>
      %select_n3A_741 = arith.select %gt3A_740, %gather3A_736, %select_n3A_728 : vector<16xi1>, vector<16xf32>
      %select_n3A_742 = arith.select %gt3A_739, %select_n3A_731, %select_n3A_741 : vector<16xi1>, vector<16xf32>
      %select_n3A_743 = arith.select %gt3A_740, %broadcast_in_dim3A_738, %select_n3A_730 : vector<16xi1>, vector<16xi32>
      %select_n3A_744 = arith.select %gt3A_739, %select_n3A_732, %select_n3A_743 : vector<16xi1>, vector<16xi32>
      %select_n3A_745 = arith.select %gt3A_739, %gather3A_736, %select_n3A_731 : vector<16xi1>, vector<16xf32>
      %select_n3A_746 = arith.select %gt3A_739, %broadcast_in_dim3A_738, %select_n3A_732 : vector<16xi1>, vector<16xi32>
      %add3A_747 = arith.constant 23 : i32
      %add3A_748 = vector.broadcast %add3A_747 : i32 to vector<16xi32>
      %add3A_749 = arith.addi %mul3A_44, %add3A_748 : vector<16xi32>
      %gather3A_750 = tpu.vector_load_idx %arg5[%add3A_749] : memref<32768xf32, #tpu.memory_space<vmem>>[vector<16xi32>], vector<16xf32>,
      %broadcast_in_dim3A_751 = arith.constant 23 : i32
      %broadcast_in_dim3A_752 = vector.broadcast %broadcast_in_dim3A_751 : i32 to vector<16xi32>
      %gt3A_753 = arith.cmpf ogt, %gather3A_750, %select_n3A_745 : vector<16xf32>
      %gt3A_754 = arith.cmpf ogt, %gather3A_750, %select_n3A_742 : vector<16xf32>
      %select_n3A_755 = arith.select %gt3A_754, %gather3A_750, %select_n3A_742 : vector<16xi1>, vector<16xf32>
      %select_n3A_756 = arith.select %gt3A_753, %select_n3A_745, %select_n3A_755 : vector<16xi1>, vector<16xf32>
      %select_n3A_757 = arith.select %gt3A_754, %broadcast_in_dim3A_752, %select_n3A_744 : vector<16xi1>, vector<16xi32>
      %select_n3A_758 = arith.select %gt3A_753, %select_n3A_746, %select_n3A_757 : vector<16xi1>, vector<16xi32>
      %select_n3A_759 = arith.select %gt3A_753, %gather3A_750, %select_n3A_745 : vector<16xi1>, vector<16xf32>
      %select_n3A_760 = arith.select %gt3A_753, %broadcast_in_dim3A_752, %select_n3A_746 : vector<16xi1>, vector<16xi32>
      %add3A_761 = arith.constant 24 : i32
      %add3A_762 = vector.broadcast %add3A_761 : i32 to vector<16xi32>
      %add3A_763 = arith.addi %mul3A_44, %add3A_762 : vector<16xi32>
      %gather3A_764 = tpu.vector_load_idx %arg5[%add3A_763] : memref<32768xf32, #tpu.memory_space<vmem>>[vector<16xi32>], vector<16xf32>,
      %broadcast_in_dim3A_765 = arith.constant 24 : i32
      %broadcast_in_dim3A_766 = vector.broadcast %broadcast_in_dim3A_765 : i32 to vector<16xi32>
      %gt3A_767 = arith.cmpf ogt, %gather3A_764, %select_n3A_759 : vector<16xf32>
      %gt3A_768 = arith.cmpf ogt, %gather3A_764, %select_n3A_756 : vector<16xf32>
      %select_n3A_769 = arith.select %gt3A_768, %gather3A_764, %select_n3A_756 : vector<16xi1>, vector<16xf32>
      %select_n3A_770 = arith.select %gt3A_767, %select_n3A_759, %select_n3A_769 : vector<16xi1>, vector<16xf32>
      %select_n3A_771 = arith.select %gt3A_768, %broadcast_in_dim3A_766, %select_n3A_758 : vector<16xi1>, vector<16xi32>
      %select_n3A_772 = arith.select %gt3A_767, %select_n3A_760, %select_n3A_771 : vector<16xi1>, vector<16xi32>
      %select_n3A_773 = arith.select %gt3A_767, %gather3A_764, %select_n3A_759 : vector<16xi1>, vector<16xf32>
      %select_n3A_774 = arith.select %gt3A_767, %broadcast_in_dim3A_766, %select_n3A_760 : vector<16xi1>, vector<16xi32>
      %add3A_775 = arith.constant 25 : i32
      %add3A_776 = vector.broadcast %add3A_775 : i32 to vector<16xi32>
      %add3A_777 = arith.addi %mul3A_44, %add3A_776 : vector<16xi32>
      %gather3A_778 = tpu.vector_load_idx %arg5[%add3A_777] : memref<32768xf32, #tpu.memory_space<vmem>>[vector<16xi32>], vector<16xf32>,
      %broadcast_in_dim3A_779 = arith.constant 25 : i32
      %broadcast_in_dim3A_780 = vector.broadcast %broadcast_in_dim3A_779 : i32 to vector<16xi32>
      %gt3A_781 = arith.cmpf ogt, %gather3A_778, %select_n3A_773 : vector<16xf32>
      %gt3A_782 = arith.cmpf ogt, %gather3A_778, %select_n3A_770 : vector<16xf32>
      %select_n3A_783 = arith.select %gt3A_782, %gather3A_778, %select_n3A_770 : vector<16xi1>, vector<16xf32>
      %select_n3A_784 = arith.select %gt3A_781, %select_n3A_773, %select_n3A_783 : vector<16xi1>, vector<16xf32>
      %select_n3A_785 = arith.select %gt3A_782, %broadcast_in_dim3A_780, %select_n3A_772 : vector<16xi1>, vector<16xi32>
      %select_n3A_786 = arith.select %gt3A_781, %select_n3A_774, %select_n3A_785 : vector<16xi1>, vector<16xi32>
      %select_n3A_787 = arith.select %gt3A_781, %gather3A_778, %select_n3A_773 : vector<16xi1>, vector<16xf32>
      %select_n3A_788 = arith.select %gt3A_781, %broadcast_in_dim3A_780, %select_n3A_774 : vector<16xi1>, vector<16xi32>
      %add3A_789 = arith.constant 26 : i32
      %add3A_790 = vector.broadcast %add3A_789 : i32 to vector<16xi32>
      %add3A_791 = arith.addi %mul3A_44, %add3A_790 : vector<16xi32>
      %gather3A_792 = tpu.vector_load_idx %arg5[%add3A_791] : memref<32768xf32, #tpu.memory_space<vmem>>[vector<16xi32>], vector<16xf32>,
      %broadcast_in_dim3A_793 = arith.constant 26 : i32
      %broadcast_in_dim3A_794 = vector.broadcast %broadcast_in_dim3A_793 : i32 to vector<16xi32>
      %gt3A_795 = arith.cmpf ogt, %gather3A_792, %select_n3A_787 : vector<16xf32>
      %gt3A_796 = arith.cmpf ogt, %gather3A_792, %select_n3A_784 : vector<16xf32>
      %select_n3A_797 = arith.select %gt3A_796, %gather3A_792, %select_n3A_784 : vector<16xi1>, vector<16xf32>
      %select_n3A_798 = arith.select %gt3A_795, %select_n3A_787, %select_n3A_797 : vector<16xi1>, vector<16xf32>
      %select_n3A_799 = arith.select %gt3A_796, %broadcast_in_dim3A_794, %select_n3A_786 : vector<16xi1>, vector<16xi32>
      %select_n3A_800 = arith.select %gt3A_795, %select_n3A_788, %select_n3A_799 : vector<16xi1>, vector<16xi32>
      %select_n3A_801 = arith.select %gt3A_795, %gather3A_792, %select_n3A_787 : vector<16xi1>, vector<16xf32>
      %select_n3A_802 = arith.select %gt3A_795, %broadcast_in_dim3A_794, %select_n3A_788 : vector<16xi1>, vector<16xi32>
      %add3A_803 = arith.constant 27 : i32
      %add3A_804 = vector.broadcast %add3A_803 : i32 to vector<16xi32>
      %add3A_805 = arith.addi %mul3A_44, %add3A_804 : vector<16xi32>
      %gather3A_806 = tpu.vector_load_idx %arg5[%add3A_805] : memref<32768xf32, #tpu.memory_space<vmem>>[vector<16xi32>], vector<16xf32>,
      %broadcast_in_dim3A_807 = arith.constant 27 : i32
      %broadcast_in_dim3A_808 = vector.broadcast %broadcast_in_dim3A_807 : i32 to vector<16xi32>
      %gt3A_809 = arith.cmpf ogt, %gather3A_806, %select_n3A_801 : vector<16xf32>
      %gt3A_810 = arith.cmpf ogt, %gather3A_806, %select_n3A_798 : vector<16xf32>
      %select_n3A_811 = arith.select %gt3A_810, %gather3A_806, %select_n3A_798 : vector<16xi1>, vector<16xf32>
      %select_n3A_812 = arith.select %gt3A_809, %select_n3A_801, %select_n3A_811 : vector<16xi1>, vector<16xf32>
      %select_n3A_813 = arith.select %gt3A_810, %broadcast_in_dim3A_808, %select_n3A_800 : vector<16xi1>, vector<16xi32>
      %select_n3A_814 = arith.select %gt3A_809, %select_n3A_802, %select_n3A_813 : vector<16xi1>, vector<16xi32>
      %select_n3A_815 = arith.select %gt3A_809, %gather3A_806, %select_n3A_801 : vector<16xi1>, vector<16xf32>
      %select_n3A_816 = arith.select %gt3A_809, %broadcast_in_dim3A_808, %select_n3A_802 : vector<16xi1>, vector<16xi32>
      %add3A_817 = arith.constant 28 : i32
      %add3A_818 = vector.broadcast %add3A_817 : i32 to vector<16xi32>
      %add3A_819 = arith.addi %mul3A_44, %add3A_818 : vector<16xi32>
      %gather3A_820 = tpu.vector_load_idx %arg5[%add3A_819] : memref<32768xf32, #tpu.memory_space<vmem>>[vector<16xi32>], vector<16xf32>,
      %broadcast_in_dim3A_821 = arith.constant 28 : i32
      %broadcast_in_dim3A_822 = vector.broadcast %broadcast_in_dim3A_821 : i32 to vector<16xi32>
      %gt3A_823 = arith.cmpf ogt, %gather3A_820, %select_n3A_815 : vector<16xf32>
      %gt3A_824 = arith.cmpf ogt, %gather3A_820, %select_n3A_812 : vector<16xf32>
      %select_n3A_825 = arith.select %gt3A_824, %gather3A_820, %select_n3A_812 : vector<16xi1>, vector<16xf32>
      %select_n3A_826 = arith.select %gt3A_823, %select_n3A_815, %select_n3A_825 : vector<16xi1>, vector<16xf32>
      %select_n3A_827 = arith.select %gt3A_824, %broadcast_in_dim3A_822, %select_n3A_814 : vector<16xi1>, vector<16xi32>
      %select_n3A_828 = arith.select %gt3A_823, %select_n3A_816, %select_n3A_827 : vector<16xi1>, vector<16xi32>
      %select_n3A_829 = arith.select %gt3A_823, %gather3A_820, %select_n3A_815 : vector<16xi1>, vector<16xf32>
      %select_n3A_830 = arith.select %gt3A_823, %broadcast_in_dim3A_822, %select_n3A_816 : vector<16xi1>, vector<16xi32>
      %add3A_831 = arith.constant 29 : i32
      %add3A_832 = vector.broadcast %add3A_831 : i32 to vector<16xi32>
      %add3A_833 = arith.addi %mul3A_44, %add3A_832 : vector<16xi32>
      %gather3A_834 = tpu.vector_load_idx %arg5[%add3A_833] : memref<32768xf32, #tpu.memory_space<vmem>>[vector<16xi32>], vector<16xf32>,
      %broadcast_in_dim3A_835 = arith.constant 29 : i32
      %broadcast_in_dim3A_836 = vector.broadcast %broadcast_in_dim3A_835 : i32 to vector<16xi32>
      %gt3A_837 = arith.cmpf ogt, %gather3A_834, %select_n3A_829 : vector<16xf32>
      %gt3A_838 = arith.cmpf ogt, %gather3A_834, %select_n3A_826 : vector<16xf32>
      %select_n3A_839 = arith.select %gt3A_838, %gather3A_834, %select_n3A_826 : vector<16xi1>, vector<16xf32>
      %select_n3A_840 = arith.select %gt3A_837, %select_n3A_829, %select_n3A_839 : vector<16xi1>, vector<16xf32>
      %select_n3A_841 = arith.select %gt3A_838, %broadcast_in_dim3A_836, %select_n3A_828 : vector<16xi1>, vector<16xi32>
      %select_n3A_842 = arith.select %gt3A_837, %select_n3A_830, %select_n3A_841 : vector<16xi1>, vector<16xi32>
      %select_n3A_843 = arith.select %gt3A_837, %gather3A_834, %select_n3A_829 : vector<16xi1>, vector<16xf32>
      %select_n3A_844 = arith.select %gt3A_837, %broadcast_in_dim3A_836, %select_n3A_830 : vector<16xi1>, vector<16xi32>
      %add3A_845 = arith.constant 30 : i32
      %add3A_846 = vector.broadcast %add3A_845 : i32 to vector<16xi32>
      %add3A_847 = arith.addi %mul3A_44, %add3A_846 : vector<16xi32>
      %gather3A_848 = tpu.vector_load_idx %arg5[%add3A_847] : memref<32768xf32, #tpu.memory_space<vmem>>[vector<16xi32>], vector<16xf32>,
      %broadcast_in_dim3A_849 = arith.constant 30 : i32
      %broadcast_in_dim3A_850 = vector.broadcast %broadcast_in_dim3A_849 : i32 to vector<16xi32>
      %gt3A_851 = arith.cmpf ogt, %gather3A_848, %select_n3A_843 : vector<16xf32>
      %gt3A_852 = arith.cmpf ogt, %gather3A_848, %select_n3A_840 : vector<16xf32>
      %select_n3A_853 = arith.select %gt3A_852, %gather3A_848, %select_n3A_840 : vector<16xi1>, vector<16xf32>
      %select_n3A_854 = arith.select %gt3A_851, %select_n3A_843, %select_n3A_853 : vector<16xi1>, vector<16xf32>
      %select_n3A_855 = arith.select %gt3A_852, %broadcast_in_dim3A_850, %select_n3A_842 : vector<16xi1>, vector<16xi32>
      %select_n3A_856 = arith.select %gt3A_851, %select_n3A_844, %select_n3A_855 : vector<16xi1>, vector<16xi32>
      %select_n3A_857 = arith.select %gt3A_851, %gather3A_848, %select_n3A_843 : vector<16xi1>, vector<16xf32>
      %select_n3A_858 = arith.select %gt3A_851, %broadcast_in_dim3A_850, %select_n3A_844 : vector<16xi1>, vector<16xi32>
      %add3A_859 = arith.constant 31 : i32
      %add3A_860 = vector.broadcast %add3A_859 : i32 to vector<16xi32>
      %add3A_861 = arith.addi %mul3A_44, %add3A_860 : vector<16xi32>
      %gather3A_862 = tpu.vector_load_idx %arg5[%add3A_861] : memref<32768xf32, #tpu.memory_space<vmem>>[vector<16xi32>], vector<16xf32>,
      %broadcast_in_dim3A_863 = arith.constant 31 : i32
      %broadcast_in_dim3A_864 = vector.broadcast %broadcast_in_dim3A_863 : i32 to vector<16xi32>
      %gt3A_865 = arith.cmpf ogt, %gather3A_862, %select_n3A_857 : vector<16xf32>
      %gt3A_866 = arith.cmpf ogt, %gather3A_862, %select_n3A_854 : vector<16xf32>
      %select_n3A_867 = arith.select %gt3A_866, %gather3A_862, %select_n3A_854 : vector<16xi1>, vector<16xf32>
      %select_n3A_868 = arith.select %gt3A_865, %select_n3A_857, %select_n3A_867 : vector<16xi1>, vector<16xf32>
      %select_n3A_869 = arith.select %gt3A_866, %broadcast_in_dim3A_864, %select_n3A_856 : vector<16xi1>, vector<16xi32>
      %select_n3A_870 = arith.select %gt3A_865, %select_n3A_858, %select_n3A_869 : vector<16xi1>, vector<16xi32>
      %select_n3A_871 = arith.select %gt3A_865, %gather3A_862, %select_n3A_857 : vector<16xi1>, vector<16xf32>
      %select_n3A_872 = arith.select %gt3A_865, %broadcast_in_dim3A_864, %select_n3A_858 : vector<16xi1>, vector<16xi32>
      %add3A_873 = arith.constant 32 : i32
      %add3A_874 = vector.broadcast %add3A_873 : i32 to vector<16xi32>
      %add3A_875 = arith.addi %mul3A_44, %add3A_874 : vector<16xi32>
      %gather3A_876 = tpu.vector_load_idx %arg5[%add3A_875] : memref<32768xf32, #tpu.memory_space<vmem>>[vector<16xi32>], vector<16xf32>,
      %broadcast_in_dim3A_877 = arith.constant 32 : i32
      %broadcast_in_dim3A_878 = vector.broadcast %broadcast_in_dim3A_877 : i32 to vector<16xi32>
      %gt3A_879 = arith.cmpf ogt, %gather3A_876, %select_n3A_871 : vector<16xf32>
      %gt3A_880 = arith.cmpf ogt, %gather3A_876, %select_n3A_868 : vector<16xf32>
      %select_n3A_881 = arith.select %gt3A_880, %gather3A_876, %select_n3A_868 : vector<16xi1>, vector<16xf32>
      %select_n3A_882 = arith.select %gt3A_879, %select_n3A_871, %select_n3A_881 : vector<16xi1>, vector<16xf32>
      %select_n3A_883 = arith.select %gt3A_880, %broadcast_in_dim3A_878, %select_n3A_870 : vector<16xi1>, vector<16xi32>
      %select_n3A_884 = arith.select %gt3A_879, %select_n3A_872, %select_n3A_883 : vector<16xi1>, vector<16xi32>
      %select_n3A_885 = arith.select %gt3A_879, %gather3A_876, %select_n3A_871 : vector<16xi1>, vector<16xf32>
      %select_n3A_886 = arith.select %gt3A_879, %broadcast_in_dim3A_878, %select_n3A_872 : vector<16xi1>, vector<16xi32>
      %add3A_887 = arith.constant 33 : i32
      %add3A_888 = vector.broadcast %add3A_887 : i32 to vector<16xi32>
      %add3A_889 = arith.addi %mul3A_44, %add3A_888 : vector<16xi32>
      %gather3A_890 = tpu.vector_load_idx %arg5[%add3A_889] : memref<32768xf32, #tpu.memory_space<vmem>>[vector<16xi32>], vector<16xf32>,
      %broadcast_in_dim3A_891 = arith.constant 33 : i32
      %broadcast_in_dim3A_892 = vector.broadcast %broadcast_in_dim3A_891 : i32 to vector<16xi32>
      %gt3A_893 = arith.cmpf ogt, %gather3A_890, %select_n3A_885 : vector<16xf32>
      %gt3A_894 = arith.cmpf ogt, %gather3A_890, %select_n3A_882 : vector<16xf32>
      %select_n3A_895 = arith.select %gt3A_894, %gather3A_890, %select_n3A_882 : vector<16xi1>, vector<16xf32>
      %select_n3A_896 = arith.select %gt3A_893, %select_n3A_885, %select_n3A_895 : vector<16xi1>, vector<16xf32>
      %select_n3A_897 = arith.select %gt3A_894, %broadcast_in_dim3A_892, %select_n3A_884 : vector<16xi1>, vector<16xi32>
      %select_n3A_898 = arith.select %gt3A_893, %select_n3A_886, %select_n3A_897 : vector<16xi1>, vector<16xi32>
      %select_n3A_899 = arith.select %gt3A_893, %gather3A_890, %select_n3A_885 : vector<16xi1>, vector<16xf32>
      %select_n3A_900 = arith.select %gt3A_893, %broadcast_in_dim3A_892, %select_n3A_886 : vector<16xi1>, vector<16xi32>
      %add3A_901 = arith.constant 34 : i32
      %add3A_902 = vector.broadcast %add3A_901 : i32 to vector<16xi32>
      %add3A_903 = arith.addi %mul3A_44, %add3A_902 : vector<16xi32>
      %gather3A_904 = tpu.vector_load_idx %arg5[%add3A_903] : memref<32768xf32, #tpu.memory_space<vmem>>[vector<16xi32>], vector<16xf32>,
      %broadcast_in_dim3A_905 = arith.constant 34 : i32
      %broadcast_in_dim3A_906 = vector.broadcast %broadcast_in_dim3A_905 : i32 to vector<16xi32>
      %gt3A_907 = arith.cmpf ogt, %gather3A_904, %select_n3A_899 : vector<16xf32>
      %gt3A_908 = arith.cmpf ogt, %gather3A_904, %select_n3A_896 : vector<16xf32>
      %select_n3A_909 = arith.select %gt3A_908, %gather3A_904, %select_n3A_896 : vector<16xi1>, vector<16xf32>
      %select_n3A_910 = arith.select %gt3A_907, %select_n3A_899, %select_n3A_909 : vector<16xi1>, vector<16xf32>
      %select_n3A_911 = arith.select %gt3A_908, %broadcast_in_dim3A_906, %select_n3A_898 : vector<16xi1>, vector<16xi32>
      %select_n3A_912 = arith.select %gt3A_907, %select_n3A_900, %select_n3A_911 : vector<16xi1>, vector<16xi32>
      %select_n3A_913 = arith.select %gt3A_907, %gather3A_904, %select_n3A_899 : vector<16xi1>, vector<16xf32>
      %select_n3A_914 = arith.select %gt3A_907, %broadcast_in_dim3A_906, %select_n3A_900 : vector<16xi1>, vector<16xi32>
      %add3A_915 = arith.constant 35 : i32
      %add3A_916 = vector.broadcast %add3A_915 : i32 to vector<16xi32>
      %add3A_917 = arith.addi %mul3A_44, %add3A_916 : vector<16xi32>
      %gather3A_918 = tpu.vector_load_idx %arg5[%add3A_917] : memref<32768xf32, #tpu.memory_space<vmem>>[vector<16xi32>], vector<16xf32>,
      %broadcast_in_dim3A_919 = arith.constant 35 : i32
      %broadcast_in_dim3A_920 = vector.broadcast %broadcast_in_dim3A_919 : i32 to vector<16xi32>
      %gt3A_921 = arith.cmpf ogt, %gather3A_918, %select_n3A_913 : vector<16xf32>
      %gt3A_922 = arith.cmpf ogt, %gather3A_918, %select_n3A_910 : vector<16xf32>
      %select_n3A_923 = arith.select %gt3A_922, %gather3A_918, %select_n3A_910 : vector<16xi1>, vector<16xf32>
      %select_n3A_924 = arith.select %gt3A_921, %select_n3A_913, %select_n3A_923 : vector<16xi1>, vector<16xf32>
      %select_n3A_925 = arith.select %gt3A_922, %broadcast_in_dim3A_920, %select_n3A_912 : vector<16xi1>, vector<16xi32>
      %select_n3A_926 = arith.select %gt3A_921, %select_n3A_914, %select_n3A_925 : vector<16xi1>, vector<16xi32>
      %select_n3A_927 = arith.select %gt3A_921, %gather3A_918, %select_n3A_913 : vector<16xi1>, vector<16xf32>
      %select_n3A_928 = arith.select %gt3A_921, %broadcast_in_dim3A_920, %select_n3A_914 : vector<16xi1>, vector<16xi32>
      %add3A_929 = arith.constant 36 : i32
      %add3A_930 = vector.broadcast %add3A_929 : i32 to vector<16xi32>
      %add3A_931 = arith.addi %mul3A_44, %add3A_930 : vector<16xi32>
      %gather3A_932 = tpu.vector_load_idx %arg5[%add3A_931] : memref<32768xf32, #tpu.memory_space<vmem>>[vector<16xi32>], vector<16xf32>,
      %broadcast_in_dim3A_933 = arith.constant 36 : i32
      %broadcast_in_dim3A_934 = vector.broadcast %broadcast_in_dim3A_933 : i32 to vector<16xi32>
      %gt3A_935 = arith.cmpf ogt, %gather3A_932, %select_n3A_927 : vector<16xf32>
      %gt3A_936 = arith.cmpf ogt, %gather3A_932, %select_n3A_924 : vector<16xf32>
      %select_n3A_937 = arith.select %gt3A_936, %gather3A_932, %select_n3A_924 : vector<16xi1>, vector<16xf32>
      %select_n3A_938 = arith.select %gt3A_935, %select_n3A_927, %select_n3A_937 : vector<16xi1>, vector<16xf32>
      %select_n3A_939 = arith.select %gt3A_936, %broadcast_in_dim3A_934, %select_n3A_926 : vector<16xi1>, vector<16xi32>
      %select_n3A_940 = arith.select %gt3A_935, %select_n3A_928, %select_n3A_939 : vector<16xi1>, vector<16xi32>
      %select_n3A_941 = arith.select %gt3A_935, %gather3A_932, %select_n3A_927 : vector<16xi1>, vector<16xf32>
      %select_n3A_942 = arith.select %gt3A_935, %broadcast_in_dim3A_934, %select_n3A_928 : vector<16xi1>, vector<16xi32>
      %add3A_943 = arith.constant 37 : i32
      %add3A_944 = vector.broadcast %add3A_943 : i32 to vector<16xi32>
      %add3A_945 = arith.addi %mul3A_44, %add3A_944 : vector<16xi32>
      %gather3A_946 = tpu.vector_load_idx %arg5[%add3A_945] : memref<32768xf32, #tpu.memory_space<vmem>>[vector<16xi32>], vector<16xf32>,
      %broadcast_in_dim3A_947 = arith.constant 37 : i32
      %broadcast_in_dim3A_948 = vector.broadcast %broadcast_in_dim3A_947 : i32 to vector<16xi32>
      %gt3A_949 = arith.cmpf ogt, %gather3A_946, %select_n3A_941 : vector<16xf32>
      %gt3A_950 = arith.cmpf ogt, %gather3A_946, %select_n3A_938 : vector<16xf32>
      %select_n3A_951 = arith.select %gt3A_950, %gather3A_946, %select_n3A_938 : vector<16xi1>, vector<16xf32>
      %select_n3A_952 = arith.select %gt3A_949, %select_n3A_941, %select_n3A_951 : vector<16xi1>, vector<16xf32>
      %select_n3A_953 = arith.select %gt3A_950, %broadcast_in_dim3A_948, %select_n3A_940 : vector<16xi1>, vector<16xi32>
      %select_n3A_954 = arith.select %gt3A_949, %select_n3A_942, %select_n3A_953 : vector<16xi1>, vector<16xi32>
      %select_n3A_955 = arith.select %gt3A_949, %gather3A_946, %select_n3A_941 : vector<16xi1>, vector<16xf32>
      %select_n3A_956 = arith.select %gt3A_949, %broadcast_in_dim3A_948, %select_n3A_942 : vector<16xi1>, vector<16xi32>
      %add3A_957 = arith.constant 38 : i32
      %add3A_958 = vector.broadcast %add3A_957 : i32 to vector<16xi32>
      %add3A_959 = arith.addi %mul3A_44, %add3A_958 : vector<16xi32>
      %gather3A_960 = tpu.vector_load_idx %arg5[%add3A_959] : memref<32768xf32, #tpu.memory_space<vmem>>[vector<16xi32>], vector<16xf32>,
      %broadcast_in_dim3A_961 = arith.constant 38 : i32
      %broadcast_in_dim3A_962 = vector.broadcast %broadcast_in_dim3A_961 : i32 to vector<16xi32>
      %gt3A_963 = arith.cmpf ogt, %gather3A_960, %select_n3A_955 : vector<16xf32>
      %gt3A_964 = arith.cmpf ogt, %gather3A_960, %select_n3A_952 : vector<16xf32>
      %select_n3A_965 = arith.select %gt3A_964, %gather3A_960, %select_n3A_952 : vector<16xi1>, vector<16xf32>
      %select_n3A_966 = arith.select %gt3A_963, %select_n3A_955, %select_n3A_965 : vector<16xi1>, vector<16xf32>
      %select_n3A_967 = arith.select %gt3A_964, %broadcast_in_dim3A_962, %select_n3A_954 : vector<16xi1>, vector<16xi32>
      %select_n3A_968 = arith.select %gt3A_963, %select_n3A_956, %select_n3A_967 : vector<16xi1>, vector<16xi32>
      %select_n3A_969 = arith.select %gt3A_963, %gather3A_960, %select_n3A_955 : vector<16xi1>, vector<16xf32>
      %select_n3A_970 = arith.select %gt3A_963, %broadcast_in_dim3A_962, %select_n3A_956 : vector<16xi1>, vector<16xi32>
      %add3A_971 = arith.constant 39 : i32
      %add3A_972 = vector.broadcast %add3A_971 : i32 to vector<16xi32>
      %add3A_973 = arith.addi %mul3A_44, %add3A_972 : vector<16xi32>
      %gather3A_974 = tpu.vector_load_idx %arg5[%add3A_973] : memref<32768xf32, #tpu.memory_space<vmem>>[vector<16xi32>], vector<16xf32>,
      %broadcast_in_dim3A_975 = arith.constant 39 : i32
      %broadcast_in_dim3A_976 = vector.broadcast %broadcast_in_dim3A_975 : i32 to vector<16xi32>
      %gt3A_977 = arith.cmpf ogt, %gather3A_974, %select_n3A_969 : vector<16xf32>
      %gt3A_978 = arith.cmpf ogt, %gather3A_974, %select_n3A_966 : vector<16xf32>
      %select_n3A_979 = arith.select %gt3A_978, %gather3A_974, %select_n3A_966 : vector<16xi1>, vector<16xf32>
      %select_n3A_980 = arith.select %gt3A_977, %select_n3A_969, %select_n3A_979 : vector<16xi1>, vector<16xf32>
      %select_n3A_981 = arith.select %gt3A_978, %broadcast_in_dim3A_976, %select_n3A_968 : vector<16xi1>, vector<16xi32>
      %select_n3A_982 = arith.select %gt3A_977, %select_n3A_970, %select_n3A_981 : vector<16xi1>, vector<16xi32>
      %select_n3A_983 = arith.select %gt3A_977, %gather3A_974, %select_n3A_969 : vector<16xi1>, vector<16xf32>
      %select_n3A_984 = arith.select %gt3A_977, %broadcast_in_dim3A_976, %select_n3A_970 : vector<16xi1>, vector<16xi32>
      %add3A_985 = arith.constant 40 : i32
      %add3A_986 = vector.broadcast %add3A_985 : i32 to vector<16xi32>
      %add3A_987 = arith.addi %mul3A_44, %add3A_986 : vector<16xi32>
      %gather3A_988 = tpu.vector_load_idx %arg5[%add3A_987] : memref<32768xf32, #tpu.memory_space<vmem>>[vector<16xi32>], vector<16xf32>,
      %broadcast_in_dim3A_989 = arith.constant 40 : i32
      %broadcast_in_dim3A_990 = vector.broadcast %broadcast_in_dim3A_989 : i32 to vector<16xi32>
      %gt3A_991 = arith.cmpf ogt, %gather3A_988, %select_n3A_983 : vector<16xf32>
      %gt3A_992 = arith.cmpf ogt, %gather3A_988, %select_n3A_980 : vector<16xf32>
      %select_n3A_993 = arith.select %gt3A_992, %gather3A_988, %select_n3A_980 : vector<16xi1>, vector<16xf32>
      %select_n3A_994 = arith.select %gt3A_991, %select_n3A_983, %select_n3A_993 : vector<16xi1>, vector<16xf32>
      %select_n3A_995 = arith.select %gt3A_992, %broadcast_in_dim3A_990, %select_n3A_982 : vector<16xi1>, vector<16xi32>
      %select_n3A_996 = arith.select %gt3A_991, %select_n3A_984, %select_n3A_995 : vector<16xi1>, vector<16xi32>
      %select_n3A_997 = arith.select %gt3A_991, %gather3A_988, %select_n3A_983 : vector<16xi1>, vector<16xf32>
      %select_n3A_998 = arith.select %gt3A_991, %broadcast_in_dim3A_990, %select_n3A_984 : vector<16xi1>, vector<16xi32>
      %add3A_999 = arith.constant 41 : i32
      %add3A_1000 = vector.broadcast %add3A_999 : i32 to vector<16xi32>
      %add3A_1001 = arith.addi %mul3A_44, %add3A_1000 : vector<16xi32>
      %gather3A_1002 = tpu.vector_load_idx %arg5[%add3A_1001] : memref<32768xf32, #tpu.memory_space<vmem>>[vector<16xi32>], vector<16xf32>,
      %broadcast_in_dim3A_1003 = arith.constant 41 : i32
      %broadcast_in_dim3A_1004 = vector.broadcast %broadcast_in_dim3A_1003 : i32 to vector<16xi32>
      %gt3A_1005 = arith.cmpf ogt, %gather3A_1002, %select_n3A_997 : vector<16xf32>
      %gt3A_1006 = arith.cmpf ogt, %gather3A_1002, %select_n3A_994 : vector<16xf32>
      %select_n3A_1007 = arith.select %gt3A_1006, %gather3A_1002, %select_n3A_994 : vector<16xi1>, vector<16xf32>
      %select_n3A_1008 = arith.select %gt3A_1005, %select_n3A_997, %select_n3A_1007 : vector<16xi1>, vector<16xf32>
      %select_n3A_1009 = arith.select %gt3A_1006, %broadcast_in_dim3A_1004, %select_n3A_996 : vector<16xi1>, vector<16xi32>
      %select_n3A_1010 = arith.select %gt3A_1005, %select_n3A_998, %select_n3A_1009 : vector<16xi1>, vector<16xi32>
      %select_n3A_1011 = arith.select %gt3A_1005, %gather3A_1002, %select_n3A_997 : vector<16xi1>, vector<16xf32>
      %select_n3A_1012 = arith.select %gt3A_1005, %broadcast_in_dim3A_1004, %select_n3A_998 : vector<16xi1>, vector<16xi32>
      %add3A_1013 = arith.constant 42 : i32
      %add3A_1014 = vector.broadcast %add3A_1013 : i32 to vector<16xi32>
      %add3A_1015 = arith.addi %mul3A_44, %add3A_1014 : vector<16xi32>
      %gather3A_1016 = tpu.vector_load_idx %arg5[%add3A_1015] : memref<32768xf32, #tpu.memory_space<vmem>>[vector<16xi32>], vector<16xf32>,
      %broadcast_in_dim3A_1017 = arith.constant 42 : i32
      %broadcast_in_dim3A_1018 = vector.broadcast %broadcast_in_dim3A_1017 : i32 to vector<16xi32>
      %gt3A_1019 = arith.cmpf ogt, %gather3A_1016, %select_n3A_1011 : vector<16xf32>
      %gt3A_1020 = arith.cmpf ogt, %gather3A_1016, %select_n3A_1008 : vector<16xf32>
      %select_n3A_1021 = arith.select %gt3A_1020, %gather3A_1016, %select_n3A_1008 : vector<16xi1>, vector<16xf32>
      %select_n3A_1022 = arith.select %gt3A_1019, %select_n3A_1011, %select_n3A_1021 : vector<16xi1>, vector<16xf32>
      %select_n3A_1023 = arith.select %gt3A_1020, %broadcast_in_dim3A_1018, %select_n3A_1010 : vector<16xi1>, vector<16xi32>
      %select_n3A_1024 = arith.select %gt3A_1019, %select_n3A_1012, %select_n3A_1023 : vector<16xi1>, vector<16xi32>
      %select_n3A_1025 = arith.select %gt3A_1019, %gather3A_1016, %select_n3A_1011 : vector<16xi1>, vector<16xf32>
      %select_n3A_1026 = arith.select %gt3A_1019, %broadcast_in_dim3A_1018, %select_n3A_1012 : vector<16xi1>, vector<16xi32>
      %add3A_1027 = arith.constant 43 : i32
      %add3A_1028 = vector.broadcast %add3A_1027 : i32 to vector<16xi32>
      %add3A_1029 = arith.addi %mul3A_44, %add3A_1028 : vector<16xi32>
      %gather3A_1030 = tpu.vector_load_idx %arg5[%add3A_1029] : memref<32768xf32, #tpu.memory_space<vmem>>[vector<16xi32>], vector<16xf32>,
      %broadcast_in_dim3A_1031 = arith.constant 43 : i32
      %broadcast_in_dim3A_1032 = vector.broadcast %broadcast_in_dim3A_1031 : i32 to vector<16xi32>
      %gt3A_1033 = arith.cmpf ogt, %gather3A_1030, %select_n3A_1025 : vector<16xf32>
      %gt3A_1034 = arith.cmpf ogt, %gather3A_1030, %select_n3A_1022 : vector<16xf32>
      %select_n3A_1035 = arith.select %gt3A_1034, %gather3A_1030, %select_n3A_1022 : vector<16xi1>, vector<16xf32>
      %select_n3A_1036 = arith.select %gt3A_1033, %select_n3A_1025, %select_n3A_1035 : vector<16xi1>, vector<16xf32>
      %select_n3A_1037 = arith.select %gt3A_1034, %broadcast_in_dim3A_1032, %select_n3A_1024 : vector<16xi1>, vector<16xi32>
      %select_n3A_1038 = arith.select %gt3A_1033, %select_n3A_1026, %select_n3A_1037 : vector<16xi1>, vector<16xi32>
      %select_n3A_1039 = arith.select %gt3A_1033, %gather3A_1030, %select_n3A_1025 : vector<16xi1>, vector<16xf32>
      %select_n3A_1040 = arith.select %gt3A_1033, %broadcast_in_dim3A_1032, %select_n3A_1026 : vector<16xi1>, vector<16xi32>
      %add3A_1041 = arith.constant 44 : i32
      %add3A_1042 = vector.broadcast %add3A_1041 : i32 to vector<16xi32>
      %add3A_1043 = arith.addi %mul3A_44, %add3A_1042 : vector<16xi32>
      %gather3A_1044 = tpu.vector_load_idx %arg5[%add3A_1043] : memref<32768xf32, #tpu.memory_space<vmem>>[vector<16xi32>], vector<16xf32>,
      %broadcast_in_dim3A_1045 = arith.constant 44 : i32
      %broadcast_in_dim3A_1046 = vector.broadcast %broadcast_in_dim3A_1045 : i32 to vector<16xi32>
      %gt3A_1047 = arith.cmpf ogt, %gather3A_1044, %select_n3A_1039 : vector<16xf32>
      %gt3A_1048 = arith.cmpf ogt, %gather3A_1044, %select_n3A_1036 : vector<16xf32>
      %select_n3A_1049 = arith.select %gt3A_1048, %gather3A_1044, %select_n3A_1036 : vector<16xi1>, vector<16xf32>
      %select_n3A_1050 = arith.select %gt3A_1047, %select_n3A_1039, %select_n3A_1049 : vector<16xi1>, vector<16xf32>
      %select_n3A_1051 = arith.select %gt3A_1048, %broadcast_in_dim3A_1046, %select_n3A_1038 : vector<16xi1>, vector<16xi32>
      %select_n3A_1052 = arith.select %gt3A_1047, %select_n3A_1040, %select_n3A_1051 : vector<16xi1>, vector<16xi32>
      %select_n3A_1053 = arith.select %gt3A_1047, %gather3A_1044, %select_n3A_1039 : vector<16xi1>, vector<16xf32>
      %select_n3A_1054 = arith.select %gt3A_1047, %broadcast_in_dim3A_1046, %select_n3A_1040 : vector<16xi1>, vector<16xi32>
      %add3A_1055 = arith.constant 45 : i32
      %add3A_1056 = vector.broadcast %add3A_1055 : i32 to vector<16xi32>
      %add3A_1057 = arith.addi %mul3A_44, %add3A_1056 : vector<16xi32>
      %gather3A_1058 = tpu.vector_load_idx %arg5[%add3A_1057] : memref<32768xf32, #tpu.memory_space<vmem>>[vector<16xi32>], vector<16xf32>,
      %broadcast_in_dim3A_1059 = arith.constant 45 : i32
      %broadcast_in_dim3A_1060 = vector.broadcast %broadcast_in_dim3A_1059 : i32 to vector<16xi32>
      %gt3A_1061 = arith.cmpf ogt, %gather3A_1058, %select_n3A_1053 : vector<16xf32>
      %gt3A_1062 = arith.cmpf ogt, %gather3A_1058, %select_n3A_1050 : vector<16xf32>
      %select_n3A_1063 = arith.select %gt3A_1062, %gather3A_1058, %select_n3A_1050 : vector<16xi1>, vector<16xf32>
      %select_n3A_1064 = arith.select %gt3A_1061, %select_n3A_1053, %select_n3A_1063 : vector<16xi1>, vector<16xf32>
      %select_n3A_1065 = arith.select %gt3A_1062, %broadcast_in_dim3A_1060, %select_n3A_1052 : vector<16xi1>, vector<16xi32>
      %select_n3A_1066 = arith.select %gt3A_1061, %select_n3A_1054, %select_n3A_1065 : vector<16xi1>, vector<16xi32>
      %select_n3A_1067 = arith.select %gt3A_1061, %gather3A_1058, %select_n3A_1053 : vector<16xi1>, vector<16xf32>
      %select_n3A_1068 = arith.select %gt3A_1061, %broadcast_in_dim3A_1060, %select_n3A_1054 : vector<16xi1>, vector<16xi32>
      %add3A_1069 = arith.constant 46 : i32
      %add3A_1070 = vector.broadcast %add3A_1069 : i32 to vector<16xi32>
      %add3A_1071 = arith.addi %mul3A_44, %add3A_1070 : vector<16xi32>
      %gather3A_1072 = tpu.vector_load_idx %arg5[%add3A_1071] : memref<32768xf32, #tpu.memory_space<vmem>>[vector<16xi32>], vector<16xf32>,
      %broadcast_in_dim3A_1073 = arith.constant 46 : i32
      %broadcast_in_dim3A_1074 = vector.broadcast %broadcast_in_dim3A_1073 : i32 to vector<16xi32>
      %gt3A_1075 = arith.cmpf ogt, %gather3A_1072, %select_n3A_1067 : vector<16xf32>
      %gt3A_1076 = arith.cmpf ogt, %gather3A_1072, %select_n3A_1064 : vector<16xf32>
      %select_n3A_1077 = arith.select %gt3A_1076, %gather3A_1072, %select_n3A_1064 : vector<16xi1>, vector<16xf32>
      %select_n3A_1078 = arith.select %gt3A_1075, %select_n3A_1067, %select_n3A_1077 : vector<16xi1>, vector<16xf32>
      %select_n3A_1079 = arith.select %gt3A_1076, %broadcast_in_dim3A_1074, %select_n3A_1066 : vector<16xi1>, vector<16xi32>
      %select_n3A_1080 = arith.select %gt3A_1075, %select_n3A_1068, %select_n3A_1079 : vector<16xi1>, vector<16xi32>
      %select_n3A_1081 = arith.select %gt3A_1075, %gather3A_1072, %select_n3A_1067 : vector<16xi1>, vector<16xf32>
      %select_n3A_1082 = arith.select %gt3A_1075, %broadcast_in_dim3A_1074, %select_n3A_1068 : vector<16xi1>, vector<16xi32>
      %add3A_1083 = arith.constant 47 : i32
      %add3A_1084 = vector.broadcast %add3A_1083 : i32 to vector<16xi32>
      %add3A_1085 = arith.addi %mul3A_44, %add3A_1084 : vector<16xi32>
      %gather3A_1086 = tpu.vector_load_idx %arg5[%add3A_1085] : memref<32768xf32, #tpu.memory_space<vmem>>[vector<16xi32>], vector<16xf32>,
      %broadcast_in_dim3A_1087 = arith.constant 47 : i32
      %broadcast_in_dim3A_1088 = vector.broadcast %broadcast_in_dim3A_1087 : i32 to vector<16xi32>
      %gt3A_1089 = arith.cmpf ogt, %gather3A_1086, %select_n3A_1081 : vector<16xf32>
      %gt3A_1090 = arith.cmpf ogt, %gather3A_1086, %select_n3A_1078 : vector<16xf32>
      %select_n3A_1091 = arith.select %gt3A_1090, %gather3A_1086, %select_n3A_1078 : vector<16xi1>, vector<16xf32>
      %select_n3A_1092 = arith.select %gt3A_1089, %select_n3A_1081, %select_n3A_1091 : vector<16xi1>, vector<16xf32>
      %select_n3A_1093 = arith.select %gt3A_1090, %broadcast_in_dim3A_1088, %select_n3A_1080 : vector<16xi1>, vector<16xi32>
      %select_n3A_1094 = arith.select %gt3A_1089, %select_n3A_1082, %select_n3A_1093 : vector<16xi1>, vector<16xi32>
      %select_n3A_1095 = arith.select %gt3A_1089, %gather3A_1086, %select_n3A_1081 : vector<16xi1>, vector<16xf32>
      %select_n3A_1096 = arith.select %gt3A_1089, %broadcast_in_dim3A_1088, %select_n3A_1082 : vector<16xi1>, vector<16xi32>
      %add3A_1097 = arith.constant 48 : i32
      %add3A_1098 = vector.broadcast %add3A_1097 : i32 to vector<16xi32>
      %add3A_1099 = arith.addi %mul3A_44, %add3A_1098 : vector<16xi32>
      %gather3A_1100 = tpu.vector_load_idx %arg5[%add3A_1099] : memref<32768xf32, #tpu.memory_space<vmem>>[vector<16xi32>], vector<16xf32>,
      %broadcast_in_dim3A_1101 = arith.constant 48 : i32
      %broadcast_in_dim3A_1102 = vector.broadcast %broadcast_in_dim3A_1101 : i32 to vector<16xi32>
      %gt3A_1103 = arith.cmpf ogt, %gather3A_1100, %select_n3A_1095 : vector<16xf32>
      %gt3A_1104 = arith.cmpf ogt, %gather3A_1100, %select_n3A_1092 : vector<16xf32>
      %select_n3A_1105 = arith.select %gt3A_1104, %gather3A_1100, %select_n3A_1092 : vector<16xi1>, vector<16xf32>
      %select_n3A_1106 = arith.select %gt3A_1103, %select_n3A_1095, %select_n3A_1105 : vector<16xi1>, vector<16xf32>
      %select_n3A_1107 = arith.select %gt3A_1104, %broadcast_in_dim3A_1102, %select_n3A_1094 : vector<16xi1>, vector<16xi32>
      %select_n3A_1108 = arith.select %gt3A_1103, %select_n3A_1096, %select_n3A_1107 : vector<16xi1>, vector<16xi32>
      %select_n3A_1109 = arith.select %gt3A_1103, %gather3A_1100, %select_n3A_1095 : vector<16xi1>, vector<16xf32>
      %select_n3A_1110 = arith.select %gt3A_1103, %broadcast_in_dim3A_1102, %select_n3A_1096 : vector<16xi1>, vector<16xi32>
      %add3A_1111 = arith.constant 49 : i32
      %add3A_1112 = vector.broadcast %add3A_1111 : i32 to vector<16xi32>
      %add3A_1113 = arith.addi %mul3A_44, %add3A_1112 : vector<16xi32>
      %gather3A_1114 = tpu.vector_load_idx %arg5[%add3A_1113] : memref<32768xf32, #tpu.memory_space<vmem>>[vector<16xi32>], vector<16xf32>,
      %broadcast_in_dim3A_1115 = arith.constant 49 : i32
      %broadcast_in_dim3A_1116 = vector.broadcast %broadcast_in_dim3A_1115 : i32 to vector<16xi32>
      %gt3A_1117 = arith.cmpf ogt, %gather3A_1114, %select_n3A_1109 : vector<16xf32>
      %gt3A_1118 = arith.cmpf ogt, %gather3A_1114, %select_n3A_1106 : vector<16xf32>
      %select_n3A_1119 = arith.select %gt3A_1118, %gather3A_1114, %select_n3A_1106 : vector<16xi1>, vector<16xf32>
      %select_n3A_1120 = arith.select %gt3A_1117, %select_n3A_1109, %select_n3A_1119 : vector<16xi1>, vector<16xf32>
      %select_n3A_1121 = arith.select %gt3A_1118, %broadcast_in_dim3A_1116, %select_n3A_1108 : vector<16xi1>, vector<16xi32>
      %select_n3A_1122 = arith.select %gt3A_1117, %select_n3A_1110, %select_n3A_1121 : vector<16xi1>, vector<16xi32>
      %select_n3A_1123 = arith.select %gt3A_1117, %gather3A_1114, %select_n3A_1109 : vector<16xi1>, vector<16xf32>
      %select_n3A_1124 = arith.select %gt3A_1117, %broadcast_in_dim3A_1116, %select_n3A_1110 : vector<16xi1>, vector<16xi32>
      %add3A_1125 = arith.constant 50 : i32
      %add3A_1126 = vector.broadcast %add3A_1125 : i32 to vector<16xi32>
      %add3A_1127 = arith.addi %mul3A_44, %add3A_1126 : vector<16xi32>
      %gather3A_1128 = tpu.vector_load_idx %arg5[%add3A_1127] : memref<32768xf32, #tpu.memory_space<vmem>>[vector<16xi32>], vector<16xf32>,
      %broadcast_in_dim3A_1129 = arith.constant 50 : i32
      %broadcast_in_dim3A_1130 = vector.broadcast %broadcast_in_dim3A_1129 : i32 to vector<16xi32>
      %gt3A_1131 = arith.cmpf ogt, %gather3A_1128, %select_n3A_1123 : vector<16xf32>
      %gt3A_1132 = arith.cmpf ogt, %gather3A_1128, %select_n3A_1120 : vector<16xf32>
      %select_n3A_1133 = arith.select %gt3A_1132, %gather3A_1128, %select_n3A_1120 : vector<16xi1>, vector<16xf32>
      %select_n3A_1134 = arith.select %gt3A_1131, %select_n3A_1123, %select_n3A_1133 : vector<16xi1>, vector<16xf32>
      %select_n3A_1135 = arith.select %gt3A_1132, %broadcast_in_dim3A_1130, %select_n3A_1122 : vector<16xi1>, vector<16xi32>
      %select_n3A_1136 = arith.select %gt3A_1131, %select_n3A_1124, %select_n3A_1135 : vector<16xi1>, vector<16xi32>
      %select_n3A_1137 = arith.select %gt3A_1131, %gather3A_1128, %select_n3A_1123 : vector<16xi1>, vector<16xf32>
      %select_n3A_1138 = arith.select %gt3A_1131, %broadcast_in_dim3A_1130, %select_n3A_1124 : vector<16xi1>, vector<16xi32>
      %add3A_1139 = arith.constant 51 : i32
      %add3A_1140 = vector.broadcast %add3A_1139 : i32 to vector<16xi32>
      %add3A_1141 = arith.addi %mul3A_44, %add3A_1140 : vector<16xi32>
      %gather3A_1142 = tpu.vector_load_idx %arg5[%add3A_1141] : memref<32768xf32, #tpu.memory_space<vmem>>[vector<16xi32>], vector<16xf32>,
      %broadcast_in_dim3A_1143 = arith.constant 51 : i32
      %broadcast_in_dim3A_1144 = vector.broadcast %broadcast_in_dim3A_1143 : i32 to vector<16xi32>
      %gt3A_1145 = arith.cmpf ogt, %gather3A_1142, %select_n3A_1137 : vector<16xf32>
      %gt3A_1146 = arith.cmpf ogt, %gather3A_1142, %select_n3A_1134 : vector<16xf32>
      %select_n3A_1147 = arith.select %gt3A_1146, %gather3A_1142, %select_n3A_1134 : vector<16xi1>, vector<16xf32>
      %select_n3A_1148 = arith.select %gt3A_1145, %select_n3A_1137, %select_n3A_1147 : vector<16xi1>, vector<16xf32>
      %select_n3A_1149 = arith.select %gt3A_1146, %broadcast_in_dim3A_1144, %select_n3A_1136 : vector<16xi1>, vector<16xi32>
      %select_n3A_1150 = arith.select %gt3A_1145, %select_n3A_1138, %select_n3A_1149 : vector<16xi1>, vector<16xi32>
      %select_n3A_1151 = arith.select %gt3A_1145, %gather3A_1142, %select_n3A_1137 : vector<16xi1>, vector<16xf32>
      %select_n3A_1152 = arith.select %gt3A_1145, %broadcast_in_dim3A_1144, %select_n3A_1138 : vector<16xi1>, vector<16xi32>
      %add3A_1153 = arith.constant 52 : i32
      %add3A_1154 = vector.broadcast %add3A_1153 : i32 to vector<16xi32>
      %add3A_1155 = arith.addi %mul3A_44, %add3A_1154 : vector<16xi32>
      %gather3A_1156 = tpu.vector_load_idx %arg5[%add3A_1155] : memref<32768xf32, #tpu.memory_space<vmem>>[vector<16xi32>], vector<16xf32>,
      %broadcast_in_dim3A_1157 = arith.constant 52 : i32
      %broadcast_in_dim3A_1158 = vector.broadcast %broadcast_in_dim3A_1157 : i32 to vector<16xi32>
      %gt3A_1159 = arith.cmpf ogt, %gather3A_1156, %select_n3A_1151 : vector<16xf32>
      %gt3A_1160 = arith.cmpf ogt, %gather3A_1156, %select_n3A_1148 : vector<16xf32>
      %select_n3A_1161 = arith.select %gt3A_1160, %gather3A_1156, %select_n3A_1148 : vector<16xi1>, vector<16xf32>
      %select_n3A_1162 = arith.select %gt3A_1159, %select_n3A_1151, %select_n3A_1161 : vector<16xi1>, vector<16xf32>
      %select_n3A_1163 = arith.select %gt3A_1160, %broadcast_in_dim3A_1158, %select_n3A_1150 : vector<16xi1>, vector<16xi32>
      %select_n3A_1164 = arith.select %gt3A_1159, %select_n3A_1152, %select_n3A_1163 : vector<16xi1>, vector<16xi32>
      %select_n3A_1165 = arith.select %gt3A_1159, %gather3A_1156, %select_n3A_1151 : vector<16xi1>, vector<16xf32>
      %select_n3A_1166 = arith.select %gt3A_1159, %broadcast_in_dim3A_1158, %select_n3A_1152 : vector<16xi1>, vector<16xi32>
      %add3A_1167 = arith.constant 53 : i32
      %add3A_1168 = vector.broadcast %add3A_1167 : i32 to vector<16xi32>
      %add3A_1169 = arith.addi %mul3A_44, %add3A_1168 : vector<16xi32>
      %gather3A_1170 = tpu.vector_load_idx %arg5[%add3A_1169] : memref<32768xf32, #tpu.memory_space<vmem>>[vector<16xi32>], vector<16xf32>,
      %broadcast_in_dim3A_1171 = arith.constant 53 : i32
      %broadcast_in_dim3A_1172 = vector.broadcast %broadcast_in_dim3A_1171 : i32 to vector<16xi32>
      %gt3A_1173 = arith.cmpf ogt, %gather3A_1170, %select_n3A_1165 : vector<16xf32>
      %gt3A_1174 = arith.cmpf ogt, %gather3A_1170, %select_n3A_1162 : vector<16xf32>
      %select_n3A_1175 = arith.select %gt3A_1174, %gather3A_1170, %select_n3A_1162 : vector<16xi1>, vector<16xf32>
      %select_n3A_1176 = arith.select %gt3A_1173, %select_n3A_1165, %select_n3A_1175 : vector<16xi1>, vector<16xf32>
      %select_n3A_1177 = arith.select %gt3A_1174, %broadcast_in_dim3A_1172, %select_n3A_1164 : vector<16xi1>, vector<16xi32>
      %select_n3A_1178 = arith.select %gt3A_1173, %select_n3A_1166, %select_n3A_1177 : vector<16xi1>, vector<16xi32>
      %select_n3A_1179 = arith.select %gt3A_1173, %gather3A_1170, %select_n3A_1165 : vector<16xi1>, vector<16xf32>
      %select_n3A_1180 = arith.select %gt3A_1173, %broadcast_in_dim3A_1172, %select_n3A_1166 : vector<16xi1>, vector<16xi32>
      %add3A_1181 = arith.constant 54 : i32
      %add3A_1182 = vector.broadcast %add3A_1181 : i32 to vector<16xi32>
      %add3A_1183 = arith.addi %mul3A_44, %add3A_1182 : vector<16xi32>
      %gather3A_1184 = tpu.vector_load_idx %arg5[%add3A_1183] : memref<32768xf32, #tpu.memory_space<vmem>>[vector<16xi32>], vector<16xf32>,
      %broadcast_in_dim3A_1185 = arith.constant 54 : i32
      %broadcast_in_dim3A_1186 = vector.broadcast %broadcast_in_dim3A_1185 : i32 to vector<16xi32>
      %gt3A_1187 = arith.cmpf ogt, %gather3A_1184, %select_n3A_1179 : vector<16xf32>
      %gt3A_1188 = arith.cmpf ogt, %gather3A_1184, %select_n3A_1176 : vector<16xf32>
      %select_n3A_1189 = arith.select %gt3A_1188, %gather3A_1184, %select_n3A_1176 : vector<16xi1>, vector<16xf32>
      %select_n3A_1190 = arith.select %gt3A_1187, %select_n3A_1179, %select_n3A_1189 : vector<16xi1>, vector<16xf32>
      %select_n3A_1191 = arith.select %gt3A_1188, %broadcast_in_dim3A_1186, %select_n3A_1178 : vector<16xi1>, vector<16xi32>
      %select_n3A_1192 = arith.select %gt3A_1187, %select_n3A_1180, %select_n3A_1191 : vector<16xi1>, vector<16xi32>
      %select_n3A_1193 = arith.select %gt3A_1187, %gather3A_1184, %select_n3A_1179 : vector<16xi1>, vector<16xf32>
      %select_n3A_1194 = arith.select %gt3A_1187, %broadcast_in_dim3A_1186, %select_n3A_1180 : vector<16xi1>, vector<16xi32>
      %add3A_1195 = arith.constant 55 : i32
      %add3A_1196 = vector.broadcast %add3A_1195 : i32 to vector<16xi32>
      %add3A_1197 = arith.addi %mul3A_44, %add3A_1196 : vector<16xi32>
      %gather3A_1198 = tpu.vector_load_idx %arg5[%add3A_1197] : memref<32768xf32, #tpu.memory_space<vmem>>[vector<16xi32>], vector<16xf32>,
      %broadcast_in_dim3A_1199 = arith.constant 55 : i32
      %broadcast_in_dim3A_1200 = vector.broadcast %broadcast_in_dim3A_1199 : i32 to vector<16xi32>
      %gt3A_1201 = arith.cmpf ogt, %gather3A_1198, %select_n3A_1193 : vector<16xf32>
      %gt3A_1202 = arith.cmpf ogt, %gather3A_1198, %select_n3A_1190 : vector<16xf32>
      %select_n3A_1203 = arith.select %gt3A_1202, %gather3A_1198, %select_n3A_1190 : vector<16xi1>, vector<16xf32>
      %select_n3A_1204 = arith.select %gt3A_1201, %select_n3A_1193, %select_n3A_1203 : vector<16xi1>, vector<16xf32>
      %select_n3A_1205 = arith.select %gt3A_1202, %broadcast_in_dim3A_1200, %select_n3A_1192 : vector<16xi1>, vector<16xi32>
      %select_n3A_1206 = arith.select %gt3A_1201, %select_n3A_1194, %select_n3A_1205 : vector<16xi1>, vector<16xi32>
      %select_n3A_1207 = arith.select %gt3A_1201, %gather3A_1198, %select_n3A_1193 : vector<16xi1>, vector<16xf32>
      %select_n3A_1208 = arith.select %gt3A_1201, %broadcast_in_dim3A_1200, %select_n3A_1194 : vector<16xi1>, vector<16xi32>
      %add3A_1209 = arith.constant 56 : i32
      %add3A_1210 = vector.broadcast %add3A_1209 : i32 to vector<16xi32>
      %add3A_1211 = arith.addi %mul3A_44, %add3A_1210 : vector<16xi32>
      %gather3A_1212 = tpu.vector_load_idx %arg5[%add3A_1211] : memref<32768xf32, #tpu.memory_space<vmem>>[vector<16xi32>], vector<16xf32>,
      %broadcast_in_dim3A_1213 = arith.constant 56 : i32
      %broadcast_in_dim3A_1214 = vector.broadcast %broadcast_in_dim3A_1213 : i32 to vector<16xi32>
      %gt3A_1215 = arith.cmpf ogt, %gather3A_1212, %select_n3A_1207 : vector<16xf32>
      %gt3A_1216 = arith.cmpf ogt, %gather3A_1212, %select_n3A_1204 : vector<16xf32>
      %select_n3A_1217 = arith.select %gt3A_1216, %gather3A_1212, %select_n3A_1204 : vector<16xi1>, vector<16xf32>
      %select_n3A_1218 = arith.select %gt3A_1215, %select_n3A_1207, %select_n3A_1217 : vector<16xi1>, vector<16xf32>
      %select_n3A_1219 = arith.select %gt3A_1216, %broadcast_in_dim3A_1214, %select_n3A_1206 : vector<16xi1>, vector<16xi32>
      %select_n3A_1220 = arith.select %gt3A_1215, %select_n3A_1208, %select_n3A_1219 : vector<16xi1>, vector<16xi32>
      %select_n3A_1221 = arith.select %gt3A_1215, %gather3A_1212, %select_n3A_1207 : vector<16xi1>, vector<16xf32>
      %select_n3A_1222 = arith.select %gt3A_1215, %broadcast_in_dim3A_1214, %select_n3A_1208 : vector<16xi1>, vector<16xi32>
      %add3A_1223 = arith.constant 57 : i32
      %add3A_1224 = vector.broadcast %add3A_1223 : i32 to vector<16xi32>
      %add3A_1225 = arith.addi %mul3A_44, %add3A_1224 : vector<16xi32>
      %gather3A_1226 = tpu.vector_load_idx %arg5[%add3A_1225] : memref<32768xf32, #tpu.memory_space<vmem>>[vector<16xi32>], vector<16xf32>,
      %broadcast_in_dim3A_1227 = arith.constant 57 : i32
      %broadcast_in_dim3A_1228 = vector.broadcast %broadcast_in_dim3A_1227 : i32 to vector<16xi32>
      %gt3A_1229 = arith.cmpf ogt, %gather3A_1226, %select_n3A_1221 : vector<16xf32>
      %gt3A_1230 = arith.cmpf ogt, %gather3A_1226, %select_n3A_1218 : vector<16xf32>
      %select_n3A_1231 = arith.select %gt3A_1230, %gather3A_1226, %select_n3A_1218 : vector<16xi1>, vector<16xf32>
      %select_n3A_1232 = arith.select %gt3A_1229, %select_n3A_1221, %select_n3A_1231 : vector<16xi1>, vector<16xf32>
      %select_n3A_1233 = arith.select %gt3A_1230, %broadcast_in_dim3A_1228, %select_n3A_1220 : vector<16xi1>, vector<16xi32>
      %select_n3A_1234 = arith.select %gt3A_1229, %select_n3A_1222, %select_n3A_1233 : vector<16xi1>, vector<16xi32>
      %select_n3A_1235 = arith.select %gt3A_1229, %gather3A_1226, %select_n3A_1221 : vector<16xi1>, vector<16xf32>
      %select_n3A_1236 = arith.select %gt3A_1229, %broadcast_in_dim3A_1228, %select_n3A_1222 : vector<16xi1>, vector<16xi32>
      %add3A_1237 = arith.constant 58 : i32
      %add3A_1238 = vector.broadcast %add3A_1237 : i32 to vector<16xi32>
      %add3A_1239 = arith.addi %mul3A_44, %add3A_1238 : vector<16xi32>
      %gather3A_1240 = tpu.vector_load_idx %arg5[%add3A_1239] : memref<32768xf32, #tpu.memory_space<vmem>>[vector<16xi32>], vector<16xf32>,
      %broadcast_in_dim3A_1241 = arith.constant 58 : i32
      %broadcast_in_dim3A_1242 = vector.broadcast %broadcast_in_dim3A_1241 : i32 to vector<16xi32>
      %gt3A_1243 = arith.cmpf ogt, %gather3A_1240, %select_n3A_1235 : vector<16xf32>
      %gt3A_1244 = arith.cmpf ogt, %gather3A_1240, %select_n3A_1232 : vector<16xf32>
      %select_n3A_1245 = arith.select %gt3A_1244, %gather3A_1240, %select_n3A_1232 : vector<16xi1>, vector<16xf32>
      %select_n3A_1246 = arith.select %gt3A_1243, %select_n3A_1235, %select_n3A_1245 : vector<16xi1>, vector<16xf32>
      %select_n3A_1247 = arith.select %gt3A_1244, %broadcast_in_dim3A_1242, %select_n3A_1234 : vector<16xi1>, vector<16xi32>
      %select_n3A_1248 = arith.select %gt3A_1243, %select_n3A_1236, %select_n3A_1247 : vector<16xi1>, vector<16xi32>
      %select_n3A_1249 = arith.select %gt3A_1243, %gather3A_1240, %select_n3A_1235 : vector<16xi1>, vector<16xf32>
      %select_n3A_1250 = arith.select %gt3A_1243, %broadcast_in_dim3A_1242, %select_n3A_1236 : vector<16xi1>, vector<16xi32>
      %add3A_1251 = arith.constant 59 : i32
      %add3A_1252 = vector.broadcast %add3A_1251 : i32 to vector<16xi32>
      %add3A_1253 = arith.addi %mul3A_44, %add3A_1252 : vector<16xi32>
      %gather3A_1254 = tpu.vector_load_idx %arg5[%add3A_1253] : memref<32768xf32, #tpu.memory_space<vmem>>[vector<16xi32>], vector<16xf32>,
      %broadcast_in_dim3A_1255 = arith.constant 59 : i32
      %broadcast_in_dim3A_1256 = vector.broadcast %broadcast_in_dim3A_1255 : i32 to vector<16xi32>
      %gt3A_1257 = arith.cmpf ogt, %gather3A_1254, %select_n3A_1249 : vector<16xf32>
      %gt3A_1258 = arith.cmpf ogt, %gather3A_1254, %select_n3A_1246 : vector<16xf32>
      %select_n3A_1259 = arith.select %gt3A_1258, %gather3A_1254, %select_n3A_1246 : vector<16xi1>, vector<16xf32>
      %select_n3A_1260 = arith.select %gt3A_1257, %select_n3A_1249, %select_n3A_1259 : vector<16xi1>, vector<16xf32>
      %select_n3A_1261 = arith.select %gt3A_1258, %broadcast_in_dim3A_1256, %select_n3A_1248 : vector<16xi1>, vector<16xi32>
      %select_n3A_1262 = arith.select %gt3A_1257, %select_n3A_1250, %select_n3A_1261 : vector<16xi1>, vector<16xi32>
      %select_n3A_1263 = arith.select %gt3A_1257, %gather3A_1254, %select_n3A_1249 : vector<16xi1>, vector<16xf32>
      %select_n3A_1264 = arith.select %gt3A_1257, %broadcast_in_dim3A_1256, %select_n3A_1250 : vector<16xi1>, vector<16xi32>
      %add3A_1265 = arith.constant 60 : i32
      %add3A_1266 = vector.broadcast %add3A_1265 : i32 to vector<16xi32>
      %add3A_1267 = arith.addi %mul3A_44, %add3A_1266 : vector<16xi32>
      %gather3A_1268 = tpu.vector_load_idx %arg5[%add3A_1267] : memref<32768xf32, #tpu.memory_space<vmem>>[vector<16xi32>], vector<16xf32>,
      %broadcast_in_dim3A_1269 = arith.constant 60 : i32
      %broadcast_in_dim3A_1270 = vector.broadcast %broadcast_in_dim3A_1269 : i32 to vector<16xi32>
      %gt3A_1271 = arith.cmpf ogt, %gather3A_1268, %select_n3A_1263 : vector<16xf32>
      %gt3A_1272 = arith.cmpf ogt, %gather3A_1268, %select_n3A_1260 : vector<16xf32>
      %select_n3A_1273 = arith.select %gt3A_1272, %gather3A_1268, %select_n3A_1260 : vector<16xi1>, vector<16xf32>
      %select_n3A_1274 = arith.select %gt3A_1271, %select_n3A_1263, %select_n3A_1273 : vector<16xi1>, vector<16xf32>
      %select_n3A_1275 = arith.select %gt3A_1272, %broadcast_in_dim3A_1270, %select_n3A_1262 : vector<16xi1>, vector<16xi32>
      %select_n3A_1276 = arith.select %gt3A_1271, %select_n3A_1264, %select_n3A_1275 : vector<16xi1>, vector<16xi32>
      %select_n3A_1277 = arith.select %gt3A_1271, %gather3A_1268, %select_n3A_1263 : vector<16xi1>, vector<16xf32>
      %select_n3A_1278 = arith.select %gt3A_1271, %broadcast_in_dim3A_1270, %select_n3A_1264 : vector<16xi1>, vector<16xi32>
      %add3A_1279 = arith.constant 61 : i32
      %add3A_1280 = vector.broadcast %add3A_1279 : i32 to vector<16xi32>
      %add3A_1281 = arith.addi %mul3A_44, %add3A_1280 : vector<16xi32>
      %gather3A_1282 = tpu.vector_load_idx %arg5[%add3A_1281] : memref<32768xf32, #tpu.memory_space<vmem>>[vector<16xi32>], vector<16xf32>,
      %broadcast_in_dim3A_1283 = arith.constant 61 : i32
      %broadcast_in_dim3A_1284 = vector.broadcast %broadcast_in_dim3A_1283 : i32 to vector<16xi32>
      %gt3A_1285 = arith.cmpf ogt, %gather3A_1282, %select_n3A_1277 : vector<16xf32>
      %gt3A_1286 = arith.cmpf ogt, %gather3A_1282, %select_n3A_1274 : vector<16xf32>
      %select_n3A_1287 = arith.select %gt3A_1286, %gather3A_1282, %select_n3A_1274 : vector<16xi1>, vector<16xf32>
      %select_n3A_1288 = arith.select %gt3A_1285, %select_n3A_1277, %select_n3A_1287 : vector<16xi1>, vector<16xf32>
      %select_n3A_1289 = arith.select %gt3A_1286, %broadcast_in_dim3A_1284, %select_n3A_1276 : vector<16xi1>, vector<16xi32>
      %select_n3A_1290 = arith.select %gt3A_1285, %select_n3A_1278, %select_n3A_1289 : vector<16xi1>, vector<16xi32>
      %select_n3A_1291 = arith.select %gt3A_1285, %gather3A_1282, %select_n3A_1277 : vector<16xi1>, vector<16xf32>
      %select_n3A_1292 = arith.select %gt3A_1285, %broadcast_in_dim3A_1284, %select_n3A_1278 : vector<16xi1>, vector<16xi32>
      %add3A_1293 = arith.constant 62 : i32
      %add3A_1294 = vector.broadcast %add3A_1293 : i32 to vector<16xi32>
      %add3A_1295 = arith.addi %mul3A_44, %add3A_1294 : vector<16xi32>
      %gather3A_1296 = tpu.vector_load_idx %arg5[%add3A_1295] : memref<32768xf32, #tpu.memory_space<vmem>>[vector<16xi32>], vector<16xf32>,
      %broadcast_in_dim3A_1297 = arith.constant 62 : i32
      %broadcast_in_dim3A_1298 = vector.broadcast %broadcast_in_dim3A_1297 : i32 to vector<16xi32>
      %gt3A_1299 = arith.cmpf ogt, %gather3A_1296, %select_n3A_1291 : vector<16xf32>
      %gt3A_1300 = arith.cmpf ogt, %gather3A_1296, %select_n3A_1288 : vector<16xf32>
      %select_n3A_1301 = arith.select %gt3A_1300, %gather3A_1296, %select_n3A_1288 : vector<16xi1>, vector<16xf32>
      %select_n3A_1302 = arith.select %gt3A_1299, %select_n3A_1291, %select_n3A_1301 : vector<16xi1>, vector<16xf32>
      %select_n3A_1303 = arith.select %gt3A_1300, %broadcast_in_dim3A_1298, %select_n3A_1290 : vector<16xi1>, vector<16xi32>
      %select_n3A_1304 = arith.select %gt3A_1299, %select_n3A_1292, %select_n3A_1303 : vector<16xi1>, vector<16xi32>
      %select_n3A_1305 = arith.select %gt3A_1299, %gather3A_1296, %select_n3A_1291 : vector<16xi1>, vector<16xf32>
      %select_n3A_1306 = arith.select %gt3A_1299, %broadcast_in_dim3A_1298, %select_n3A_1292 : vector<16xi1>, vector<16xi32>
      %add3A_1307 = arith.constant 63 : i32
      %add3A_1308 = vector.broadcast %add3A_1307 : i32 to vector<16xi32>
      %add3A_1309 = arith.addi %mul3A_44, %add3A_1308 : vector<16xi32>
      %gather3A_1310 = tpu.vector_load_idx %arg5[%add3A_1309] : memref<32768xf32, #tpu.memory_space<vmem>>[vector<16xi32>], vector<16xf32>,
      %broadcast_in_dim3A_1311 = arith.constant 63 : i32
      %broadcast_in_dim3A_1312 = vector.broadcast %broadcast_in_dim3A_1311 : i32 to vector<16xi32>
      %gt3A_1313 = arith.cmpf ogt, %gather3A_1310, %select_n3A_1305 : vector<16xf32>
      %gt3A_1314 = arith.cmpf ogt, %gather3A_1310, %select_n3A_1302 : vector<16xf32>
      %select_n3A_1315 = arith.select %gt3A_1314, %gather3A_1310, %select_n3A_1302 : vector<16xi1>, vector<16xf32>
      %select_n3A_1316 = arith.select %gt3A_1313, %select_n3A_1305, %select_n3A_1315 : vector<16xi1>, vector<16xf32>
      %select_n3A_1317 = arith.select %gt3A_1314, %broadcast_in_dim3A_1312, %select_n3A_1304 : vector<16xi1>, vector<16xi32>
      %select_n3A_1318 = arith.select %gt3A_1313, %select_n3A_1306, %select_n3A_1317 : vector<16xi1>, vector<16xi32>
      %select_n3A_1319 = arith.select %gt3A_1313, %gather3A_1310, %select_n3A_1305 : vector<16xi1>, vector<16xf32>
      %select_n3A_1320 = arith.select %gt3A_1313, %broadcast_in_dim3A_1312, %select_n3A_1306 : vector<16xi1>, vector<16xi32>
      %sub3A = arith.subf %select_n3A_1316, %select_n3A_1319 : vector<16xf32>
      %exp3A = math.exp %sub3A : vector<16xf32>
      %add3A_1321 = arith.constant 1.000000e+00 : f32
      %add3A_1322 = vector.broadcast %add3A_1321 : f32 to vector<16xf32>
      %add3A_1323 = arith.addf %add3A_1322, %exp3A : vector<16xf32>
      %div3A = arith.constant 1.000000e+00 : f32
      %div3A_1324 = vector.broadcast %div3A : f32 to vector<16xf32>
      %div3A_1325 = arith.divf %div3A_1324, %add3A_1323 : vector<16xf32>
      %div3A_1326 = arith.divf %exp3A, %add3A_1323 : vector<16xf32>
      %add3A_1327 = arith.addi %mul3A_44, %select_n3A_1320 : vector<16xi32>
      tpu.vector_store_idx %arg6[%add3A_1327], %div3A_1325 : memref<32768xf32, #tpu.memory_space<vmem>>[vector<16xi32>], vector<16xf32>,
      %add3A_1328 = arith.addi %mul3A_44, %select_n3A_1318 : vector<16xi32>
      tpu.vector_store_idx %arg6[%add3A_1328], %div3A_1326 : memref<32768xf32, #tpu.memory_space<vmem>>[vector<16xi32>], vector<16xf32>,
      %mul3A_1329 = arith.constant 16 : i32
      %mul3A_1330 = arith.muli %scan3A_37, %mul3A_1329 : i32
      %add3A_1331 = vector.broadcast %mul3A_1330 : i32 to vector<16xi32>
      %add3A_1332 = arith.addi %add3A_1331, %iota3A : vector<16xi32>
      %mul3A_1333 = arith.constant 2 : i32
      %mul3A_1334 = vector.broadcast %mul3A_1333 : i32 to vector<16xi32>
      %mul3A_1335 = arith.muli %add3A_1332, %mul3A_1334 : vector<16xi32>
      tpu.vector_store_idx %arg7[%mul3A_1335], %select_n3A_1320 : memref<1024xi32, #tpu.memory_space<vmem>>[vector<16xi32>], vector<16xi32>,
      %add3A_1336 = arith.constant 1 : i32
      %add3A_1337 = vector.broadcast %add3A_1336 : i32 to vector<16xi32>
      %add3A_1338 = arith.addi %mul3A_1335, %add3A_1337 : vector<16xi32>
      tpu.vector_store_idx %arg7[%add3A_1338], %select_n3A_1318 : memref<1024xi32, #tpu.memory_space<vmem>>[vector<16xi32>], vector<16xi32>,
    }
    %scan3A_16 = arith.constant 32 : i32
    %mul3A_17 = arith.constant 64 : i32
    %mul3A_18 = arith.muli %add3A_9, %mul3A_17 : i32
    "tpu.region"() ({
      %run_scoped3A = tpu.sem_alloc : memref<!tpu.dma_semaphore, #tpu.memory_space<semaphore_mem>>
      %dma_start3A = tpu.memref_slice %arg3[%mul3A_18] : memref<2097152xf32, #tpu.memory_space<hbm>> -> memref<32768xf32, #tpu.memory_space<hbm>>
      %dma_start3A_37 = tpu.memref_slice %arg3[%mul3A_18] : memref<2097152xf32, #tpu.memory_space<hbm>> -> memref<32768xf32, #tpu.memory_space<hbm>>
      tpu.enqueue_dma source(%arg6 : memref<32768xf32, #tpu.memory_space<vmem>>) target(%dma_start3A_37 : memref<32768xf32, #tpu.memory_space<hbm>>) target_semaphore(%run_scoped3A : memref<!tpu.dma_semaphore, #tpu.memory_space<semaphore_mem>>)
      %dma_wait3A = tpu.memref_slice %arg3[%mul3A_18] : memref<2097152xf32, #tpu.memory_space<hbm>> -> memref<32768xf32, #tpu.memory_space<hbm>>
      %dma_wait3A_38 = tpu.memref_slice %arg3[%mul3A_18] : memref<2097152xf32, #tpu.memory_space<hbm>> -> memref<32768xf32, #tpu.memory_space<hbm>>
      tpu.wait_dma2 semaphore(%run_scoped3A : memref<!tpu.dma_semaphore, #tpu.memory_space<semaphore_mem>>) src(%arg6 : memref<32768xf32, #tpu.memory_space<vmem>>) dst(%dma_wait3A_38 : memref<32768xf32, #tpu.memory_space<hbm>>)
      tpu.yield
    }) : () -> ()
    %mul3A_19 = arith.constant 2 : i32
    %mul3A_20 = arith.muli %add3A_9, %mul3A_19 : i32
    "tpu.region"() ({
      %run_scoped3A = tpu.sem_alloc : memref<!tpu.dma_semaphore, #tpu.memory_space<semaphore_mem>>
      %dma_start3A = tpu.memref_slice %arg4[%mul3A_20] : memref<65536xi32, #tpu.memory_space<hbm>> -> memref<1024xi32, #tpu.memory_space<hbm>>
      %dma_start3A_37 = tpu.memref_slice %arg4[%mul3A_20] : memref<65536xi32, #tpu.memory_space<hbm>> -> memref<1024xi32, #tpu.memory_space<hbm>>
      tpu.enqueue_dma source(%arg7 : memref<1024xi32, #tpu.memory_space<vmem>>) target(%dma_start3A_37 : memref<1024xi32, #tpu.memory_space<hbm>>) target_semaphore(%run_scoped3A : memref<!tpu.dma_semaphore, #tpu.memory_space<semaphore_mem>>)
      %dma_wait3A = tpu.memref_slice %arg4[%mul3A_20] : memref<65536xi32, #tpu.memory_space<hbm>> -> memref<1024xi32, #tpu.memory_space<hbm>>
      %dma_wait3A_38 = tpu.memref_slice %arg4[%mul3A_20] : memref<65536xi32, #tpu.memory_space<hbm>> -> memref<1024xi32, #tpu.memory_space<hbm>>
      tpu.wait_dma2 semaphore(%run_scoped3A : memref<!tpu.dma_semaphore, #tpu.memory_space<semaphore_mem>>) src(%arg7 : memref<1024xi32, #tpu.memory_space<vmem>>) dst(%dma_wait3A_38 : memref<1024xi32, #tpu.memory_space<hbm>>)
      tpu.yield
    }) : () -> ()
    %mul3A_21 = arith.constant 1024 : i32
    %mul3A_22 = arith.muli %add3A, %mul3A_21 : i32
    %add3A_23 = arith.constant 512 : i32
    %add3A_24 = arith.addi %mul3A_22, %add3A_23 : i32
    %mul3A_25 = arith.constant 64 : i32
    %mul3A_26 = arith.muli %add3A_24, %mul3A_25 : i32
    "tpu.region"() ({
      %run_scoped3A = tpu.sem_alloc : memref<!tpu.dma_semaphore, #tpu.memory_space<semaphore_mem>>
      %dma_start3A = tpu.memref_slice %arg2[%mul3A_26] : memref<2097152xf32, #tpu.memory_space<hbm>> -> memref<32768xf32, #tpu.memory_space<hbm>>
      %dma_start3A_37 = tpu.memref_slice %arg2[%mul3A_26] : memref<2097152xf32, #tpu.memory_space<hbm>> -> memref<32768xf32, #tpu.memory_space<hbm>>
      tpu.enqueue_dma source(%dma_start3A_37 : memref<32768xf32, #tpu.memory_space<hbm>>) target(%arg5 : memref<32768xf32, #tpu.memory_space<vmem>>) target_semaphore(%run_scoped3A : memref<!tpu.dma_semaphore, #tpu.memory_space<semaphore_mem>>)
      %dma_wait3A = tpu.memref_slice %arg2[%mul3A_26] : memref<2097152xf32, #tpu.memory_space<hbm>> -> memref<32768xf32, #tpu.memory_space<hbm>>
      %dma_wait3A_38 = tpu.memref_slice %arg2[%mul3A_26] : memref<2097152xf32, #tpu.memory_space<hbm>> -> memref<32768xf32, #tpu.memory_space<hbm>>
      tpu.wait_dma2 semaphore(%run_scoped3A : memref<!tpu.dma_semaphore, #tpu.memory_space<semaphore_mem>>) src(%dma_wait3A_38 : memref<32768xf32, #tpu.memory_space<hbm>>) dst(%arg5 : memref<32768xf32, #tpu.memory_space<vmem>>)
      tpu.yield
    }) : () -> ()
    %scan3A_27 = arith.constant 0 : i32
    %scan3A_28 = arith.constant 0 : i32
    %scan3A_29 = arith.constant 32 : i32
    %scan3A_30 = arith.addi %scan3A_28, %scan3A_29 : i32
    %scan3A_31 = arith.constant 1 : i32
    scf.for %scan3A_37 = %scan3A_28 to %scan3A_30 step %scan3A_31  : i32 {
      %mul3A_38 = arith.constant 16 : i32
      %mul3A_39 = arith.muli %scan3A_37, %mul3A_38 : i32
      %add3A_40 = vector.broadcast %mul3A_39 : i32 to vector<16xi32>
      %add3A_41 = arith.addi %add3A_40, %iota3A : vector<16xi32>
      %mul3A_42 = arith.constant 64 : i32
      %mul3A_43 = vector.broadcast %mul3A_42 : i32 to vector<16xi32>
      %mul3A_44 = arith.muli %add3A_41, %mul3A_43 : vector<16xi32>
      %mul3A_45 = arith.constant 1024 : i32
      %mul3A_46 = arith.muli %scan3A_37, %mul3A_45 : i32
      %add3A_47 = arith.constant 0 : i32
      %add3A_48 = arith.addi %mul3A_46, %add3A_47 : i32
      %swap3A = arith.index_cast %add3A_48 : i32 to index
      %swap3A_49 = tpu.vector_load %arg6[%swap3A] {strides = array<i32>} : memref<32768xf32, #tpu.memory_space<vmem>>, vector<16xf32>,
      tpu.vector_store %arg6[%swap3A], %broadcast_in_dim3A_1 {strides = array<i32>} : memref<32768xf32, #tpu.memory_space<vmem>>, vector<16xf32>,
      %mul3A_50 = arith.constant 1024 : i32
      %mul3A_51 = arith.muli %scan3A_37, %mul3A_50 : i32
      %add3A_52 = arith.constant 16 : i32
      %add3A_53 = arith.addi %mul3A_51, %add3A_52 : i32
      %swap3A_54 = arith.index_cast %add3A_53 : i32 to index
      %swap3A_55 = tpu.vector_load %arg6[%swap3A_54] {strides = array<i32>} : memref<32768xf32, #tpu.memory_space<vmem>>, vector<16xf32>,
      tpu.vector_store %arg6[%swap3A_54], %broadcast_in_dim3A_1 {strides = array<i32>} : memref<32768xf32, #tpu.memory_space<vmem>>, vector<16xf32>,
      %mul3A_56 = arith.constant 1024 : i32
      %mul3A_57 = arith.muli %scan3A_37, %mul3A_56 : i32
      %add3A_58 = arith.constant 32 : i32
      %add3A_59 = arith.addi %mul3A_57, %add3A_58 : i32
      %swap3A_60 = arith.index_cast %add3A_59 : i32 to index
      %swap3A_61 = tpu.vector_load %arg6[%swap3A_60] {strides = array<i32>} : memref<32768xf32, #tpu.memory_space<vmem>>, vector<16xf32>,
      tpu.vector_store %arg6[%swap3A_60], %broadcast_in_dim3A_1 {strides = array<i32>} : memref<32768xf32, #tpu.memory_space<vmem>>, vector<16xf32>,
      %mul3A_62 = arith.constant 1024 : i32
      %mul3A_63 = arith.muli %scan3A_37, %mul3A_62 : i32
      %add3A_64 = arith.constant 48 : i32
      %add3A_65 = arith.addi %mul3A_63, %add3A_64 : i32
      %swap3A_66 = arith.index_cast %add3A_65 : i32 to index
      %swap3A_67 = tpu.vector_load %arg6[%swap3A_66] {strides = array<i32>} : memref<32768xf32, #tpu.memory_space<vmem>>, vector<16xf32>,
      tpu.vector_store %arg6[%swap3A_66], %broadcast_in_dim3A_1 {strides = array<i32>} : memref<32768xf32, #tpu.memory_space<vmem>>, vector<16xf32>,
      %mul3A_68 = arith.constant 1024 : i32
      %mul3A_69 = arith.muli %scan3A_37, %mul3A_68 : i32
      %add3A_70 = arith.constant 64 : i32
      %add3A_71 = arith.addi %mul3A_69, %add3A_70 : i32
      %swap3A_72 = arith.index_cast %add3A_71 : i32 to index
      %swap3A_73 = tpu.vector_load %arg6[%swap3A_72] {strides = array<i32>} : memref<32768xf32, #tpu.memory_space<vmem>>, vector<16xf32>,
      tpu.vector_store %arg6[%swap3A_72], %broadcast_in_dim3A_1 {strides = array<i32>} : memref<32768xf32, #tpu.memory_space<vmem>>, vector<16xf32>,
      %mul3A_74 = arith.constant 1024 : i32
      %mul3A_75 = arith.muli %scan3A_37, %mul3A_74 : i32
      %add3A_76 = arith.constant 80 : i32
      %add3A_77 = arith.addi %mul3A_75, %add3A_76 : i32
      %swap3A_78 = arith.index_cast %add3A_77 : i32 to index
      %swap3A_79 = tpu.vector_load %arg6[%swap3A_78] {strides = array<i32>} : memref<32768xf32, #tpu.memory_space<vmem>>, vector<16xf32>,
      tpu.vector_store %arg6[%swap3A_78], %broadcast_in_dim3A_1 {strides = array<i32>} : memref<32768xf32, #tpu.memory_space<vmem>>, vector<16xf32>,
      %mul3A_80 = arith.constant 1024 : i32
      %mul3A_81 = arith.muli %scan3A_37, %mul3A_80 : i32
      %add3A_82 = arith.constant 96 : i32
      %add3A_83 = arith.addi %mul3A_81, %add3A_82 : i32
      %swap3A_84 = arith.index_cast %add3A_83 : i32 to index
      %swap3A_85 = tpu.vector_load %arg6[%swap3A_84] {strides = array<i32>} : memref<32768xf32, #tpu.memory_space<vmem>>, vector<16xf32>,
      tpu.vector_store %arg6[%swap3A_84], %broadcast_in_dim3A_1 {strides = array<i32>} : memref<32768xf32, #tpu.memory_space<vmem>>, vector<16xf32>,
      %mul3A_86 = arith.constant 1024 : i32
      %mul3A_87 = arith.muli %scan3A_37, %mul3A_86 : i32
      %add3A_88 = arith.constant 112 : i32
      %add3A_89 = arith.addi %mul3A_87, %add3A_88 : i32
      %swap3A_90 = arith.index_cast %add3A_89 : i32 to index
      %swap3A_91 = tpu.vector_load %arg6[%swap3A_90] {strides = array<i32>} : memref<32768xf32, #tpu.memory_space<vmem>>, vector<16xf32>,
      tpu.vector_store %arg6[%swap3A_90], %broadcast_in_dim3A_1 {strides = array<i32>} : memref<32768xf32, #tpu.memory_space<vmem>>, vector<16xf32>,
      %mul3A_92 = arith.constant 1024 : i32
      %mul3A_93 = arith.muli %scan3A_37, %mul3A_92 : i32
      %add3A_94 = arith.constant 128 : i32
      %add3A_95 = arith.addi %mul3A_93, %add3A_94 : i32
      %swap3A_96 = arith.index_cast %add3A_95 : i32 to index
      %swap3A_97 = tpu.vector_load %arg6[%swap3A_96] {strides = array<i32>} : memref<32768xf32, #tpu.memory_space<vmem>>, vector<16xf32>,
      tpu.vector_store %arg6[%swap3A_96], %broadcast_in_dim3A_1 {strides = array<i32>} : memref<32768xf32, #tpu.memory_space<vmem>>, vector<16xf32>,
      %mul3A_98 = arith.constant 1024 : i32
      %mul3A_99 = arith.muli %scan3A_37, %mul3A_98 : i32
      %add3A_100 = arith.constant 144 : i32
      %add3A_101 = arith.addi %mul3A_99, %add3A_100 : i32
      %swap3A_102 = arith.index_cast %add3A_101 : i32 to index
      %swap3A_103 = tpu.vector_load %arg6[%swap3A_102] {strides = array<i32>} : memref<32768xf32, #tpu.memory_space<vmem>>, vector<16xf32>,
      tpu.vector_store %arg6[%swap3A_102], %broadcast_in_dim3A_1 {strides = array<i32>} : memref<32768xf32, #tpu.memory_space<vmem>>, vector<16xf32>,
      %mul3A_104 = arith.constant 1024 : i32
      %mul3A_105 = arith.muli %scan3A_37, %mul3A_104 : i32
      %add3A_106 = arith.constant 160 : i32
      %add3A_107 = arith.addi %mul3A_105, %add3A_106 : i32
      %swap3A_108 = arith.index_cast %add3A_107 : i32 to index
      %swap3A_109 = tpu.vector_load %arg6[%swap3A_108] {strides = array<i32>} : memref<32768xf32, #tpu.memory_space<vmem>>, vector<16xf32>,
      tpu.vector_store %arg6[%swap3A_108], %broadcast_in_dim3A_1 {strides = array<i32>} : memref<32768xf32, #tpu.memory_space<vmem>>, vector<16xf32>,
      %mul3A_110 = arith.constant 1024 : i32
      %mul3A_111 = arith.muli %scan3A_37, %mul3A_110 : i32
      %add3A_112 = arith.constant 176 : i32
      %add3A_113 = arith.addi %mul3A_111, %add3A_112 : i32
      %swap3A_114 = arith.index_cast %add3A_113 : i32 to index
      %swap3A_115 = tpu.vector_load %arg6[%swap3A_114] {strides = array<i32>} : memref<32768xf32, #tpu.memory_space<vmem>>, vector<16xf32>,
      tpu.vector_store %arg6[%swap3A_114], %broadcast_in_dim3A_1 {strides = array<i32>} : memref<32768xf32, #tpu.memory_space<vmem>>, vector<16xf32>,
      %mul3A_116 = arith.constant 1024 : i32
      %mul3A_117 = arith.muli %scan3A_37, %mul3A_116 : i32
      %add3A_118 = arith.constant 192 : i32
      %add3A_119 = arith.addi %mul3A_117, %add3A_118 : i32
      %swap3A_120 = arith.index_cast %add3A_119 : i32 to index
      %swap3A_121 = tpu.vector_load %arg6[%swap3A_120] {strides = array<i32>} : memref<32768xf32, #tpu.memory_space<vmem>>, vector<16xf32>,
      tpu.vector_store %arg6[%swap3A_120], %broadcast_in_dim3A_1 {strides = array<i32>} : memref<32768xf32, #tpu.memory_space<vmem>>, vector<16xf32>,
      %mul3A_122 = arith.constant 1024 : i32
      %mul3A_123 = arith.muli %scan3A_37, %mul3A_122 : i32
      %add3A_124 = arith.constant 208 : i32
      %add3A_125 = arith.addi %mul3A_123, %add3A_124 : i32
      %swap3A_126 = arith.index_cast %add3A_125 : i32 to index
      %swap3A_127 = tpu.vector_load %arg6[%swap3A_126] {strides = array<i32>} : memref<32768xf32, #tpu.memory_space<vmem>>, vector<16xf32>,
      tpu.vector_store %arg6[%swap3A_126], %broadcast_in_dim3A_1 {strides = array<i32>} : memref<32768xf32, #tpu.memory_space<vmem>>, vector<16xf32>,
      %mul3A_128 = arith.constant 1024 : i32
      %mul3A_129 = arith.muli %scan3A_37, %mul3A_128 : i32
      %add3A_130 = arith.constant 224 : i32
      %add3A_131 = arith.addi %mul3A_129, %add3A_130 : i32
      %swap3A_132 = arith.index_cast %add3A_131 : i32 to index
      %swap3A_133 = tpu.vector_load %arg6[%swap3A_132] {strides = array<i32>} : memref<32768xf32, #tpu.memory_space<vmem>>, vector<16xf32>,
      tpu.vector_store %arg6[%swap3A_132], %broadcast_in_dim3A_1 {strides = array<i32>} : memref<32768xf32, #tpu.memory_space<vmem>>, vector<16xf32>,
      %mul3A_134 = arith.constant 1024 : i32
      %mul3A_135 = arith.muli %scan3A_37, %mul3A_134 : i32
      %add3A_136 = arith.constant 240 : i32
      %add3A_137 = arith.addi %mul3A_135, %add3A_136 : i32
      %swap3A_138 = arith.index_cast %add3A_137 : i32 to index
      %swap3A_139 = tpu.vector_load %arg6[%swap3A_138] {strides = array<i32>} : memref<32768xf32, #tpu.memory_space<vmem>>, vector<16xf32>,
      tpu.vector_store %arg6[%swap3A_138], %broadcast_in_dim3A_1 {strides = array<i32>} : memref<32768xf32, #tpu.memory_space<vmem>>, vector<16xf32>,
      %mul3A_140 = arith.constant 1024 : i32
      %mul3A_141 = arith.muli %scan3A_37, %mul3A_140 : i32
      %add3A_142 = arith.constant 256 : i32
      %add3A_143 = arith.addi %mul3A_141, %add3A_142 : i32
      %swap3A_144 = arith.index_cast %add3A_143 : i32 to index
      %swap3A_145 = tpu.vector_load %arg6[%swap3A_144] {strides = array<i32>} : memref<32768xf32, #tpu.memory_space<vmem>>, vector<16xf32>,
      tpu.vector_store %arg6[%swap3A_144], %broadcast_in_dim3A_1 {strides = array<i32>} : memref<32768xf32, #tpu.memory_space<vmem>>, vector<16xf32>,
      %mul3A_146 = arith.constant 1024 : i32
      %mul3A_147 = arith.muli %scan3A_37, %mul3A_146 : i32
      %add3A_148 = arith.constant 272 : i32
      %add3A_149 = arith.addi %mul3A_147, %add3A_148 : i32
      %swap3A_150 = arith.index_cast %add3A_149 : i32 to index
      %swap3A_151 = tpu.vector_load %arg6[%swap3A_150] {strides = array<i32>} : memref<32768xf32, #tpu.memory_space<vmem>>, vector<16xf32>,
      tpu.vector_store %arg6[%swap3A_150], %broadcast_in_dim3A_1 {strides = array<i32>} : memref<32768xf32, #tpu.memory_space<vmem>>, vector<16xf32>,
      %mul3A_152 = arith.constant 1024 : i32
      %mul3A_153 = arith.muli %scan3A_37, %mul3A_152 : i32
      %add3A_154 = arith.constant 288 : i32
      %add3A_155 = arith.addi %mul3A_153, %add3A_154 : i32
      %swap3A_156 = arith.index_cast %add3A_155 : i32 to index
      %swap3A_157 = tpu.vector_load %arg6[%swap3A_156] {strides = array<i32>} : memref<32768xf32, #tpu.memory_space<vmem>>, vector<16xf32>,
      tpu.vector_store %arg6[%swap3A_156], %broadcast_in_dim3A_1 {strides = array<i32>} : memref<32768xf32, #tpu.memory_space<vmem>>, vector<16xf32>,
      %mul3A_158 = arith.constant 1024 : i32
      %mul3A_159 = arith.muli %scan3A_37, %mul3A_158 : i32
      %add3A_160 = arith.constant 304 : i32
      %add3A_161 = arith.addi %mul3A_159, %add3A_160 : i32
      %swap3A_162 = arith.index_cast %add3A_161 : i32 to index
      %swap3A_163 = tpu.vector_load %arg6[%swap3A_162] {strides = array<i32>} : memref<32768xf32, #tpu.memory_space<vmem>>, vector<16xf32>,
      tpu.vector_store %arg6[%swap3A_162], %broadcast_in_dim3A_1 {strides = array<i32>} : memref<32768xf32, #tpu.memory_space<vmem>>, vector<16xf32>,
      %mul3A_164 = arith.constant 1024 : i32
      %mul3A_165 = arith.muli %scan3A_37, %mul3A_164 : i32
      %add3A_166 = arith.constant 320 : i32
      %add3A_167 = arith.addi %mul3A_165, %add3A_166 : i32
      %swap3A_168 = arith.index_cast %add3A_167 : i32 to index
      %swap3A_169 = tpu.vector_load %arg6[%swap3A_168] {strides = array<i32>} : memref<32768xf32, #tpu.memory_space<vmem>>, vector<16xf32>,
      tpu.vector_store %arg6[%swap3A_168], %broadcast_in_dim3A_1 {strides = array<i32>} : memref<32768xf32, #tpu.memory_space<vmem>>, vector<16xf32>,
      %mul3A_170 = arith.constant 1024 : i32
      %mul3A_171 = arith.muli %scan3A_37, %mul3A_170 : i32
      %add3A_172 = arith.constant 336 : i32
      %add3A_173 = arith.addi %mul3A_171, %add3A_172 : i32
      %swap3A_174 = arith.index_cast %add3A_173 : i32 to index
      %swap3A_175 = tpu.vector_load %arg6[%swap3A_174] {strides = array<i32>} : memref<32768xf32, #tpu.memory_space<vmem>>, vector<16xf32>,
      tpu.vector_store %arg6[%swap3A_174], %broadcast_in_dim3A_1 {strides = array<i32>} : memref<32768xf32, #tpu.memory_space<vmem>>, vector<16xf32>,
      %mul3A_176 = arith.constant 1024 : i32
      %mul3A_177 = arith.muli %scan3A_37, %mul3A_176 : i32
      %add3A_178 = arith.constant 352 : i32
      %add3A_179 = arith.addi %mul3A_177, %add3A_178 : i32
      %swap3A_180 = arith.index_cast %add3A_179 : i32 to index
      %swap3A_181 = tpu.vector_load %arg6[%swap3A_180] {strides = array<i32>} : memref<32768xf32, #tpu.memory_space<vmem>>, vector<16xf32>,
      tpu.vector_store %arg6[%swap3A_180], %broadcast_in_dim3A_1 {strides = array<i32>} : memref<32768xf32, #tpu.memory_space<vmem>>, vector<16xf32>,
      %mul3A_182 = arith.constant 1024 : i32
      %mul3A_183 = arith.muli %scan3A_37, %mul3A_182 : i32
      %add3A_184 = arith.constant 368 : i32
      %add3A_185 = arith.addi %mul3A_183, %add3A_184 : i32
      %swap3A_186 = arith.index_cast %add3A_185 : i32 to index
      %swap3A_187 = tpu.vector_load %arg6[%swap3A_186] {strides = array<i32>} : memref<32768xf32, #tpu.memory_space<vmem>>, vector<16xf32>,
      tpu.vector_store %arg6[%swap3A_186], %broadcast_in_dim3A_1 {strides = array<i32>} : memref<32768xf32, #tpu.memory_space<vmem>>, vector<16xf32>,
      %mul3A_188 = arith.constant 1024 : i32
      %mul3A_189 = arith.muli %scan3A_37, %mul3A_188 : i32
      %add3A_190 = arith.constant 384 : i32
      %add3A_191 = arith.addi %mul3A_189, %add3A_190 : i32
      %swap3A_192 = arith.index_cast %add3A_191 : i32 to index
      %swap3A_193 = tpu.vector_load %arg6[%swap3A_192] {strides = array<i32>} : memref<32768xf32, #tpu.memory_space<vmem>>, vector<16xf32>,
      tpu.vector_store %arg6[%swap3A_192], %broadcast_in_dim3A_1 {strides = array<i32>} : memref<32768xf32, #tpu.memory_space<vmem>>, vector<16xf32>,
      %mul3A_194 = arith.constant 1024 : i32
      %mul3A_195 = arith.muli %scan3A_37, %mul3A_194 : i32
      %add3A_196 = arith.constant 400 : i32
      %add3A_197 = arith.addi %mul3A_195, %add3A_196 : i32
      %swap3A_198 = arith.index_cast %add3A_197 : i32 to index
      %swap3A_199 = tpu.vector_load %arg6[%swap3A_198] {strides = array<i32>} : memref<32768xf32, #tpu.memory_space<vmem>>, vector<16xf32>,
      tpu.vector_store %arg6[%swap3A_198], %broadcast_in_dim3A_1 {strides = array<i32>} : memref<32768xf32, #tpu.memory_space<vmem>>, vector<16xf32>,
      %mul3A_200 = arith.constant 1024 : i32
      %mul3A_201 = arith.muli %scan3A_37, %mul3A_200 : i32
      %add3A_202 = arith.constant 416 : i32
      %add3A_203 = arith.addi %mul3A_201, %add3A_202 : i32
      %swap3A_204 = arith.index_cast %add3A_203 : i32 to index
      %swap3A_205 = tpu.vector_load %arg6[%swap3A_204] {strides = array<i32>} : memref<32768xf32, #tpu.memory_space<vmem>>, vector<16xf32>,
      tpu.vector_store %arg6[%swap3A_204], %broadcast_in_dim3A_1 {strides = array<i32>} : memref<32768xf32, #tpu.memory_space<vmem>>, vector<16xf32>,
      %mul3A_206 = arith.constant 1024 : i32
      %mul3A_207 = arith.muli %scan3A_37, %mul3A_206 : i32
      %add3A_208 = arith.constant 432 : i32
      %add3A_209 = arith.addi %mul3A_207, %add3A_208 : i32
      %swap3A_210 = arith.index_cast %add3A_209 : i32 to index
      %swap3A_211 = tpu.vector_load %arg6[%swap3A_210] {strides = array<i32>} : memref<32768xf32, #tpu.memory_space<vmem>>, vector<16xf32>,
      tpu.vector_store %arg6[%swap3A_210], %broadcast_in_dim3A_1 {strides = array<i32>} : memref<32768xf32, #tpu.memory_space<vmem>>, vector<16xf32>,
      %mul3A_212 = arith.constant 1024 : i32
      %mul3A_213 = arith.muli %scan3A_37, %mul3A_212 : i32
      %add3A_214 = arith.constant 448 : i32
      %add3A_215 = arith.addi %mul3A_213, %add3A_214 : i32
      %swap3A_216 = arith.index_cast %add3A_215 : i32 to index
      %swap3A_217 = tpu.vector_load %arg6[%swap3A_216] {strides = array<i32>} : memref<32768xf32, #tpu.memory_space<vmem>>, vector<16xf32>,
      tpu.vector_store %arg6[%swap3A_216], %broadcast_in_dim3A_1 {strides = array<i32>} : memref<32768xf32, #tpu.memory_space<vmem>>, vector<16xf32>,
      %mul3A_218 = arith.constant 1024 : i32
      %mul3A_219 = arith.muli %scan3A_37, %mul3A_218 : i32
      %add3A_220 = arith.constant 464 : i32
      %add3A_221 = arith.addi %mul3A_219, %add3A_220 : i32
      %swap3A_222 = arith.index_cast %add3A_221 : i32 to index
      %swap3A_223 = tpu.vector_load %arg6[%swap3A_222] {strides = array<i32>} : memref<32768xf32, #tpu.memory_space<vmem>>, vector<16xf32>,
      tpu.vector_store %arg6[%swap3A_222], %broadcast_in_dim3A_1 {strides = array<i32>} : memref<32768xf32, #tpu.memory_space<vmem>>, vector<16xf32>,
      %mul3A_224 = arith.constant 1024 : i32
      %mul3A_225 = arith.muli %scan3A_37, %mul3A_224 : i32
      %add3A_226 = arith.constant 480 : i32
      %add3A_227 = arith.addi %mul3A_225, %add3A_226 : i32
      %swap3A_228 = arith.index_cast %add3A_227 : i32 to index
      %swap3A_229 = tpu.vector_load %arg6[%swap3A_228] {strides = array<i32>} : memref<32768xf32, #tpu.memory_space<vmem>>, vector<16xf32>,
      tpu.vector_store %arg6[%swap3A_228], %broadcast_in_dim3A_1 {strides = array<i32>} : memref<32768xf32, #tpu.memory_space<vmem>>, vector<16xf32>,
      %mul3A_230 = arith.constant 1024 : i32
      %mul3A_231 = arith.muli %scan3A_37, %mul3A_230 : i32
      %add3A_232 = arith.constant 496 : i32
      %add3A_233 = arith.addi %mul3A_231, %add3A_232 : i32
      %swap3A_234 = arith.index_cast %add3A_233 : i32 to index
      %swap3A_235 = tpu.vector_load %arg6[%swap3A_234] {strides = array<i32>} : memref<32768xf32, #tpu.memory_space<vmem>>, vector<16xf32>,
      tpu.vector_store %arg6[%swap3A_234], %broadcast_in_dim3A_1 {strides = array<i32>} : memref<32768xf32, #tpu.memory_space<vmem>>, vector<16xf32>,
      %mul3A_236 = arith.constant 1024 : i32
      %mul3A_237 = arith.muli %scan3A_37, %mul3A_236 : i32
      %add3A_238 = arith.constant 512 : i32
      %add3A_239 = arith.addi %mul3A_237, %add3A_238 : i32
      %swap3A_240 = arith.index_cast %add3A_239 : i32 to index
      %swap3A_241 = tpu.vector_load %arg6[%swap3A_240] {strides = array<i32>} : memref<32768xf32, #tpu.memory_space<vmem>>, vector<16xf32>,
      tpu.vector_store %arg6[%swap3A_240], %broadcast_in_dim3A_1 {strides = array<i32>} : memref<32768xf32, #tpu.memory_space<vmem>>, vector<16xf32>,
      %mul3A_242 = arith.constant 1024 : i32
      %mul3A_243 = arith.muli %scan3A_37, %mul3A_242 : i32
      %add3A_244 = arith.constant 528 : i32
      %add3A_245 = arith.addi %mul3A_243, %add3A_244 : i32
      %swap3A_246 = arith.index_cast %add3A_245 : i32 to index
      %swap3A_247 = tpu.vector_load %arg6[%swap3A_246] {strides = array<i32>} : memref<32768xf32, #tpu.memory_space<vmem>>, vector<16xf32>,
      tpu.vector_store %arg6[%swap3A_246], %broadcast_in_dim3A_1 {strides = array<i32>} : memref<32768xf32, #tpu.memory_space<vmem>>, vector<16xf32>,
      %mul3A_248 = arith.constant 1024 : i32
      %mul3A_249 = arith.muli %scan3A_37, %mul3A_248 : i32
      %add3A_250 = arith.constant 544 : i32
      %add3A_251 = arith.addi %mul3A_249, %add3A_250 : i32
      %swap3A_252 = arith.index_cast %add3A_251 : i32 to index
      %swap3A_253 = tpu.vector_load %arg6[%swap3A_252] {strides = array<i32>} : memref<32768xf32, #tpu.memory_space<vmem>>, vector<16xf32>,
      tpu.vector_store %arg6[%swap3A_252], %broadcast_in_dim3A_1 {strides = array<i32>} : memref<32768xf32, #tpu.memory_space<vmem>>, vector<16xf32>,
      %mul3A_254 = arith.constant 1024 : i32
      %mul3A_255 = arith.muli %scan3A_37, %mul3A_254 : i32
      %add3A_256 = arith.constant 560 : i32
      %add3A_257 = arith.addi %mul3A_255, %add3A_256 : i32
      %swap3A_258 = arith.index_cast %add3A_257 : i32 to index
      %swap3A_259 = tpu.vector_load %arg6[%swap3A_258] {strides = array<i32>} : memref<32768xf32, #tpu.memory_space<vmem>>, vector<16xf32>,
      tpu.vector_store %arg6[%swap3A_258], %broadcast_in_dim3A_1 {strides = array<i32>} : memref<32768xf32, #tpu.memory_space<vmem>>, vector<16xf32>,
      %mul3A_260 = arith.constant 1024 : i32
      %mul3A_261 = arith.muli %scan3A_37, %mul3A_260 : i32
      %add3A_262 = arith.constant 576 : i32
      %add3A_263 = arith.addi %mul3A_261, %add3A_262 : i32
      %swap3A_264 = arith.index_cast %add3A_263 : i32 to index
      %swap3A_265 = tpu.vector_load %arg6[%swap3A_264] {strides = array<i32>} : memref<32768xf32, #tpu.memory_space<vmem>>, vector<16xf32>,
      tpu.vector_store %arg6[%swap3A_264], %broadcast_in_dim3A_1 {strides = array<i32>} : memref<32768xf32, #tpu.memory_space<vmem>>, vector<16xf32>,
      %mul3A_266 = arith.constant 1024 : i32
      %mul3A_267 = arith.muli %scan3A_37, %mul3A_266 : i32
      %add3A_268 = arith.constant 592 : i32
      %add3A_269 = arith.addi %mul3A_267, %add3A_268 : i32
      %swap3A_270 = arith.index_cast %add3A_269 : i32 to index
      %swap3A_271 = tpu.vector_load %arg6[%swap3A_270] {strides = array<i32>} : memref<32768xf32, #tpu.memory_space<vmem>>, vector<16xf32>,
      tpu.vector_store %arg6[%swap3A_270], %broadcast_in_dim3A_1 {strides = array<i32>} : memref<32768xf32, #tpu.memory_space<vmem>>, vector<16xf32>,
      %mul3A_272 = arith.constant 1024 : i32
      %mul3A_273 = arith.muli %scan3A_37, %mul3A_272 : i32
      %add3A_274 = arith.constant 608 : i32
      %add3A_275 = arith.addi %mul3A_273, %add3A_274 : i32
      %swap3A_276 = arith.index_cast %add3A_275 : i32 to index
      %swap3A_277 = tpu.vector_load %arg6[%swap3A_276] {strides = array<i32>} : memref<32768xf32, #tpu.memory_space<vmem>>, vector<16xf32>,
      tpu.vector_store %arg6[%swap3A_276], %broadcast_in_dim3A_1 {strides = array<i32>} : memref<32768xf32, #tpu.memory_space<vmem>>, vector<16xf32>,
      %mul3A_278 = arith.constant 1024 : i32
      %mul3A_279 = arith.muli %scan3A_37, %mul3A_278 : i32
      %add3A_280 = arith.constant 624 : i32
      %add3A_281 = arith.addi %mul3A_279, %add3A_280 : i32
      %swap3A_282 = arith.index_cast %add3A_281 : i32 to index
      %swap3A_283 = tpu.vector_load %arg6[%swap3A_282] {strides = array<i32>} : memref<32768xf32, #tpu.memory_space<vmem>>, vector<16xf32>,
      tpu.vector_store %arg6[%swap3A_282], %broadcast_in_dim3A_1 {strides = array<i32>} : memref<32768xf32, #tpu.memory_space<vmem>>, vector<16xf32>,
      %mul3A_284 = arith.constant 1024 : i32
      %mul3A_285 = arith.muli %scan3A_37, %mul3A_284 : i32
      %add3A_286 = arith.constant 640 : i32
      %add3A_287 = arith.addi %mul3A_285, %add3A_286 : i32
      %swap3A_288 = arith.index_cast %add3A_287 : i32 to index
      %swap3A_289 = tpu.vector_load %arg6[%swap3A_288] {strides = array<i32>} : memref<32768xf32, #tpu.memory_space<vmem>>, vector<16xf32>,
      tpu.vector_store %arg6[%swap3A_288], %broadcast_in_dim3A_1 {strides = array<i32>} : memref<32768xf32, #tpu.memory_space<vmem>>, vector<16xf32>,
      %mul3A_290 = arith.constant 1024 : i32
      %mul3A_291 = arith.muli %scan3A_37, %mul3A_290 : i32
      %add3A_292 = arith.constant 656 : i32
      %add3A_293 = arith.addi %mul3A_291, %add3A_292 : i32
      %swap3A_294 = arith.index_cast %add3A_293 : i32 to index
      %swap3A_295 = tpu.vector_load %arg6[%swap3A_294] {strides = array<i32>} : memref<32768xf32, #tpu.memory_space<vmem>>, vector<16xf32>,
      tpu.vector_store %arg6[%swap3A_294], %broadcast_in_dim3A_1 {strides = array<i32>} : memref<32768xf32, #tpu.memory_space<vmem>>, vector<16xf32>,
      %mul3A_296 = arith.constant 1024 : i32
      %mul3A_297 = arith.muli %scan3A_37, %mul3A_296 : i32
      %add3A_298 = arith.constant 672 : i32
      %add3A_299 = arith.addi %mul3A_297, %add3A_298 : i32
      %swap3A_300 = arith.index_cast %add3A_299 : i32 to index
      %swap3A_301 = tpu.vector_load %arg6[%swap3A_300] {strides = array<i32>} : memref<32768xf32, #tpu.memory_space<vmem>>, vector<16xf32>,
      tpu.vector_store %arg6[%swap3A_300], %broadcast_in_dim3A_1 {strides = array<i32>} : memref<32768xf32, #tpu.memory_space<vmem>>, vector<16xf32>,
      %mul3A_302 = arith.constant 1024 : i32
      %mul3A_303 = arith.muli %scan3A_37, %mul3A_302 : i32
      %add3A_304 = arith.constant 688 : i32
      %add3A_305 = arith.addi %mul3A_303, %add3A_304 : i32
      %swap3A_306 = arith.index_cast %add3A_305 : i32 to index
      %swap3A_307 = tpu.vector_load %arg6[%swap3A_306] {strides = array<i32>} : memref<32768xf32, #tpu.memory_space<vmem>>, vector<16xf32>,
      tpu.vector_store %arg6[%swap3A_306], %broadcast_in_dim3A_1 {strides = array<i32>} : memref<32768xf32, #tpu.memory_space<vmem>>, vector<16xf32>,
      %mul3A_308 = arith.constant 1024 : i32
      %mul3A_309 = arith.muli %scan3A_37, %mul3A_308 : i32
      %add3A_310 = arith.constant 704 : i32
      %add3A_311 = arith.addi %mul3A_309, %add3A_310 : i32
      %swap3A_312 = arith.index_cast %add3A_311 : i32 to index
      %swap3A_313 = tpu.vector_load %arg6[%swap3A_312] {strides = array<i32>} : memref<32768xf32, #tpu.memory_space<vmem>>, vector<16xf32>,
      tpu.vector_store %arg6[%swap3A_312], %broadcast_in_dim3A_1 {strides = array<i32>} : memref<32768xf32, #tpu.memory_space<vmem>>, vector<16xf32>,
      %mul3A_314 = arith.constant 1024 : i32
      %mul3A_315 = arith.muli %scan3A_37, %mul3A_314 : i32
      %add3A_316 = arith.constant 720 : i32
      %add3A_317 = arith.addi %mul3A_315, %add3A_316 : i32
      %swap3A_318 = arith.index_cast %add3A_317 : i32 to index
      %swap3A_319 = tpu.vector_load %arg6[%swap3A_318] {strides = array<i32>} : memref<32768xf32, #tpu.memory_space<vmem>>, vector<16xf32>,
      tpu.vector_store %arg6[%swap3A_318], %broadcast_in_dim3A_1 {strides = array<i32>} : memref<32768xf32, #tpu.memory_space<vmem>>, vector<16xf32>,
      %mul3A_320 = arith.constant 1024 : i32
      %mul3A_321 = arith.muli %scan3A_37, %mul3A_320 : i32
      %add3A_322 = arith.constant 736 : i32
      %add3A_323 = arith.addi %mul3A_321, %add3A_322 : i32
      %swap3A_324 = arith.index_cast %add3A_323 : i32 to index
      %swap3A_325 = tpu.vector_load %arg6[%swap3A_324] {strides = array<i32>} : memref<32768xf32, #tpu.memory_space<vmem>>, vector<16xf32>,
      tpu.vector_store %arg6[%swap3A_324], %broadcast_in_dim3A_1 {strides = array<i32>} : memref<32768xf32, #tpu.memory_space<vmem>>, vector<16xf32>,
      %mul3A_326 = arith.constant 1024 : i32
      %mul3A_327 = arith.muli %scan3A_37, %mul3A_326 : i32
      %add3A_328 = arith.constant 752 : i32
      %add3A_329 = arith.addi %mul3A_327, %add3A_328 : i32
      %swap3A_330 = arith.index_cast %add3A_329 : i32 to index
      %swap3A_331 = tpu.vector_load %arg6[%swap3A_330] {strides = array<i32>} : memref<32768xf32, #tpu.memory_space<vmem>>, vector<16xf32>,
      tpu.vector_store %arg6[%swap3A_330], %broadcast_in_dim3A_1 {strides = array<i32>} : memref<32768xf32, #tpu.memory_space<vmem>>, vector<16xf32>,
      %mul3A_332 = arith.constant 1024 : i32
      %mul3A_333 = arith.muli %scan3A_37, %mul3A_332 : i32
      %add3A_334 = arith.constant 768 : i32
      %add3A_335 = arith.addi %mul3A_333, %add3A_334 : i32
      %swap3A_336 = arith.index_cast %add3A_335 : i32 to index
      %swap3A_337 = tpu.vector_load %arg6[%swap3A_336] {strides = array<i32>} : memref<32768xf32, #tpu.memory_space<vmem>>, vector<16xf32>,
      tpu.vector_store %arg6[%swap3A_336], %broadcast_in_dim3A_1 {strides = array<i32>} : memref<32768xf32, #tpu.memory_space<vmem>>, vector<16xf32>,
      %mul3A_338 = arith.constant 1024 : i32
      %mul3A_339 = arith.muli %scan3A_37, %mul3A_338 : i32
      %add3A_340 = arith.constant 784 : i32
      %add3A_341 = arith.addi %mul3A_339, %add3A_340 : i32
      %swap3A_342 = arith.index_cast %add3A_341 : i32 to index
      %swap3A_343 = tpu.vector_load %arg6[%swap3A_342] {strides = array<i32>} : memref<32768xf32, #tpu.memory_space<vmem>>, vector<16xf32>,
      tpu.vector_store %arg6[%swap3A_342], %broadcast_in_dim3A_1 {strides = array<i32>} : memref<32768xf32, #tpu.memory_space<vmem>>, vector<16xf32>,
      %mul3A_344 = arith.constant 1024 : i32
      %mul3A_345 = arith.muli %scan3A_37, %mul3A_344 : i32
      %add3A_346 = arith.constant 800 : i32
      %add3A_347 = arith.addi %mul3A_345, %add3A_346 : i32
      %swap3A_348 = arith.index_cast %add3A_347 : i32 to index
      %swap3A_349 = tpu.vector_load %arg6[%swap3A_348] {strides = array<i32>} : memref<32768xf32, #tpu.memory_space<vmem>>, vector<16xf32>,
      tpu.vector_store %arg6[%swap3A_348], %broadcast_in_dim3A_1 {strides = array<i32>} : memref<32768xf32, #tpu.memory_space<vmem>>, vector<16xf32>,
      %mul3A_350 = arith.constant 1024 : i32
      %mul3A_351 = arith.muli %scan3A_37, %mul3A_350 : i32
      %add3A_352 = arith.constant 816 : i32
      %add3A_353 = arith.addi %mul3A_351, %add3A_352 : i32
      %swap3A_354 = arith.index_cast %add3A_353 : i32 to index
      %swap3A_355 = tpu.vector_load %arg6[%swap3A_354] {strides = array<i32>} : memref<32768xf32, #tpu.memory_space<vmem>>, vector<16xf32>,
      tpu.vector_store %arg6[%swap3A_354], %broadcast_in_dim3A_1 {strides = array<i32>} : memref<32768xf32, #tpu.memory_space<vmem>>, vector<16xf32>,
      %mul3A_356 = arith.constant 1024 : i32
      %mul3A_357 = arith.muli %scan3A_37, %mul3A_356 : i32
      %add3A_358 = arith.constant 832 : i32
      %add3A_359 = arith.addi %mul3A_357, %add3A_358 : i32
      %swap3A_360 = arith.index_cast %add3A_359 : i32 to index
      %swap3A_361 = tpu.vector_load %arg6[%swap3A_360] {strides = array<i32>} : memref<32768xf32, #tpu.memory_space<vmem>>, vector<16xf32>,
      tpu.vector_store %arg6[%swap3A_360], %broadcast_in_dim3A_1 {strides = array<i32>} : memref<32768xf32, #tpu.memory_space<vmem>>, vector<16xf32>,
      %mul3A_362 = arith.constant 1024 : i32
      %mul3A_363 = arith.muli %scan3A_37, %mul3A_362 : i32
      %add3A_364 = arith.constant 848 : i32
      %add3A_365 = arith.addi %mul3A_363, %add3A_364 : i32
      %swap3A_366 = arith.index_cast %add3A_365 : i32 to index
      %swap3A_367 = tpu.vector_load %arg6[%swap3A_366] {strides = array<i32>} : memref<32768xf32, #tpu.memory_space<vmem>>, vector<16xf32>,
      tpu.vector_store %arg6[%swap3A_366], %broadcast_in_dim3A_1 {strides = array<i32>} : memref<32768xf32, #tpu.memory_space<vmem>>, vector<16xf32>,
      %mul3A_368 = arith.constant 1024 : i32
      %mul3A_369 = arith.muli %scan3A_37, %mul3A_368 : i32
      %add3A_370 = arith.constant 864 : i32
      %add3A_371 = arith.addi %mul3A_369, %add3A_370 : i32
      %swap3A_372 = arith.index_cast %add3A_371 : i32 to index
      %swap3A_373 = tpu.vector_load %arg6[%swap3A_372] {strides = array<i32>} : memref<32768xf32, #tpu.memory_space<vmem>>, vector<16xf32>,
      tpu.vector_store %arg6[%swap3A_372], %broadcast_in_dim3A_1 {strides = array<i32>} : memref<32768xf32, #tpu.memory_space<vmem>>, vector<16xf32>,
      %mul3A_374 = arith.constant 1024 : i32
      %mul3A_375 = arith.muli %scan3A_37, %mul3A_374 : i32
      %add3A_376 = arith.constant 880 : i32
      %add3A_377 = arith.addi %mul3A_375, %add3A_376 : i32
      %swap3A_378 = arith.index_cast %add3A_377 : i32 to index
      %swap3A_379 = tpu.vector_load %arg6[%swap3A_378] {strides = array<i32>} : memref<32768xf32, #tpu.memory_space<vmem>>, vector<16xf32>,
      tpu.vector_store %arg6[%swap3A_378], %broadcast_in_dim3A_1 {strides = array<i32>} : memref<32768xf32, #tpu.memory_space<vmem>>, vector<16xf32>,
      %mul3A_380 = arith.constant 1024 : i32
      %mul3A_381 = arith.muli %scan3A_37, %mul3A_380 : i32
      %add3A_382 = arith.constant 896 : i32
      %add3A_383 = arith.addi %mul3A_381, %add3A_382 : i32
      %swap3A_384 = arith.index_cast %add3A_383 : i32 to index
      %swap3A_385 = tpu.vector_load %arg6[%swap3A_384] {strides = array<i32>} : memref<32768xf32, #tpu.memory_space<vmem>>, vector<16xf32>,
      tpu.vector_store %arg6[%swap3A_384], %broadcast_in_dim3A_1 {strides = array<i32>} : memref<32768xf32, #tpu.memory_space<vmem>>, vector<16xf32>,
      %mul3A_386 = arith.constant 1024 : i32
      %mul3A_387 = arith.muli %scan3A_37, %mul3A_386 : i32
      %add3A_388 = arith.constant 912 : i32
      %add3A_389 = arith.addi %mul3A_387, %add3A_388 : i32
      %swap3A_390 = arith.index_cast %add3A_389 : i32 to index
      %swap3A_391 = tpu.vector_load %arg6[%swap3A_390] {strides = array<i32>} : memref<32768xf32, #tpu.memory_space<vmem>>, vector<16xf32>,
      tpu.vector_store %arg6[%swap3A_390], %broadcast_in_dim3A_1 {strides = array<i32>} : memref<32768xf32, #tpu.memory_space<vmem>>, vector<16xf32>,
      %mul3A_392 = arith.constant 1024 : i32
      %mul3A_393 = arith.muli %scan3A_37, %mul3A_392 : i32
      %add3A_394 = arith.constant 928 : i32
      %add3A_395 = arith.addi %mul3A_393, %add3A_394 : i32
      %swap3A_396 = arith.index_cast %add3A_395 : i32 to index
      %swap3A_397 = tpu.vector_load %arg6[%swap3A_396] {strides = array<i32>} : memref<32768xf32, #tpu.memory_space<vmem>>, vector<16xf32>,
      tpu.vector_store %arg6[%swap3A_396], %broadcast_in_dim3A_1 {strides = array<i32>} : memref<32768xf32, #tpu.memory_space<vmem>>, vector<16xf32>,
      %mul3A_398 = arith.constant 1024 : i32
      %mul3A_399 = arith.muli %scan3A_37, %mul3A_398 : i32
      %add3A_400 = arith.constant 944 : i32
      %add3A_401 = arith.addi %mul3A_399, %add3A_400 : i32
      %swap3A_402 = arith.index_cast %add3A_401 : i32 to index
      %swap3A_403 = tpu.vector_load %arg6[%swap3A_402] {strides = array<i32>} : memref<32768xf32, #tpu.memory_space<vmem>>, vector<16xf32>,
      tpu.vector_store %arg6[%swap3A_402], %broadcast_in_dim3A_1 {strides = array<i32>} : memref<32768xf32, #tpu.memory_space<vmem>>, vector<16xf32>,
      %mul3A_404 = arith.constant 1024 : i32
      %mul3A_405 = arith.muli %scan3A_37, %mul3A_404 : i32
      %add3A_406 = arith.constant 960 : i32
      %add3A_407 = arith.addi %mul3A_405, %add3A_406 : i32
      %swap3A_408 = arith.index_cast %add3A_407 : i32 to index
      %swap3A_409 = tpu.vector_load %arg6[%swap3A_408] {strides = array<i32>} : memref<32768xf32, #tpu.memory_space<vmem>>, vector<16xf32>,
      tpu.vector_store %arg6[%swap3A_408], %broadcast_in_dim3A_1 {strides = array<i32>} : memref<32768xf32, #tpu.memory_space<vmem>>, vector<16xf32>,
      %mul3A_410 = arith.constant 1024 : i32
      %mul3A_411 = arith.muli %scan3A_37, %mul3A_410 : i32
      %add3A_412 = arith.constant 976 : i32
      %add3A_413 = arith.addi %mul3A_411, %add3A_412 : i32
      %swap3A_414 = arith.index_cast %add3A_413 : i32 to index
      %swap3A_415 = tpu.vector_load %arg6[%swap3A_414] {strides = array<i32>} : memref<32768xf32, #tpu.memory_space<vmem>>, vector<16xf32>,
      tpu.vector_store %arg6[%swap3A_414], %broadcast_in_dim3A_1 {strides = array<i32>} : memref<32768xf32, #tpu.memory_space<vmem>>, vector<16xf32>,
      %mul3A_416 = arith.constant 1024 : i32
      %mul3A_417 = arith.muli %scan3A_37, %mul3A_416 : i32
      %add3A_418 = arith.constant 992 : i32
      %add3A_419 = arith.addi %mul3A_417, %add3A_418 : i32
      %swap3A_420 = arith.index_cast %add3A_419 : i32 to index
      %swap3A_421 = tpu.vector_load %arg6[%swap3A_420] {strides = array<i32>} : memref<32768xf32, #tpu.memory_space<vmem>>, vector<16xf32>,
      tpu.vector_store %arg6[%swap3A_420], %broadcast_in_dim3A_1 {strides = array<i32>} : memref<32768xf32, #tpu.memory_space<vmem>>, vector<16xf32>,
      %mul3A_422 = arith.constant 1024 : i32
      %mul3A_423 = arith.muli %scan3A_37, %mul3A_422 : i32
      %add3A_424 = arith.constant 1008 : i32
      %add3A_425 = arith.addi %mul3A_423, %add3A_424 : i32
      %swap3A_426 = arith.index_cast %add3A_425 : i32 to index
      %swap3A_427 = tpu.vector_load %arg6[%swap3A_426] {strides = array<i32>} : memref<32768xf32, #tpu.memory_space<vmem>>, vector<16xf32>,
      tpu.vector_store %arg6[%swap3A_426], %broadcast_in_dim3A_1 {strides = array<i32>} : memref<32768xf32, #tpu.memory_space<vmem>>, vector<16xf32>,
      %add3A_428 = arith.constant 0 : i32
      %add3A_429 = vector.broadcast %add3A_428 : i32 to vector<16xi32>
      %add3A_430 = arith.addi %mul3A_44, %add3A_429 : vector<16xi32>
      %gather3A = tpu.vector_load_idx %arg5[%add3A_430] : memref<32768xf32, #tpu.memory_space<vmem>>[vector<16xi32>], vector<16xf32>,
      %broadcast_in_dim3A_431 = arith.constant 0 : i32
      %broadcast_in_dim3A_432 = vector.broadcast %broadcast_in_dim3A_431 : i32 to vector<16xi32>
      %gt3A = arith.cmpf ogt, %gather3A, %broadcast_in_dim3A_3 : vector<16xf32>
      %gt3A_433 = arith.cmpf ogt, %gather3A, %broadcast_in_dim3A_3 : vector<16xf32>
      %select_n3A = arith.select %gt3A_433, %gather3A, %broadcast_in_dim3A_3 : vector<16xi1>, vector<16xf32>
      %select_n3A_434 = arith.select %gt3A, %broadcast_in_dim3A_3, %select_n3A : vector<16xi1>, vector<16xf32>
      %select_n3A_435 = arith.select %gt3A_433, %broadcast_in_dim3A_432, %broadcast_in_dim3A_5 : vector<16xi1>, vector<16xi32>
      %select_n3A_436 = arith.select %gt3A, %broadcast_in_dim3A_5, %select_n3A_435 : vector<16xi1>, vector<16xi32>
      %select_n3A_437 = arith.select %gt3A, %gather3A, %broadcast_in_dim3A_3 : vector<16xi1>, vector<16xf32>
      %select_n3A_438 = arith.select %gt3A, %broadcast_in_dim3A_432, %broadcast_in_dim3A_5 : vector<16xi1>, vector<16xi32>
      %add3A_439 = arith.constant 1 : i32
      %add3A_440 = vector.broadcast %add3A_439 : i32 to vector<16xi32>
      %add3A_441 = arith.addi %mul3A_44, %add3A_440 : vector<16xi32>
      %gather3A_442 = tpu.vector_load_idx %arg5[%add3A_441] : memref<32768xf32, #tpu.memory_space<vmem>>[vector<16xi32>], vector<16xf32>,
      %broadcast_in_dim3A_443 = arith.constant 1 : i32
      %broadcast_in_dim3A_444 = vector.broadcast %broadcast_in_dim3A_443 : i32 to vector<16xi32>
      %gt3A_445 = arith.cmpf ogt, %gather3A_442, %select_n3A_437 : vector<16xf32>
      %gt3A_446 = arith.cmpf ogt, %gather3A_442, %select_n3A_434 : vector<16xf32>
      %select_n3A_447 = arith.select %gt3A_446, %gather3A_442, %select_n3A_434 : vector<16xi1>, vector<16xf32>
      %select_n3A_448 = arith.select %gt3A_445, %select_n3A_437, %select_n3A_447 : vector<16xi1>, vector<16xf32>
      %select_n3A_449 = arith.select %gt3A_446, %broadcast_in_dim3A_444, %select_n3A_436 : vector<16xi1>, vector<16xi32>
      %select_n3A_450 = arith.select %gt3A_445, %select_n3A_438, %select_n3A_449 : vector<16xi1>, vector<16xi32>
      %select_n3A_451 = arith.select %gt3A_445, %gather3A_442, %select_n3A_437 : vector<16xi1>, vector<16xf32>
      %select_n3A_452 = arith.select %gt3A_445, %broadcast_in_dim3A_444, %select_n3A_438 : vector<16xi1>, vector<16xi32>
      %add3A_453 = arith.constant 2 : i32
      %add3A_454 = vector.broadcast %add3A_453 : i32 to vector<16xi32>
      %add3A_455 = arith.addi %mul3A_44, %add3A_454 : vector<16xi32>
      %gather3A_456 = tpu.vector_load_idx %arg5[%add3A_455] : memref<32768xf32, #tpu.memory_space<vmem>>[vector<16xi32>], vector<16xf32>,
      %broadcast_in_dim3A_457 = arith.constant 2 : i32
      %broadcast_in_dim3A_458 = vector.broadcast %broadcast_in_dim3A_457 : i32 to vector<16xi32>
      %gt3A_459 = arith.cmpf ogt, %gather3A_456, %select_n3A_451 : vector<16xf32>
      %gt3A_460 = arith.cmpf ogt, %gather3A_456, %select_n3A_448 : vector<16xf32>
      %select_n3A_461 = arith.select %gt3A_460, %gather3A_456, %select_n3A_448 : vector<16xi1>, vector<16xf32>
      %select_n3A_462 = arith.select %gt3A_459, %select_n3A_451, %select_n3A_461 : vector<16xi1>, vector<16xf32>
      %select_n3A_463 = arith.select %gt3A_460, %broadcast_in_dim3A_458, %select_n3A_450 : vector<16xi1>, vector<16xi32>
      %select_n3A_464 = arith.select %gt3A_459, %select_n3A_452, %select_n3A_463 : vector<16xi1>, vector<16xi32>
      %select_n3A_465 = arith.select %gt3A_459, %gather3A_456, %select_n3A_451 : vector<16xi1>, vector<16xf32>
      %select_n3A_466 = arith.select %gt3A_459, %broadcast_in_dim3A_458, %select_n3A_452 : vector<16xi1>, vector<16xi32>
      %add3A_467 = arith.constant 3 : i32
      %add3A_468 = vector.broadcast %add3A_467 : i32 to vector<16xi32>
      %add3A_469 = arith.addi %mul3A_44, %add3A_468 : vector<16xi32>
      %gather3A_470 = tpu.vector_load_idx %arg5[%add3A_469] : memref<32768xf32, #tpu.memory_space<vmem>>[vector<16xi32>], vector<16xf32>,
      %broadcast_in_dim3A_471 = arith.constant 3 : i32
      %broadcast_in_dim3A_472 = vector.broadcast %broadcast_in_dim3A_471 : i32 to vector<16xi32>
      %gt3A_473 = arith.cmpf ogt, %gather3A_470, %select_n3A_465 : vector<16xf32>
      %gt3A_474 = arith.cmpf ogt, %gather3A_470, %select_n3A_462 : vector<16xf32>
      %select_n3A_475 = arith.select %gt3A_474, %gather3A_470, %select_n3A_462 : vector<16xi1>, vector<16xf32>
      %select_n3A_476 = arith.select %gt3A_473, %select_n3A_465, %select_n3A_475 : vector<16xi1>, vector<16xf32>
      %select_n3A_477 = arith.select %gt3A_474, %broadcast_in_dim3A_472, %select_n3A_464 : vector<16xi1>, vector<16xi32>
      %select_n3A_478 = arith.select %gt3A_473, %select_n3A_466, %select_n3A_477 : vector<16xi1>, vector<16xi32>
      %select_n3A_479 = arith.select %gt3A_473, %gather3A_470, %select_n3A_465 : vector<16xi1>, vector<16xf32>
      %select_n3A_480 = arith.select %gt3A_473, %broadcast_in_dim3A_472, %select_n3A_466 : vector<16xi1>, vector<16xi32>
      %add3A_481 = arith.constant 4 : i32
      %add3A_482 = vector.broadcast %add3A_481 : i32 to vector<16xi32>
      %add3A_483 = arith.addi %mul3A_44, %add3A_482 : vector<16xi32>
      %gather3A_484 = tpu.vector_load_idx %arg5[%add3A_483] : memref<32768xf32, #tpu.memory_space<vmem>>[vector<16xi32>], vector<16xf32>,
      %broadcast_in_dim3A_485 = arith.constant 4 : i32
      %broadcast_in_dim3A_486 = vector.broadcast %broadcast_in_dim3A_485 : i32 to vector<16xi32>
      %gt3A_487 = arith.cmpf ogt, %gather3A_484, %select_n3A_479 : vector<16xf32>
      %gt3A_488 = arith.cmpf ogt, %gather3A_484, %select_n3A_476 : vector<16xf32>
      %select_n3A_489 = arith.select %gt3A_488, %gather3A_484, %select_n3A_476 : vector<16xi1>, vector<16xf32>
      %select_n3A_490 = arith.select %gt3A_487, %select_n3A_479, %select_n3A_489 : vector<16xi1>, vector<16xf32>
      %select_n3A_491 = arith.select %gt3A_488, %broadcast_in_dim3A_486, %select_n3A_478 : vector<16xi1>, vector<16xi32>
      %select_n3A_492 = arith.select %gt3A_487, %select_n3A_480, %select_n3A_491 : vector<16xi1>, vector<16xi32>
      %select_n3A_493 = arith.select %gt3A_487, %gather3A_484, %select_n3A_479 : vector<16xi1>, vector<16xf32>
      %select_n3A_494 = arith.select %gt3A_487, %broadcast_in_dim3A_486, %select_n3A_480 : vector<16xi1>, vector<16xi32>
      %add3A_495 = arith.constant 5 : i32
      %add3A_496 = vector.broadcast %add3A_495 : i32 to vector<16xi32>
      %add3A_497 = arith.addi %mul3A_44, %add3A_496 : vector<16xi32>
      %gather3A_498 = tpu.vector_load_idx %arg5[%add3A_497] : memref<32768xf32, #tpu.memory_space<vmem>>[vector<16xi32>], vector<16xf32>,
      %broadcast_in_dim3A_499 = arith.constant 5 : i32
      %broadcast_in_dim3A_500 = vector.broadcast %broadcast_in_dim3A_499 : i32 to vector<16xi32>
      %gt3A_501 = arith.cmpf ogt, %gather3A_498, %select_n3A_493 : vector<16xf32>
      %gt3A_502 = arith.cmpf ogt, %gather3A_498, %select_n3A_490 : vector<16xf32>
      %select_n3A_503 = arith.select %gt3A_502, %gather3A_498, %select_n3A_490 : vector<16xi1>, vector<16xf32>
      %select_n3A_504 = arith.select %gt3A_501, %select_n3A_493, %select_n3A_503 : vector<16xi1>, vector<16xf32>
      %select_n3A_505 = arith.select %gt3A_502, %broadcast_in_dim3A_500, %select_n3A_492 : vector<16xi1>, vector<16xi32>
      %select_n3A_506 = arith.select %gt3A_501, %select_n3A_494, %select_n3A_505 : vector<16xi1>, vector<16xi32>
      %select_n3A_507 = arith.select %gt3A_501, %gather3A_498, %select_n3A_493 : vector<16xi1>, vector<16xf32>
      %select_n3A_508 = arith.select %gt3A_501, %broadcast_in_dim3A_500, %select_n3A_494 : vector<16xi1>, vector<16xi32>
      %add3A_509 = arith.constant 6 : i32
      %add3A_510 = vector.broadcast %add3A_509 : i32 to vector<16xi32>
      %add3A_511 = arith.addi %mul3A_44, %add3A_510 : vector<16xi32>
      %gather3A_512 = tpu.vector_load_idx %arg5[%add3A_511] : memref<32768xf32, #tpu.memory_space<vmem>>[vector<16xi32>], vector<16xf32>,
      %broadcast_in_dim3A_513 = arith.constant 6 : i32
      %broadcast_in_dim3A_514 = vector.broadcast %broadcast_in_dim3A_513 : i32 to vector<16xi32>
      %gt3A_515 = arith.cmpf ogt, %gather3A_512, %select_n3A_507 : vector<16xf32>
      %gt3A_516 = arith.cmpf ogt, %gather3A_512, %select_n3A_504 : vector<16xf32>
      %select_n3A_517 = arith.select %gt3A_516, %gather3A_512, %select_n3A_504 : vector<16xi1>, vector<16xf32>
      %select_n3A_518 = arith.select %gt3A_515, %select_n3A_507, %select_n3A_517 : vector<16xi1>, vector<16xf32>
      %select_n3A_519 = arith.select %gt3A_516, %broadcast_in_dim3A_514, %select_n3A_506 : vector<16xi1>, vector<16xi32>
      %select_n3A_520 = arith.select %gt3A_515, %select_n3A_508, %select_n3A_519 : vector<16xi1>, vector<16xi32>
      %select_n3A_521 = arith.select %gt3A_515, %gather3A_512, %select_n3A_507 : vector<16xi1>, vector<16xf32>
      %select_n3A_522 = arith.select %gt3A_515, %broadcast_in_dim3A_514, %select_n3A_508 : vector<16xi1>, vector<16xi32>
      %add3A_523 = arith.constant 7 : i32
      %add3A_524 = vector.broadcast %add3A_523 : i32 to vector<16xi32>
      %add3A_525 = arith.addi %mul3A_44, %add3A_524 : vector<16xi32>
      %gather3A_526 = tpu.vector_load_idx %arg5[%add3A_525] : memref<32768xf32, #tpu.memory_space<vmem>>[vector<16xi32>], vector<16xf32>,
      %broadcast_in_dim3A_527 = arith.constant 7 : i32
      %broadcast_in_dim3A_528 = vector.broadcast %broadcast_in_dim3A_527 : i32 to vector<16xi32>
      %gt3A_529 = arith.cmpf ogt, %gather3A_526, %select_n3A_521 : vector<16xf32>
      %gt3A_530 = arith.cmpf ogt, %gather3A_526, %select_n3A_518 : vector<16xf32>
      %select_n3A_531 = arith.select %gt3A_530, %gather3A_526, %select_n3A_518 : vector<16xi1>, vector<16xf32>
      %select_n3A_532 = arith.select %gt3A_529, %select_n3A_521, %select_n3A_531 : vector<16xi1>, vector<16xf32>
      %select_n3A_533 = arith.select %gt3A_530, %broadcast_in_dim3A_528, %select_n3A_520 : vector<16xi1>, vector<16xi32>
      %select_n3A_534 = arith.select %gt3A_529, %select_n3A_522, %select_n3A_533 : vector<16xi1>, vector<16xi32>
      %select_n3A_535 = arith.select %gt3A_529, %gather3A_526, %select_n3A_521 : vector<16xi1>, vector<16xf32>
      %select_n3A_536 = arith.select %gt3A_529, %broadcast_in_dim3A_528, %select_n3A_522 : vector<16xi1>, vector<16xi32>
      %add3A_537 = arith.constant 8 : i32
      %add3A_538 = vector.broadcast %add3A_537 : i32 to vector<16xi32>
      %add3A_539 = arith.addi %mul3A_44, %add3A_538 : vector<16xi32>
      %gather3A_540 = tpu.vector_load_idx %arg5[%add3A_539] : memref<32768xf32, #tpu.memory_space<vmem>>[vector<16xi32>], vector<16xf32>,
      %broadcast_in_dim3A_541 = arith.constant 8 : i32
      %broadcast_in_dim3A_542 = vector.broadcast %broadcast_in_dim3A_541 : i32 to vector<16xi32>
      %gt3A_543 = arith.cmpf ogt, %gather3A_540, %select_n3A_535 : vector<16xf32>
      %gt3A_544 = arith.cmpf ogt, %gather3A_540, %select_n3A_532 : vector<16xf32>
      %select_n3A_545 = arith.select %gt3A_544, %gather3A_540, %select_n3A_532 : vector<16xi1>, vector<16xf32>
      %select_n3A_546 = arith.select %gt3A_543, %select_n3A_535, %select_n3A_545 : vector<16xi1>, vector<16xf32>
      %select_n3A_547 = arith.select %gt3A_544, %broadcast_in_dim3A_542, %select_n3A_534 : vector<16xi1>, vector<16xi32>
      %select_n3A_548 = arith.select %gt3A_543, %select_n3A_536, %select_n3A_547 : vector<16xi1>, vector<16xi32>
      %select_n3A_549 = arith.select %gt3A_543, %gather3A_540, %select_n3A_535 : vector<16xi1>, vector<16xf32>
      %select_n3A_550 = arith.select %gt3A_543, %broadcast_in_dim3A_542, %select_n3A_536 : vector<16xi1>, vector<16xi32>
      %add3A_551 = arith.constant 9 : i32
      %add3A_552 = vector.broadcast %add3A_551 : i32 to vector<16xi32>
      %add3A_553 = arith.addi %mul3A_44, %add3A_552 : vector<16xi32>
      %gather3A_554 = tpu.vector_load_idx %arg5[%add3A_553] : memref<32768xf32, #tpu.memory_space<vmem>>[vector<16xi32>], vector<16xf32>,
      %broadcast_in_dim3A_555 = arith.constant 9 : i32
      %broadcast_in_dim3A_556 = vector.broadcast %broadcast_in_dim3A_555 : i32 to vector<16xi32>
      %gt3A_557 = arith.cmpf ogt, %gather3A_554, %select_n3A_549 : vector<16xf32>
      %gt3A_558 = arith.cmpf ogt, %gather3A_554, %select_n3A_546 : vector<16xf32>
      %select_n3A_559 = arith.select %gt3A_558, %gather3A_554, %select_n3A_546 : vector<16xi1>, vector<16xf32>
      %select_n3A_560 = arith.select %gt3A_557, %select_n3A_549, %select_n3A_559 : vector<16xi1>, vector<16xf32>
      %select_n3A_561 = arith.select %gt3A_558, %broadcast_in_dim3A_556, %select_n3A_548 : vector<16xi1>, vector<16xi32>
      %select_n3A_562 = arith.select %gt3A_557, %select_n3A_550, %select_n3A_561 : vector<16xi1>, vector<16xi32>
      %select_n3A_563 = arith.select %gt3A_557, %gather3A_554, %select_n3A_549 : vector<16xi1>, vector<16xf32>
      %select_n3A_564 = arith.select %gt3A_557, %broadcast_in_dim3A_556, %select_n3A_550 : vector<16xi1>, vector<16xi32>
      %add3A_565 = arith.constant 10 : i32
      %add3A_566 = vector.broadcast %add3A_565 : i32 to vector<16xi32>
      %add3A_567 = arith.addi %mul3A_44, %add3A_566 : vector<16xi32>
      %gather3A_568 = tpu.vector_load_idx %arg5[%add3A_567] : memref<32768xf32, #tpu.memory_space<vmem>>[vector<16xi32>], vector<16xf32>,
      %broadcast_in_dim3A_569 = arith.constant 10 : i32
      %broadcast_in_dim3A_570 = vector.broadcast %broadcast_in_dim3A_569 : i32 to vector<16xi32>
      %gt3A_571 = arith.cmpf ogt, %gather3A_568, %select_n3A_563 : vector<16xf32>
      %gt3A_572 = arith.cmpf ogt, %gather3A_568, %select_n3A_560 : vector<16xf32>
      %select_n3A_573 = arith.select %gt3A_572, %gather3A_568, %select_n3A_560 : vector<16xi1>, vector<16xf32>
      %select_n3A_574 = arith.select %gt3A_571, %select_n3A_563, %select_n3A_573 : vector<16xi1>, vector<16xf32>
      %select_n3A_575 = arith.select %gt3A_572, %broadcast_in_dim3A_570, %select_n3A_562 : vector<16xi1>, vector<16xi32>
      %select_n3A_576 = arith.select %gt3A_571, %select_n3A_564, %select_n3A_575 : vector<16xi1>, vector<16xi32>
      %select_n3A_577 = arith.select %gt3A_571, %gather3A_568, %select_n3A_563 : vector<16xi1>, vector<16xf32>
      %select_n3A_578 = arith.select %gt3A_571, %broadcast_in_dim3A_570, %select_n3A_564 : vector<16xi1>, vector<16xi32>
      %add3A_579 = arith.constant 11 : i32
      %add3A_580 = vector.broadcast %add3A_579 : i32 to vector<16xi32>
      %add3A_581 = arith.addi %mul3A_44, %add3A_580 : vector<16xi32>
      %gather3A_582 = tpu.vector_load_idx %arg5[%add3A_581] : memref<32768xf32, #tpu.memory_space<vmem>>[vector<16xi32>], vector<16xf32>,
      %broadcast_in_dim3A_583 = arith.constant 11 : i32
      %broadcast_in_dim3A_584 = vector.broadcast %broadcast_in_dim3A_583 : i32 to vector<16xi32>
      %gt3A_585 = arith.cmpf ogt, %gather3A_582, %select_n3A_577 : vector<16xf32>
      %gt3A_586 = arith.cmpf ogt, %gather3A_582, %select_n3A_574 : vector<16xf32>
      %select_n3A_587 = arith.select %gt3A_586, %gather3A_582, %select_n3A_574 : vector<16xi1>, vector<16xf32>
      %select_n3A_588 = arith.select %gt3A_585, %select_n3A_577, %select_n3A_587 : vector<16xi1>, vector<16xf32>
      %select_n3A_589 = arith.select %gt3A_586, %broadcast_in_dim3A_584, %select_n3A_576 : vector<16xi1>, vector<16xi32>
      %select_n3A_590 = arith.select %gt3A_585, %select_n3A_578, %select_n3A_589 : vector<16xi1>, vector<16xi32>
      %select_n3A_591 = arith.select %gt3A_585, %gather3A_582, %select_n3A_577 : vector<16xi1>, vector<16xf32>
      %select_n3A_592 = arith.select %gt3A_585, %broadcast_in_dim3A_584, %select_n3A_578 : vector<16xi1>, vector<16xi32>
      %add3A_593 = arith.constant 12 : i32
      %add3A_594 = vector.broadcast %add3A_593 : i32 to vector<16xi32>
      %add3A_595 = arith.addi %mul3A_44, %add3A_594 : vector<16xi32>
      %gather3A_596 = tpu.vector_load_idx %arg5[%add3A_595] : memref<32768xf32, #tpu.memory_space<vmem>>[vector<16xi32>], vector<16xf32>,
      %broadcast_in_dim3A_597 = arith.constant 12 : i32
      %broadcast_in_dim3A_598 = vector.broadcast %broadcast_in_dim3A_597 : i32 to vector<16xi32>
      %gt3A_599 = arith.cmpf ogt, %gather3A_596, %select_n3A_591 : vector<16xf32>
      %gt3A_600 = arith.cmpf ogt, %gather3A_596, %select_n3A_588 : vector<16xf32>
      %select_n3A_601 = arith.select %gt3A_600, %gather3A_596, %select_n3A_588 : vector<16xi1>, vector<16xf32>
      %select_n3A_602 = arith.select %gt3A_599, %select_n3A_591, %select_n3A_601 : vector<16xi1>, vector<16xf32>
      %select_n3A_603 = arith.select %gt3A_600, %broadcast_in_dim3A_598, %select_n3A_590 : vector<16xi1>, vector<16xi32>
      %select_n3A_604 = arith.select %gt3A_599, %select_n3A_592, %select_n3A_603 : vector<16xi1>, vector<16xi32>
      %select_n3A_605 = arith.select %gt3A_599, %gather3A_596, %select_n3A_591 : vector<16xi1>, vector<16xf32>
      %select_n3A_606 = arith.select %gt3A_599, %broadcast_in_dim3A_598, %select_n3A_592 : vector<16xi1>, vector<16xi32>
      %add3A_607 = arith.constant 13 : i32
      %add3A_608 = vector.broadcast %add3A_607 : i32 to vector<16xi32>
      %add3A_609 = arith.addi %mul3A_44, %add3A_608 : vector<16xi32>
      %gather3A_610 = tpu.vector_load_idx %arg5[%add3A_609] : memref<32768xf32, #tpu.memory_space<vmem>>[vector<16xi32>], vector<16xf32>,
      %broadcast_in_dim3A_611 = arith.constant 13 : i32
      %broadcast_in_dim3A_612 = vector.broadcast %broadcast_in_dim3A_611 : i32 to vector<16xi32>
      %gt3A_613 = arith.cmpf ogt, %gather3A_610, %select_n3A_605 : vector<16xf32>
      %gt3A_614 = arith.cmpf ogt, %gather3A_610, %select_n3A_602 : vector<16xf32>
      %select_n3A_615 = arith.select %gt3A_614, %gather3A_610, %select_n3A_602 : vector<16xi1>, vector<16xf32>
      %select_n3A_616 = arith.select %gt3A_613, %select_n3A_605, %select_n3A_615 : vector<16xi1>, vector<16xf32>
      %select_n3A_617 = arith.select %gt3A_614, %broadcast_in_dim3A_612, %select_n3A_604 : vector<16xi1>, vector<16xi32>
      %select_n3A_618 = arith.select %gt3A_613, %select_n3A_606, %select_n3A_617 : vector<16xi1>, vector<16xi32>
      %select_n3A_619 = arith.select %gt3A_613, %gather3A_610, %select_n3A_605 : vector<16xi1>, vector<16xf32>
      %select_n3A_620 = arith.select %gt3A_613, %broadcast_in_dim3A_612, %select_n3A_606 : vector<16xi1>, vector<16xi32>
      %add3A_621 = arith.constant 14 : i32
      %add3A_622 = vector.broadcast %add3A_621 : i32 to vector<16xi32>
      %add3A_623 = arith.addi %mul3A_44, %add3A_622 : vector<16xi32>
      %gather3A_624 = tpu.vector_load_idx %arg5[%add3A_623] : memref<32768xf32, #tpu.memory_space<vmem>>[vector<16xi32>], vector<16xf32>,
      %broadcast_in_dim3A_625 = arith.constant 14 : i32
      %broadcast_in_dim3A_626 = vector.broadcast %broadcast_in_dim3A_625 : i32 to vector<16xi32>
      %gt3A_627 = arith.cmpf ogt, %gather3A_624, %select_n3A_619 : vector<16xf32>
      %gt3A_628 = arith.cmpf ogt, %gather3A_624, %select_n3A_616 : vector<16xf32>
      %select_n3A_629 = arith.select %gt3A_628, %gather3A_624, %select_n3A_616 : vector<16xi1>, vector<16xf32>
      %select_n3A_630 = arith.select %gt3A_627, %select_n3A_619, %select_n3A_629 : vector<16xi1>, vector<16xf32>
      %select_n3A_631 = arith.select %gt3A_628, %broadcast_in_dim3A_626, %select_n3A_618 : vector<16xi1>, vector<16xi32>
      %select_n3A_632 = arith.select %gt3A_627, %select_n3A_620, %select_n3A_631 : vector<16xi1>, vector<16xi32>
      %select_n3A_633 = arith.select %gt3A_627, %gather3A_624, %select_n3A_619 : vector<16xi1>, vector<16xf32>
      %select_n3A_634 = arith.select %gt3A_627, %broadcast_in_dim3A_626, %select_n3A_620 : vector<16xi1>, vector<16xi32>
      %add3A_635 = arith.constant 15 : i32
      %add3A_636 = vector.broadcast %add3A_635 : i32 to vector<16xi32>
      %add3A_637 = arith.addi %mul3A_44, %add3A_636 : vector<16xi32>
      %gather3A_638 = tpu.vector_load_idx %arg5[%add3A_637] : memref<32768xf32, #tpu.memory_space<vmem>>[vector<16xi32>], vector<16xf32>,
      %broadcast_in_dim3A_639 = arith.constant 15 : i32
      %broadcast_in_dim3A_640 = vector.broadcast %broadcast_in_dim3A_639 : i32 to vector<16xi32>
      %gt3A_641 = arith.cmpf ogt, %gather3A_638, %select_n3A_633 : vector<16xf32>
      %gt3A_642 = arith.cmpf ogt, %gather3A_638, %select_n3A_630 : vector<16xf32>
      %select_n3A_643 = arith.select %gt3A_642, %gather3A_638, %select_n3A_630 : vector<16xi1>, vector<16xf32>
      %select_n3A_644 = arith.select %gt3A_641, %select_n3A_633, %select_n3A_643 : vector<16xi1>, vector<16xf32>
      %select_n3A_645 = arith.select %gt3A_642, %broadcast_in_dim3A_640, %select_n3A_632 : vector<16xi1>, vector<16xi32>
      %select_n3A_646 = arith.select %gt3A_641, %select_n3A_634, %select_n3A_645 : vector<16xi1>, vector<16xi32>
      %select_n3A_647 = arith.select %gt3A_641, %gather3A_638, %select_n3A_633 : vector<16xi1>, vector<16xf32>
      %select_n3A_648 = arith.select %gt3A_641, %broadcast_in_dim3A_640, %select_n3A_634 : vector<16xi1>, vector<16xi32>
      %add3A_649 = arith.constant 16 : i32
      %add3A_650 = vector.broadcast %add3A_649 : i32 to vector<16xi32>
      %add3A_651 = arith.addi %mul3A_44, %add3A_650 : vector<16xi32>
      %gather3A_652 = tpu.vector_load_idx %arg5[%add3A_651] : memref<32768xf32, #tpu.memory_space<vmem>>[vector<16xi32>], vector<16xf32>,
      %broadcast_in_dim3A_653 = arith.constant 16 : i32
      %broadcast_in_dim3A_654 = vector.broadcast %broadcast_in_dim3A_653 : i32 to vector<16xi32>
      %gt3A_655 = arith.cmpf ogt, %gather3A_652, %select_n3A_647 : vector<16xf32>
      %gt3A_656 = arith.cmpf ogt, %gather3A_652, %select_n3A_644 : vector<16xf32>
      %select_n3A_657 = arith.select %gt3A_656, %gather3A_652, %select_n3A_644 : vector<16xi1>, vector<16xf32>
      %select_n3A_658 = arith.select %gt3A_655, %select_n3A_647, %select_n3A_657 : vector<16xi1>, vector<16xf32>
      %select_n3A_659 = arith.select %gt3A_656, %broadcast_in_dim3A_654, %select_n3A_646 : vector<16xi1>, vector<16xi32>
      %select_n3A_660 = arith.select %gt3A_655, %select_n3A_648, %select_n3A_659 : vector<16xi1>, vector<16xi32>
      %select_n3A_661 = arith.select %gt3A_655, %gather3A_652, %select_n3A_647 : vector<16xi1>, vector<16xf32>
      %select_n3A_662 = arith.select %gt3A_655, %broadcast_in_dim3A_654, %select_n3A_648 : vector<16xi1>, vector<16xi32>
      %add3A_663 = arith.constant 17 : i32
      %add3A_664 = vector.broadcast %add3A_663 : i32 to vector<16xi32>
      %add3A_665 = arith.addi %mul3A_44, %add3A_664 : vector<16xi32>
      %gather3A_666 = tpu.vector_load_idx %arg5[%add3A_665] : memref<32768xf32, #tpu.memory_space<vmem>>[vector<16xi32>], vector<16xf32>,
      %broadcast_in_dim3A_667 = arith.constant 17 : i32
      %broadcast_in_dim3A_668 = vector.broadcast %broadcast_in_dim3A_667 : i32 to vector<16xi32>
      %gt3A_669 = arith.cmpf ogt, %gather3A_666, %select_n3A_661 : vector<16xf32>
      %gt3A_670 = arith.cmpf ogt, %gather3A_666, %select_n3A_658 : vector<16xf32>
      %select_n3A_671 = arith.select %gt3A_670, %gather3A_666, %select_n3A_658 : vector<16xi1>, vector<16xf32>
      %select_n3A_672 = arith.select %gt3A_669, %select_n3A_661, %select_n3A_671 : vector<16xi1>, vector<16xf32>
      %select_n3A_673 = arith.select %gt3A_670, %broadcast_in_dim3A_668, %select_n3A_660 : vector<16xi1>, vector<16xi32>
      %select_n3A_674 = arith.select %gt3A_669, %select_n3A_662, %select_n3A_673 : vector<16xi1>, vector<16xi32>
      %select_n3A_675 = arith.select %gt3A_669, %gather3A_666, %select_n3A_661 : vector<16xi1>, vector<16xf32>
      %select_n3A_676 = arith.select %gt3A_669, %broadcast_in_dim3A_668, %select_n3A_662 : vector<16xi1>, vector<16xi32>
      %add3A_677 = arith.constant 18 : i32
      %add3A_678 = vector.broadcast %add3A_677 : i32 to vector<16xi32>
      %add3A_679 = arith.addi %mul3A_44, %add3A_678 : vector<16xi32>
      %gather3A_680 = tpu.vector_load_idx %arg5[%add3A_679] : memref<32768xf32, #tpu.memory_space<vmem>>[vector<16xi32>], vector<16xf32>,
      %broadcast_in_dim3A_681 = arith.constant 18 : i32
      %broadcast_in_dim3A_682 = vector.broadcast %broadcast_in_dim3A_681 : i32 to vector<16xi32>
      %gt3A_683 = arith.cmpf ogt, %gather3A_680, %select_n3A_675 : vector<16xf32>
      %gt3A_684 = arith.cmpf ogt, %gather3A_680, %select_n3A_672 : vector<16xf32>
      %select_n3A_685 = arith.select %gt3A_684, %gather3A_680, %select_n3A_672 : vector<16xi1>, vector<16xf32>
      %select_n3A_686 = arith.select %gt3A_683, %select_n3A_675, %select_n3A_685 : vector<16xi1>, vector<16xf32>
      %select_n3A_687 = arith.select %gt3A_684, %broadcast_in_dim3A_682, %select_n3A_674 : vector<16xi1>, vector<16xi32>
      %select_n3A_688 = arith.select %gt3A_683, %select_n3A_676, %select_n3A_687 : vector<16xi1>, vector<16xi32>
      %select_n3A_689 = arith.select %gt3A_683, %gather3A_680, %select_n3A_675 : vector<16xi1>, vector<16xf32>
      %select_n3A_690 = arith.select %gt3A_683, %broadcast_in_dim3A_682, %select_n3A_676 : vector<16xi1>, vector<16xi32>
      %add3A_691 = arith.constant 19 : i32
      %add3A_692 = vector.broadcast %add3A_691 : i32 to vector<16xi32>
      %add3A_693 = arith.addi %mul3A_44, %add3A_692 : vector<16xi32>
      %gather3A_694 = tpu.vector_load_idx %arg5[%add3A_693] : memref<32768xf32, #tpu.memory_space<vmem>>[vector<16xi32>], vector<16xf32>,
      %broadcast_in_dim3A_695 = arith.constant 19 : i32
      %broadcast_in_dim3A_696 = vector.broadcast %broadcast_in_dim3A_695 : i32 to vector<16xi32>
      %gt3A_697 = arith.cmpf ogt, %gather3A_694, %select_n3A_689 : vector<16xf32>
      %gt3A_698 = arith.cmpf ogt, %gather3A_694, %select_n3A_686 : vector<16xf32>
      %select_n3A_699 = arith.select %gt3A_698, %gather3A_694, %select_n3A_686 : vector<16xi1>, vector<16xf32>
      %select_n3A_700 = arith.select %gt3A_697, %select_n3A_689, %select_n3A_699 : vector<16xi1>, vector<16xf32>
      %select_n3A_701 = arith.select %gt3A_698, %broadcast_in_dim3A_696, %select_n3A_688 : vector<16xi1>, vector<16xi32>
      %select_n3A_702 = arith.select %gt3A_697, %select_n3A_690, %select_n3A_701 : vector<16xi1>, vector<16xi32>
      %select_n3A_703 = arith.select %gt3A_697, %gather3A_694, %select_n3A_689 : vector<16xi1>, vector<16xf32>
      %select_n3A_704 = arith.select %gt3A_697, %broadcast_in_dim3A_696, %select_n3A_690 : vector<16xi1>, vector<16xi32>
      %add3A_705 = arith.constant 20 : i32
      %add3A_706 = vector.broadcast %add3A_705 : i32 to vector<16xi32>
      %add3A_707 = arith.addi %mul3A_44, %add3A_706 : vector<16xi32>
      %gather3A_708 = tpu.vector_load_idx %arg5[%add3A_707] : memref<32768xf32, #tpu.memory_space<vmem>>[vector<16xi32>], vector<16xf32>,
      %broadcast_in_dim3A_709 = arith.constant 20 : i32
      %broadcast_in_dim3A_710 = vector.broadcast %broadcast_in_dim3A_709 : i32 to vector<16xi32>
      %gt3A_711 = arith.cmpf ogt, %gather3A_708, %select_n3A_703 : vector<16xf32>
      %gt3A_712 = arith.cmpf ogt, %gather3A_708, %select_n3A_700 : vector<16xf32>
      %select_n3A_713 = arith.select %gt3A_712, %gather3A_708, %select_n3A_700 : vector<16xi1>, vector<16xf32>
      %select_n3A_714 = arith.select %gt3A_711, %select_n3A_703, %select_n3A_713 : vector<16xi1>, vector<16xf32>
      %select_n3A_715 = arith.select %gt3A_712, %broadcast_in_dim3A_710, %select_n3A_702 : vector<16xi1>, vector<16xi32>
      %select_n3A_716 = arith.select %gt3A_711, %select_n3A_704, %select_n3A_715 : vector<16xi1>, vector<16xi32>
      %select_n3A_717 = arith.select %gt3A_711, %gather3A_708, %select_n3A_703 : vector<16xi1>, vector<16xf32>
      %select_n3A_718 = arith.select %gt3A_711, %broadcast_in_dim3A_710, %select_n3A_704 : vector<16xi1>, vector<16xi32>
      %add3A_719 = arith.constant 21 : i32
      %add3A_720 = vector.broadcast %add3A_719 : i32 to vector<16xi32>
      %add3A_721 = arith.addi %mul3A_44, %add3A_720 : vector<16xi32>
      %gather3A_722 = tpu.vector_load_idx %arg5[%add3A_721] : memref<32768xf32, #tpu.memory_space<vmem>>[vector<16xi32>], vector<16xf32>,
      %broadcast_in_dim3A_723 = arith.constant 21 : i32
      %broadcast_in_dim3A_724 = vector.broadcast %broadcast_in_dim3A_723 : i32 to vector<16xi32>
      %gt3A_725 = arith.cmpf ogt, %gather3A_722, %select_n3A_717 : vector<16xf32>
      %gt3A_726 = arith.cmpf ogt, %gather3A_722, %select_n3A_714 : vector<16xf32>
      %select_n3A_727 = arith.select %gt3A_726, %gather3A_722, %select_n3A_714 : vector<16xi1>, vector<16xf32>
      %select_n3A_728 = arith.select %gt3A_725, %select_n3A_717, %select_n3A_727 : vector<16xi1>, vector<16xf32>
      %select_n3A_729 = arith.select %gt3A_726, %broadcast_in_dim3A_724, %select_n3A_716 : vector<16xi1>, vector<16xi32>
      %select_n3A_730 = arith.select %gt3A_725, %select_n3A_718, %select_n3A_729 : vector<16xi1>, vector<16xi32>
      %select_n3A_731 = arith.select %gt3A_725, %gather3A_722, %select_n3A_717 : vector<16xi1>, vector<16xf32>
      %select_n3A_732 = arith.select %gt3A_725, %broadcast_in_dim3A_724, %select_n3A_718 : vector<16xi1>, vector<16xi32>
      %add3A_733 = arith.constant 22 : i32
      %add3A_734 = vector.broadcast %add3A_733 : i32 to vector<16xi32>
      %add3A_735 = arith.addi %mul3A_44, %add3A_734 : vector<16xi32>
      %gather3A_736 = tpu.vector_load_idx %arg5[%add3A_735] : memref<32768xf32, #tpu.memory_space<vmem>>[vector<16xi32>], vector<16xf32>,
      %broadcast_in_dim3A_737 = arith.constant 22 : i32
      %broadcast_in_dim3A_738 = vector.broadcast %broadcast_in_dim3A_737 : i32 to vector<16xi32>
      %gt3A_739 = arith.cmpf ogt, %gather3A_736, %select_n3A_731 : vector<16xf32>
      %gt3A_740 = arith.cmpf ogt, %gather3A_736, %select_n3A_728 : vector<16xf32>
      %select_n3A_741 = arith.select %gt3A_740, %gather3A_736, %select_n3A_728 : vector<16xi1>, vector<16xf32>
      %select_n3A_742 = arith.select %gt3A_739, %select_n3A_731, %select_n3A_741 : vector<16xi1>, vector<16xf32>
      %select_n3A_743 = arith.select %gt3A_740, %broadcast_in_dim3A_738, %select_n3A_730 : vector<16xi1>, vector<16xi32>
      %select_n3A_744 = arith.select %gt3A_739, %select_n3A_732, %select_n3A_743 : vector<16xi1>, vector<16xi32>
      %select_n3A_745 = arith.select %gt3A_739, %gather3A_736, %select_n3A_731 : vector<16xi1>, vector<16xf32>
      %select_n3A_746 = arith.select %gt3A_739, %broadcast_in_dim3A_738, %select_n3A_732 : vector<16xi1>, vector<16xi32>
      %add3A_747 = arith.constant 23 : i32
      %add3A_748 = vector.broadcast %add3A_747 : i32 to vector<16xi32>
      %add3A_749 = arith.addi %mul3A_44, %add3A_748 : vector<16xi32>
      %gather3A_750 = tpu.vector_load_idx %arg5[%add3A_749] : memref<32768xf32, #tpu.memory_space<vmem>>[vector<16xi32>], vector<16xf32>,
      %broadcast_in_dim3A_751 = arith.constant 23 : i32
      %broadcast_in_dim3A_752 = vector.broadcast %broadcast_in_dim3A_751 : i32 to vector<16xi32>
      %gt3A_753 = arith.cmpf ogt, %gather3A_750, %select_n3A_745 : vector<16xf32>
      %gt3A_754 = arith.cmpf ogt, %gather3A_750, %select_n3A_742 : vector<16xf32>
      %select_n3A_755 = arith.select %gt3A_754, %gather3A_750, %select_n3A_742 : vector<16xi1>, vector<16xf32>
      %select_n3A_756 = arith.select %gt3A_753, %select_n3A_745, %select_n3A_755 : vector<16xi1>, vector<16xf32>
      %select_n3A_757 = arith.select %gt3A_754, %broadcast_in_dim3A_752, %select_n3A_744 : vector<16xi1>, vector<16xi32>
      %select_n3A_758 = arith.select %gt3A_753, %select_n3A_746, %select_n3A_757 : vector<16xi1>, vector<16xi32>
      %select_n3A_759 = arith.select %gt3A_753, %gather3A_750, %select_n3A_745 : vector<16xi1>, vector<16xf32>
      %select_n3A_760 = arith.select %gt3A_753, %broadcast_in_dim3A_752, %select_n3A_746 : vector<16xi1>, vector<16xi32>
      %add3A_761 = arith.constant 24 : i32
      %add3A_762 = vector.broadcast %add3A_761 : i32 to vector<16xi32>
      %add3A_763 = arith.addi %mul3A_44, %add3A_762 : vector<16xi32>
      %gather3A_764 = tpu.vector_load_idx %arg5[%add3A_763] : memref<32768xf32, #tpu.memory_space<vmem>>[vector<16xi32>], vector<16xf32>,
      %broadcast_in_dim3A_765 = arith.constant 24 : i32
      %broadcast_in_dim3A_766 = vector.broadcast %broadcast_in_dim3A_765 : i32 to vector<16xi32>
      %gt3A_767 = arith.cmpf ogt, %gather3A_764, %select_n3A_759 : vector<16xf32>
      %gt3A_768 = arith.cmpf ogt, %gather3A_764, %select_n3A_756 : vector<16xf32>
      %select_n3A_769 = arith.select %gt3A_768, %gather3A_764, %select_n3A_756 : vector<16xi1>, vector<16xf32>
      %select_n3A_770 = arith.select %gt3A_767, %select_n3A_759, %select_n3A_769 : vector<16xi1>, vector<16xf32>
      %select_n3A_771 = arith.select %gt3A_768, %broadcast_in_dim3A_766, %select_n3A_758 : vector<16xi1>, vector<16xi32>
      %select_n3A_772 = arith.select %gt3A_767, %select_n3A_760, %select_n3A_771 : vector<16xi1>, vector<16xi32>
      %select_n3A_773 = arith.select %gt3A_767, %gather3A_764, %select_n3A_759 : vector<16xi1>, vector<16xf32>
      %select_n3A_774 = arith.select %gt3A_767, %broadcast_in_dim3A_766, %select_n3A_760 : vector<16xi1>, vector<16xi32>
      %add3A_775 = arith.constant 25 : i32
      %add3A_776 = vector.broadcast %add3A_775 : i32 to vector<16xi32>
      %add3A_777 = arith.addi %mul3A_44, %add3A_776 : vector<16xi32>
      %gather3A_778 = tpu.vector_load_idx %arg5[%add3A_777] : memref<32768xf32, #tpu.memory_space<vmem>>[vector<16xi32>], vector<16xf32>,
      %broadcast_in_dim3A_779 = arith.constant 25 : i32
      %broadcast_in_dim3A_780 = vector.broadcast %broadcast_in_dim3A_779 : i32 to vector<16xi32>
      %gt3A_781 = arith.cmpf ogt, %gather3A_778, %select_n3A_773 : vector<16xf32>
      %gt3A_782 = arith.cmpf ogt, %gather3A_778, %select_n3A_770 : vector<16xf32>
      %select_n3A_783 = arith.select %gt3A_782, %gather3A_778, %select_n3A_770 : vector<16xi1>, vector<16xf32>
      %select_n3A_784 = arith.select %gt3A_781, %select_n3A_773, %select_n3A_783 : vector<16xi1>, vector<16xf32>
      %select_n3A_785 = arith.select %gt3A_782, %broadcast_in_dim3A_780, %select_n3A_772 : vector<16xi1>, vector<16xi32>
      %select_n3A_786 = arith.select %gt3A_781, %select_n3A_774, %select_n3A_785 : vector<16xi1>, vector<16xi32>
      %select_n3A_787 = arith.select %gt3A_781, %gather3A_778, %select_n3A_773 : vector<16xi1>, vector<16xf32>
      %select_n3A_788 = arith.select %gt3A_781, %broadcast_in_dim3A_780, %select_n3A_774 : vector<16xi1>, vector<16xi32>
      %add3A_789 = arith.constant 26 : i32
      %add3A_790 = vector.broadcast %add3A_789 : i32 to vector<16xi32>
      %add3A_791 = arith.addi %mul3A_44, %add3A_790 : vector<16xi32>
      %gather3A_792 = tpu.vector_load_idx %arg5[%add3A_791] : memref<32768xf32, #tpu.memory_space<vmem>>[vector<16xi32>], vector<16xf32>,
      %broadcast_in_dim3A_793 = arith.constant 26 : i32
      %broadcast_in_dim3A_794 = vector.broadcast %broadcast_in_dim3A_793 : i32 to vector<16xi32>
      %gt3A_795 = arith.cmpf ogt, %gather3A_792, %select_n3A_787 : vector<16xf32>
      %gt3A_796 = arith.cmpf ogt, %gather3A_792, %select_n3A_784 : vector<16xf32>
      %select_n3A_797 = arith.select %gt3A_796, %gather3A_792, %select_n3A_784 : vector<16xi1>, vector<16xf32>
      %select_n3A_798 = arith.select %gt3A_795, %select_n3A_787, %select_n3A_797 : vector<16xi1>, vector<16xf32>
      %select_n3A_799 = arith.select %gt3A_796, %broadcast_in_dim3A_794, %select_n3A_786 : vector<16xi1>, vector<16xi32>
      %select_n3A_800 = arith.select %gt3A_795, %select_n3A_788, %select_n3A_799 : vector<16xi1>, vector<16xi32>
      %select_n3A_801 = arith.select %gt3A_795, %gather3A_792, %select_n3A_787 : vector<16xi1>, vector<16xf32>
      %select_n3A_802 = arith.select %gt3A_795, %broadcast_in_dim3A_794, %select_n3A_788 : vector<16xi1>, vector<16xi32>
      %add3A_803 = arith.constant 27 : i32
      %add3A_804 = vector.broadcast %add3A_803 : i32 to vector<16xi32>
      %add3A_805 = arith.addi %mul3A_44, %add3A_804 : vector<16xi32>
      %gather3A_806 = tpu.vector_load_idx %arg5[%add3A_805] : memref<32768xf32, #tpu.memory_space<vmem>>[vector<16xi32>], vector<16xf32>,
      %broadcast_in_dim3A_807 = arith.constant 27 : i32
      %broadcast_in_dim3A_808 = vector.broadcast %broadcast_in_dim3A_807 : i32 to vector<16xi32>
      %gt3A_809 = arith.cmpf ogt, %gather3A_806, %select_n3A_801 : vector<16xf32>
      %gt3A_810 = arith.cmpf ogt, %gather3A_806, %select_n3A_798 : vector<16xf32>
      %select_n3A_811 = arith.select %gt3A_810, %gather3A_806, %select_n3A_798 : vector<16xi1>, vector<16xf32>
      %select_n3A_812 = arith.select %gt3A_809, %select_n3A_801, %select_n3A_811 : vector<16xi1>, vector<16xf32>
      %select_n3A_813 = arith.select %gt3A_810, %broadcast_in_dim3A_808, %select_n3A_800 : vector<16xi1>, vector<16xi32>
      %select_n3A_814 = arith.select %gt3A_809, %select_n3A_802, %select_n3A_813 : vector<16xi1>, vector<16xi32>
      %select_n3A_815 = arith.select %gt3A_809, %gather3A_806, %select_n3A_801 : vector<16xi1>, vector<16xf32>
      %select_n3A_816 = arith.select %gt3A_809, %broadcast_in_dim3A_808, %select_n3A_802 : vector<16xi1>, vector<16xi32>
      %add3A_817 = arith.constant 28 : i32
      %add3A_818 = vector.broadcast %add3A_817 : i32 to vector<16xi32>
      %add3A_819 = arith.addi %mul3A_44, %add3A_818 : vector<16xi32>
      %gather3A_820 = tpu.vector_load_idx %arg5[%add3A_819] : memref<32768xf32, #tpu.memory_space<vmem>>[vector<16xi32>], vector<16xf32>,
      %broadcast_in_dim3A_821 = arith.constant 28 : i32
      %broadcast_in_dim3A_822 = vector.broadcast %broadcast_in_dim3A_821 : i32 to vector<16xi32>
      %gt3A_823 = arith.cmpf ogt, %gather3A_820, %select_n3A_815 : vector<16xf32>
      %gt3A_824 = arith.cmpf ogt, %gather3A_820, %select_n3A_812 : vector<16xf32>
      %select_n3A_825 = arith.select %gt3A_824, %gather3A_820, %select_n3A_812 : vector<16xi1>, vector<16xf32>
      %select_n3A_826 = arith.select %gt3A_823, %select_n3A_815, %select_n3A_825 : vector<16xi1>, vector<16xf32>
      %select_n3A_827 = arith.select %gt3A_824, %broadcast_in_dim3A_822, %select_n3A_814 : vector<16xi1>, vector<16xi32>
      %select_n3A_828 = arith.select %gt3A_823, %select_n3A_816, %select_n3A_827 : vector<16xi1>, vector<16xi32>
      %select_n3A_829 = arith.select %gt3A_823, %gather3A_820, %select_n3A_815 : vector<16xi1>, vector<16xf32>
      %select_n3A_830 = arith.select %gt3A_823, %broadcast_in_dim3A_822, %select_n3A_816 : vector<16xi1>, vector<16xi32>
      %add3A_831 = arith.constant 29 : i32
      %add3A_832 = vector.broadcast %add3A_831 : i32 to vector<16xi32>
      %add3A_833 = arith.addi %mul3A_44, %add3A_832 : vector<16xi32>
      %gather3A_834 = tpu.vector_load_idx %arg5[%add3A_833] : memref<32768xf32, #tpu.memory_space<vmem>>[vector<16xi32>], vector<16xf32>,
      %broadcast_in_dim3A_835 = arith.constant 29 : i32
      %broadcast_in_dim3A_836 = vector.broadcast %broadcast_in_dim3A_835 : i32 to vector<16xi32>
      %gt3A_837 = arith.cmpf ogt, %gather3A_834, %select_n3A_829 : vector<16xf32>
      %gt3A_838 = arith.cmpf ogt, %gather3A_834, %select_n3A_826 : vector<16xf32>
      %select_n3A_839 = arith.select %gt3A_838, %gather3A_834, %select_n3A_826 : vector<16xi1>, vector<16xf32>
      %select_n3A_840 = arith.select %gt3A_837, %select_n3A_829, %select_n3A_839 : vector<16xi1>, vector<16xf32>
      %select_n3A_841 = arith.select %gt3A_838, %broadcast_in_dim3A_836, %select_n3A_828 : vector<16xi1>, vector<16xi32>
      %select_n3A_842 = arith.select %gt3A_837, %select_n3A_830, %select_n3A_841 : vector<16xi1>, vector<16xi32>
      %select_n3A_843 = arith.select %gt3A_837, %gather3A_834, %select_n3A_829 : vector<16xi1>, vector<16xf32>
      %select_n3A_844 = arith.select %gt3A_837, %broadcast_in_dim3A_836, %select_n3A_830 : vector<16xi1>, vector<16xi32>
      %add3A_845 = arith.constant 30 : i32
      %add3A_846 = vector.broadcast %add3A_845 : i32 to vector<16xi32>
      %add3A_847 = arith.addi %mul3A_44, %add3A_846 : vector<16xi32>
      %gather3A_848 = tpu.vector_load_idx %arg5[%add3A_847] : memref<32768xf32, #tpu.memory_space<vmem>>[vector<16xi32>], vector<16xf32>,
      %broadcast_in_dim3A_849 = arith.constant 30 : i32
      %broadcast_in_dim3A_850 = vector.broadcast %broadcast_in_dim3A_849 : i32 to vector<16xi32>
      %gt3A_851 = arith.cmpf ogt, %gather3A_848, %select_n3A_843 : vector<16xf32>
      %gt3A_852 = arith.cmpf ogt, %gather3A_848, %select_n3A_840 : vector<16xf32>
      %select_n3A_853 = arith.select %gt3A_852, %gather3A_848, %select_n3A_840 : vector<16xi1>, vector<16xf32>
      %select_n3A_854 = arith.select %gt3A_851, %select_n3A_843, %select_n3A_853 : vector<16xi1>, vector<16xf32>
      %select_n3A_855 = arith.select %gt3A_852, %broadcast_in_dim3A_850, %select_n3A_842 : vector<16xi1>, vector<16xi32>
      %select_n3A_856 = arith.select %gt3A_851, %select_n3A_844, %select_n3A_855 : vector<16xi1>, vector<16xi32>
      %select_n3A_857 = arith.select %gt3A_851, %gather3A_848, %select_n3A_843 : vector<16xi1>, vector<16xf32>
      %select_n3A_858 = arith.select %gt3A_851, %broadcast_in_dim3A_850, %select_n3A_844 : vector<16xi1>, vector<16xi32>
      %add3A_859 = arith.constant 31 : i32
      %add3A_860 = vector.broadcast %add3A_859 : i32 to vector<16xi32>
      %add3A_861 = arith.addi %mul3A_44, %add3A_860 : vector<16xi32>
      %gather3A_862 = tpu.vector_load_idx %arg5[%add3A_861] : memref<32768xf32, #tpu.memory_space<vmem>>[vector<16xi32>], vector<16xf32>,
      %broadcast_in_dim3A_863 = arith.constant 31 : i32
      %broadcast_in_dim3A_864 = vector.broadcast %broadcast_in_dim3A_863 : i32 to vector<16xi32>
      %gt3A_865 = arith.cmpf ogt, %gather3A_862, %select_n3A_857 : vector<16xf32>
      %gt3A_866 = arith.cmpf ogt, %gather3A_862, %select_n3A_854 : vector<16xf32>
      %select_n3A_867 = arith.select %gt3A_866, %gather3A_862, %select_n3A_854 : vector<16xi1>, vector<16xf32>
      %select_n3A_868 = arith.select %gt3A_865, %select_n3A_857, %select_n3A_867 : vector<16xi1>, vector<16xf32>
      %select_n3A_869 = arith.select %gt3A_866, %broadcast_in_dim3A_864, %select_n3A_856 : vector<16xi1>, vector<16xi32>
      %select_n3A_870 = arith.select %gt3A_865, %select_n3A_858, %select_n3A_869 : vector<16xi1>, vector<16xi32>
      %select_n3A_871 = arith.select %gt3A_865, %gather3A_862, %select_n3A_857 : vector<16xi1>, vector<16xf32>
      %select_n3A_872 = arith.select %gt3A_865, %broadcast_in_dim3A_864, %select_n3A_858 : vector<16xi1>, vector<16xi32>
      %add3A_873 = arith.constant 32 : i32
      %add3A_874 = vector.broadcast %add3A_873 : i32 to vector<16xi32>
      %add3A_875 = arith.addi %mul3A_44, %add3A_874 : vector<16xi32>
      %gather3A_876 = tpu.vector_load_idx %arg5[%add3A_875] : memref<32768xf32, #tpu.memory_space<vmem>>[vector<16xi32>], vector<16xf32>,
      %broadcast_in_dim3A_877 = arith.constant 32 : i32
      %broadcast_in_dim3A_878 = vector.broadcast %broadcast_in_dim3A_877 : i32 to vector<16xi32>
      %gt3A_879 = arith.cmpf ogt, %gather3A_876, %select_n3A_871 : vector<16xf32>
      %gt3A_880 = arith.cmpf ogt, %gather3A_876, %select_n3A_868 : vector<16xf32>
      %select_n3A_881 = arith.select %gt3A_880, %gather3A_876, %select_n3A_868 : vector<16xi1>, vector<16xf32>
      %select_n3A_882 = arith.select %gt3A_879, %select_n3A_871, %select_n3A_881 : vector<16xi1>, vector<16xf32>
      %select_n3A_883 = arith.select %gt3A_880, %broadcast_in_dim3A_878, %select_n3A_870 : vector<16xi1>, vector<16xi32>
      %select_n3A_884 = arith.select %gt3A_879, %select_n3A_872, %select_n3A_883 : vector<16xi1>, vector<16xi32>
      %select_n3A_885 = arith.select %gt3A_879, %gather3A_876, %select_n3A_871 : vector<16xi1>, vector<16xf32>
      %select_n3A_886 = arith.select %gt3A_879, %broadcast_in_dim3A_878, %select_n3A_872 : vector<16xi1>, vector<16xi32>
      %add3A_887 = arith.constant 33 : i32
      %add3A_888 = vector.broadcast %add3A_887 : i32 to vector<16xi32>
      %add3A_889 = arith.addi %mul3A_44, %add3A_888 : vector<16xi32>
      %gather3A_890 = tpu.vector_load_idx %arg5[%add3A_889] : memref<32768xf32, #tpu.memory_space<vmem>>[vector<16xi32>], vector<16xf32>,
      %broadcast_in_dim3A_891 = arith.constant 33 : i32
      %broadcast_in_dim3A_892 = vector.broadcast %broadcast_in_dim3A_891 : i32 to vector<16xi32>
      %gt3A_893 = arith.cmpf ogt, %gather3A_890, %select_n3A_885 : vector<16xf32>
      %gt3A_894 = arith.cmpf ogt, %gather3A_890, %select_n3A_882 : vector<16xf32>
      %select_n3A_895 = arith.select %gt3A_894, %gather3A_890, %select_n3A_882 : vector<16xi1>, vector<16xf32>
      %select_n3A_896 = arith.select %gt3A_893, %select_n3A_885, %select_n3A_895 : vector<16xi1>, vector<16xf32>
      %select_n3A_897 = arith.select %gt3A_894, %broadcast_in_dim3A_892, %select_n3A_884 : vector<16xi1>, vector<16xi32>
      %select_n3A_898 = arith.select %gt3A_893, %select_n3A_886, %select_n3A_897 : vector<16xi1>, vector<16xi32>
      %select_n3A_899 = arith.select %gt3A_893, %gather3A_890, %select_n3A_885 : vector<16xi1>, vector<16xf32>
      %select_n3A_900 = arith.select %gt3A_893, %broadcast_in_dim3A_892, %select_n3A_886 : vector<16xi1>, vector<16xi32>
      %add3A_901 = arith.constant 34 : i32
      %add3A_902 = vector.broadcast %add3A_901 : i32 to vector<16xi32>
      %add3A_903 = arith.addi %mul3A_44, %add3A_902 : vector<16xi32>
      %gather3A_904 = tpu.vector_load_idx %arg5[%add3A_903] : memref<32768xf32, #tpu.memory_space<vmem>>[vector<16xi32>], vector<16xf32>,
      %broadcast_in_dim3A_905 = arith.constant 34 : i32
      %broadcast_in_dim3A_906 = vector.broadcast %broadcast_in_dim3A_905 : i32 to vector<16xi32>
      %gt3A_907 = arith.cmpf ogt, %gather3A_904, %select_n3A_899 : vector<16xf32>
      %gt3A_908 = arith.cmpf ogt, %gather3A_904, %select_n3A_896 : vector<16xf32>
      %select_n3A_909 = arith.select %gt3A_908, %gather3A_904, %select_n3A_896 : vector<16xi1>, vector<16xf32>
      %select_n3A_910 = arith.select %gt3A_907, %select_n3A_899, %select_n3A_909 : vector<16xi1>, vector<16xf32>
      %select_n3A_911 = arith.select %gt3A_908, %broadcast_in_dim3A_906, %select_n3A_898 : vector<16xi1>, vector<16xi32>
      %select_n3A_912 = arith.select %gt3A_907, %select_n3A_900, %select_n3A_911 : vector<16xi1>, vector<16xi32>
      %select_n3A_913 = arith.select %gt3A_907, %gather3A_904, %select_n3A_899 : vector<16xi1>, vector<16xf32>
      %select_n3A_914 = arith.select %gt3A_907, %broadcast_in_dim3A_906, %select_n3A_900 : vector<16xi1>, vector<16xi32>
      %add3A_915 = arith.constant 35 : i32
      %add3A_916 = vector.broadcast %add3A_915 : i32 to vector<16xi32>
      %add3A_917 = arith.addi %mul3A_44, %add3A_916 : vector<16xi32>
      %gather3A_918 = tpu.vector_load_idx %arg5[%add3A_917] : memref<32768xf32, #tpu.memory_space<vmem>>[vector<16xi32>], vector<16xf32>,
      %broadcast_in_dim3A_919 = arith.constant 35 : i32
      %broadcast_in_dim3A_920 = vector.broadcast %broadcast_in_dim3A_919 : i32 to vector<16xi32>
      %gt3A_921 = arith.cmpf ogt, %gather3A_918, %select_n3A_913 : vector<16xf32>
      %gt3A_922 = arith.cmpf ogt, %gather3A_918, %select_n3A_910 : vector<16xf32>
      %select_n3A_923 = arith.select %gt3A_922, %gather3A_918, %select_n3A_910 : vector<16xi1>, vector<16xf32>
      %select_n3A_924 = arith.select %gt3A_921, %select_n3A_913, %select_n3A_923 : vector<16xi1>, vector<16xf32>
      %select_n3A_925 = arith.select %gt3A_922, %broadcast_in_dim3A_920, %select_n3A_912 : vector<16xi1>, vector<16xi32>
      %select_n3A_926 = arith.select %gt3A_921, %select_n3A_914, %select_n3A_925 : vector<16xi1>, vector<16xi32>
      %select_n3A_927 = arith.select %gt3A_921, %gather3A_918, %select_n3A_913 : vector<16xi1>, vector<16xf32>
      %select_n3A_928 = arith.select %gt3A_921, %broadcast_in_dim3A_920, %select_n3A_914 : vector<16xi1>, vector<16xi32>
      %add3A_929 = arith.constant 36 : i32
      %add3A_930 = vector.broadcast %add3A_929 : i32 to vector<16xi32>
      %add3A_931 = arith.addi %mul3A_44, %add3A_930 : vector<16xi32>
      %gather3A_932 = tpu.vector_load_idx %arg5[%add3A_931] : memref<32768xf32, #tpu.memory_space<vmem>>[vector<16xi32>], vector<16xf32>,
      %broadcast_in_dim3A_933 = arith.constant 36 : i32
      %broadcast_in_dim3A_934 = vector.broadcast %broadcast_in_dim3A_933 : i32 to vector<16xi32>
      %gt3A_935 = arith.cmpf ogt, %gather3A_932, %select_n3A_927 : vector<16xf32>
      %gt3A_936 = arith.cmpf ogt, %gather3A_932, %select_n3A_924 : vector<16xf32>
      %select_n3A_937 = arith.select %gt3A_936, %gather3A_932, %select_n3A_924 : vector<16xi1>, vector<16xf32>
      %select_n3A_938 = arith.select %gt3A_935, %select_n3A_927, %select_n3A_937 : vector<16xi1>, vector<16xf32>
      %select_n3A_939 = arith.select %gt3A_936, %broadcast_in_dim3A_934, %select_n3A_926 : vector<16xi1>, vector<16xi32>
      %select_n3A_940 = arith.select %gt3A_935, %select_n3A_928, %select_n3A_939 : vector<16xi1>, vector<16xi32>
      %select_n3A_941 = arith.select %gt3A_935, %gather3A_932, %select_n3A_927 : vector<16xi1>, vector<16xf32>
      %select_n3A_942 = arith.select %gt3A_935, %broadcast_in_dim3A_934, %select_n3A_928 : vector<16xi1>, vector<16xi32>
      %add3A_943 = arith.constant 37 : i32
      %add3A_944 = vector.broadcast %add3A_943 : i32 to vector<16xi32>
      %add3A_945 = arith.addi %mul3A_44, %add3A_944 : vector<16xi32>
      %gather3A_946 = tpu.vector_load_idx %arg5[%add3A_945] : memref<32768xf32, #tpu.memory_space<vmem>>[vector<16xi32>], vector<16xf32>,
      %broadcast_in_dim3A_947 = arith.constant 37 : i32
      %broadcast_in_dim3A_948 = vector.broadcast %broadcast_in_dim3A_947 : i32 to vector<16xi32>
      %gt3A_949 = arith.cmpf ogt, %gather3A_946, %select_n3A_941 : vector<16xf32>
      %gt3A_950 = arith.cmpf ogt, %gather3A_946, %select_n3A_938 : vector<16xf32>
      %select_n3A_951 = arith.select %gt3A_950, %gather3A_946, %select_n3A_938 : vector<16xi1>, vector<16xf32>
      %select_n3A_952 = arith.select %gt3A_949, %select_n3A_941, %select_n3A_951 : vector<16xi1>, vector<16xf32>
      %select_n3A_953 = arith.select %gt3A_950, %broadcast_in_dim3A_948, %select_n3A_940 : vector<16xi1>, vector<16xi32>
      %select_n3A_954 = arith.select %gt3A_949, %select_n3A_942, %select_n3A_953 : vector<16xi1>, vector<16xi32>
      %select_n3A_955 = arith.select %gt3A_949, %gather3A_946, %select_n3A_941 : vector<16xi1>, vector<16xf32>
      %select_n3A_956 = arith.select %gt3A_949, %broadcast_in_dim3A_948, %select_n3A_942 : vector<16xi1>, vector<16xi32>
      %add3A_957 = arith.constant 38 : i32
      %add3A_958 = vector.broadcast %add3A_957 : i32 to vector<16xi32>
      %add3A_959 = arith.addi %mul3A_44, %add3A_958 : vector<16xi32>
      %gather3A_960 = tpu.vector_load_idx %arg5[%add3A_959] : memref<32768xf32, #tpu.memory_space<vmem>>[vector<16xi32>], vector<16xf32>,
      %broadcast_in_dim3A_961 = arith.constant 38 : i32
      %broadcast_in_dim3A_962 = vector.broadcast %broadcast_in_dim3A_961 : i32 to vector<16xi32>
      %gt3A_963 = arith.cmpf ogt, %gather3A_960, %select_n3A_955 : vector<16xf32>
      %gt3A_964 = arith.cmpf ogt, %gather3A_960, %select_n3A_952 : vector<16xf32>
      %select_n3A_965 = arith.select %gt3A_964, %gather3A_960, %select_n3A_952 : vector<16xi1>, vector<16xf32>
      %select_n3A_966 = arith.select %gt3A_963, %select_n3A_955, %select_n3A_965 : vector<16xi1>, vector<16xf32>
      %select_n3A_967 = arith.select %gt3A_964, %broadcast_in_dim3A_962, %select_n3A_954 : vector<16xi1>, vector<16xi32>
      %select_n3A_968 = arith.select %gt3A_963, %select_n3A_956, %select_n3A_967 : vector<16xi1>, vector<16xi32>
      %select_n3A_969 = arith.select %gt3A_963, %gather3A_960, %select_n3A_955 : vector<16xi1>, vector<16xf32>
      %select_n3A_970 = arith.select %gt3A_963, %broadcast_in_dim3A_962, %select_n3A_956 : vector<16xi1>, vector<16xi32>
      %add3A_971 = arith.constant 39 : i32
      %add3A_972 = vector.broadcast %add3A_971 : i32 to vector<16xi32>
      %add3A_973 = arith.addi %mul3A_44, %add3A_972 : vector<16xi32>
      %gather3A_974 = tpu.vector_load_idx %arg5[%add3A_973] : memref<32768xf32, #tpu.memory_space<vmem>>[vector<16xi32>], vector<16xf32>,
      %broadcast_in_dim3A_975 = arith.constant 39 : i32
      %broadcast_in_dim3A_976 = vector.broadcast %broadcast_in_dim3A_975 : i32 to vector<16xi32>
      %gt3A_977 = arith.cmpf ogt, %gather3A_974, %select_n3A_969 : vector<16xf32>
      %gt3A_978 = arith.cmpf ogt, %gather3A_974, %select_n3A_966 : vector<16xf32>
      %select_n3A_979 = arith.select %gt3A_978, %gather3A_974, %select_n3A_966 : vector<16xi1>, vector<16xf32>
      %select_n3A_980 = arith.select %gt3A_977, %select_n3A_969, %select_n3A_979 : vector<16xi1>, vector<16xf32>
      %select_n3A_981 = arith.select %gt3A_978, %broadcast_in_dim3A_976, %select_n3A_968 : vector<16xi1>, vector<16xi32>
      %select_n3A_982 = arith.select %gt3A_977, %select_n3A_970, %select_n3A_981 : vector<16xi1>, vector<16xi32>
      %select_n3A_983 = arith.select %gt3A_977, %gather3A_974, %select_n3A_969 : vector<16xi1>, vector<16xf32>
      %select_n3A_984 = arith.select %gt3A_977, %broadcast_in_dim3A_976, %select_n3A_970 : vector<16xi1>, vector<16xi32>
      %add3A_985 = arith.constant 40 : i32
      %add3A_986 = vector.broadcast %add3A_985 : i32 to vector<16xi32>
      %add3A_987 = arith.addi %mul3A_44, %add3A_986 : vector<16xi32>
      %gather3A_988 = tpu.vector_load_idx %arg5[%add3A_987] : memref<32768xf32, #tpu.memory_space<vmem>>[vector<16xi32>], vector<16xf32>,
      %broadcast_in_dim3A_989 = arith.constant 40 : i32
      %broadcast_in_dim3A_990 = vector.broadcast %broadcast_in_dim3A_989 : i32 to vector<16xi32>
      %gt3A_991 = arith.cmpf ogt, %gather3A_988, %select_n3A_983 : vector<16xf32>
      %gt3A_992 = arith.cmpf ogt, %gather3A_988, %select_n3A_980 : vector<16xf32>
      %select_n3A_993 = arith.select %gt3A_992, %gather3A_988, %select_n3A_980 : vector<16xi1>, vector<16xf32>
      %select_n3A_994 = arith.select %gt3A_991, %select_n3A_983, %select_n3A_993 : vector<16xi1>, vector<16xf32>
      %select_n3A_995 = arith.select %gt3A_992, %broadcast_in_dim3A_990, %select_n3A_982 : vector<16xi1>, vector<16xi32>
      %select_n3A_996 = arith.select %gt3A_991, %select_n3A_984, %select_n3A_995 : vector<16xi1>, vector<16xi32>
      %select_n3A_997 = arith.select %gt3A_991, %gather3A_988, %select_n3A_983 : vector<16xi1>, vector<16xf32>
      %select_n3A_998 = arith.select %gt3A_991, %broadcast_in_dim3A_990, %select_n3A_984 : vector<16xi1>, vector<16xi32>
      %add3A_999 = arith.constant 41 : i32
      %add3A_1000 = vector.broadcast %add3A_999 : i32 to vector<16xi32>
      %add3A_1001 = arith.addi %mul3A_44, %add3A_1000 : vector<16xi32>
      %gather3A_1002 = tpu.vector_load_idx %arg5[%add3A_1001] : memref<32768xf32, #tpu.memory_space<vmem>>[vector<16xi32>], vector<16xf32>,
      %broadcast_in_dim3A_1003 = arith.constant 41 : i32
      %broadcast_in_dim3A_1004 = vector.broadcast %broadcast_in_dim3A_1003 : i32 to vector<16xi32>
      %gt3A_1005 = arith.cmpf ogt, %gather3A_1002, %select_n3A_997 : vector<16xf32>
      %gt3A_1006 = arith.cmpf ogt, %gather3A_1002, %select_n3A_994 : vector<16xf32>
      %select_n3A_1007 = arith.select %gt3A_1006, %gather3A_1002, %select_n3A_994 : vector<16xi1>, vector<16xf32>
      %select_n3A_1008 = arith.select %gt3A_1005, %select_n3A_997, %select_n3A_1007 : vector<16xi1>, vector<16xf32>
      %select_n3A_1009 = arith.select %gt3A_1006, %broadcast_in_dim3A_1004, %select_n3A_996 : vector<16xi1>, vector<16xi32>
      %select_n3A_1010 = arith.select %gt3A_1005, %select_n3A_998, %select_n3A_1009 : vector<16xi1>, vector<16xi32>
      %select_n3A_1011 = arith.select %gt3A_1005, %gather3A_1002, %select_n3A_997 : vector<16xi1>, vector<16xf32>
      %select_n3A_1012 = arith.select %gt3A_1005, %broadcast_in_dim3A_1004, %select_n3A_998 : vector<16xi1>, vector<16xi32>
      %add3A_1013 = arith.constant 42 : i32
      %add3A_1014 = vector.broadcast %add3A_1013 : i32 to vector<16xi32>
      %add3A_1015 = arith.addi %mul3A_44, %add3A_1014 : vector<16xi32>
      %gather3A_1016 = tpu.vector_load_idx %arg5[%add3A_1015] : memref<32768xf32, #tpu.memory_space<vmem>>[vector<16xi32>], vector<16xf32>,
      %broadcast_in_dim3A_1017 = arith.constant 42 : i32
      %broadcast_in_dim3A_1018 = vector.broadcast %broadcast_in_dim3A_1017 : i32 to vector<16xi32>
      %gt3A_1019 = arith.cmpf ogt, %gather3A_1016, %select_n3A_1011 : vector<16xf32>
      %gt3A_1020 = arith.cmpf ogt, %gather3A_1016, %select_n3A_1008 : vector<16xf32>
      %select_n3A_1021 = arith.select %gt3A_1020, %gather3A_1016, %select_n3A_1008 : vector<16xi1>, vector<16xf32>
      %select_n3A_1022 = arith.select %gt3A_1019, %select_n3A_1011, %select_n3A_1021 : vector<16xi1>, vector<16xf32>
      %select_n3A_1023 = arith.select %gt3A_1020, %broadcast_in_dim3A_1018, %select_n3A_1010 : vector<16xi1>, vector<16xi32>
      %select_n3A_1024 = arith.select %gt3A_1019, %select_n3A_1012, %select_n3A_1023 : vector<16xi1>, vector<16xi32>
      %select_n3A_1025 = arith.select %gt3A_1019, %gather3A_1016, %select_n3A_1011 : vector<16xi1>, vector<16xf32>
      %select_n3A_1026 = arith.select %gt3A_1019, %broadcast_in_dim3A_1018, %select_n3A_1012 : vector<16xi1>, vector<16xi32>
      %add3A_1027 = arith.constant 43 : i32
      %add3A_1028 = vector.broadcast %add3A_1027 : i32 to vector<16xi32>
      %add3A_1029 = arith.addi %mul3A_44, %add3A_1028 : vector<16xi32>
      %gather3A_1030 = tpu.vector_load_idx %arg5[%add3A_1029] : memref<32768xf32, #tpu.memory_space<vmem>>[vector<16xi32>], vector<16xf32>,
      %broadcast_in_dim3A_1031 = arith.constant 43 : i32
      %broadcast_in_dim3A_1032 = vector.broadcast %broadcast_in_dim3A_1031 : i32 to vector<16xi32>
      %gt3A_1033 = arith.cmpf ogt, %gather3A_1030, %select_n3A_1025 : vector<16xf32>
      %gt3A_1034 = arith.cmpf ogt, %gather3A_1030, %select_n3A_1022 : vector<16xf32>
      %select_n3A_1035 = arith.select %gt3A_1034, %gather3A_1030, %select_n3A_1022 : vector<16xi1>, vector<16xf32>
      %select_n3A_1036 = arith.select %gt3A_1033, %select_n3A_1025, %select_n3A_1035 : vector<16xi1>, vector<16xf32>
      %select_n3A_1037 = arith.select %gt3A_1034, %broadcast_in_dim3A_1032, %select_n3A_1024 : vector<16xi1>, vector<16xi32>
      %select_n3A_1038 = arith.select %gt3A_1033, %select_n3A_1026, %select_n3A_1037 : vector<16xi1>, vector<16xi32>
      %select_n3A_1039 = arith.select %gt3A_1033, %gather3A_1030, %select_n3A_1025 : vector<16xi1>, vector<16xf32>
      %select_n3A_1040 = arith.select %gt3A_1033, %broadcast_in_dim3A_1032, %select_n3A_1026 : vector<16xi1>, vector<16xi32>
      %add3A_1041 = arith.constant 44 : i32
      %add3A_1042 = vector.broadcast %add3A_1041 : i32 to vector<16xi32>
      %add3A_1043 = arith.addi %mul3A_44, %add3A_1042 : vector<16xi32>
      %gather3A_1044 = tpu.vector_load_idx %arg5[%add3A_1043] : memref<32768xf32, #tpu.memory_space<vmem>>[vector<16xi32>], vector<16xf32>,
      %broadcast_in_dim3A_1045 = arith.constant 44 : i32
      %broadcast_in_dim3A_1046 = vector.broadcast %broadcast_in_dim3A_1045 : i32 to vector<16xi32>
      %gt3A_1047 = arith.cmpf ogt, %gather3A_1044, %select_n3A_1039 : vector<16xf32>
      %gt3A_1048 = arith.cmpf ogt, %gather3A_1044, %select_n3A_1036 : vector<16xf32>
      %select_n3A_1049 = arith.select %gt3A_1048, %gather3A_1044, %select_n3A_1036 : vector<16xi1>, vector<16xf32>
      %select_n3A_1050 = arith.select %gt3A_1047, %select_n3A_1039, %select_n3A_1049 : vector<16xi1>, vector<16xf32>
      %select_n3A_1051 = arith.select %gt3A_1048, %broadcast_in_dim3A_1046, %select_n3A_1038 : vector<16xi1>, vector<16xi32>
      %select_n3A_1052 = arith.select %gt3A_1047, %select_n3A_1040, %select_n3A_1051 : vector<16xi1>, vector<16xi32>
      %select_n3A_1053 = arith.select %gt3A_1047, %gather3A_1044, %select_n3A_1039 : vector<16xi1>, vector<16xf32>
      %select_n3A_1054 = arith.select %gt3A_1047, %broadcast_in_dim3A_1046, %select_n3A_1040 : vector<16xi1>, vector<16xi32>
      %add3A_1055 = arith.constant 45 : i32
      %add3A_1056 = vector.broadcast %add3A_1055 : i32 to vector<16xi32>
      %add3A_1057 = arith.addi %mul3A_44, %add3A_1056 : vector<16xi32>
      %gather3A_1058 = tpu.vector_load_idx %arg5[%add3A_1057] : memref<32768xf32, #tpu.memory_space<vmem>>[vector<16xi32>], vector<16xf32>,
      %broadcast_in_dim3A_1059 = arith.constant 45 : i32
      %broadcast_in_dim3A_1060 = vector.broadcast %broadcast_in_dim3A_1059 : i32 to vector<16xi32>
      %gt3A_1061 = arith.cmpf ogt, %gather3A_1058, %select_n3A_1053 : vector<16xf32>
      %gt3A_1062 = arith.cmpf ogt, %gather3A_1058, %select_n3A_1050 : vector<16xf32>
      %select_n3A_1063 = arith.select %gt3A_1062, %gather3A_1058, %select_n3A_1050 : vector<16xi1>, vector<16xf32>
      %select_n3A_1064 = arith.select %gt3A_1061, %select_n3A_1053, %select_n3A_1063 : vector<16xi1>, vector<16xf32>
      %select_n3A_1065 = arith.select %gt3A_1062, %broadcast_in_dim3A_1060, %select_n3A_1052 : vector<16xi1>, vector<16xi32>
      %select_n3A_1066 = arith.select %gt3A_1061, %select_n3A_1054, %select_n3A_1065 : vector<16xi1>, vector<16xi32>
      %select_n3A_1067 = arith.select %gt3A_1061, %gather3A_1058, %select_n3A_1053 : vector<16xi1>, vector<16xf32>
      %select_n3A_1068 = arith.select %gt3A_1061, %broadcast_in_dim3A_1060, %select_n3A_1054 : vector<16xi1>, vector<16xi32>
      %add3A_1069 = arith.constant 46 : i32
      %add3A_1070 = vector.broadcast %add3A_1069 : i32 to vector<16xi32>
      %add3A_1071 = arith.addi %mul3A_44, %add3A_1070 : vector<16xi32>
      %gather3A_1072 = tpu.vector_load_idx %arg5[%add3A_1071] : memref<32768xf32, #tpu.memory_space<vmem>>[vector<16xi32>], vector<16xf32>,
      %broadcast_in_dim3A_1073 = arith.constant 46 : i32
      %broadcast_in_dim3A_1074 = vector.broadcast %broadcast_in_dim3A_1073 : i32 to vector<16xi32>
      %gt3A_1075 = arith.cmpf ogt, %gather3A_1072, %select_n3A_1067 : vector<16xf32>
      %gt3A_1076 = arith.cmpf ogt, %gather3A_1072, %select_n3A_1064 : vector<16xf32>
      %select_n3A_1077 = arith.select %gt3A_1076, %gather3A_1072, %select_n3A_1064 : vector<16xi1>, vector<16xf32>
      %select_n3A_1078 = arith.select %gt3A_1075, %select_n3A_1067, %select_n3A_1077 : vector<16xi1>, vector<16xf32>
      %select_n3A_1079 = arith.select %gt3A_1076, %broadcast_in_dim3A_1074, %select_n3A_1066 : vector<16xi1>, vector<16xi32>
      %select_n3A_1080 = arith.select %gt3A_1075, %select_n3A_1068, %select_n3A_1079 : vector<16xi1>, vector<16xi32>
      %select_n3A_1081 = arith.select %gt3A_1075, %gather3A_1072, %select_n3A_1067 : vector<16xi1>, vector<16xf32>
      %select_n3A_1082 = arith.select %gt3A_1075, %broadcast_in_dim3A_1074, %select_n3A_1068 : vector<16xi1>, vector<16xi32>
      %add3A_1083 = arith.constant 47 : i32
      %add3A_1084 = vector.broadcast %add3A_1083 : i32 to vector<16xi32>
      %add3A_1085 = arith.addi %mul3A_44, %add3A_1084 : vector<16xi32>
      %gather3A_1086 = tpu.vector_load_idx %arg5[%add3A_1085] : memref<32768xf32, #tpu.memory_space<vmem>>[vector<16xi32>], vector<16xf32>,
      %broadcast_in_dim3A_1087 = arith.constant 47 : i32
      %broadcast_in_dim3A_1088 = vector.broadcast %broadcast_in_dim3A_1087 : i32 to vector<16xi32>
      %gt3A_1089 = arith.cmpf ogt, %gather3A_1086, %select_n3A_1081 : vector<16xf32>
      %gt3A_1090 = arith.cmpf ogt, %gather3A_1086, %select_n3A_1078 : vector<16xf32>
      %select_n3A_1091 = arith.select %gt3A_1090, %gather3A_1086, %select_n3A_1078 : vector<16xi1>, vector<16xf32>
      %select_n3A_1092 = arith.select %gt3A_1089, %select_n3A_1081, %select_n3A_1091 : vector<16xi1>, vector<16xf32>
      %select_n3A_1093 = arith.select %gt3A_1090, %broadcast_in_dim3A_1088, %select_n3A_1080 : vector<16xi1>, vector<16xi32>
      %select_n3A_1094 = arith.select %gt3A_1089, %select_n3A_1082, %select_n3A_1093 : vector<16xi1>, vector<16xi32>
      %select_n3A_1095 = arith.select %gt3A_1089, %gather3A_1086, %select_n3A_1081 : vector<16xi1>, vector<16xf32>
      %select_n3A_1096 = arith.select %gt3A_1089, %broadcast_in_dim3A_1088, %select_n3A_1082 : vector<16xi1>, vector<16xi32>
      %add3A_1097 = arith.constant 48 : i32
      %add3A_1098 = vector.broadcast %add3A_1097 : i32 to vector<16xi32>
      %add3A_1099 = arith.addi %mul3A_44, %add3A_1098 : vector<16xi32>
      %gather3A_1100 = tpu.vector_load_idx %arg5[%add3A_1099] : memref<32768xf32, #tpu.memory_space<vmem>>[vector<16xi32>], vector<16xf32>,
      %broadcast_in_dim3A_1101 = arith.constant 48 : i32
      %broadcast_in_dim3A_1102 = vector.broadcast %broadcast_in_dim3A_1101 : i32 to vector<16xi32>
      %gt3A_1103 = arith.cmpf ogt, %gather3A_1100, %select_n3A_1095 : vector<16xf32>
      %gt3A_1104 = arith.cmpf ogt, %gather3A_1100, %select_n3A_1092 : vector<16xf32>
      %select_n3A_1105 = arith.select %gt3A_1104, %gather3A_1100, %select_n3A_1092 : vector<16xi1>, vector<16xf32>
      %select_n3A_1106 = arith.select %gt3A_1103, %select_n3A_1095, %select_n3A_1105 : vector<16xi1>, vector<16xf32>
      %select_n3A_1107 = arith.select %gt3A_1104, %broadcast_in_dim3A_1102, %select_n3A_1094 : vector<16xi1>, vector<16xi32>
      %select_n3A_1108 = arith.select %gt3A_1103, %select_n3A_1096, %select_n3A_1107 : vector<16xi1>, vector<16xi32>
      %select_n3A_1109 = arith.select %gt3A_1103, %gather3A_1100, %select_n3A_1095 : vector<16xi1>, vector<16xf32>
      %select_n3A_1110 = arith.select %gt3A_1103, %broadcast_in_dim3A_1102, %select_n3A_1096 : vector<16xi1>, vector<16xi32>
      %add3A_1111 = arith.constant 49 : i32
      %add3A_1112 = vector.broadcast %add3A_1111 : i32 to vector<16xi32>
      %add3A_1113 = arith.addi %mul3A_44, %add3A_1112 : vector<16xi32>
      %gather3A_1114 = tpu.vector_load_idx %arg5[%add3A_1113] : memref<32768xf32, #tpu.memory_space<vmem>>[vector<16xi32>], vector<16xf32>,
      %broadcast_in_dim3A_1115 = arith.constant 49 : i32
      %broadcast_in_dim3A_1116 = vector.broadcast %broadcast_in_dim3A_1115 : i32 to vector<16xi32>
      %gt3A_1117 = arith.cmpf ogt, %gather3A_1114, %select_n3A_1109 : vector<16xf32>
      %gt3A_1118 = arith.cmpf ogt, %gather3A_1114, %select_n3A_1106 : vector<16xf32>
      %select_n3A_1119 = arith.select %gt3A_1118, %gather3A_1114, %select_n3A_1106 : vector<16xi1>, vector<16xf32>
      %select_n3A_1120 = arith.select %gt3A_1117, %select_n3A_1109, %select_n3A_1119 : vector<16xi1>, vector<16xf32>
      %select_n3A_1121 = arith.select %gt3A_1118, %broadcast_in_dim3A_1116, %select_n3A_1108 : vector<16xi1>, vector<16xi32>
      %select_n3A_1122 = arith.select %gt3A_1117, %select_n3A_1110, %select_n3A_1121 : vector<16xi1>, vector<16xi32>
      %select_n3A_1123 = arith.select %gt3A_1117, %gather3A_1114, %select_n3A_1109 : vector<16xi1>, vector<16xf32>
      %select_n3A_1124 = arith.select %gt3A_1117, %broadcast_in_dim3A_1116, %select_n3A_1110 : vector<16xi1>, vector<16xi32>
      %add3A_1125 = arith.constant 50 : i32
      %add3A_1126 = vector.broadcast %add3A_1125 : i32 to vector<16xi32>
      %add3A_1127 = arith.addi %mul3A_44, %add3A_1126 : vector<16xi32>
      %gather3A_1128 = tpu.vector_load_idx %arg5[%add3A_1127] : memref<32768xf32, #tpu.memory_space<vmem>>[vector<16xi32>], vector<16xf32>,
      %broadcast_in_dim3A_1129 = arith.constant 50 : i32
      %broadcast_in_dim3A_1130 = vector.broadcast %broadcast_in_dim3A_1129 : i32 to vector<16xi32>
      %gt3A_1131 = arith.cmpf ogt, %gather3A_1128, %select_n3A_1123 : vector<16xf32>
      %gt3A_1132 = arith.cmpf ogt, %gather3A_1128, %select_n3A_1120 : vector<16xf32>
      %select_n3A_1133 = arith.select %gt3A_1132, %gather3A_1128, %select_n3A_1120 : vector<16xi1>, vector<16xf32>
      %select_n3A_1134 = arith.select %gt3A_1131, %select_n3A_1123, %select_n3A_1133 : vector<16xi1>, vector<16xf32>
      %select_n3A_1135 = arith.select %gt3A_1132, %broadcast_in_dim3A_1130, %select_n3A_1122 : vector<16xi1>, vector<16xi32>
      %select_n3A_1136 = arith.select %gt3A_1131, %select_n3A_1124, %select_n3A_1135 : vector<16xi1>, vector<16xi32>
      %select_n3A_1137 = arith.select %gt3A_1131, %gather3A_1128, %select_n3A_1123 : vector<16xi1>, vector<16xf32>
      %select_n3A_1138 = arith.select %gt3A_1131, %broadcast_in_dim3A_1130, %select_n3A_1124 : vector<16xi1>, vector<16xi32>
      %add3A_1139 = arith.constant 51 : i32
      %add3A_1140 = vector.broadcast %add3A_1139 : i32 to vector<16xi32>
      %add3A_1141 = arith.addi %mul3A_44, %add3A_1140 : vector<16xi32>
      %gather3A_1142 = tpu.vector_load_idx %arg5[%add3A_1141] : memref<32768xf32, #tpu.memory_space<vmem>>[vector<16xi32>], vector<16xf32>,
      %broadcast_in_dim3A_1143 = arith.constant 51 : i32
      %broadcast_in_dim3A_1144 = vector.broadcast %broadcast_in_dim3A_1143 : i32 to vector<16xi32>
      %gt3A_1145 = arith.cmpf ogt, %gather3A_1142, %select_n3A_1137 : vector<16xf32>
      %gt3A_1146 = arith.cmpf ogt, %gather3A_1142, %select_n3A_1134 : vector<16xf32>
      %select_n3A_1147 = arith.select %gt3A_1146, %gather3A_1142, %select_n3A_1134 : vector<16xi1>, vector<16xf32>
      %select_n3A_1148 = arith.select %gt3A_1145, %select_n3A_1137, %select_n3A_1147 : vector<16xi1>, vector<16xf32>
      %select_n3A_1149 = arith.select %gt3A_1146, %broadcast_in_dim3A_1144, %select_n3A_1136 : vector<16xi1>, vector<16xi32>
      %select_n3A_1150 = arith.select %gt3A_1145, %select_n3A_1138, %select_n3A_1149 : vector<16xi1>, vector<16xi32>
      %select_n3A_1151 = arith.select %gt3A_1145, %gather3A_1142, %select_n3A_1137 : vector<16xi1>, vector<16xf32>
      %select_n3A_1152 = arith.select %gt3A_1145, %broadcast_in_dim3A_1144, %select_n3A_1138 : vector<16xi1>, vector<16xi32>
      %add3A_1153 = arith.constant 52 : i32
      %add3A_1154 = vector.broadcast %add3A_1153 : i32 to vector<16xi32>
      %add3A_1155 = arith.addi %mul3A_44, %add3A_1154 : vector<16xi32>
      %gather3A_1156 = tpu.vector_load_idx %arg5[%add3A_1155] : memref<32768xf32, #tpu.memory_space<vmem>>[vector<16xi32>], vector<16xf32>,
      %broadcast_in_dim3A_1157 = arith.constant 52 : i32
      %broadcast_in_dim3A_1158 = vector.broadcast %broadcast_in_dim3A_1157 : i32 to vector<16xi32>
      %gt3A_1159 = arith.cmpf ogt, %gather3A_1156, %select_n3A_1151 : vector<16xf32>
      %gt3A_1160 = arith.cmpf ogt, %gather3A_1156, %select_n3A_1148 : vector<16xf32>
      %select_n3A_1161 = arith.select %gt3A_1160, %gather3A_1156, %select_n3A_1148 : vector<16xi1>, vector<16xf32>
      %select_n3A_1162 = arith.select %gt3A_1159, %select_n3A_1151, %select_n3A_1161 : vector<16xi1>, vector<16xf32>
      %select_n3A_1163 = arith.select %gt3A_1160, %broadcast_in_dim3A_1158, %select_n3A_1150 : vector<16xi1>, vector<16xi32>
      %select_n3A_1164 = arith.select %gt3A_1159, %select_n3A_1152, %select_n3A_1163 : vector<16xi1>, vector<16xi32>
      %select_n3A_1165 = arith.select %gt3A_1159, %gather3A_1156, %select_n3A_1151 : vector<16xi1>, vector<16xf32>
      %select_n3A_1166 = arith.select %gt3A_1159, %broadcast_in_dim3A_1158, %select_n3A_1152 : vector<16xi1>, vector<16xi32>
      %add3A_1167 = arith.constant 53 : i32
      %add3A_1168 = vector.broadcast %add3A_1167 : i32 to vector<16xi32>
      %add3A_1169 = arith.addi %mul3A_44, %add3A_1168 : vector<16xi32>
      %gather3A_1170 = tpu.vector_load_idx %arg5[%add3A_1169] : memref<32768xf32, #tpu.memory_space<vmem>>[vector<16xi32>], vector<16xf32>,
      %broadcast_in_dim3A_1171 = arith.constant 53 : i32
      %broadcast_in_dim3A_1172 = vector.broadcast %broadcast_in_dim3A_1171 : i32 to vector<16xi32>
      %gt3A_1173 = arith.cmpf ogt, %gather3A_1170, %select_n3A_1165 : vector<16xf32>
      %gt3A_1174 = arith.cmpf ogt, %gather3A_1170, %select_n3A_1162 : vector<16xf32>
      %select_n3A_1175 = arith.select %gt3A_1174, %gather3A_1170, %select_n3A_1162 : vector<16xi1>, vector<16xf32>
      %select_n3A_1176 = arith.select %gt3A_1173, %select_n3A_1165, %select_n3A_1175 : vector<16xi1>, vector<16xf32>
      %select_n3A_1177 = arith.select %gt3A_1174, %broadcast_in_dim3A_1172, %select_n3A_1164 : vector<16xi1>, vector<16xi32>
      %select_n3A_1178 = arith.select %gt3A_1173, %select_n3A_1166, %select_n3A_1177 : vector<16xi1>, vector<16xi32>
      %select_n3A_1179 = arith.select %gt3A_1173, %gather3A_1170, %select_n3A_1165 : vector<16xi1>, vector<16xf32>
      %select_n3A_1180 = arith.select %gt3A_1173, %broadcast_in_dim3A_1172, %select_n3A_1166 : vector<16xi1>, vector<16xi32>
      %add3A_1181 = arith.constant 54 : i32
      %add3A_1182 = vector.broadcast %add3A_1181 : i32 to vector<16xi32>
      %add3A_1183 = arith.addi %mul3A_44, %add3A_1182 : vector<16xi32>
      %gather3A_1184 = tpu.vector_load_idx %arg5[%add3A_1183] : memref<32768xf32, #tpu.memory_space<vmem>>[vector<16xi32>], vector<16xf32>,
      %broadcast_in_dim3A_1185 = arith.constant 54 : i32
      %broadcast_in_dim3A_1186 = vector.broadcast %broadcast_in_dim3A_1185 : i32 to vector<16xi32>
      %gt3A_1187 = arith.cmpf ogt, %gather3A_1184, %select_n3A_1179 : vector<16xf32>
      %gt3A_1188 = arith.cmpf ogt, %gather3A_1184, %select_n3A_1176 : vector<16xf32>
      %select_n3A_1189 = arith.select %gt3A_1188, %gather3A_1184, %select_n3A_1176 : vector<16xi1>, vector<16xf32>
      %select_n3A_1190 = arith.select %gt3A_1187, %select_n3A_1179, %select_n3A_1189 : vector<16xi1>, vector<16xf32>
      %select_n3A_1191 = arith.select %gt3A_1188, %broadcast_in_dim3A_1186, %select_n3A_1178 : vector<16xi1>, vector<16xi32>
      %select_n3A_1192 = arith.select %gt3A_1187, %select_n3A_1180, %select_n3A_1191 : vector<16xi1>, vector<16xi32>
      %select_n3A_1193 = arith.select %gt3A_1187, %gather3A_1184, %select_n3A_1179 : vector<16xi1>, vector<16xf32>
      %select_n3A_1194 = arith.select %gt3A_1187, %broadcast_in_dim3A_1186, %select_n3A_1180 : vector<16xi1>, vector<16xi32>
      %add3A_1195 = arith.constant 55 : i32
      %add3A_1196 = vector.broadcast %add3A_1195 : i32 to vector<16xi32>
      %add3A_1197 = arith.addi %mul3A_44, %add3A_1196 : vector<16xi32>
      %gather3A_1198 = tpu.vector_load_idx %arg5[%add3A_1197] : memref<32768xf32, #tpu.memory_space<vmem>>[vector<16xi32>], vector<16xf32>,
      %broadcast_in_dim3A_1199 = arith.constant 55 : i32
      %broadcast_in_dim3A_1200 = vector.broadcast %broadcast_in_dim3A_1199 : i32 to vector<16xi32>
      %gt3A_1201 = arith.cmpf ogt, %gather3A_1198, %select_n3A_1193 : vector<16xf32>
      %gt3A_1202 = arith.cmpf ogt, %gather3A_1198, %select_n3A_1190 : vector<16xf32>
      %select_n3A_1203 = arith.select %gt3A_1202, %gather3A_1198, %select_n3A_1190 : vector<16xi1>, vector<16xf32>
      %select_n3A_1204 = arith.select %gt3A_1201, %select_n3A_1193, %select_n3A_1203 : vector<16xi1>, vector<16xf32>
      %select_n3A_1205 = arith.select %gt3A_1202, %broadcast_in_dim3A_1200, %select_n3A_1192 : vector<16xi1>, vector<16xi32>
      %select_n3A_1206 = arith.select %gt3A_1201, %select_n3A_1194, %select_n3A_1205 : vector<16xi1>, vector<16xi32>
      %select_n3A_1207 = arith.select %gt3A_1201, %gather3A_1198, %select_n3A_1193 : vector<16xi1>, vector<16xf32>
      %select_n3A_1208 = arith.select %gt3A_1201, %broadcast_in_dim3A_1200, %select_n3A_1194 : vector<16xi1>, vector<16xi32>
      %add3A_1209 = arith.constant 56 : i32
      %add3A_1210 = vector.broadcast %add3A_1209 : i32 to vector<16xi32>
      %add3A_1211 = arith.addi %mul3A_44, %add3A_1210 : vector<16xi32>
      %gather3A_1212 = tpu.vector_load_idx %arg5[%add3A_1211] : memref<32768xf32, #tpu.memory_space<vmem>>[vector<16xi32>], vector<16xf32>,
      %broadcast_in_dim3A_1213 = arith.constant 56 : i32
      %broadcast_in_dim3A_1214 = vector.broadcast %broadcast_in_dim3A_1213 : i32 to vector<16xi32>
      %gt3A_1215 = arith.cmpf ogt, %gather3A_1212, %select_n3A_1207 : vector<16xf32>
      %gt3A_1216 = arith.cmpf ogt, %gather3A_1212, %select_n3A_1204 : vector<16xf32>
      %select_n3A_1217 = arith.select %gt3A_1216, %gather3A_1212, %select_n3A_1204 : vector<16xi1>, vector<16xf32>
      %select_n3A_1218 = arith.select %gt3A_1215, %select_n3A_1207, %select_n3A_1217 : vector<16xi1>, vector<16xf32>
      %select_n3A_1219 = arith.select %gt3A_1216, %broadcast_in_dim3A_1214, %select_n3A_1206 : vector<16xi1>, vector<16xi32>
      %select_n3A_1220 = arith.select %gt3A_1215, %select_n3A_1208, %select_n3A_1219 : vector<16xi1>, vector<16xi32>
      %select_n3A_1221 = arith.select %gt3A_1215, %gather3A_1212, %select_n3A_1207 : vector<16xi1>, vector<16xf32>
      %select_n3A_1222 = arith.select %gt3A_1215, %broadcast_in_dim3A_1214, %select_n3A_1208 : vector<16xi1>, vector<16xi32>
      %add3A_1223 = arith.constant 57 : i32
      %add3A_1224 = vector.broadcast %add3A_1223 : i32 to vector<16xi32>
      %add3A_1225 = arith.addi %mul3A_44, %add3A_1224 : vector<16xi32>
      %gather3A_1226 = tpu.vector_load_idx %arg5[%add3A_1225] : memref<32768xf32, #tpu.memory_space<vmem>>[vector<16xi32>], vector<16xf32>,
      %broadcast_in_dim3A_1227 = arith.constant 57 : i32
      %broadcast_in_dim3A_1228 = vector.broadcast %broadcast_in_dim3A_1227 : i32 to vector<16xi32>
      %gt3A_1229 = arith.cmpf ogt, %gather3A_1226, %select_n3A_1221 : vector<16xf32>
      %gt3A_1230 = arith.cmpf ogt, %gather3A_1226, %select_n3A_1218 : vector<16xf32>
      %select_n3A_1231 = arith.select %gt3A_1230, %gather3A_1226, %select_n3A_1218 : vector<16xi1>, vector<16xf32>
      %select_n3A_1232 = arith.select %gt3A_1229, %select_n3A_1221, %select_n3A_1231 : vector<16xi1>, vector<16xf32>
      %select_n3A_1233 = arith.select %gt3A_1230, %broadcast_in_dim3A_1228, %select_n3A_1220 : vector<16xi1>, vector<16xi32>
      %select_n3A_1234 = arith.select %gt3A_1229, %select_n3A_1222, %select_n3A_1233 : vector<16xi1>, vector<16xi32>
      %select_n3A_1235 = arith.select %gt3A_1229, %gather3A_1226, %select_n3A_1221 : vector<16xi1>, vector<16xf32>
      %select_n3A_1236 = arith.select %gt3A_1229, %broadcast_in_dim3A_1228, %select_n3A_1222 : vector<16xi1>, vector<16xi32>
      %add3A_1237 = arith.constant 58 : i32
      %add3A_1238 = vector.broadcast %add3A_1237 : i32 to vector<16xi32>
      %add3A_1239 = arith.addi %mul3A_44, %add3A_1238 : vector<16xi32>
      %gather3A_1240 = tpu.vector_load_idx %arg5[%add3A_1239] : memref<32768xf32, #tpu.memory_space<vmem>>[vector<16xi32>], vector<16xf32>,
      %broadcast_in_dim3A_1241 = arith.constant 58 : i32
      %broadcast_in_dim3A_1242 = vector.broadcast %broadcast_in_dim3A_1241 : i32 to vector<16xi32>
      %gt3A_1243 = arith.cmpf ogt, %gather3A_1240, %select_n3A_1235 : vector<16xf32>
      %gt3A_1244 = arith.cmpf ogt, %gather3A_1240, %select_n3A_1232 : vector<16xf32>
      %select_n3A_1245 = arith.select %gt3A_1244, %gather3A_1240, %select_n3A_1232 : vector<16xi1>, vector<16xf32>
      %select_n3A_1246 = arith.select %gt3A_1243, %select_n3A_1235, %select_n3A_1245 : vector<16xi1>, vector<16xf32>
      %select_n3A_1247 = arith.select %gt3A_1244, %broadcast_in_dim3A_1242, %select_n3A_1234 : vector<16xi1>, vector<16xi32>
      %select_n3A_1248 = arith.select %gt3A_1243, %select_n3A_1236, %select_n3A_1247 : vector<16xi1>, vector<16xi32>
      %select_n3A_1249 = arith.select %gt3A_1243, %gather3A_1240, %select_n3A_1235 : vector<16xi1>, vector<16xf32>
      %select_n3A_1250 = arith.select %gt3A_1243, %broadcast_in_dim3A_1242, %select_n3A_1236 : vector<16xi1>, vector<16xi32>
      %add3A_1251 = arith.constant 59 : i32
      %add3A_1252 = vector.broadcast %add3A_1251 : i32 to vector<16xi32>
      %add3A_1253 = arith.addi %mul3A_44, %add3A_1252 : vector<16xi32>
      %gather3A_1254 = tpu.vector_load_idx %arg5[%add3A_1253] : memref<32768xf32, #tpu.memory_space<vmem>>[vector<16xi32>], vector<16xf32>,
      %broadcast_in_dim3A_1255 = arith.constant 59 : i32
      %broadcast_in_dim3A_1256 = vector.broadcast %broadcast_in_dim3A_1255 : i32 to vector<16xi32>
      %gt3A_1257 = arith.cmpf ogt, %gather3A_1254, %select_n3A_1249 : vector<16xf32>
      %gt3A_1258 = arith.cmpf ogt, %gather3A_1254, %select_n3A_1246 : vector<16xf32>
      %select_n3A_1259 = arith.select %gt3A_1258, %gather3A_1254, %select_n3A_1246 : vector<16xi1>, vector<16xf32>
      %select_n3A_1260 = arith.select %gt3A_1257, %select_n3A_1249, %select_n3A_1259 : vector<16xi1>, vector<16xf32>
      %select_n3A_1261 = arith.select %gt3A_1258, %broadcast_in_dim3A_1256, %select_n3A_1248 : vector<16xi1>, vector<16xi32>
      %select_n3A_1262 = arith.select %gt3A_1257, %select_n3A_1250, %select_n3A_1261 : vector<16xi1>, vector<16xi32>
      %select_n3A_1263 = arith.select %gt3A_1257, %gather3A_1254, %select_n3A_1249 : vector<16xi1>, vector<16xf32>
      %select_n3A_1264 = arith.select %gt3A_1257, %broadcast_in_dim3A_1256, %select_n3A_1250 : vector<16xi1>, vector<16xi32>
      %add3A_1265 = arith.constant 60 : i32
      %add3A_1266 = vector.broadcast %add3A_1265 : i32 to vector<16xi32>
      %add3A_1267 = arith.addi %mul3A_44, %add3A_1266 : vector<16xi32>
      %gather3A_1268 = tpu.vector_load_idx %arg5[%add3A_1267] : memref<32768xf32, #tpu.memory_space<vmem>>[vector<16xi32>], vector<16xf32>,
      %broadcast_in_dim3A_1269 = arith.constant 60 : i32
      %broadcast_in_dim3A_1270 = vector.broadcast %broadcast_in_dim3A_1269 : i32 to vector<16xi32>
      %gt3A_1271 = arith.cmpf ogt, %gather3A_1268, %select_n3A_1263 : vector<16xf32>
      %gt3A_1272 = arith.cmpf ogt, %gather3A_1268, %select_n3A_1260 : vector<16xf32>
      %select_n3A_1273 = arith.select %gt3A_1272, %gather3A_1268, %select_n3A_1260 : vector<16xi1>, vector<16xf32>
      %select_n3A_1274 = arith.select %gt3A_1271, %select_n3A_1263, %select_n3A_1273 : vector<16xi1>, vector<16xf32>
      %select_n3A_1275 = arith.select %gt3A_1272, %broadcast_in_dim3A_1270, %select_n3A_1262 : vector<16xi1>, vector<16xi32>
      %select_n3A_1276 = arith.select %gt3A_1271, %select_n3A_1264, %select_n3A_1275 : vector<16xi1>, vector<16xi32>
      %select_n3A_1277 = arith.select %gt3A_1271, %gather3A_1268, %select_n3A_1263 : vector<16xi1>, vector<16xf32>
      %select_n3A_1278 = arith.select %gt3A_1271, %broadcast_in_dim3A_1270, %select_n3A_1264 : vector<16xi1>, vector<16xi32>
      %add3A_1279 = arith.constant 61 : i32
      %add3A_1280 = vector.broadcast %add3A_1279 : i32 to vector<16xi32>
      %add3A_1281 = arith.addi %mul3A_44, %add3A_1280 : vector<16xi32>
      %gather3A_1282 = tpu.vector_load_idx %arg5[%add3A_1281] : memref<32768xf32, #tpu.memory_space<vmem>>[vector<16xi32>], vector<16xf32>,
      %broadcast_in_dim3A_1283 = arith.constant 61 : i32
      %broadcast_in_dim3A_1284 = vector.broadcast %broadcast_in_dim3A_1283 : i32 to vector<16xi32>
      %gt3A_1285 = arith.cmpf ogt, %gather3A_1282, %select_n3A_1277 : vector<16xf32>
      %gt3A_1286 = arith.cmpf ogt, %gather3A_1282, %select_n3A_1274 : vector<16xf32>
      %select_n3A_1287 = arith.select %gt3A_1286, %gather3A_1282, %select_n3A_1274 : vector<16xi1>, vector<16xf32>
      %select_n3A_1288 = arith.select %gt3A_1285, %select_n3A_1277, %select_n3A_1287 : vector<16xi1>, vector<16xf32>
      %select_n3A_1289 = arith.select %gt3A_1286, %broadcast_in_dim3A_1284, %select_n3A_1276 : vector<16xi1>, vector<16xi32>
      %select_n3A_1290 = arith.select %gt3A_1285, %select_n3A_1278, %select_n3A_1289 : vector<16xi1>, vector<16xi32>
      %select_n3A_1291 = arith.select %gt3A_1285, %gather3A_1282, %select_n3A_1277 : vector<16xi1>, vector<16xf32>
      %select_n3A_1292 = arith.select %gt3A_1285, %broadcast_in_dim3A_1284, %select_n3A_1278 : vector<16xi1>, vector<16xi32>
      %add3A_1293 = arith.constant 62 : i32
      %add3A_1294 = vector.broadcast %add3A_1293 : i32 to vector<16xi32>
      %add3A_1295 = arith.addi %mul3A_44, %add3A_1294 : vector<16xi32>
      %gather3A_1296 = tpu.vector_load_idx %arg5[%add3A_1295] : memref<32768xf32, #tpu.memory_space<vmem>>[vector<16xi32>], vector<16xf32>,
      %broadcast_in_dim3A_1297 = arith.constant 62 : i32
      %broadcast_in_dim3A_1298 = vector.broadcast %broadcast_in_dim3A_1297 : i32 to vector<16xi32>
      %gt3A_1299 = arith.cmpf ogt, %gather3A_1296, %select_n3A_1291 : vector<16xf32>
      %gt3A_1300 = arith.cmpf ogt, %gather3A_1296, %select_n3A_1288 : vector<16xf32>
      %select_n3A_1301 = arith.select %gt3A_1300, %gather3A_1296, %select_n3A_1288 : vector<16xi1>, vector<16xf32>
      %select_n3A_1302 = arith.select %gt3A_1299, %select_n3A_1291, %select_n3A_1301 : vector<16xi1>, vector<16xf32>
      %select_n3A_1303 = arith.select %gt3A_1300, %broadcast_in_dim3A_1298, %select_n3A_1290 : vector<16xi1>, vector<16xi32>
      %select_n3A_1304 = arith.select %gt3A_1299, %select_n3A_1292, %select_n3A_1303 : vector<16xi1>, vector<16xi32>
      %select_n3A_1305 = arith.select %gt3A_1299, %gather3A_1296, %select_n3A_1291 : vector<16xi1>, vector<16xf32>
      %select_n3A_1306 = arith.select %gt3A_1299, %broadcast_in_dim3A_1298, %select_n3A_1292 : vector<16xi1>, vector<16xi32>
      %add3A_1307 = arith.constant 63 : i32
      %add3A_1308 = vector.broadcast %add3A_1307 : i32 to vector<16xi32>
      %add3A_1309 = arith.addi %mul3A_44, %add3A_1308 : vector<16xi32>
      %gather3A_1310 = tpu.vector_load_idx %arg5[%add3A_1309] : memref<32768xf32, #tpu.memory_space<vmem>>[vector<16xi32>], vector<16xf32>,
      %broadcast_in_dim3A_1311 = arith.constant 63 : i32
      %broadcast_in_dim3A_1312 = vector.broadcast %broadcast_in_dim3A_1311 : i32 to vector<16xi32>
      %gt3A_1313 = arith.cmpf ogt, %gather3A_1310, %select_n3A_1305 : vector<16xf32>
      %gt3A_1314 = arith.cmpf ogt, %gather3A_1310, %select_n3A_1302 : vector<16xf32>
      %select_n3A_1315 = arith.select %gt3A_1314, %gather3A_1310, %select_n3A_1302 : vector<16xi1>, vector<16xf32>
      %select_n3A_1316 = arith.select %gt3A_1313, %select_n3A_1305, %select_n3A_1315 : vector<16xi1>, vector<16xf32>
      %select_n3A_1317 = arith.select %gt3A_1314, %broadcast_in_dim3A_1312, %select_n3A_1304 : vector<16xi1>, vector<16xi32>
      %select_n3A_1318 = arith.select %gt3A_1313, %select_n3A_1306, %select_n3A_1317 : vector<16xi1>, vector<16xi32>
      %select_n3A_1319 = arith.select %gt3A_1313, %gather3A_1310, %select_n3A_1305 : vector<16xi1>, vector<16xf32>
      %select_n3A_1320 = arith.select %gt3A_1313, %broadcast_in_dim3A_1312, %select_n3A_1306 : vector<16xi1>, vector<16xi32>
      %sub3A = arith.subf %select_n3A_1316, %select_n3A_1319 : vector<16xf32>
      %exp3A = math.exp %sub3A : vector<16xf32>
      %add3A_1321 = arith.constant 1.000000e+00 : f32
      %add3A_1322 = vector.broadcast %add3A_1321 : f32 to vector<16xf32>
      %add3A_1323 = arith.addf %add3A_1322, %exp3A : vector<16xf32>
      %div3A = arith.constant 1.000000e+00 : f32
      %div3A_1324 = vector.broadcast %div3A : f32 to vector<16xf32>
      %div3A_1325 = arith.divf %div3A_1324, %add3A_1323 : vector<16xf32>
      %div3A_1326 = arith.divf %exp3A, %add3A_1323 : vector<16xf32>
      %add3A_1327 = arith.addi %mul3A_44, %select_n3A_1320 : vector<16xi32>
      tpu.vector_store_idx %arg6[%add3A_1327], %div3A_1325 : memref<32768xf32, #tpu.memory_space<vmem>>[vector<16xi32>], vector<16xf32>,
      %add3A_1328 = arith.addi %mul3A_44, %select_n3A_1318 : vector<16xi32>
      tpu.vector_store_idx %arg6[%add3A_1328], %div3A_1326 : memref<32768xf32, #tpu.memory_space<vmem>>[vector<16xi32>], vector<16xf32>,
      %mul3A_1329 = arith.constant 16 : i32
      %mul3A_1330 = arith.muli %scan3A_37, %mul3A_1329 : i32
      %add3A_1331 = vector.broadcast %mul3A_1330 : i32 to vector<16xi32>
      %add3A_1332 = arith.addi %add3A_1331, %iota3A : vector<16xi32>
      %mul3A_1333 = arith.constant 2 : i32
      %mul3A_1334 = vector.broadcast %mul3A_1333 : i32 to vector<16xi32>
      %mul3A_1335 = arith.muli %add3A_1332, %mul3A_1334 : vector<16xi32>
      tpu.vector_store_idx %arg7[%mul3A_1335], %select_n3A_1320 : memref<1024xi32, #tpu.memory_space<vmem>>[vector<16xi32>], vector<16xi32>,
      %add3A_1336 = arith.constant 1 : i32
      %add3A_1337 = vector.broadcast %add3A_1336 : i32 to vector<16xi32>
      %add3A_1338 = arith.addi %mul3A_1335, %add3A_1337 : vector<16xi32>
      tpu.vector_store_idx %arg7[%add3A_1338], %select_n3A_1318 : memref<1024xi32, #tpu.memory_space<vmem>>[vector<16xi32>], vector<16xi32>,
    }
    %scan3A_32 = arith.constant 32 : i32
    %mul3A_33 = arith.constant 64 : i32
    %mul3A_34 = arith.muli %add3A_24, %mul3A_33 : i32
    "tpu.region"() ({
      %run_scoped3A = tpu.sem_alloc : memref<!tpu.dma_semaphore, #tpu.memory_space<semaphore_mem>>
      %dma_start3A = tpu.memref_slice %arg3[%mul3A_34] : memref<2097152xf32, #tpu.memory_space<hbm>> -> memref<32768xf32, #tpu.memory_space<hbm>>
      %dma_start3A_37 = tpu.memref_slice %arg3[%mul3A_34] : memref<2097152xf32, #tpu.memory_space<hbm>> -> memref<32768xf32, #tpu.memory_space<hbm>>
      tpu.enqueue_dma source(%arg6 : memref<32768xf32, #tpu.memory_space<vmem>>) target(%dma_start3A_37 : memref<32768xf32, #tpu.memory_space<hbm>>) target_semaphore(%run_scoped3A : memref<!tpu.dma_semaphore, #tpu.memory_space<semaphore_mem>>)
      %dma_wait3A = tpu.memref_slice %arg3[%mul3A_34] : memref<2097152xf32, #tpu.memory_space<hbm>> -> memref<32768xf32, #tpu.memory_space<hbm>>
      %dma_wait3A_38 = tpu.memref_slice %arg3[%mul3A_34] : memref<2097152xf32, #tpu.memory_space<hbm>> -> memref<32768xf32, #tpu.memory_space<hbm>>
      tpu.wait_dma2 semaphore(%run_scoped3A : memref<!tpu.dma_semaphore, #tpu.memory_space<semaphore_mem>>) src(%arg6 : memref<32768xf32, #tpu.memory_space<vmem>>) dst(%dma_wait3A_38 : memref<32768xf32, #tpu.memory_space<hbm>>)
      tpu.yield
    }) : () -> ()
    %mul3A_35 = arith.constant 2 : i32
    %mul3A_36 = arith.muli %add3A_24, %mul3A_35 : i32
    "tpu.region"() ({
      %run_scoped3A = tpu.sem_alloc : memref<!tpu.dma_semaphore, #tpu.memory_space<semaphore_mem>>
      %dma_start3A = tpu.memref_slice %arg4[%mul3A_36] : memref<65536xi32, #tpu.memory_space<hbm>> -> memref<1024xi32, #tpu.memory_space<hbm>>
      %dma_start3A_37 = tpu.memref_slice %arg4[%mul3A_36] : memref<65536xi32, #tpu.memory_space<hbm>> -> memref<1024xi32, #tpu.memory_space<hbm>>
      tpu.enqueue_dma source(%arg7 : memref<1024xi32, #tpu.memory_space<vmem>>) target(%dma_start3A_37 : memref<1024xi32, #tpu.memory_space<hbm>>) target_semaphore(%run_scoped3A : memref<!tpu.dma_semaphore, #tpu.memory_space<semaphore_mem>>)
      %dma_wait3A = tpu.memref_slice %arg4[%mul3A_36] : memref<65536xi32, #tpu.memory_space<hbm>> -> memref<1024xi32, #tpu.memory_space<hbm>>
      %dma_wait3A_38 = tpu.memref_slice %arg4[%mul3A_36] : memref<65536xi32, #tpu.memory_space<hbm>> -> memref<1024xi32, #tpu.memory_space<hbm>>
      tpu.wait_dma2 semaphore(%run_scoped3A : memref<!tpu.dma_semaphore, #tpu.memory_space<semaphore_mem>>) src(%arg7 : memref<1024xi32, #tpu.memory_space<vmem>>) dst(%dma_wait3A_38 : memref<1024xi32, #tpu.memory_space<hbm>>)
      tpu.yield
    }) : () -> ()
    return
  }
}

module attributes {stable_mosaic.version = 14 : i64} {
  func.func @_logits_block(%arg0: i32, %arg1: memref<4096x768xf32, #tpu.memory_space<vmem>>, %arg2: memref<768x64xf32, #tpu.memory_space<vmem>>, %arg3: memref<1x64xf32, #tpu.memory_space<vmem>>, %arg4: memref<4096x64xf32, #tpu.memory_space<vmem>>) attributes {dimension_semantics = [#tpu.dimension_semantics<arbitrary>], iteration_bounds = array<i64: 8>, scalar_prefetch = 0 : i64, scratch_operands = 0 : i64, tpu.core_type = #tpu.core_type<tc>, window_params = [{transform_indices = @transform_0, window_bounds = array<i64: 4096, 768>}, {pipeline_mode = #tpu.pipeline_mode<synchronous>, transform_indices = @transform_1, window_bounds = array<i64: 768, 64>}, {pipeline_mode = #tpu.pipeline_mode<synchronous>, transform_indices = @transform_2, window_bounds = array<i64: 1, 64>}, {transform_indices = @transform_3, window_bounds = array<i64: 4096, 64>}]} {
    %get3A = arith.constant 0 : index
    %get3A_0 = arith.constant 0 : index
    %get3A_1 = vector.load %arg1[%get3A, %get3A_0] : memref<4096x768xf32, #tpu.memory_space<vmem>>, vector<4096x768xf32>
    %get3A_2 = arith.constant 0 : index
    %get3A_3 = arith.constant 0 : index
    %get3A_4 = vector.load %arg2[%get3A_2, %get3A_3] : memref<768x64xf32, #tpu.memory_space<vmem>>, vector<768x64xf32>
    %dot_general3A = arith.constant dense<0.000000e+00> : vector<4096x64xf32>
    %dot_general3A_5 = tpu.matmul %get3A_1, %get3A_4, %dot_general3A {dimension_numbers = #tpu.dot_dimension_numbers<[1], [0], [0], [1], [0, 0, 1, 1], [], []>, transpose_lhs_hint = false} : vector<4096x768xf32>, vector<768x64xf32>, vector<4096x64xf32> -> vector<4096x64xf32>
    %get3A_6 = arith.constant 0 : index
    %get3A_7 = arith.constant 0 : index
    %get3A_8 = vector.load %arg3[%get3A_6, %get3A_7] : memref<1x64xf32, #tpu.memory_space<vmem>>, vector<1x64xf32>
    %add3A = vector.broadcast %get3A_8 : vector<1x64xf32> to vector<4096x64xf32>
    %add3A_9 = arith.addf %dot_general3A_5, %add3A : vector<4096x64xf32>
    %swap3A = arith.constant 0 : index
    %swap3A_10 = arith.constant 0 : index
    %swap3A_11 = vector.load %arg4[%swap3A, %swap3A_10] : memref<4096x64xf32, #tpu.memory_space<vmem>>, vector<4096x64xf32>
    tpu.vector_store %arg4[%swap3A, %swap3A_10], %add3A_9 {strides = array<i32>} : memref<4096x64xf32, #tpu.memory_space<vmem>>, vector<4096x64xf32>,
    return
  }
  func.func @transform_0(%arg0: i32) -> (i32, i32) {
    %c0_i32 = arith.constant 0 : i32
    %c0_i32_0 = arith.constant 0 : i32
    return %arg0, %c0_i32 : i32, i32
  }
  func.func @transform_1(%arg0: i32) -> (i32, i32) {
    %c0_i32 = arith.constant 0 : i32
    %c0_i32_0 = arith.constant 0 : i32
    %c0_i32_1 = arith.constant 0 : i32
    return %c0_i32, %c0_i32_0 : i32, i32
  }
  func.func @transform_2(%arg0: i32) -> (i32, i32) {
    %c0_i32 = arith.constant 0 : i32
    %c0_i32_0 = arith.constant 0 : i32
    %c0_i32_1 = arith.constant 0 : i32
    return %c0_i32, %c0_i32_0 : i32, i32
  }
  func.func @transform_3(%arg0: i32) -> (i32, i32) {
    %c0_i32 = arith.constant 0 : i32
    %c0_i32_0 = arith.constant 0 : i32
    return %arg0, %c0_i32 : i32, i32
  }
}

</mosaic_0001>

<sc_bundles>
// kernel: kernel.4.cloned.1.call-start
scs
__scs_entry_jumppad:
0x0: {  	(pc) =	sbr.rel $0x88, $3  }
0x1: {  	(tag) =	ssettag $0x0;
	lr =	simm.s32 $0x1  }
0x2: {  	[smem:$0x3F9E] =	sst lr;
	_ =	strace $0xD0000000  }
0x3: {  	_ = 	snop  }
0x4: {  	_ = 	snop  }
0x5: {  	_ = 	snop  }
0x6: {  	_ = 	snop  }
0x7: {  	_ = 	snop  }
__scs_overlays_trampoline_lowered:
0x8: {  	[smem:$0x3FAD] =	sst s0  }
0x9: {  	[smem:$0x3FAE] =	sst s1  }
0xa: {  	[smem:$0x3FAF] =	sst s2  }
0xb: {  	[smem:$0x3FB0] =	sst s3  }
0xc: {  	[smem:$0x3FB1] =	sst s4  }
0xd: {  	[smem:$0x3FB2] =	sst s5  }
0xe: {  	[smem:$0x3FB3] =	sst s6  }
0xf: {  	[smem:$0x3FB4] =	sst s7  }
0x10: {  	[smem:$0x3FB5] =	sst s8  }
0x11: {  	[smem:$0x3FB6] =	sst s9;
	s0 =	simm.s32 @!p0 $0x0  }
0x12: {  	s1 =	sld [smem:$0x3F9C];
	s0 =	simm.s32 @p0 $0x1  }
0x13: {  	[smem:$0x3FB7] =	sst s0;
	s0 =	simm.s32 @!p1 $0x0  }
0x14: {  	s2 =	sld [smem:$0x3F9B];
	s0 =	simm.s32 @p1 $0x1  }
0x15: {  	[smem:$0x3FB8] =	sst s0;
	s0 =	simm.s32 @!p2 $0x0  }
0x16: {  	s3 =	sld [smem:$0x3FDB];
	s0 =	simm.s32 @p2 $0x1  }
0x17: {  	s4 =	simm.s32 $0x1BF5;
	[smem:$0x3FBA] =	sst s0  }
0x18: {  	s0 =	sld [smem:$0x3F9D];
	_ =	swait.ge [sflag:s4], $0x0  }
0x19: {  	s7 =	sld [smem:$0x3F9E]  }
0x1a: {  	s8 =	sadd.s32 $0xFFFFE003, lr  }
0x1b: {  	s9 =	sadd.s32 $0xFFFFFEF7, lr;
	s5 =	simm.s32 $0xFFFFFFFF;
	p2 =	slt.u32 s8, $0xFFFFF086  }
0x1c: {  	p1 =	slt.u32 s9, $0xF7A;
	s5 =	simm.s32 @!p2 $0x0  }
0x1d: {  	s5 =	simm.s32 @p1 $0x1;
	p0 =	seq.s32 s7, s2  }
0x1e: {  	s7 =	smul.u32 @!p0 $0xF7A, s2;
	p2 =	seq.s32 @!p0 s5, $0x0  }
0x1f: {  	s9 =	smul.u32 $0xF7A, s1;
	s8 =	simm.s32 @!p0 $0x1BF5;
	p2 =	por !p2, p0  }
0x20: {  	[sflag:s8] =	ssyncset.s32 @!p0 $0xFFFFF086;
	s6 =	sadd.s32 @!p0 s3, s7;
	s7 =	simm.s32 @!p0 $0x108  }
0x21: {  	s3 =	sadd.s32 s3, s9;
	s6 =	sadd.s32 @!p0 $0x88, s6;
	s7 =	simm.s32 @p2 $0x1082  }
0x22: {  	[simem:s7], [sflag:s8] =	dma.local @!p0 [hbm:s6], $0xF7A  }
0x23: {  	s9 =	sor.u32 $0xD0000000, s2;
	s6 =	simm.s32 $0x108;
	_ =	swait.ge @!p0 [sflag:s8], $0x0  }
0x24: {  	s3 =	sadd.s32 $0x88, s3;
	s6 =	simm.s32 @!p1 $0x1082;
	[sflag:s4] =	ssyncset.s32 $0xFFFFF086  }
0x25: {  	[simem:s6], [sflag:s4] =	dma.local [hbm:s3], $0xF7A  }
0x26: {  	[smem:$0x3F9E] =	sst s1;
	(tag) =	ssettag s2;
	_ =	strace s9  }
0x27: {  	s1 =	sld [smem:$0x3FAE]  }
0x28: {  	s2 =	sld [smem:$0x3FAF]  }
0x29: {  	s4 =	sld [smem:$0x3FB1]  }
0x2a: {  	p0 =	seq.s32 s5, $0x0;
	s5 =	sld [smem:$0x3FB2]  }
0x2b: {  	s6 =	sld [smem:$0x3FB3]  }
0x2c: {  	s7 =	sld [smem:$0x3FB4]  }
0x2d: {  	s3 =	simm.s32 $0x108;
	s8 =	sld [smem:$0x3FB5]  }
0x2e: {  	s3 =	simm.s32 @!p0 $0x1082;
	s9 =	sld [smem:$0x3FB6]  }
0x2f: {  	lr =	sadd.s32 s0, s3;
	s0 =	sld [smem:$0x3FAD]  }
0x30: {  	s3 =	sld [smem:$0x3FB0]  }
0x31: {  	[smem:$0x3FB9] =	sst s10  }
0x32: {  	s10 =	sld [smem:$0x3FB7];
	_ =	sdelay $0x3  }
0x33: {  	p0 =	seq.s32 s10, $0x1;
	s10 =	sld [smem:$0x3FB9];
	_ =	sdelay $0x3  }
0x34: {  	[smem:$0x3FB9] =	sst s10  }
0x35: {  	s10 =	sld [smem:$0x3FB8];
	_ =	sdelay $0x3  }
0x36: {  	p1 =	seq.s32 s10, $0x1;
	s10 =	sld [smem:$0x3FB9];
	_ =	sdelay $0x3  }
0x37: {  	[smem:$0x3FB9] =	sst s10  }
0x38: {  	s10 =	sld [smem:$0x3FBA]  }
0x39: {  	_ = 	snop;
	(pc) =	sbr.ind lr, $3  }
0x3a: {  	_ = 	snop  }
0x3b: {  	_ = 	snop  }
0x3c: {  	p2 =	seq.s32 s10, $0x1;
	s10 =	sld [smem:$0x3FB9]  }
0x3d: {  	_ =	shalt  }
0x3e: {  	_ =	shalt  }
0x3f: {  	_ =	shalt  }
0x40: {  	_ =	shalt  }
0x41: {  	_ =	shalt  }
0x42: {  	_ =	shalt  }
0x43: {  	_ =	shalt  }
0x44: {  	_ =	shalt  }
0x45: {  	_ =	shalt  }
0x46: {  	_ =	shalt  }
0x47: {  	_ =	shalt  }
0x48: {  	_ =	shalt  }
0x49: {  	_ =	shalt  }
0x4a: {  	_ =	shalt  }
0x4b: {  	_ =	shalt  }
0x4c: {  	_ =	shalt  }
0x4d: {  	_ =	shalt  }
0x4e: {  	_ =	shalt  }
0x4f: {  	_ =	shalt  }
0x50: {  	_ =	shalt  }
0x51: {  	_ =	shalt  }
0x52: {  	_ =	shalt  }
0x53: {  	_ =	shalt  }
0x54: {  	_ =	shalt  }
0x55: {  	_ =	shalt  }
0x56: {  	_ =	shalt  }
0x57: {  	_ =	shalt  }
0x58: {  	_ =	shalt  }
0x59: {  	_ =	shalt  }
0x5a: {  	_ =	shalt  }
0x5b: {  	_ =	shalt  }
0x5c: {  	_ =	shalt  }
0x5d: {  	_ =	shalt  }
0x5e: {  	_ =	shalt  }
0x5f: {  	_ =	shalt  }
0x60: {  	_ =	shalt  }
0x61: {  	_ =	shalt  }
0x62: {  	_ =	shalt  }
0x63: {  	_ =	shalt  }
0x64: {  	_ =	shalt  }
0x65: {  	_ =	shalt  }
0x66: {  	_ =	shalt  }
0x67: {  	_ =	shalt  }
0x68: {  	_ =	shalt  }
0x69: {  	_ =	shalt  }
0x6a: {  	_ =	shalt  }
0x6b: {  	_ =	shalt  }
0x6c: {  	_ =	shalt  }
0x6d: {  	_ =	shalt  }
0x6e: {  	_ =	shalt  }
0x6f: {  	_ =	shalt  }
0x70: {  	_ =	shalt  }
0x71: {  	_ =	shalt  }
0x72: {  	_ =	shalt  }
0x73: {  	_ =	shalt  }
0x74: {  	_ =	shalt  }
0x75: {  	_ =	shalt  }
0x76: {  	_ =	shalt  }
0x77: {  	_ =	shalt  }
0x78: {  	_ =	shalt  }
0x79: {  	_ =	shalt  }
0x7a: {  	_ =	shalt  }
0x7b: {  	_ =	shalt  }
0x7c: {  	_ =	shalt  }
0x7d: {  	_ =	shalt  }
0x7e: {  	_ =	shalt  }
0x7f: {  	_ =	shalt  }
0x80: {  	_ =	shalt  }
0x81: {  	_ =	shalt  }
0x82: {  	_ =	shalt  }
0x83: {  	_ =	shalt  }
0x84: {  	_ =	shalt  }
0x85: {  	_ =	shalt  }
0x86: {  	_ =	shalt  }
0x87: {  	_ =	shalt  }
.Lfunc_end0:
.L_simem_size_0:
called_computation_lowered:
.L_overlay_start_0:
0x88: {  	s2 =	sld [smem:$0x3FD9]  }
0x89: {  	s3 =	sld [smem:$0x3FFE];
	_ =	sdelay $0x1  }
0x8a: {  	s1 =	srdreg.scid  }
0x8b: {  	s0 =	sand.u32 $0x1, s1  }
0x8c: {  	s14 =	sshll.u32 s0, $0xA;
	s2 =	sadd.s32 s3, s2  }
0x8d: {  	s2 =	sadd.s32 s2, s14  }
0x8e: {  	[smem:$0x3FC5] =	sst s2  }
0x8f: {  	_ = 	snop  }
0x90: {  	s2 =	sld [smem:$0x3FD0];
	_ =	sdelay $0x2  }
0x91: {  	s15 =	simm.s32 $0xA;
	s4 =	simm.s32 $0x10  }
0x92: {  	[smem:s4], [sflag:s15] =	dma.local [hbm:s2], $0x1  }
0x93: {  	_ =	swait.eq [sflag:s15], $0x1  }
0x94: {  	[sflag:s15] =	ssyncset.done $0x0  }
0x95: {  	s16 =	sld [smem:$0x10];
	[sflag:s15] =	ssyncadd.s32 $0xFFFFFFFF  }
0x96: {  	s17 =	sld [smem:$0x11];
	(tm) =	ssettm $0x1  }
0x97: {  	s18 =	sld [smem:$0x3FFB];
	_ =	sdelay $0x3  }
0x98: {  	_ =	strace s18  }
0x99: {  	s4 =	sld [smem:$0x3FFC];
	_ =	sdelay $0x3  }
0x9a: {  	_ =	strace s4  }
0x9b: {  	s4 =	sld [smem:$0x3FFD];
	_ =	sdelay $0x3  }
0x9c: {  	_ =	strace s4  }
0x9d: {  	_ =	strace $0x8FFFFFFF  }
0x9e: {  	s19 =	sld [smem:$0x3FDB];
	_ =	sdelay $0x1  }
0x9f: {  	s5 =	simm.s32 $_scs_section_size  }
0xa0: {  	s6 =	simm.s32 $_size__tile_overlayer_lowered;
	s7 =	simm.s32 $_tile_overlayer_lowered  }
0xa1: {  	s22 =	simm.s32 $0x1BFF;
	s21 =	sshll.u32 s7, $0x1;
	s4 =	sadd.s32 s5, s19  }
0xa2: {  	s8 =	simm.s32 $0x0;
	s20 =	sshll.u32 s6, $0x1;
	s6 =	sadd.s32 s21, s4  }
0xa3: {  	[timem:s8], [sflag:s22] =	dma.local [hbm:s6], s20  }
0xa4: {  	_ =	swait.ge [sflag:s22], s20  }
0xa5: {  	s5 =	ssub.s32 $0x0, s20;
	[sflag:s22] =	ssyncset.done $0x0  }
0xa6: {  	[sflag:s22] =	ssyncadd.s32 s5;
	_ =	sdelay $0x1  }
0xa7: {  	s23 =	simm.s32 $0x1B8B  }
0xa8: {  	_ =	swait.ge [sflag:s23], $0x1  }
0xa9: {  	[sflag:s23] =	ssyncset.done $0x0  }
0xaa: {  	s25 =	simm.s32 $0x1B8E;
	s24 =	sld [smem:$0x3FFE];
	[sflag:s23] =	ssyncadd.s32 $0xFFFFFFFF  }
0xab: {  	s26 =	simm.s32 $execute0_lowered;
	[smem:$0x3FD2] =	sst s25  }
0xac: {  	s6 =	sshll.u32 s26, $0x1;
	_ =	strace $0x80000046;
	[dreg:$0x1] =	wrdreg $0xFFFFFFFF  }
0xad: {  	s28 =	simm.s32 $_size_execute0_lowered;
	s4 =	sadd.s32 s4, s6;
	[dreg:$0x0] =	wrdreg $0x0  }
0xae: {  	s6 =	sshll.u32 s28, $0x1;
	[dreg:$0x2] =	wrdreg s4  }
0xaf: {  	[dreg:$0x3] =	wrdreg s6  }
0xb0: {  	[dreg:$0x4] =	wrdreg $0xC0  }
0xb1: {  	_ =	task [dreg:s8], $0x5FFFF  }
0xb2: {  	[dreg:$0x1] =	wrdreg $0xFFFFFFFF  }
0xb3: {  	[dreg:$0x0] =	wrdreg $0x60  }
0xb4: {  	[dreg:$0x2] =	wrdreg s16  }
0xb5: {  	[dreg:$0x3] =	wrdreg s24  }
0xb6: {  	[dreg:$0x4] =	wrdreg s17  }
0xb7: {  	[dreg:$0x5] =	wrdreg $0x9  }
0xb8: {  	_ =	task.clear_ibuf [dreg:s8], $0x6FFFF;
	_ =	strace $0x90000046  }
0xb9: {  	s29 =	simm.s32 $0x9;
	_ =	strace $0x80000048  }
0xba: {  	_ =	swait.ge [sflag:s29], $0x1  }
0xbb: {  	[sflag:s29] =	ssyncadd.s32 $0xFFFFFFFF  }
0xbc: {  	_ =	strace $0x90000048  }
0xbd: {  	_ =	sfence  }
0xbe: {  	s30 =	sld [smem:$0x0];
	_ =	sdelay $0x2  }
0xbf: {  	s31 =	sshll.u32 s1, $0xD;
	s1 =	sshrl.u32 s1, $0x2  }
0xc0: {  	s3 =	sand.u32 $0x4000, s31;
	s1 =	sadd.s32 s1, s30  }
0xc1: {  	s0 =	sor.u32 s3, s0;
	s1 =	sshll.u32 s1, $0x11  }
0xc2: {  	s0 =	sor.u32 s1, s0  }
0xc3: {  	s0 =	sadd.s32 $0x8F2B, s0  }
0xc4: {  	[sflag:s0] =	ssyncadd.remote.s32 $0x1  }
0xc5: {  	_ =	sfence.sel $0xFFFF  }
0xc6: {  	[dreg:$0x0] =	wrdreg $0xFFFFFFFF;
	(pc) =	sbr.abs _section_cstart, $3  }
0xc7: {  	[dreg:$0x1] =	wrdreg $0xFFFFFFFF  }
0xc8: {  	_ =	task.clear_ibuf [dreg:s8], $0x2FFFF;
	_ =	strace $0x9FFFFFFF  }
0xc9: {  	(tm) =	ssettm $0x7FFFFFFF  }
tec
execute0_lowered:
.L_overlay_start_1:
0x0: {  	(tag) =	ssettag $0x1  }
0x1: {  	s6 =	rddreg [dreg:$0x0]  }
0x2: {  	s3 =	rddreg [dreg:$0x1]  }
0x3: {  	s8 =	rddreg [dreg:$0x2]  }
0x4: {  	s0 =	rddreg [dreg:$0x3];
	s2 =	simm.s32 $0x0;
	s4 =	srdreg.scid  }
0x5: {  	s1 =	stileid.u32;
	s13 =	simm.s32 $0x0;
	[smem:$0x7FF] =	sst s2  }
0x6: {  	s4 =	sand.u32 $0x1, s4;
	s7 =	sshll.u32 s1, $0x1;
	s9 =	sadd.s32 $0xC00, s3  }
0x7: {  	_ =	strace $0x80000047;
	s5 =	ssub.s32 $0x2, s4;
	s4 =	sor.u32 s4, s7  }
0x8: {  	s29 =	sshrl.u32 s5, $0x1;
	s30 =	sshll.u32 s4, $0xD;
	s7 =	sshll.u32 s4, $0xA  }
0x9: {  	s11 =	sshll.u32 s4, $0x8;
	s10 =	ssub.s32 s5, s29;
	s3 =	sadd.s32 s6, s30  }
0xa: {  	s12 =	sor.u32 $0x200, s7;
	s4 =	sadd.s32 s9, s30;
	s5 =	sadd.s32 s8, s11  }
0xb: {  	s11 =	simm.s32 $0x8000;
	s7 =	sshll.u32 s12, $0x3;
	s31 =	sshrl.u32 s12, $0x2  }
0xc: {  	s12 =	simm.s32 $0x10000;
	s6 =	sadd.s32 s6, s7;
	s7 =	sadd.s32 s9, s7  }
0xd: {  	v0 =	vlaneseq.u32;
	v1 =	vimm.f32 $0.0e+00;
	v2 =	vimm.s32 $0x0;
	s8 =	sadd.s32 s8, s31;
	s9 =	smax.u32 s10, $0x1;
	s10 =	simm.s32 $0x1  }
.LBB2_1:
0xe: {  	[tilespmem:s2], [sflag:$0x1] =	stream.linear.gather [hbm4b:s3+s2], $0x8000, $0x38;
	[tilespmem:$0x10400] =	vst v63  }
0xf: {  	_ =	swait.ge [sflag:s10], $0x8000  }
0x10: {  	[sflag:s10] =	ssyncset.done $0x0  }
0x11: {  	s14 =	simm.s32 $0x8200;
	[sflag:s10] =	ssyncadd.s32 $0xFFFF8000  }
0x12: {  	[tilespmem:s14+$0x1F0] =	vst v1  }
0x13: {  	[tilespmem:s14+$0x1E0] =	vst v1  }
0x14: {  	[tilespmem:s14+$0x1D0] =	vst v1  }
0x15: {  	[tilespmem:s14+$0x1C0] =	vst v1  }
0x16: {  	[tilespmem:s14+$0x1B0] =	vst v1  }
0x17: {  	[tilespmem:s14+$0x1A0] =	vst v1  }
0x18: {  	[tilespmem:s14+$0x190] =	vst v1  }
0x19: {  	[tilespmem:s14+$0x180] =	vst v1  }
0x1a: {  	[tilespmem:s14+$0x170] =	vst v1  }
0x1b: {  	[tilespmem:s14+$0x160] =	vst v1  }
0x1c: {  	[tilespmem:s14+$0x150] =	vst v1  }
0x1d: {  	[tilespmem:s14+$0x140] =	vst v1  }
0x1e: {  	[tilespmem:s14+$0x130] =	vst v1  }
0x1f: {  	[tilespmem:s14+$0x120] =	vst v1  }
0x20: {  	[tilespmem:s14+$0x110] =	vst v1  }
0x21: {  	[tilespmem:s14+$0x100] =	vst v1  }
0x22: {  	[tilespmem:s14+$0xF0] =	vst v1  }
0x23: {  	[tilespmem:s14+$0xE0] =	vst v1  }
0x24: {  	[tilespmem:s14+$0xD0] =	vst v1  }
0x25: {  	[tilespmem:s14+$0xC0] =	vst v1  }
0x26: {  	[tilespmem:s14+$0xB0] =	vst v1  }
0x27: {  	[tilespmem:s14+$0xA0] =	vst v1  }
0x28: {  	[tilespmem:s14+$0x90] =	vst v1  }
0x29: {  	[tilespmem:s14+$0x80] =	vst v1  }
0x2a: {  	[tilespmem:s14+$0x70] =	vst v1  }
0x2b: {  	[tilespmem:s14+$0x60] =	vst v1  }
0x2c: {  	[tilespmem:s14+$0x50] =	vst v1  }
0x2d: {  	[tilespmem:s14+$0x40] =	vst v1  }
0x2e: {  	[tilespmem:s14+$0x30] =	vst v1  }
0x2f: {  	[tilespmem:s14+$0x20] =	vst v1  }
0x30: {  	[tilespmem:s14+$0x10] =	vst v1  }
0x31: {  	[tilespmem:s14+$0x0] =	vst v1  }
0x32: {  	[tilespmem:s14+$0xFFFFFFF0] =	vst v1  }
0x33: {  	[tilespmem:s14+$0xFFFFFFE0] =	vst v1  }
0x34: {  	[tilespmem:s14+$0xFFFFFFD0] =	vst v1  }
0x35: {  	[tilespmem:s14+$0xFFFFFFC0] =	vst v1  }
0x36: {  	[tilespmem:s14+$0xFFFFFFB0] =	vst v1  }
0x37: {  	[tilespmem:s14+$0xFFFFFFA0] =	vst v1  }
0x38: {  	[tilespmem:s14+$0xFFFFFF90] =	vst v1  }
0x39: {  	[tilespmem:s14+$0xFFFFFF80] =	vst v1  }
0x3a: {  	[tilespmem:s14+$0xFFFFFF70] =	vst v1  }
0x3b: {  	[tilespmem:s14+$0xFFFFFF60] =	vst v1  }
0x3c: {  	[tilespmem:s14+$0xFFFFFF50] =	vst v1  }
0x3d: {  	[tilespmem:s14+$0xFFFFFF40] =	vst v1  }
0x3e: {  	[tilespmem:s14+$0xFFFFFF30] =	vst v1  }
0x3f: {  	[tilespmem:s14+$0xFFFFFF20] =	vst v1  }
0x40: {  	[tilespmem:s14+$0xFFFFFF10] =	vst v1  }
0x41: {  	[tilespmem:s14+$0xFFFFFF00] =	vst v1  }
0x42: {  	[tilespmem:s14+$0xFFFFFEF0] =	vst v1  }
0x43: {  	[tilespmem:s14+$0xFFFFFEE0] =	vst v1  }
0x44: {  	[tilespmem:s14+$0xFFFFFED0] =	vst v1  }
0x45: {  	[tilespmem:s14+$0xFFFFFEC0] =	vst v1  }
0x46: {  	[tilespmem:s14+$0xFFFFFEB0] =	vst v1  }
0x47: {  	[tilespmem:s14+$0xFFFFFEA0] =	vst v1  }
0x48: {  	[tilespmem:s14+$0xFFFFFE90] =	vst v1  }
0x49: {  	[tilespmem:s14+$0xFFFFFE80] =	vst v1  }
0x4a: {  	[tilespmem:s14+$0xFFFFFE70] =	vst v1  }
0x4b: {  	[tilespmem:s14+$0xFFFFFE60] =	vst v1  }
0x4c: {  	v3 =	vor.u32 s2, v0;
	[tilespmem:s14+$0xFFFFFE50] =	vst v1  }
0x4d: {  	v4 =	vshll.u32 v3, $0x6;
	[tilespmem:s14+$0xFFFFFE40] =	vst v1  }
0x4e: {  	v5 =	vor.u32 $0x1, v4;
	[tilespmem:s14+$0xFFFFFE30] =	vst v1  }
0x4f: {  	[tilespmem:s14+$0xFFFFFE20] =	vst v1  }
0x50: {  	[tilespmem:s14+$0xFFFFFE10] =	vst v1  }
0x51: {  	[tilespmem:s14+$0xFFFFFE00] =	vst v1  }
0x52: {  	v6 =	vor.u32 $0x2, v4;
	v7 =	vld.idx.msk [tilespmem:v4+s2+$0x0], $0xffff  }
0x53: {  	v5 =	vld.idx.msk [tilespmem:v5+s2+$0x0], $0xffff;
	_ =	sdelay $0x1  }
0x54: {  	v8 =	vor.u32 $0x3, v4;
	_ =	sdelay $0x1  }
0x55: {  	v6 =	vld.idx.msk [tilespmem:v6+s2+$0x0], $0xffff;
	vm0 =	vgt.f32 v7, $-Inf  }
0x56: {  	v7 =	vnsel vm0, $0xFF800000, v7;
	vm12 =	vlt.f32 v5, $-Inf;
	vm2 =	vgt.f32 v5, $-Inf  }
0x57: {  	v9 =	vor.u32 $0x4, v4;
	vm1 =	vgt.f32 v5, v7;
	vm14 =	vmor vm2, vm12  }
0x58: {  	v8 =	vld.idx.msk [tilespmem:v8+s2+$0x0], $0xffff;
	vm0 =	vmneg vm1;
	v10 =	vnsel vm14, $0xFF800000, v5  }
0x59: {  	v51 =	vimm.s32 $0x0;
	v10 =	vsel vm0, v10, v7  }
0x5a: {  	v11 =	vor.u32 $0x5, v4;
	v5 =	vsel vm0, v7, v5;
	vm15 =	vgt.f32 v6, v10  }
0x5b: {  	v55 =	vimm.s32 $0x0;
	vm2 =	vgt.f32 v6, v5;
	v33 =	vsel vm15, v6, v10  }
0x5c: {  	v61 =	vimm.s32 $0x0;
	v17 =	vimm.s32 $0x0;
	v7 =	vld.idx.msk [tilespmem:v9+s2+$0x0], $0xffff;
	v9 =	vsel vm2, v5, v33  }
0x5d: {  	v5 =	vsel vm2, v6, v5;
	v6 =	vimm.s32 $0x0;
	vm4 =	vgt.f32 v8, v9  }
0x5e: {  	v23 =	vimm.s32 $0x0;
	v34 =	vor.u32 $0x6, v4;
	v6 =	vsel vm4, $0xFFFFFFFF, v6  }
0x5f: {  	v26 =	vimm.s32 $0x0;
	vm3 =	vgt.f32 v8, v5;
	v9 =	vsel vm4, v8, v9;
	[tilespmem:$0x1FC80] =	vst v6;
	v6 =	vld.idx.msk [tilespmem:v11+s2+$0x0], $0xffff  }
0x60: {  	v35 =	vor.u32 $0x7, v4;
	v36 =	vor.u32 $0x8, v4;
	v9 =	vsel vm3, v5, v9  }
0x61: {  	v5 =	vsel vm3, v8, v5;
	v8 =	vimm.s32 $0x0;
	vm5 =	vgt.f32 v7, v9  }
0x62: {  	vm4 =	vgt.f32 v7, v5;
	v8 =	vsel vm5, $0xFFFFFFFF, v8;
	v9 =	vsel vm5, v7, v9  }
0x63: {  	v37 =	vor.u32 $0x9, v4;
	v38 =	vor.u32 $0xA, v4;
	[tilespmem:$0x1FC90] =	vst v8;
	v8 =	vld.idx.msk [tilespmem:v34+s2+$0x0], $0xffff;
	v9 =	vsel vm4, v5, v9  }
0x64: {  	v5 =	vsel vm4, v7, v5;
	v7 =	vimm.s32 $0x0;
	vm6 =	vgt.f32 v6, v9  }
0x65: {  	v39 =	vor.u32 $0xB, v4;
	v40 =	vor.u32 $0xC, v4;
	v7 =	vsel vm6, $0xFFFFFFFF, v7  }
0x66: {  	v41 =	vor.u32 $0xD, v4;
	vm5 =	vgt.f32 v6, v5;
	v9 =	vsel vm6, v6, v9;
	[tilespmem:$0x1FCA0] =	vst v7;
	v7 =	vld.idx.msk [tilespmem:v35+s2+$0x0], $0xffff  }
0x67: {  	v42 =	vor.u32 $0xE, v4;
	v43 =	vor.u32 $0xF, v4;
	v9 =	vsel vm5, v5, v9  }
0x68: {  	v5 =	vsel vm5, v6, v5;
	v6 =	vimm.s32 $0x0;
	vm7 =	vgt.f32 v8, v9  }
0x69: {  	vm6 =	vgt.f32 v8, v5;
	v6 =	vsel vm7, $0xFFFFFFFF, v6;
	v9 =	vsel vm7, v8, v9  }
0x6a: {  	v44 =	vor.u32 $0x10, v4;
	v12 =	vor.u32 $0x11, v4;
	[tilespmem:$0x1FCB0] =	vst v6;
	v6 =	vld.idx.msk [tilespmem:v36+s2+$0x0], $0xffff;
	v9 =	vsel vm6, v5, v9  }
0x6b: {  	v5 =	vsel vm6, v8, v5;
	v8 =	vimm.s32 $0x0;
	vm8 =	vgt.f32 v7, v9  }
0x6c: {  	v13 =	vor.u32 $0x12, v4;
	v48 =	vor.u32 $0x13, v4;
	v8 =	vsel vm8, $0xFFFFFFFF, v8  }
0x6d: {  	v50 =	vor.u32 $0x14, v4;
	vm7 =	vgt.f32 v7, v5;
	v9 =	vsel vm8, v7, v9;
	[tilespmem:$0x1FCC0] =	vst v8;
	v8 =	vld.idx.msk [tilespmem:v37+s2+$0x0], $0xffff  }
0x6e: {  	v54 =	vor.u32 $0x15, v4;
	v58 =	vor.u32 $0x16, v4;
	v9 =	vsel vm7, v5, v9  }
0x6f: {  	v5 =	vsel vm7, v7, v5;
	v7 =	vimm.s32 $0x0;
	vm13 =	vgt.f32 v6, v9  }
0x70: {  	vm8 =	vgt.f32 v6, v5;
	v7 =	vsel vm13, $0xFFFFFFFF, v7;
	v9 =	vsel vm13, v6, v9  }
0x71: {  	v60 =	vor.u32 $0x17, v4;
	v16 =	vor.u32 $0x18, v4;
	[tilespmem:$0x1FCD0] =	vst v7;
	v7 =	vld.idx.msk [tilespmem:v38+s2+$0x0], $0xffff;
	v9 =	vsel vm8, v5, v9  }
0x72: {  	v5 =	vsel vm8, v6, v5;
	v6 =	vimm.s32 $0x0;
	vm9 =	vgt.f32 v8, v9  }
0x73: {  	v20 =	vor.u32 $0x19, v4;
	v22 =	vor.u32 $0x1A, v4;
	v6 =	vsel vm9, $0xFFFFFFFF, v6  }
0x74: {  	v25 =	vor.u32 $0x1B, v4;
	v9 =	vsel vm9, v8, v9;
	vm9 =	vgt.f32 v8, v5;
	[tilespmem:$0x1FCE0] =	vst v6;
	v6 =	vld.idx.msk [tilespmem:v39+s2+$0x0], $0xffff  }
0x75: {  	v30 =	vor.u32 $0x1C, v4;
	v32 =	vor.u32 $0x1D, v4;
	v9 =	vsel vm9, v5, v9  }
0x76: {  	v52 =	vld.idx.msk [tilespmem:v48+s2+$0x0], $0xffff;
	v5 =	vsel vm9, v8, v5;
	v8 =	vimm.s32 $0x0;
	vm10 =	vgt.f32 v7, v9  }
0x77: {  	v62 =	vld.idx.msk [tilespmem:v58+s2+$0x0], $0xffff;
	v8 =	vsel vm10, $0xFFFFFFFF, v8;
	v9 =	vsel vm10, v7, v9;
	vm10 =	vgt.f32 v7, v5  }
0x78: {  	v48 =	vimm.s32 $0x0;
	v58 =	vimm.s32 $0x0;
	[tilespmem:$0x1FCF0] =	vst v8;
	v8 =	vld.idx.msk [tilespmem:v40+s2+$0x0], $0xffff;
	v9 =	vsel vm10, v5, v9  }
0x79: {  	v5 =	vsel vm10, v7, v5;
	v7 =	vimm.s32 $0x0;
	vm11 =	vgt.f32 v6, v9  }
0x7a: {  	v28 =	vld.idx.msk [tilespmem:v22+s2+$0x0], $0xffff;
	v22 =	vimm.s32 $0x0;
	v45 =	vsel vm1, $0x1, v2;
	v7 =	vsel vm11, $0xFFFFFFFF, v7  }
0x7b: {  	vm0 =	vmand vm14, vm0;
	v9 =	vsel vm11, v6, v9;
	vm11 =	vgt.f32 v6, v5;
	[tilespmem:$0x1FD00] =	vst v7;
	v7 =	vld.idx.msk [tilespmem:v41+s2+$0x0], $0xffff  }
0x7c: {  	v33 =	vld.idx.msk [tilespmem:v30+s2+$0x0], $0xffff;
	v30 =	vimm.s32 $0x0;
	v36 =	vor.u32 $0x1F, v4;
	v9 =	vsel vm11, v5, v9  }
0x7d: {  	v5 =	vsel vm11, v6, v5;
	v6 =	vimm.s32 $0x0;
	vm12 =	vgt.f32 v8, v9  }
0x7e: {  	v6 =	vsel vm12, $0xFFFFFFFF, v6;
	v9 =	vsel vm12, v8, v9;
	vm12 =	vgt.f32 v8, v5  }
0x7f: {  	v34 =	vor.u32 $0x1E, v4;
	v35 =	vimm.s32 $0x0;
	[tilespmem:$0x1FD10] =	vst v6;
	v6 =	vld.idx.msk [tilespmem:v42+s2+$0x0], $0xffff;
	v9 =	vsel vm12, v5, v9  }
0x80: {  	v47 =	vld [tilespmem:$0x1FC80];
	v5 =	vsel vm12, v8, v5;
	v8 =	vimm.s32 $0x0;
	vm13 =	vgt.f32 v7, v9  }
0x81: {  	v38 =	vor.u32 $0x20, v4;
	v39 =	vld.idx.msk [tilespmem:v36+s2+$0x0], $0xffff;
	v36 =	vimm.s32 $0x0;
	v8 =	vsel vm13, $0xFFFFFFFF, v8  }
0x82: {  	v41 =	vor.u32 $0x21, v4;
	v9 =	vsel vm13, v7, v9;
	vm13 =	vgt.f32 v7, v5;
	[tilespmem:$0x1FD20] =	vst v8;
	v8 =	vld.idx.msk [tilespmem:v43+s2+$0x0], $0xffff  }
0x83: {  	v42 =	vimm.s32 $0x0;
	v9 =	vsel vm13, v5, v9;
	v5 =	vsel vm13, v7, v5  }
0x84: {  	v7 =	vsel vm0, $0x1, v2;
	vm14 =	vgt.f32 v6, v9;
	vm1 =	vgt.f32 v6, v5  }
0x85: {  	v10 =	vld.idx.msk [tilespmem:v44+s2+$0x0], $0xffff;
	v7 =	vsel vm15, $0x2, v7;
	vm15 =	vnez.u8 v47;
	v9 =	vsel vm14, v6, v9  }
0x86: {  	v7 =	vsel vm2, v45, v7;
	v9 =	vsel vm1, v5, v9;
	v5 =	vsel vm1, v6, v5  }
0x87: {  	v49 =	vld [tilespmem:$0x1FC90];
	v6 =	vsel vm2, $0x2, v45;
	v45 =	vor.u32 $0x22, v4;
	vm0 =	vgt.f32 v8, v9  }
0x88: {  	v7 =	vsel vm15, $0x3, v7;
	vm2 =	vgt.f32 v8, v5;
	v9 =	vsel vm0, v8, v9  }
0x89: {  	v46 =	vld.idx.msk [tilespmem:v12+s2+$0x0], $0xffff;
	v47 =	vor.u32 $0x23, v4;
	v7 =	vsel vm3, v6, v7;
	v9 =	vsel vm2, v5, v9  }
0x8a: {  	v53 =	vld [tilespmem:$0x1FCA0];
	v5 =	vsel vm2, v8, v5;
	v8 =	vimm.s32 $0x0;
	vm15 =	vgt.f32 v10, v9  }
0x8b: {  	v6 =	vsel vm3, $0x3, v6;
	vm3 =	vgt.f32 v10, v5;
	v8 =	vsel vm15, $0xFFFFFFFF, v8  }
0x8c: {  	v9 =	vsel vm15, v10, v9;
	vm15 =	vnez.u8 v49;
	v49 =	vld.idx.msk [tilespmem:v45+s2+$0x0], $0xffff;
	v45 =	vimm.s32 $0x0  }
0x8d: {  	[tilespmem:$0x1FD30] =	vst v8;
	v8 =	vld.idx.msk [tilespmem:v13+s2+$0x0], $0xffff;
	v7 =	vsel vm15, $0x4, v7;
	v9 =	vsel vm3, v5, v9;
	v5 =	vsel vm3, v10, v5  }
0x8e: {  	v57 =	vld [tilespmem:$0x1FCB0];
	v7 =	vsel vm4, v6, v7;
	vm15 =	vgt.f32 v46, v9;
	v6 =	vsel vm4, $0x4, v6  }
0x8f: {  	v10 =	vsel vm15, $0xFFFFFFFF, v51;
	v9 =	vsel vm15, v46, v9;
	vm15 =	vnez.u8 v53  }
0x90: {  	vm4 =	vgt.f32 v46, v5;
	v51 =	vor.u32 $0x24, v4;
	v7 =	vsel vm15, $0x5, v7  }
0x91: {  	v9 =	vsel vm4, v5, v9;
	v5 =	vsel vm4, v46, v5;
	v7 =	vsel vm5, v6, v7  }
0x92: {  	v59 =	vld [tilespmem:$0x1FCC0];
	v6 =	vsel vm5, $0x5, v6;
	vm15 =	vgt.f32 v8, v9;
	vm5 =	vgt.f32 v8, v5  }
0x93: {  	v11 =	vsel vm15, $0xFFFFFFFF, v55;
	v9 =	vsel vm15, v8, v9;
	vm15 =	vnez.u8 v57  }
0x94: {  	v55 =	vor.u32 $0x25, v4;
	v7 =	vsel vm15, $0x6, v7;
	v9 =	vsel vm5, v5, v9  }
0x95: {  	v56 =	vld.idx.msk [tilespmem:v50+s2+$0x0], $0xffff;
	v5 =	vsel vm5, v8, v5;
	v8 =	vimm.s32 $0x0;
	v7 =	vsel vm6, v6, v7  }
0x96: {  	v63 =	vld [tilespmem:$0x1FCD0];
	vm15 =	vgt.f32 v52, v9;
	v6 =	vsel vm6, $0x6, v6;
	vm6 =	vgt.f32 v52, v5  }
0x97: {  	v8 =	vsel vm15, $0xFFFFFFFF, v8;
	v9 =	vsel vm15, v52, v9;
	vm15 =	vnez.u8 v59  }
0x98: {  	v57 =	vor.u32 $0x26, v4;
	[tilespmem:$0x1FD60] =	vst v8;
	v8 =	vld.idx.msk [tilespmem:v54+s2+$0x0], $0xffff;
	v7 =	vsel vm15, $0x7, v7;
	v9 =	vsel vm6, v5, v9  }
0x99: {  	v19 =	vld [tilespmem:$0x1FCE0];
	v5 =	vsel vm6, v52, v5;
	v52 =	vimm.s32 $0x0;
	v7 =	vsel vm7, v6, v7  }
0x9a: {  	vm15 =	vgt.f32 v56, v9;
	v6 =	vsel vm7, $0x7, v6;
	vm7 =	vgt.f32 v56, v5  }
0x9b: {  	[tilespmem:$0x1FD40] =	vst v10;
	v10 =	vsel vm15, $0xFFFFFFFF, v61;
	v9 =	vsel vm15, v56, v9;
	vm15 =	vnez.u8 v63  }
0x9c: {  	v61 =	vor.u32 $0x27, v4;
	v7 =	vsel vm15, $0x8, v7;
	v9 =	vsel vm7, v5, v9  }
0x9d: {  	v21 =	vld [tilespmem:$0x1FCF0];
	v5 =	vsel vm7, v56, v5;
	v7 =	vsel vm8, v6, v7;
	vm15 =	vgt.f32 v8, v9  }
0x9e: {  	[tilespmem:$0x1FD50] =	vst v11;
	v11 =	vsel vm15, $0xFFFFFFFF, v17;
	v9 =	vsel vm15, v8, v9;
	vm15 =	vnez.u8 v19  }
0x9f: {  	v6 =	vsel vm8, $0x8, v6;
	vm8 =	vgt.f32 v8, v5;
	v7 =	vsel vm15, $0x9, v7  }
0xa0: {  	v18 =	vld.idx.msk [tilespmem:v60+s2+$0x0], $0xffff;
	v9 =	vsel vm8, v5, v9;
	v5 =	vsel vm8, v8, v5;
	v8 =	vimm.s32 $0x0  }
0xa1: {  	v7 =	vsel vm9, v6, v7;
	vm15 =	vgt.f32 v62, v9;
	v6 =	vsel vm9, $0x9, v6  }
0xa2: {  	v24 =	vld [tilespmem:$0x1FD00];
	v8 =	vsel vm15, $0xFFFFFFFF, v8;
	v9 =	vsel vm15, v62, v9;
	vm15 =	vnez.u8 v21  }
0xa3: {  	vm9 =	vgt.f32 v62, v5;
	v14 =	vsel vm10, $0xA, v6;
	v7 =	vsel vm15, $0xA, v7  }
0xa4: {  	[tilespmem:$0x1FD90] =	vst v8;
	v8 =	vld.idx.msk [tilespmem:v16+s2+$0x0], $0xffff;
	v9 =	vsel vm9, v5, v9;
	v5 =	vsel vm9, v62, v5;
	v27 =	vsel vm11, $0xB, v14  }
0xa5: {  	v29 =	vld [tilespmem:$0x1FD10];
	v62 =	vimm.s32 $0x0;
	v16 =	vimm.s32 $0x0;
	vm15 =	vgt.f32 v18, v9  }
0xa6: {  	v6 =	vsel vm10, v6, v7;
	v7 =	vld.idx.msk [tilespmem:v20+s2+$0x0], $0xffff;
	vm10 =	vgt.f32 v18, v5;
	v20 =	vor.u32 $0x29, v4  }
0xa7: {  	[tilespmem:$0x1FD70] =	vst v10;
	v10 =	vsel vm15, $0xFFFFFFFF, v23;
	v9 =	vsel vm15, v18, v9;
	vm15 =	vnez.u8 v24  }
0xa8: {  	v24 =	vor.u32 $0x2A, v4;
	v6 =	vsel vm15, $0xB, v6;
	v9 =	vsel vm10, v5, v9  }
0xa9: {  	v31 =	vld [tilespmem:$0x1FD20];
	v5 =	vsel vm10, v18, v5;
	v6 =	vsel vm11, v14, v6;
	vm15 =	vgt.f32 v8, v9  }
0xaa: {  	[tilespmem:$0x1FD80] =	vst v11;
	v11 =	vsel vm15, $0xFFFFFFFF, v26;
	v9 =	vsel vm15, v8, v9;
	vm15 =	vnez.u8 v29  }
0xab: {  	v14 =	vsel vm12, $0xC, v27;
	vm11 =	vgt.f32 v8, v5;
	v6 =	vsel vm15, $0xC, v6  }
0xac: {  	v9 =	vsel vm11, v5, v9;
	v5 =	vsel vm11, v8, v5;
	v8 =	vimm.s32 $0x0  }
0xad: {  	vm15 =	vgt.f32 v7, v9;
	v6 =	vsel vm12, v27, v6;
	vm12 =	vgt.f32 v7, v5  }
0xae: {  	v37 =	vld [tilespmem:$0x1FD30];
	v8 =	vsel vm15, $0xFFFFFFFF, v8;
	v9 =	vsel vm15, v7, v9;
	vm15 =	vnez.u8 v31  }
0xaf: {  	v40 =	vld [tilespmem:$0x1FD40];
	v18 =	vor.u32 $0x28, v4;
	v6 =	vsel vm15, $0xD, v6;
	v9 =	vsel vm12, v5, v9  }
0xb0: {  	[tilespmem:$0x1FDA0] =	vst v10;
	v10 =	vld.idx.msk [tilespmem:v32+s2+$0x0], $0xffff;
	v5 =	vsel vm12, v7, v5;
	v7 =	vimm.s32 $0x0;
	vm15 =	vgt.f32 v28, v9  }
0xb1: {  	v32 =	vor.u32 $0x2C, v4;
	[tilespmem:$0x1FDC0] =	vst v8;
	v8 =	vld.idx.msk [tilespmem:v25+s2+$0x0], $0xffff;
	v6 =	vsel vm13, v14, v6;
	v7 =	vsel vm15, $0xFFFFFFFF, v7  }
0xb2: {  	v9 =	vsel vm15, v28, v9;
	[tilespmem:$0x1FDD0] =	vst v7;
	v7 =	vsel vm13, $0xD, v14;
	vm13 =	vgt.f32 v28, v5  }
0xb3: {  	v25 =	vimm.s32 $0x0;
	v6 =	vsel vm14, $0xE, v6;
	v9 =	vsel vm13, v5, v9  }
0xb4: {  	v6 =	vsel vm1, v7, v6;
	v5 =	vsel vm13, v28, v5;
	v7 =	vsel vm1, $0xE, v7  }
0xb5: {  	vm1 =	vnez.u8 v40;
	v28 =	vor.u32 $0x2B, v4;
	v40 =	vor.u32 $0x30, v4  }
0xb6: {  	vm14 =	vgt.f32 v8, v9;
	v6 =	vsel vm0, $0xF, v6;
	vm0 =	vnez.u8 v37  }
0xb7: {  	v12 =	vsel vm14, $0xFFFFFFFF, v35;
	v9 =	vsel vm14, v8, v9;
	vm14 =	vgt.f32 v8, v5  }
0xb8: {  	v44 =	vld [tilespmem:$0x1FD50];
	v6 =	vsel vm2, v7, v6;
	v7 =	vsel vm2, $0xF, v7;
	v35 =	vor.u32 $0x2E, v4  }
0xb9: {  	v9 =	vsel vm14, v5, v9;
	v5 =	vsel vm14, v8, v5;
	v6 =	vsel vm0, $0x10, v6  }
0xba: {  	v8 =	vimm.s32 $0x0;
	vm15 =	vgt.f32 v33, v9;
	v6 =	vsel vm3, v7, v6  }
0xbb: {  	v46 =	vld [tilespmem:$0x1FD60];
	v8 =	vsel vm15, $0xFFFFFFFF, v8;
	v9 =	vsel vm15, v33, v9;
	vm15 =	vgt.f32 v33, v5  }
0xbc: {  	v7 =	vsel vm3, $0x10, v7;
	v6 =	vsel vm1, $0x11, v6;
	[tilespmem:$0x1FDF0] =	vst v8;
	v8 =	vld.idx.msk [tilespmem:v34+s2+$0x0], $0xffff;
	v9 =	vsel vm15, v5, v9  }
0xbd: {  	v6 =	vsel vm4, v7, v6;
	v7 =	vsel vm4, $0x11, v7;
	vm4 =	vnez.u8 v44  }
0xbe: {  	v5 =	vsel vm15, v33, v5;
	vm0 =	vgt.f32 v10, v9;
	v6 =	vsel vm4, $0x12, v6  }
0xbf: {  	v9 =	vsel vm0, v10, v9;
	vm3 =	vmmov vm0;
	vm0 =	vgt.f32 v10, v5  }
0xc0: {  	v6 =	vsel vm5, v7, v6;
	v7 =	vsel vm5, $0x12, v7;
	v9 =	vsel vm0, v5, v9  }
0xc1: {  	vm5 =	vnez.u8 v46;
	v5 =	vsel vm0, v10, v5;
	vm1 =	vgt.f32 v8, v9  }
0xc2: {  	v43 =	vld.idx.msk [tilespmem:v38+s2+$0x0], $0xffff;
	v10 =	vsel vm1, $0xFFFFFFFF, v42;
	v9 =	vsel vm1, v8, v9;
	vm1 =	vgt.f32 v8, v5  }
0xc3: {  	v50 =	vld [tilespmem:$0x1FD70];
	v33 =	vor.u32 $0x2D, v4;
	v6 =	vsel vm5, $0x13, v6;
	v9 =	vsel vm1, v5, v9  }
0xc4: {  	v5 =	vsel vm1, v8, v5;
	v8 =	vimm.s32 $0x0;
	vm4 =	vgt.f32 v39, v9  }
0xc5: {  	v8 =	vsel vm4, $0xFFFFFFFF, v8;
	v9 =	vsel vm4, v39, v9;
	vm4 =	vgt.f32 v39, v5  }
0xc6: {  	v44 =	vor.u32 $0x31, v4;
	v6 =	vsel vm6, v7, v6;
	[tilespmem:$0x1FE10] =	vst v8;
	v8 =	vld.idx.msk [tilespmem:v41+s2+$0x0], $0xffff;
	v9 =	vsel vm4, v5, v9  }
0xc7: {  	v54 =	vld [tilespmem:$0x1FD80];
	v7 =	vsel vm6, $0x13, v7;
	v5 =	vsel vm4, v39, v5;
	vm5 =	vgt.f32 v43, v9  }
0xc8: {  	[tilespmem:$0x1FDB0] =	vst v11;
	v11 =	vsel vm5, $0xFFFFFFFF, v48;
	v9 =	vsel vm5, v43, v9;
	vm5 =	vnez.u8 v50  }
0xc9: {  	v37 =	vld.idx.msk [tilespmem:v33+s2+$0x0], $0xffff;
	v33 =	vor.u32 $0x3B, v4;
	vm6 =	vgt.f32 v43, v5;
	v6 =	vsel vm5, $0x14, v6  }
0xca: {  	v9 =	vsel vm6, v5, v9;
	v5 =	vsel vm6, v43, v5;
	v6 =	vsel vm7, v7, v6  }
0xcb: {  	v56 =	vld [tilespmem:$0x1FD90];
	v7 =	vsel vm7, $0x14, v7;
	vm5 =	vgt.f32 v8, v9;
	vm7 =	vgt.f32 v8, v5  }
0xcc: {  	[tilespmem:$0x1FE00] =	vst v10;
	v10 =	vsel vm5, $0xFFFFFFFF, v52;
	v9 =	vsel vm5, v8, v9;
	vm5 =	vnez.u8 v54  }
0xcd: {  	v53 =	vld.idx.msk [tilespmem:v47+s2+$0x0], $0xffff;
	v39 =	vor.u32 $0x2F, v4;
	v6 =	vsel vm5, $0x15, v6;
	v9 =	vsel vm7, v5, v9  }
0xce: {  	v60 =	vld [tilespmem:$0x1FDA0];
	v5 =	vsel vm7, v8, v5;
	v8 =	vimm.s32 $0x0;
	v6 =	vsel vm8, v7, v6  }
0xcf: {  	vm5 =	vgt.f32 v49, v9;
	v7 =	vsel vm8, $0x15, v7;
	vm8 =	vgt.f32 v49, v5  }
0xd0: {  	v8 =	vsel vm5, $0xFFFFFFFF, v8;
	v9 =	vsel vm5, v49, v9;
	vm5 =	vnez.u8 v56  }
0xd1: {  	v41 =	vimm.s32 $0x0;
	[tilespmem:$0x1FE40] =	vst v8;
	v8 =	vld.idx.msk [tilespmem:v51+s2+$0x0], $0xffff;
	v6 =	vsel vm5, $0x16, v6;
	v9 =	vsel vm8, v5, v9  }
0xd2: {  	v17 =	vld [tilespmem:$0x1FDB0];
	v5 =	vsel vm8, v49, v5;
	v6 =	vsel vm9, v7, v6;
	vm5 =	vgt.f32 v53, v9  }
0xd3: {  	[tilespmem:$0x1FE20] =	vst v11;
	v7 =	vsel vm9, $0x16, v7;
	vm9 =	vnez.u8 v60;
	v11 =	vsel vm5, $0xFFFFFFFF, v58  }
0xd4: {  	v9 =	vsel vm5, v53, v9;
	vm5 =	vgt.f32 v53, v5;
	v6 =	vsel vm9, $0x17, v6  }
0xd5: {  	v59 =	vld.idx.msk [tilespmem:v55+s2+$0x0], $0xffff;
	v9 =	vsel vm5, v5, v9;
	v6 =	vsel vm10, v7, v6;
	v5 =	vsel vm5, v53, v5  }
0xd6: {  	v19 =	vld [tilespmem:$0x1FDC0];
	v7 =	vsel vm10, $0x17, v7;
	vm9 =	vgt.f32 v8, v9;
	vm2 =	vgt.f32 v8, v5  }
0xd7: {  	v23 =	vld [tilespmem:$0x1FDD0];
	[tilespmem:$0x1FE30] =	vst v10;
	v10 =	vsel vm9, $0xFFFFFFFF, v62;
	v9 =	vsel vm9, v8, v9;
	vm9 =	vnez.u8 v17  }
0xd8: {  	v13 =	vsel vm2, $0xFFFFFFFF, v16;
	v6 =	vsel vm9, $0x18, v6;
	v9 =	vsel vm2, v5, v9  }
0xd9: {  	v63 =	vld.idx.msk [tilespmem:v57+s2+$0x0], $0xffff;
	v5 =	vsel vm2, v8, v5;
	v8 =	vimm.s32 $0x0;
	v6 =	vsel vm11, v7, v6  }
0xda: {  	[tilespmem:$0x1FDE0] =	vst v12;
	vm10 =	vgt.f32 v59, v9;
	v7 =	vsel vm11, $0x18, v7;
	vm9 =	vgt.f32 v59, v5  }
0xdb: {  	v27 =	vld [tilespmem:$0x1FDE0];
	vm11 =	vnez.u8 v19;
	v8 =	vsel vm10, $0xFFFFFFFF, v8;
	v9 =	vsel vm10, v59, v9  }
0xdc: {  	v6 =	vsel vm11, $0x19, v6;
	v21 =	vsel vm12, $0x19, v7;
	vm11 =	vnez.u8 v23;
	[tilespmem:$0x1FE80] =	vst v8;
	v8 =	vld.idx.msk [tilespmem:v61+s2+$0x0], $0xffff  }
0xdd: {  	v9 =	vsel vm9, v5, v9;
	v5 =	vsel vm9, v59, v5;
	v6 =	vsel vm12, v7, v6  }
0xde: {  	v26 =	vsel vm13, $0x1A, v21;
	vm10 =	vgt.f32 v63, v9;
	v6 =	vsel vm11, $0x1A, v6  }
0xdf: {  	[tilespmem:$0x1FE50] =	vst v11;
	v7 =	vld.idx.msk [tilespmem:v18+s2+$0x0], $0xffff;
	v11 =	vsel vm10, $0xFFFFFFFF, v22;
	v9 =	vsel vm10, v63, v9;
	vm10 =	vgt.f32 v63, v5  }
0xe0: {  	v31 =	vld [tilespmem:$0x1FDF0];
	v6 =	vsel vm13, v21, v6;
	vm13 =	vnez.u8 v27;
	v9 =	vsel vm10, v5, v9  }
0xe1: {  	v5 =	vsel vm10, v63, v5;
	v6 =	vsel vm13, $0x1B, v6;
	vm12 =	vgt.f32 v8, v9  }
0xe2: {  	v12 =	vld.idx.msk [tilespmem:v20+s2+$0x0], $0xffff;
	v6 =	vsel vm14, v26, v6;
	vm11 =	vgt.f32 v8, v5;
	v9 =	vsel vm12, v8, v9  }
0xe3: {  	[tilespmem:$0x1FE60] =	vst v10;
	v10 =	vsel vm12, $0xFFFFFFFF, v25;
	v9 =	vsel vm11, v5, v9;
	v5 =	vsel vm11, v8, v5  }
0xe4: {  	v8 =	vimm.s32 $0x0;
	vm12 =	vgt.f32 v7, v9;
	vm2 =	vgt.f32 v7, v5  }
0xe5: {  	v8 =	vsel vm12, $0xFFFFFFFF, v8;
	v9 =	vsel vm12, v7, v9;
	vm12 =	vnez.u8 v31  }
0xe6: {  	v29 =	vld.idx.msk [tilespmem:v24+s2+$0x0], $0xffff;
	[tilespmem:$0x1FEB0] =	vst v8;
	v8 =	vsel vm14, $0x1B, v26;
	v6 =	vsel vm12, $0x1C, v6;
	v9 =	vsel vm2, v5, v9  }
0xe7: {  	v5 =	vsel vm2, v7, v5;
	v7 =	vimm.s32 $0x0;
	vm13 =	vgt.f32 v12, v9  }
0xe8: {  	v48 =	vor.u32 $0x32, v4;
	v6 =	vsel vm15, v8, v6;
	v7 =	vsel vm13, $0xFFFFFFFF, v7  }
0xe9: {  	vm12 =	vgt.f32 v12, v5;
	v9 =	vsel vm13, v12, v9;
	[tilespmem:$0x1FED0] =	vst v7;
	v7 =	vsel vm15, $0x1C, v8;
	v8 =	vld.idx.msk [tilespmem:v28+s2+$0x0], $0xffff  }
0xea: {  	v50 =	vor.u32 $0x33, v4;
	v54 =	vor.u32 $0x34, v4;
	v9 =	vsel vm12, v5, v9  }
0xeb: {  	[tilespmem:$0x1FE90] =	vst v11;
	v11 =	vsel vm2, $0xFFFFFFFF, v30;
	v5 =	vsel vm12, v12, v5;
	vm15 =	vgt.f32 v29, v9  }
0xec: {  	v56 =	vimm.s32 $0x0;
	[tilespmem:$0x1FEC0] =	vst v11;
	v11 =	vld.idx.msk [tilespmem:v32+s2+$0x0], $0xffff;
	vm2 =	vgt.f32 v29, v5;
	v9 =	vsel vm15, v29, v9  }
0xed: {  	v51 =	vimm.s32 $0x0;
	v62 =	vor.u32 $0x36, v4;
	v9 =	vsel vm2, v5, v9  }
0xee: {  	v34 =	vld [tilespmem:$0x1FE00];
	v16 =	vimm.s32 $0x0;
	v5 =	vsel vm2, v29, v5;
	vm13 =	vgt.f32 v8, v9  }
0xef: {  	v6 =	vsel vm3, $0x1D, v6;
	vm3 =	vgt.f32 v8, v5;
	v9 =	vsel vm13, v8, v9  }
0xf0: {  	v38 =	vld [tilespmem:$0x1FE10];
	v19 =	vor.u32 $0x37, v4;
	[tilespmem:$0x1FEA0] =	vst v10;
	v10 =	vsel vm13, $0xFFFFFFFF, v36;
	v9 =	vsel vm3, v5, v9  }
0xf1: {  	[tilespmem:$0x1FE70] =	vst v13;
	v5 =	vsel vm3, v8, v5;
	v8 =	vimm.s32 $0x0;
	vm13 =	vgt.f32 v11, v9  }
0xf2: {  	v55 =	vld [tilespmem:$0x1FE70];
	v23 =	vor.u32 $0x38, v4;
	v59 =	vor.u32 $0x35, v4;
	v8 =	vsel vm13, $0xFFFFFFFF, v8  }
0xf3: {  	v21 =	vimm.s32 $0x0;
	vm14 =	vnez.u8 v34;
	v6 =	vsel vm0, v7, v6;
	[tilespmem:$0x1FEF0] =	vst v8;
	v8 =	vld [tilespmem:$0x1FE20]  }
0xf4: {  	v25 =	vor.u32 $0x39, v4;
	v7 =	vsel vm0, $0x1D, v7;
	v6 =	vsel vm14, $0x1E, v6  }
0xf5: {  	v43 =	vld [tilespmem:$0x1FE30];
	vm14 =	vnez.u8 v38;
	v6 =	vsel vm1, v7, v6;
	v7 =	vsel vm1, $0x1E, v7  }
0xf6: {  	v6 =	vsel vm14, $0x1F, v6;
	v9 =	vsel vm13, v11, v9;
	vm13 =	vgt.f32 v11, v5  }
0xf7: {  	v47 =	vld [tilespmem:$0x1FE40];
	vm1 =	vnez.u8 v55;
	v6 =	vsel vm4, v7, v6;
	v9 =	vsel vm13, v5, v9  }
0xf8: {  	v7 =	vsel vm4, $0x1F, v7;
	vm4 =	vgt.f32 v37, v9;
	vm14 =	vnez.u8 v8;
	v8 =	vld.idx.msk [tilespmem:v35+s2+$0x0], $0xffff  }
0xf9: {  	v5 =	vsel vm13, v11, v5;
	v11 =	vsel vm4, $0xFFFFFFFF, v41;
	v6 =	vsel vm14, $0x20, v6  }
0xfa: {  	v49 =	vld [tilespmem:$0x1FE50];
	v9 =	vsel vm4, v37, v9;
	vm14 =	vnez.u8 v43;
	v6 =	vsel vm6, v7, v6  }
0xfb: {  	v42 =	vld.idx.msk [tilespmem:v39+s2+$0x0], $0xffff;
	vm4 =	vgt.f32 v37, v5;
	v7 =	vsel vm6, $0x20, v7;
	v6 =	vsel vm14, $0x21, v6  }
0xfc: {  	v9 =	vsel vm4, v5, v9;
	v5 =	vsel vm4, v37, v5;
	v6 =	vsel vm7, v7, v6  }
0xfd: {  	v7 =	vsel vm7, $0x21, v7;
	vm7 =	vnez.u8 v47;
	vm6 =	vgt.f32 v8, v9  }
0xfe: {  	v52 =	vld [tilespmem:$0x1FE60];
	[tilespmem:$0x1FEE0] =	vst v10;
	v10 =	vsel vm6, $0xFFFFFFFF, v45;
	v9 =	vsel vm6, v8, v9;
	vm6 =	vgt.f32 v8, v5  }
0xff: {  	v46 =	vld.idx.msk [tilespmem:v40+s2+$0x0], $0xffff;
	v6 =	vsel vm7, $0x22, v6;
	vm7 =	vnez.u8 v49;
	v9 =	vsel vm6, v5, v9  }
0x100: {  	v5 =	vsel vm6, v8, v5;
	v8 =	vimm.s32 $0x0;
	vm14 =	vgt.f32 v42, v9  }
0x101: {  	v57 =	vld [tilespmem:$0x1FE80];
	v6 =	vsel vm8, v7, v6;
	v7 =	vsel vm8, $0x22, v7;
	v8 =	vsel vm14, $0xFFFFFFFF, v8  }
0x102: {  	v6 =	vsel vm7, $0x23, v6;
	vm8 =	vgt.f32 v42, v5;
	v9 =	vsel vm14, v42, v9;
	[tilespmem:$0x1FF20] =	vst v8;
	v8 =	vld.idx.msk [tilespmem:v44+s2+$0x0], $0xffff  }
0x103: {  	vm7 =	vnez.u8 v52;
	v6 =	vsel vm5, v7, v6;
	v9 =	vsel vm8, v5, v9  }
0x104: {  	v7 =	vsel vm5, $0x23, v7;
	v5 =	vsel vm8, v42, v5;
	vm14 =	vgt.f32 v46, v9  }
0x105: {  	v53 =	vld.idx.msk [tilespmem:v48+s2+$0x0], $0xffff;
	v6 =	vsel vm7, $0x24, v6;
	vm0 =	vgt.f32 v46, v5;
	v9 =	vsel vm14, v46, v9  }
0x106: {  	v61 =	vld [tilespmem:$0x1FE90];
	[tilespmem:$0x1FF00] =	vst v11;
	v6 =	vsel vm1, v7, v6;
	v11 =	vsel vm14, $0xFFFFFFFF, v51;
	v9 =	vsel vm0, v5, v9  }
0x107: {  	vm14 =	vnez.u8 v57;
	v5 =	vsel vm0, v46, v5;
	vm5 =	vgt.f32 v8, v9  }
0x108: {  	v58 =	vld.idx.msk [tilespmem:v50+s2+$0x0], $0xffff;
	[tilespmem:$0x1FF10] =	vst v10;
	v10 =	vsel vm5, $0xFFFFFFFF, v56;
	v9 =	vsel vm5, v8, v9;
	vm5 =	vgt.f32 v8, v5  }
0x109: {  	v18 =	vld [tilespmem:$0x1FEA0];
	v7 =	vsel vm1, $0x24, v7;
	v6 =	vsel vm14, $0x25, v6;
	v9 =	vsel vm5, v5, v9  }
0x10a: {  	v5 =	vsel vm5, v8, v5;
	v8 =	vimm.s32 $0x0;
	vm14 =	vgt.f32 v53, v9  }
0x10b: {  	vm7 =	vnez.u8 v61;
	v6 =	vsel vm9, v7, v6;
	v8 =	vsel vm14, $0xFFFFFFFF, v8  }
0x10c: {  	v60 =	vsel vm9, $0x25, v7;
	v7 =	vld.idx.msk [tilespmem:v54+s2+$0x0], $0xffff;
	[tilespmem:$0x1FF50] =	vst v8;
	v8 =	vsel vm14, v53, v9;
	vm14 =	vgt.f32 v53, v5  }
0x10d: {  	v63 =	vsel vm10, $0x26, v60;
	v6 =	vsel vm7, $0x26, v6;
	v8 =	vsel vm14, v5, v8  }
0x10e: {  	vm7 =	vnez.u8 v18;
	v5 =	vsel vm14, v53, v5;
	vm9 =	vgt.f32 v58, v8  }
0x10f: {  	v17 =	vld.idx.msk [tilespmem:v59+s2+$0x0], $0xffff;
	v6 =	vsel vm10, v60, v6;
	vm10 =	vgt.f32 v58, v5;
	v8 =	vsel vm9, v58, v8  }
0x110: {  	v24 =	vld [tilespmem:$0x1FEC0];
	v20 =	vsel vm11, $0x27, v63;
	v6 =	vsel vm7, $0x27, v6;
	v8 =	vsel vm10, v5, v8  }
0x111: {  	[tilespmem:$0x1FF30] =	vst v11;
	v11 =	vsel vm9, $0xFFFFFFFF, v16;
	v5 =	vsel vm10, v58, v5;
	vm9 =	vgt.f32 v7, v8  }
0x112: {  	v6 =	vsel vm11, v63, v6;
	vm11 =	vgt.f32 v7, v5;
	v8 =	vsel vm9, v7, v8  }
0x113: {  	v30 =	vimm.s32 $0x0;
	[tilespmem:$0x1FF40] =	vst v10;
	v10 =	vsel vm9, $0xFFFFFFFF, v21;
	v8 =	vsel vm11, v5, v8  }
0x114: {  	v22 =	vld [tilespmem:$0x1FEB0];
	v5 =	vsel vm11, v7, v5;
	v7 =	vimm.s32 $0x0;
	vm9 =	vgt.f32 v17, v8  }
0x115: {  	v26 =	vimm.s32 $0x0;
	vm1 =	vnez.u8 v24;
	v7 =	vsel vm9, $0xFFFFFFFF, v7  }
0x116: {  	v28 =	vor.u32 $0x3A, v4;
	v38 =	vimm.s32 $0x0;
	v12 =	vsel vm1, $0x28, v20;
	[tilespmem:$0x1FF80] =	vst v7;
	v7 =	vld [tilespmem:$0x1FED0]  }
0x117: {  	v36 =	vor.u32 $0x3C, v4;
	v41 =	vor.u32 $0x3D, v4;
	v27 =	vsel vm12, $0x29, v12  }
0x118: {  	v43 =	vimm.s32 $0x0;
	v49 =	vor.u32 $0x3F, v4;
	v29 =	vsel vm2, $0x2A, v27  }
0x119: {  	v51 =	vimm.s32 $0x0;
	vm7 =	vnez.u8 v22;
	v34 =	vsel vm3, $0x2B, v29;
	v9 =	vld.idx.msk [tilespmem:v62+s2+$0x0], $0xffff  }
0x11a: {  	v32 =	vld [tilespmem:$0x1FEE0];
	v46 =	vor.u32 $0x3E, v4;
	v37 =	vsel vm13, $0x2C, v34;
	v6 =	vsel vm7, $0x28, v6  }
0x11b: {  	v35 =	vld [tilespmem:$0x1FEF0];
	v42 =	vsel vm4, $0x2D, v37;
	v6 =	vsel vm1, v20, v6;
	vm7 =	vnez.u8 v7  }
0x11c: {  	v8 =	vsel vm9, v17, v8;
	v7 =	vld.idx.msk [tilespmem:v19+s2+$0x0], $0xffff;
	v6 =	vsel vm7, $0x29, v6;
	vm7 =	vgt.f32 v17, v5  }
0x11d: {  	v8 =	vsel vm7, v5, v8;
	v6 =	vsel vm12, v12, v6;
	v5 =	vsel vm7, v17, v5  }
0x11e: {  	[tilespmem:$0x1FF60] =	vst v11;
	vm9 =	vgt.f32 v9, v8;
	vm12 =	vgt.f32 v9, v5;
	v6 =	vsel vm15, $0x2A, v6  }
0x11f: {  	[tilespmem:$0x1FF70] =	vst v10;
	v10 =	vld.idx.msk [tilespmem:v23+s2+$0x0], $0xffff;
	v11 =	vsel vm9, $0xFFFFFFFF, v26;
	v8 =	vsel vm9, v9, v8;
	v6 =	vsel vm2, v27, v6  }
0x120: {  	vm9 =	vnez.u8 v32;
	v8 =	vsel vm12, v5, v8;
	v5 =	vsel vm12, v9, v5  }
0x121: {  	v40 =	vld [tilespmem:$0x1FF00];
	v6 =	vsel vm9, $0x2B, v6;
	vm9 =	vnez.u8 v35;
	vm15 =	vgt.f32 v7, v8  }
0x122: {  	v31 =	vld.idx.msk [tilespmem:v25+s2+$0x0], $0xffff;
	vm2 =	vgt.f32 v7, v5;
	v6 =	vsel vm3, v29, v6;
	v8 =	vsel vm15, v7, v8  }
0x123: {  	v45 =	vld [tilespmem:$0x1FF10];
	v9 =	vsel vm15, $0xFFFFFFFF, v30;
	v6 =	vsel vm9, $0x2C, v6;
	v8 =	vsel vm2, v5, v8  }
0x124: {  	v5 =	vsel vm2, v7, v5;
	v7 =	vimm.s32 $0x0;
	vm15 =	vgt.f32 v10, v8  }
0x125: {  	v48 =	vld [tilespmem:$0x1FF20];
	v47 =	vsel vm6, $0x2E, v42;
	v6 =	vsel vm13, v34, v6;
	v7 =	vsel vm15, $0xFFFFFFFF, v7  }
0x126: {  	vm9 =	vnez.u8 v40;
	vm3 =	vgt.f32 v10, v5;
	v8 =	vsel vm15, v10, v8;
	[tilespmem:$0x1FFB0] =	vst v7;
	v7 =	vld.idx.msk [tilespmem:v28+s2+$0x0], $0xffff  }
0x127: {  	v50 =	vsel vm8, $0x2F, v47;
	v6 =	vsel vm9, $0x2D, v6;
	v8 =	vsel vm3, v5, v8  }
0x128: {  	vm9 =	vnez.u8 v45;
	v5 =	vsel vm3, v10, v5;
	vm15 =	vgt.f32 v31, v8  }
0x129: {  	v39 =	vld.idx.msk [tilespmem:v33+s2+$0x0], $0xffff;
	v6 =	vsel vm4, v37, v6;
	vm13 =	vgt.f32 v31, v5;
	v8 =	vsel vm15, v31, v8  }
0x12a: {  	v6 =	vsel vm9, $0x2E, v6;
	vm9 =	vnez.u8 v48;
	v8 =	vsel vm13, v5, v8  }
0x12b: {  	v53 =	vld [tilespmem:$0x1FF30];
	v10 =	vsel vm15, $0xFFFFFFFF, v38;
	v5 =	vsel vm13, v31, v5;
	vm15 =	vgt.f32 v7, v8  }
0x12c: {  	v6 =	vsel vm6, v42, v6;
	vm4 =	vgt.f32 v7, v5;
	v8 =	vsel vm15, v7, v8  }
0x12d: {  	v44 =	vld.idx.msk [tilespmem:v36+s2+$0x0], $0xffff;
	[tilespmem:$0x1FFA0] =	vst v9;
	v6 =	vsel vm9, $0x2F, v6;
	v9 =	vsel vm15, $0xFFFFFFFF, v43;
	v8 =	vsel vm4, v5, v8  }
0x12e: {  	v55 =	vld [tilespmem:$0x1FF40];
	v5 =	vsel vm4, v7, v5;
	v7 =	vimm.s32 $0x0;
	vm15 =	vgt.f32 v39, v8  }
0x12f: {  	v54 =	vsel vm0, $0x30, v50;
	v6 =	vsel vm8, v47, v6;
	v7 =	vsel vm15, $0xFFFFFFFF, v7  }
0x130: {  	vm9 =	vnez.u8 v53;
	vm6 =	vgt.f32 v39, v5;
	v8 =	vsel vm15, v39, v8;
	[tilespmem:$0x1FFE0] =	vst v7;
	v7 =	vld.idx.msk [tilespmem:v41+s2+$0x0], $0xffff  }
0x131: {  	v58 =	vld [tilespmem:$0x1FF50];
	v6 =	vsel vm9, $0x30, v6;
	v8 =	vsel vm6, v5, v8;
	v5 =	vsel vm6, v39, v5  }
0x132: {  	v6 =	vsel vm0, v50, v6;
	vm15 =	vgt.f32 v44, v8;
	vm8 =	vgt.f32 v44, v5  }
0x133: {  	v52 =	vld.idx.msk [tilespmem:v46+s2+$0x0], $0xffff;
	[tilespmem:$0x1FFC0] =	vst v10;
	v10 =	vsel vm15, $0xFFFFFFFF, v51;
	v8 =	vsel vm15, v44, v8;
	vm15 =	vnez.u8 v55  }
0x134: {  	v57 =	vsel vm5, $0x31, v54;
	v59 =	vld [tilespmem:$0x1FF60];
	v8 =	vsel vm8, v5, v8;
	v6 =	vsel vm15, $0x31, v6  }
0x135: {  	v5 =	vsel vm8, v44, v5;
	v6 =	vsel vm5, v54, v6;
	vm9 =	vgt.f32 v7, v8  }
0x136: {  	vm5 =	vnez.u8 v58;
	vm1 =	vgt.f32 v7, v5;
	v8 =	vsel vm9, v7, v8  }
0x137: {  	v6 =	vsel vm5, $0x32, v6;
	v8 =	vsel vm1, v5, v8  }
0x138: {  	v6 =	vsel vm14, v57, v6;
	v5 =	vsel vm1, v7, v5;
	vm5 =	vgt.f32 v52, v8  }
0x139: {  	v56 =	vld.idx.msk [tilespmem:v49+s2+$0x0], $0xffff;
	v7 =	vsel vm5, v52, v8;
	v8 =	vsel vm14, $0x32, v57;
	vm14 =	vnez.u8 v59  }
0x13a: {  	v6 =	vsel vm14, $0x33, v6  }
0x13b: {  	v60 =	vsel vm10, $0x33, v8;
	v6 =	vsel vm10, v8, v6;
	v8 =	vld [tilespmem:$0x1FF70]  }
0x13c: {  	vm0 =	vgt.f32 v52, v5  }
0x13d: {  	v7 =	vsel vm0, v5, v7  }
0x13e: {  	v5 =	vsel vm0, v52, v5;
	vm14 =	vgt.f32 v56, v7  }
0x13f: {  	vm10 =	vgt.f32 v56, v5;
	v7 =	vsel vm14, v56, v7  }
0x140: {  	vm15 =	vnez.u8 v8;
	v8 =	vsel vm10, v56, v5;
	v5 =	vsel vm10, v5, v7  }
0x141: {  	v5 =	vsub.f32 v5, v8;
	v8 =	vld [tilespmem:$0x1FF80];
	_ =	sdelay $0x3  }
0x142: {  	[tilespmem:$0x1FF90] =	vst v11  }
0x143: {  	v6 =	vsel vm15, $0x34, v6;
	vm15 =	vnez.u8 v8;
	v8 =	vld [tilespmem:$0x1FF90];
	_ =	sdelay $0x2  }
0x144: {  	v6 =	vsel vm11, v60, v6  }
0x145: {  	v7 =	vsel vm11, $0x34, v60;
	v6 =	vsel vm15, $0x35, v6  }
0x146: {  	v5 =	vmul.f32 $1.442695020e+00, v5;
	v6 =	vsel vm7, v7, v6;
	vm11 =	vnez.u8 v8  }
0x147: {  	v7 =	vsel vm7, $0x35, v7;
	v6 =	vsel vm11, $0x36, v6  }
0x148: {  	(erf) = vpow2.f32 v5;
	v5 =	vsel vm12, $0x36, v7;
	v6 =	vsel vm12, v7, v6;
	v7 =	vld [tilespmem:$0x1FFA0];
	_ =	sdelay $0x4  }
0x149: {  	vm15 =	vnez.u8 v7;
	v7 =	vld [tilespmem:$0x1FFB0];
	_ =	sdelay $0x4  }
0x14a: {  	vm7 =	vnez.u8 v7;
	v7 =	vld [tilespmem:$0x1FFC0];
	_ =	sdelay $0x3  }
0x14b: {  	[tilespmem:$0x1FFD0] =	vst v9  }
0x14c: {  	vm11 =	vnez.u8 v7;
	v7 =	vld [tilespmem:$0x1FFD0];
	_ =	sdelay $0x2  }
0x14d: {  	v6 =	vsel vm15, $0x37, v6  }
0x14e: {  	v6 =	vsel vm2, v5, v6  }
0x14f: {  	v5 =	vsel vm2, $0x37, v5;
	v6 =	vsel vm7, $0x38, v6;
	vm12 =	vnez.u8 v7;
	v7 =	vld [tilespmem:$0x1FFE0]  }
0x150: {  	[tilespmem:$0x1FFF0] =	vst v10;
	v6 =	vsel vm3, v5, v6  }
0x151: {  	v61 =	vld [tilespmem:$0x1FFF0];
	v5 =	vsel vm3, $0x38, v5;
	v6 =	vsel vm11, $0x39, v6  }
0x152: {  	v6 =	vsel vm13, v5, v6  }
0x153: {  	v5 =	vsel vm13, $0x39, v5;
	v6 =	vsel vm12, $0x3A, v6  }
0x154: {  	v6 =	vsel vm4, v5, v6;
	vm13 =	vnez.u8 v7  }
0x155: {  	v5 =	vsel vm4, $0x3A, v5;
	v7 =	vpop (erf);
	v6 =	vsel vm13, $0x3B, v6  }
0x156: {  	vm15 =	vnez.u8 v61;
	v8 =	vadd.f32 $1.000000000e+00, v7;
	v6 =	vsel vm6, v5, v6  }
0x157: {  	v5 =	vsel vm6, $0x3B, v5;
	v6 =	vsel vm15, $0x3C, v6  }
0x158: {  	(erf) = vrcp.f32 v8;
	v6 =	vsel vm8, v5, v6  }
0x159: {  	v5 =	vsel vm8, $0x3C, v5;
	v6 =	vsel vm9, $0x3D, v6  }
0x15a: {  	v6 =	vsel vm1, v5, v6  }
0x15b: {  	v5 =	vsel vm1, $0x3D, v5;
	v6 =	vsel vm5, $0x3E, v6  }
0x15c: {  	v6 =	vsel vm0, v5, v6;
	v5 =	vsel vm0, $0x3E, v5  }
0x15d: {  	v8 =	vsel vm14, $0x3F, v6;
	v6 =	vsel vm10, $0x3F, v5  }
0x15e: {  	v5 =	vsel vm10, v5, v8;
	v8 =	vadd.s32 v4, v6  }
0x15f: {  	v62 =	vadd.s32 v4, v5;
	_ =	sdelay $0x1  }
0x160: {  	v4 =	vshll.u32 v3, $0x1;
	v63 =	vpop (erf)  }
0x161: {  	v3 =	vor.u32 $0x1, v4;
	v7 =	vmul.f32 v63, v7  }
0x162: {  	[tilespmem:v8+s11+$0x0] =	vst.idx.msk $0xffff, v63  }
0x163: {  	s15 =	simm.s32 $0x10;
	[tilespmem:v62+s11+$0x0] =	vst.idx.msk $0xffff, v7  }
.LBB2_2:
0x164: {  	p0 =	sne.s32 s15, $0x1F0  }
0x165: {  	[tilespmem:v4+s12+$0x0] =	vst.idx.msk $0xffff, v6;
	s14 =	sadd.s32 $0x400, s14;
	s16 =	smov.u32 s15;
	s15 =	sadd.s32 $0x10, s15  }
0x166: {  	[tilespmem:v3+s12+$0x0] =	vst.idx.msk $0xffff, v5  }
0x167: {  	[tilespmem:s14+$0x1F0] =	vst v1  }
0x168: {  	[tilespmem:s14+$0x1E0] =	vst v1  }
0x169: {  	[tilespmem:s14+$0x1D0] =	vst v1  }
0x16a: {  	[tilespmem:s14+$0x1C0] =	vst v1  }
0x16b: {  	[tilespmem:s14+$0x1B0] =	vst v1  }
0x16c: {  	[tilespmem:s14+$0x1A0] =	vst v1  }
0x16d: {  	[tilespmem:s14+$0x190] =	vst v1  }
0x16e: {  	[tilespmem:s14+$0x180] =	vst v1  }
0x16f: {  	[tilespmem:s14+$0x170] =	vst v1  }
0x170: {  	[tilespmem:s14+$0x160] =	vst v1  }
0x171: {  	[tilespmem:s14+$0x150] =	vst v1  }
0x172: {  	[tilespmem:s14+$0x140] =	vst v1  }
0x173: {  	[tilespmem:s14+$0x130] =	vst v1  }
0x174: {  	[tilespmem:s14+$0x120] =	vst v1  }
0x175: {  	[tilespmem:s14+$0x110] =	vst v1  }
0x176: {  	[tilespmem:s14+$0x100] =	vst v1  }
0x177: {  	[tilespmem:s14+$0xF0] =	vst v1  }
0x178: {  	[tilespmem:s14+$0xE0] =	vst v1  }
0x179: {  	[tilespmem:s14+$0xD0] =	vst v1  }
0x17a: {  	[tilespmem:s14+$0xC0] =	vst v1  }
0x17b: {  	[tilespmem:s14+$0xB0] =	vst v1  }
0x17c: {  	[tilespmem:s14+$0xA0] =	vst v1  }
0x17d: {  	[tilespmem:s14+$0x90] =	vst v1  }
0x17e: {  	[tilespmem:s14+$0x80] =	vst v1  }
0x17f: {  	[tilespmem:s14+$0x70] =	vst v1  }
0x180: {  	[tilespmem:s14+$0x60] =	vst v1  }
0x181: {  	[tilespmem:s14+$0x50] =	vst v1  }
0x182: {  	[tilespmem:s14+$0x40] =	vst v1  }
0x183: {  	[tilespmem:s14+$0x30] =	vst v1  }
0x184: {  	[tilespmem:s14+$0x20] =	vst v1  }
0x185: {  	[tilespmem:s14+$0x10] =	vst v1  }
0x186: {  	[tilespmem:s14+$0x0] =	vst v1  }
0x187: {  	[tilespmem:s14+$0xFFFFFFF0] =	vst v1  }
0x188: {  	[tilespmem:s14+$0xFFFFFFE0] =	vst v1  }
0x189: {  	[tilespmem:s14+$0xFFFFFFD0] =	vst v1  }
0x18a: {  	[tilespmem:s14+$0xFFFFFFC0] =	vst v1  }
0x18b: {  	[tilespmem:s14+$0xFFFFFFB0] =	vst v1  }
0x18c: {  	[tilespmem:s14+$0xFFFFFFA0] =	vst v1  }
0x18d: {  	[tilespmem:s14+$0xFFFFFF90] =	vst v1  }
0x18e: {  	[tilespmem:s14+$0xFFFFFF80] =	vst v1  }
0x18f: {  	[tilespmem:s14+$0xFFFFFF70] =	vst v1  }
0x190: {  	[tilespmem:s14+$0xFFFFFF60] =	vst v1  }
0x191: {  	[tilespmem:s14+$0xFFFFFF50] =	vst v1  }
0x192: {  	[tilespmem:s14+$0xFFFFFF40] =	vst v1  }
0x193: {  	[tilespmem:s14+$0xFFFFFF30] =	vst v1  }
0x194: {  	[tilespmem:s14+$0xFFFFFF20] =	vst v1  }
0x195: {  	[tilespmem:s14+$0xFFFFFF10] =	vst v1  }
0x196: {  	[tilespmem:s14+$0xFFFFFF00] =	vst v1  }
0x197: {  	[tilespmem:s14+$0xFFFFFEF0] =	vst v1  }
0x198: {  	[tilespmem:s14+$0xFFFFFEE0] =	vst v1  }
0x199: {  	[tilespmem:s14+$0xFFFFFED0] =	vst v1  }
0x19a: {  	[tilespmem:s14+$0xFFFFFEC0] =	vst v1  }
0x19b: {  	[tilespmem:s14+$0xFFFFFEB0] =	vst v1  }
0x19c: {  	[tilespmem:s14+$0xFFFFFEA0] =	vst v1  }
0x19d: {  	[tilespmem:s14+$0xFFFFFE90] =	vst v1  }
0x19e: {  	[tilespmem:s14+$0xFFFFFE80] =	vst v1  }
0x19f: {  	[tilespmem:s14+$0xFFFFFE70] =	vst v1  }
0x1a0: {  	[tilespmem:s14+$0xFFFFFE60] =	vst v1  }
0x1a1: {  	v3 =	vor.u32 s16, v0;
	[tilespmem:s14+$0xFFFFFE50] =	vst v1  }
0x1a2: {  	v4 =	vshll.u32 v3, $0x6;
	[tilespmem:s14+$0xFFFFFE40] =	vst v1  }
0x1a3: {  	v10 =	vor.u32 $0x1, v4;
	v11 =	vor.u32 $0x2, v4;
	v13 =	vor.u32 $0x3, v4;
	[tilespmem:s14+$0xFFFFFE30] =	vst v1  }
0x1a4: {  	v14 =	vor.u32 $0x4, v4;
	v17 =	vor.u32 $0x8, v4;
	v8 =	vor.u32 $0x9, v4;
	[tilespmem:s14+$0xFFFFFE20] =	vst v1  }
0x1a5: {  	v7 =	vor.u32 $0xA, v4;
	v5 =	vor.u32 $0xB, v4;
	v6 =	vor.u32 $0xC, v4;
	[tilespmem:s14+$0xFFFFFE10] =	vst v1  }
0x1a6: {  	v9 =	vor.u32 $0xD, v4;
	v12 =	vor.u32 $0xE, v4;
	v15 =	vor.u32 $0xF, v4;
	[tilespmem:s14+$0xFFFFFE00] =	vst v1  }
0x1a7: {  	v16 =	vor.u32 $0x10, v4;
	v20 =	vor.u32 $0x11, v4;
	v19 =	vor.u32 $0x12, v4;
	v18 =	vld.idx.msk [tilespmem:v4+s2+$0x0], $0xffff  }
0x1a8: {  	v21 =	vor.u32 $0x13, v4;
	v23 =	vor.u32 $0x14, v4;
	v25 =	vor.u32 $0x15, v4;
	v10 =	vld.idx.msk [tilespmem:v10+s2+$0x0], $0xffff  }
0x1a9: {  	v22 =	vor.u32 $0x16, v4;
	v24 =	vor.u32 $0x17, v4;
	v26 =	vor.u32 $0x18, v4  }
0x1aa: {  	v27 =	vor.u32 $0x19, v4;
	v29 =	vor.u32 $0x1A, v4;
	v31 =	vor.u32 $0x1B, v4  }
0x1ab: {  	v33 =	vor.u32 $0x1C, v4;
	v37 =	vor.u32 $0x1D, v4;
	v38 =	vor.u32 $0x1E, v4  }
0x1ac: {  	v39 =	vor.u32 $0x1F, v4;
	v40 =	vor.u32 $0x20, v4;
	v41 =	vor.u32 $0x21, v4;
	v11 =	vld.idx.msk [tilespmem:v11+s2+$0x0], $0xffff  }
0x1ad: {  	v42 =	vor.u32 $0x22, v4;
	v43 =	vor.u32 $0x23, v4;
	vm0 =	vgt.f32 v18, $-Inf  }
0x1ae: {  	v18 =	vnsel vm0, $0xFF800000, v18;
	vm0 =	vlt.f32 v10, $-Inf;
	vm1 =	vgt.f32 v10, $-Inf;
	v30 =	vld.idx.msk [tilespmem:v22+s2+$0x0], $0xffff  }
0x1af: {  	vm2 =	vgt.f32 v10, v18;
	vm0 =	vmor vm1, vm0;
	v22 =	vor.u32 $0x5, v4;
	v13 =	vld.idx.msk [tilespmem:v13+s2+$0x0], $0xffff  }
0x1b0: {  	vm1 =	vmneg vm2;
	v28 =	vnsel vm0, $0xFF800000, v10;
	v35 =	vsel vm2, $0x1, v2;
	v32 =	vld.idx.msk [tilespmem:v24+s2+$0x0], $0xffff  }
0x1b1: {  	v24 =	vsel vm1, v28, v18;
	vm0 =	vmand vm0, vm1;
	v10 =	vsel vm1, v18, v10;
	v28 =	vld.idx.msk [tilespmem:v26+s2+$0x0], $0xffff  }
0x1b2: {  	v18 =	vsel vm0, $0x1, v2;
	vm0 =	vgt.f32 v11, v24;
	v26 =	vor.u32 $0x6, v4;
	v14 =	vld.idx.msk [tilespmem:v14+s2+$0x0], $0xffff  }
0x1b3: {  	vm1 =	vgt.f32 v11, v10;
	v24 =	vsel vm0, v11, v24;
	v18 =	vsel vm0, $0x2, v18;
	v36 =	vld.idx.msk [tilespmem:v27+s2+$0x0], $0xffff  }
0x1b4: {  	v24 =	vsel vm1, v10, v24;
	v18 =	vsel vm1, v35, v18;
	v10 =	vsel vm1, v11, v10;
	v34 =	vld.idx.msk [tilespmem:v29+s2+$0x0], $0xffff  }
0x1b5: {  	v11 =	vsel vm1, $0x2, v35;
	vm0 =	vgt.f32 v13, v24;
	v27 =	vld.idx.msk [tilespmem:v22+s2+$0x0], $0xffff;
	v22 =	vor.u32 $0x7, v4  }
0x1b6: {  	vm1 =	vgt.f32 v13, v10;
	v24 =	vsel vm0, v13, v24;
	v18 =	vsel vm0, $0x3, v18;
	v35 =	vld.idx.msk [tilespmem:v31+s2+$0x0], $0xffff  }
0x1b7: {  	v24 =	vsel vm1, v10, v24;
	v18 =	vsel vm1, v11, v18;
	v10 =	vsel vm1, v13, v10;
	v33 =	vld.idx.msk [tilespmem:v33+s2+$0x0], $0xffff  }
0x1b8: {  	v11 =	vsel vm1, $0x3, v11;
	vm0 =	vgt.f32 v14, v24;
	v13 =	vld.idx.msk [tilespmem:v26+s2+$0x0], $0xffff;
	v26 =	vor.u32 $0x24, v4  }
0x1b9: {  	vm1 =	vgt.f32 v14, v10;
	v24 =	vsel vm0, v14, v24;
	v18 =	vsel vm0, $0x4, v18;
	v31 =	vld.idx.msk [tilespmem:v37+s2+$0x0], $0xffff  }
0x1ba: {  	v29 =	vsel vm1, v10, v24;
	v18 =	vsel vm1, v11, v18;
	v10 =	vsel vm1, v14, v10;
	v24 =	vld.idx.msk [tilespmem:v38+s2+$0x0], $0xffff  }
0x1bb: {  	v11 =	vsel vm1, $0x4, v11;
	vm0 =	vgt.f32 v27, v29;
	v38 =	vor.u32 $0x25, v4;
	v37 =	vld.idx.msk [tilespmem:v22+s2+$0x0], $0xffff  }
0x1bc: {  	vm1 =	vgt.f32 v27, v10;
	v14 =	vsel vm0, v27, v29;
	v18 =	vsel vm0, $0x5, v18;
	v22 =	vld.idx.msk [tilespmem:v39+s2+$0x0], $0xffff  }
0x1bd: {  	v14 =	vsel vm1, v10, v14;
	v29 =	vsel vm1, v11, v18;
	v11 =	vsel vm1, $0x5, v11;
	v18 =	vld.idx.msk [tilespmem:v40+s2+$0x0], $0xffff  }
0x1be: {  	v10 =	vsel vm1, v27, v10;
	v39 =	vor.u32 $0x26, v4;
	vm0 =	vgt.f32 v13, v14;
	v27 =	vld.idx.msk [tilespmem:v17+s2+$0x0], $0xffff  }
0x1bf: {  	vm1 =	vgt.f32 v13, v10;
	v14 =	vsel vm0, v13, v14;
	v29 =	vsel vm0, $0x6, v29;
	v17 =	vld.idx.msk [tilespmem:v41+s2+$0x0], $0xffff  }
0x1c0: {  	v40 =	vsel vm1, v10, v14;
	v29 =	vsel vm1, v11, v29;
	v41 =	vsel vm1, $0x6, v11;
	v14 =	vld.idx.msk [tilespmem:v42+s2+$0x0], $0xffff  }
0x1c1: {  	v44 =	vor.u32 $0x27, v4;
	v10 =	vsel vm1, v13, v10;
	vm0 =	vgt.f32 v37, v40;
	v42 =	vld.idx.msk [tilespmem:v8+s2+$0x0], $0xffff  }
0x1c2: {  	vm1 =	vgt.f32 v37, v10;
	v8 =	vsel vm0, v37, v40;
	v11 =	vsel vm0, $0x7, v29;
	v13 =	vld.idx.msk [tilespmem:v43+s2+$0x0], $0xffff  }
0x1c3: {  	v37 =	vsel vm1, v37, v10;
	v8 =	vsel vm1, v10, v8;
	v29 =	vsel vm1, v41, v11;
	v11 =	vld.idx.msk [tilespmem:v26+s2+$0x0], $0xffff  }
0x1c4: {  	v26 =	vsel vm1, $0x7, v41;
	vm0 =	vgt.f32 v27, v8;
	v41 =	vor.u32 $0x28, v4;
	v40 =	vld.idx.msk [tilespmem:v7+s2+$0x0], $0xffff  }
0x1c5: {  	vm1 =	vgt.f32 v27, v37;
	v7 =	vsel vm0, v27, v8;
	v8 =	vsel vm0, $0x8, v29;
	v10 =	vld.idx.msk [tilespmem:v38+s2+$0x0], $0xffff  }
0x1c6: {  	v27 =	vsel vm1, v27, v37;
	v7 =	vsel vm1, v37, v7;
	v29 =	vsel vm1, v26, v8;
	v8 =	vld.idx.msk [tilespmem:v39+s2+$0x0], $0xffff  }
0x1c7: {  	v26 =	vsel vm1, $0x8, v26;
	v38 =	vor.u32 $0x29, v4;
	vm0 =	vgt.f32 v42, v7;
	v37 =	vld.idx.msk [tilespmem:v5+s2+$0x0], $0xffff  }
0x1c8: {  	vm1 =	vgt.f32 v42, v27;
	v5 =	vsel vm0, v42, v7;
	v29 =	vsel vm0, $0x9, v29;
	v7 =	vld.idx.msk [tilespmem:v44+s2+$0x0], $0xffff  }
0x1c9: {  	v39 =	vsel vm1, v27, v5;
	v29 =	vsel vm1, v26, v29;
	v27 =	vsel vm1, v42, v27;
	v5 =	vld.idx.msk [tilespmem:v41+s2+$0x0], $0xffff  }
0x1ca: {  	v26 =	vsel vm1, $0x9, v26;
	v42 =	vor.u32 $0x2A, v4;
	vm0 =	vgt.f32 v40, v39;
	v41 =	vld.idx.msk [tilespmem:v6+s2+$0x0], $0xffff  }
0x1cb: {  	vm1 =	vgt.f32 v40, v27;
	v6 =	vsel vm0, v40, v39;
	v29 =	vsel vm0, $0xA, v29  }
0x1cc: {  	v39 =	vsel vm1, v27, v6;
	v27 =	vsel vm1, v40, v27;
	v40 =	vsel vm1, $0xA, v26;
	v6 =	vld.idx.msk [tilespmem:v38+s2+$0x0], $0xffff  }
0x1cd: {  	v26 =	vsel vm1, v26, v29;
	vm0 =	vgt.f32 v37, v39;
	v38 =	vor.u32 $0x2B, v4;
	v29 =	vld.idx.msk [tilespmem:v9+s2+$0x0], $0xffff  }
0x1ce: {  	vm1 =	vgt.f32 v37, v27;
	v9 =	vsel vm0, v37, v39;
	v26 =	vsel vm0, $0xB, v26  }
0x1cf: {  	v39 =	vsel vm1, v27, v9;
	v26 =	vsel vm1, v40, v26;
	v27 =	vsel vm1, v37, v27;
	v9 =	vld.idx.msk [tilespmem:v42+s2+$0x0], $0xffff  }
0x1d0: {  	v37 =	vsel vm1, $0xB, v40;
	vm0 =	vgt.f32 v41, v39;
	v42 =	vor.u32 $0x2C, v4;
	v40 =	vld.idx.msk [tilespmem:v12+s2+$0x0], $0xffff  }
0x1d1: {  	vm1 =	vgt.f32 v41, v27;
	v12 =	vsel vm0, v41, v39;
	v26 =	vsel vm0, $0xC, v26  }
0x1d2: {  	v43 =	vsel vm1, $0xC, v37;
	v39 =	vsel vm1, v27, v12;
	v12 =	vld.idx.msk [tilespmem:v38+s2+$0x0], $0xffff;
	v38 =	vor.u32 $0x2D, v4  }
0x1d3: {  	v26 =	vsel vm1, v37, v26;
	v27 =	vsel vm1, v41, v27;
	vm0 =	vgt.f32 v29, v39;
	v37 =	vld.idx.msk [tilespmem:v15+s2+$0x0], $0xffff  }
0x1d4: {  	vm1 =	vgt.f32 v29, v27;
	v15 =	vsel vm0, v29, v39;
	v26 =	vsel vm0, $0xD, v26  }
0x1d5: {  	v41 =	vsel vm1, $0xD, v43;
	v39 =	vsel vm1, v27, v15;
	v26 =	vsel vm1, v43, v26;
	v15 =	vld.idx.msk [tilespmem:v42+s2+$0x0], $0xffff  }
0x1d6: {  	v27 =	vsel vm1, v29, v27;
	vm0 =	vgt.f32 v40, v39;
	v42 =	vor.u32 $0x2E, v4;
	v29 =	vld.idx.msk [tilespmem:v16+s2+$0x0], $0xffff  }
0x1d7: {  	vm1 =	vgt.f32 v40, v27;
	v39 =	vsel vm0, v40, v39;
	v26 =	vsel vm0, $0xE, v26;
	v16 =	vld.idx.msk [tilespmem:v38+s2+$0x0], $0xffff  }
0x1d8: {  	v38 =	vsel vm1, v27, v39;
	v26 =	vsel vm1, v41, v26;
	v39 =	vsel vm1, $0xE, v41  }
0x1d9: {  	v27 =	vsel vm1, v40, v27;
	v41 =	vor.u32 $0x2F, v4;
	vm0 =	vgt.f32 v37, v38;
	v40 =	vld.idx.msk [tilespmem:v20+s2+$0x0], $0xffff  }
0x1da: {  	vm1 =	vgt.f32 v37, v27;
	v20 =	vsel vm0, v37, v38;
	v26 =	vsel vm0, $0xF, v26  }
0x1db: {  	v38 =	vsel vm1, v27, v20;
	v26 =	vsel vm1, v39, v26;
	v39 =	vsel vm1, $0xF, v39;
	v20 =	vld.idx.msk [tilespmem:v42+s2+$0x0], $0xffff  }
0x1dc: {  	v27 =	vsel vm1, v37, v27;
	vm0 =	vgt.f32 v29, v38;
	v42 =	vor.u32 $0x30, v4;
	v37 =	vld.idx.msk [tilespmem:v19+s2+$0x0], $0xffff  }
0x1dd: {  	vm1 =	vgt.f32 v29, v27;
	v19 =	vsel vm0, v29, v38;
	v26 =	vsel vm0, $0x10, v26  }
0x1de: {  	v38 =	vsel vm1, v27, v19;
	v26 =	vsel vm1, v39, v26;
	v39 =	vsel vm1, $0x10, v39;
	v19 =	vld.idx.msk [tilespmem:v41+s2+$0x0], $0xffff  }
0x1df: {  	v27 =	vsel vm1, v29, v27;
	vm0 =	vgt.f32 v40, v38;
	v41 =	vor.u32 $0x31, v4;
	v29 =	vld.idx.msk [tilespmem:v21+s2+$0x0], $0xffff  }
0x1e0: {  	vm1 =	vgt.f32 v40, v27;
	v21 =	vsel vm0, v40, v38;
	v26 =	vsel vm0, $0x11, v26  }
0x1e1: {  	v38 =	vsel vm1, v27, v21;
	v26 =	vsel vm1, v39, v26;
	v39 =	vsel vm1, $0x11, v39;
	v21 =	vld.idx.msk [tilespmem:v42+s2+$0x0], $0xffff  }
0x1e2: {  	v27 =	vsel vm1, v40, v27;
	vm0 =	vgt.f32 v37, v38;
	v42 =	vor.u32 $0x32, v4;
	v40 =	vld.idx.msk [tilespmem:v23+s2+$0x0], $0xffff  }
0x1e3: {  	vm1 =	vgt.f32 v37, v27;
	v23 =	vsel vm0, v37, v38;
	v26 =	vsel vm0, $0x12, v26  }
0x1e4: {  	v38 =	vsel vm1, v27, v23;
	v26 =	vsel vm1, v39, v26;
	v27 =	vsel vm1, v37, v27;
	v23 =	vld.idx.msk [tilespmem:v41+s2+$0x0], $0xffff  }
0x1e5: {  	v37 =	vsel vm1, $0x12, v39;
	vm0 =	vgt.f32 v29, v38;
	v41 =	vor.u32 $0x33, v4;
	v39 =	vld.idx.msk [tilespmem:v25+s2+$0x0], $0xffff  }
0x1e6: {  	vm1 =	vgt.f32 v29, v27;
	v25 =	vsel vm0, v29, v38;
	v26 =	vsel vm0, $0x13, v26  }
0x1e7: {  	v38 =	vsel vm1, v27, v25;
	v26 =	vsel vm1, v37, v26;
	v27 =	vsel vm1, v29, v27;
	v25 =	vld.idx.msk [tilespmem:v42+s2+$0x0], $0xffff  }
0x1e8: {  	v29 =	vsel vm1, $0x13, v37;
	v37 =	vor.u32 $0x34, v4;
	vm0 =	vgt.f32 v40, v38  }
0x1e9: {  	vm1 =	vgt.f32 v40, v27;
	v38 =	vsel vm0, v40, v38;
	v26 =	vsel vm0, $0x14, v26  }
0x1ea: {  	v38 =	vsel vm1, v27, v38;
	v42 =	vsel vm1, v29, v26;
	v29 =	vsel vm1, $0x14, v29;
	v26 =	vld.idx.msk [tilespmem:v41+s2+$0x0], $0xffff  }
0x1eb: {  	v40 =	vsel vm1, v40, v27;
	vm0 =	vgt.f32 v39, v38;
	v41 =	vor.u32 $0x35, v4  }
0x1ec: {  	vm1 =	vgt.f32 v39, v40;
	v27 =	vsel vm0, v39, v38;
	v38 =	vsel vm0, $0x15, v42  }
0x1ed: {  	v42 =	vsel vm1, v40, v27;
	v38 =	vsel vm1, v29, v38;
	v29 =	vsel vm1, $0x15, v29;
	v27 =	vld.idx.msk [tilespmem:v37+s2+$0x0], $0xffff  }
0x1ee: {  	v37 =	vsel vm1, v39, v40;
	vm0 =	vgt.f32 v30, v42;
	v39 =	vor.u32 $0x36, v4  }
0x1ef: {  	vm1 =	vgt.f32 v30, v37;
	v40 =	vsel vm0, v30, v42;
	v38 =	vsel vm0, $0x16, v38  }
0x1f0: {  	v40 =	vsel vm1, v37, v40;
	v38 =	vsel vm1, v29, v38;
	v42 =	vsel vm1, $0x16, v29;
	v29 =	vld.idx.msk [tilespmem:v41+s2+$0x0], $0xffff  }
0x1f1: {  	v37 =	vsel vm1, v30, v37;
	vm0 =	vgt.f32 v32, v40;
	v41 =	vor.u32 $0x37, v4  }
0x1f2: {  	vm1 =	vgt.f32 v32, v37;
	v30 =	vsel vm0, v32, v40;
	v38 =	vsel vm0, $0x17, v38  }
0x1f3: {  	v40 =	vsel vm1, v37, v30;
	v38 =	vsel vm1, v42, v38;
	v30 =	vld.idx.msk [tilespmem:v39+s2+$0x0], $0xffff;
	v39 =	vor.u32 $0x38, v4  }
0x1f4: {  	v32 =	vsel vm1, v32, v37;
	v37 =	vsel vm1, $0x17, v42;
	vm0 =	vgt.f32 v28, v40  }
0x1f5: {  	vm1 =	vgt.f32 v28, v32;
	v40 =	vsel vm0, v28, v40;
	v38 =	vsel vm0, $0x18, v38  }
0x1f6: {  	v42 =	vsel vm1, v28, v32;
	v40 =	vsel vm1, v32, v40;
	v38 =	vsel vm1, v37, v38;
	v32 =	vld.idx.msk [tilespmem:v41+s2+$0x0], $0xffff  }
0x1f7: {  	vm0 =	vgt.f32 v36, v42;
	v37 =	vsel vm1, $0x18, v37;
	vm1 =	vgt.f32 v36, v40  }
0x1f8: {  	v41 =	vsel vm0, $0x19, v37;
	v40 =	vsel vm1, v36, v40;
	v38 =	vsel vm1, $0x19, v38;
	v28 =	vld.idx.msk [tilespmem:v39+s2+$0x0], $0xffff  }
0x1f9: {  	v39 =	vsel vm0, v42, v40;
	v37 =	vsel vm0, v37, v38;
	v38 =	vor.u32 $0x39, v4  }
0x1fa: {  	v36 =	vsel vm0, v36, v42;
	v40 =	vor.u32 $0x3A, v4;
	vm0 =	vgt.f32 v34, v39  }
0x1fb: {  	vm1 =	vgt.f32 v34, v36;
	v39 =	vsel vm0, v34, v39;
	v37 =	vsel vm0, $0x1A, v37  }
0x1fc: {  	v42 =	vsel vm1, v34, v36;
	v39 =	vsel vm1, v36, v39;
	v37 =	vsel vm1, v41, v37  }
0x1fd: {  	v34 =	vsel vm1, $0x1A, v41;
	v41 =	vor.u32 $0x3B, v4;
	vm0 =	vgt.f32 v35, v39  }
0x1fe: {  	vm1 =	vgt.f32 v35, v42;
	v39 =	vsel vm0, v35, v39;
	v37 =	vsel vm0, $0x1B, v37;
	v36 =	vld.idx.msk [tilespmem:v38+s2+$0x0], $0xffff  }
0x1ff: {  	v38 =	vsel vm1, v42, v39;
	v37 =	vsel vm1, v34, v37;
	v39 =	vsel vm1, $0x1B, v34;
	v34 =	vld.idx.msk [tilespmem:v40+s2+$0x0], $0xffff  }
0x200: {  	v40 =	vsel vm1, v35, v42;
	vm0 =	vgt.f32 v33, v38;
	v42 =	vor.u32 $0x3C, v4  }
0x201: {  	vm1 =	vgt.f32 v33, v40;
	v35 =	vsel vm0, v33, v38;
	v37 =	vsel vm0, $0x1C, v37  }
0x202: {  	v38 =	vsel vm1, v40, v35;
	v37 =	vsel vm1, v39, v37;
	v35 =	vld.idx.msk [tilespmem:v41+s2+$0x0], $0xffff;
	v41 =	vor.u32 $0x3D, v4  }
0x203: {  	v40 =	vsel vm1, v33, v40;
	v33 =	vsel vm1, $0x1C, v39;
	vm0 =	vgt.f32 v31, v38  }
0x204: {  	vm1 =	vgt.f32 v31, v40;
	v38 =	vsel vm0, v31, v38;
	v37 =	vsel vm0, $0x1D, v37  }
0x205: {  	v39 =	vsel vm1, $0x1D, v33;
	v38 =	vsel vm1, v40, v38;
	v37 =	vsel vm1, v33, v37;
	v33 =	vld.idx.msk [tilespmem:v42+s2+$0x0], $0xffff  }
0x206: {  	v40 =	vsel vm1, v31, v40;
	vm0 =	vgt.f32 v24, v38;
	v42 =	vor.u32 $0x3E, v4  }
0x207: {  	vm1 =	vgt.f32 v24, v40;
	v38 =	vsel vm0, v24, v38;
	v37 =	vsel vm0, $0x1E, v37;
	v31 =	vld.idx.msk [tilespmem:v41+s2+$0x0], $0xffff  }
0x208: {  	v38 =	vsel vm1, v40, v38;
	v37 =	vsel vm1, v39, v37;
	v40 =	vsel vm1, v24, v40  }
0x209: {  	v39 =	vsel vm1, $0x1E, v39;
	v41 =	vor.u32 $0x3F, v4;
	vm0 =	vgt.f32 v22, v38  }
0x20a: {  	vm1 =	vgt.f32 v22, v40;
	v24 =	vsel vm0, v22, v38;
	v37 =	vsel vm0, $0x1F, v37  }
0x20b: {  	v38 =	vsel vm1, v40, v24;
	v37 =	vsel vm1, v39, v37;
	v24 =	vld.idx.msk [tilespmem:v42+s2+$0x0], $0xffff  }
0x20c: {  	v40 =	vsel vm1, v22, v40;
	vm0 =	vgt.f32 v18, v38  }
0x20d: {  	vm2 =	vgt.f32 v18, v40;
	v22 =	vsel vm0, v18, v38;
	v37 =	vsel vm0, $0x20, v37  }
0x20e: {  	v38 =	vsel vm1, $0x1F, v39;
	v39 =	vsel vm2, v40, v22;
	v22 =	vld.idx.msk [tilespmem:v41+s2+$0x0], $0xffff  }
0x20f: {  	v18 =	vsel vm2, v18, v40;
	v37 =	vsel vm2, v38, v37;
	vm0 =	vgt.f32 v17, v39  }
0x210: {  	v38 =	vsel vm2, $0x20, v38;
	v39 =	vsel vm0, v17, v39;
	v37 =	vsel vm0, $0x21, v37  }
0x211: {  	vm0 =	vgt.f32 v17, v18  }
0x212: {  	v39 =	vsel vm0, v18, v39;
	v37 =	vsel vm0, v38, v37;
	v17 =	vsel vm0, v17, v18  }
0x213: {  	v18 =	vsel vm0, $0x21, v38;
	vm0 =	vgt.f32 v14, v17;
	vm1 =	vgt.f32 v14, v39  }
0x214: {  	v38 =	vsel vm1, v14, v39;
	v37 =	vsel vm1, $0x22, v37;
	v14 =	vsel vm0, v14, v17  }
0x215: {  	v17 =	vsel vm0, v17, v38;
	v37 =	vsel vm0, v18, v37  }
0x216: {  	v18 =	vsel vm0, $0x22, v18;
	vm0 =	vgt.f32 v13, v14;
	vm1 =	vgt.f32 v13, v17  }
0x217: {  	v17 =	vsel vm1, v13, v17;
	v37 =	vsel vm1, $0x23, v37;
	v13 =	vsel vm0, v13, v14  }
0x218: {  	v14 =	vsel vm0, v14, v17;
	v17 =	vsel vm0, v18, v37  }
0x219: {  	vm1 =	vgt.f32 v11, v13;
	vm2 =	vgt.f32 v11, v14  }
0x21a: {  	v14 =	vsel vm2, v11, v14;
	v17 =	vsel vm2, $0x24, v17;
	v11 =	vsel vm1, v11, v13  }
0x21b: {  	v18 =	vsel vm0, $0x23, v18;
	v13 =	vsel vm1, v13, v14  }
0x21c: {  	v14 =	vsel vm1, v18, v17;
	vm0 =	vgt.f32 v10, v11;
	vm2 =	vgt.f32 v10, v13  }
0x21d: {  	v13 =	vsel vm2, v10, v13;
	v14 =	vsel vm2, $0x25, v14;
	v10 =	vsel vm0, v10, v11  }
0x21e: {  	v17 =	vsel vm1, $0x24, v18;
	v11 =	vsel vm0, v11, v13  }
0x21f: {  	v13 =	vsel vm0, $0x25, v17;
	vm1 =	vgt.f32 v8, v10;
	vm2 =	vgt.f32 v8, v11  }
0x220: {  	v14 =	vsel vm0, v17, v14;
	v11 =	vsel vm2, v8, v11;
	v8 =	vsel vm1, v8, v10  }
0x221: {  	v10 =	vsel vm1, v10, v11;
	v11 =	vsel vm2, $0x26, v14;
	v14 =	vsel vm1, $0x26, v13  }
0x222: {  	vm0 =	vgt.f32 v7, v8;
	v11 =	vsel vm1, v13, v11;
	vm1 =	vgt.f32 v7, v10  }
0x223: {  	v13 =	vsel vm0, $0x27, v14;
	v10 =	vsel vm1, v7, v10;
	v7 =	vsel vm0, v7, v8  }
0x224: {  	v8 =	vsel vm0, v8, v10;
	v10 =	vsel vm1, $0x27, v11  }
0x225: {  	vm4 =	vgt.f32 v5, v7;
	v10 =	vsel vm0, v14, v10;
	vm0 =	vgt.f32 v5, v8  }
0x226: {  	v8 =	vsel vm0, v5, v8;
	v10 =	vsel vm0, $0x28, v10;
	v5 =	vsel vm4, v5, v7  }
0x227: {  	v7 =	vsel vm4, v7, v8;
	v8 =	vsel vm4, v13, v10  }
0x228: {  	vm9 =	vgt.f32 v6, v5;
	vm1 =	vgt.f32 v6, v7  }
0x229: {  	v7 =	vsel vm1, v6, v7;
	v6 =	vsel vm9, v6, v5  }
0x22a: {  	v5 =	vsel vm9, v5, v7  }
0x22b: {  	vm2 =	vgt.f32 v9, v6;
	vm8 =	vgt.f32 v9, v5  }
0x22c: {  	v7 =	vsel vm2, v9, v6;
	v5 =	vsel vm8, v9, v5  }
0x22d: {  	v5 =	vsel vm2, v6, v5  }
0x22e: {  	vm3 =	vgt.f32 v12, v7;
	vm6 =	vgt.f32 v12, v5  }
0x22f: {  	v6 =	vsel vm3, v12, v7;
	v5 =	vsel vm6, v12, v5  }
0x230: {  	v5 =	vsel vm3, v7, v5  }
0x231: {  	vm0 =	vgt.f32 v15, v6;
	vm7 =	vgt.f32 v15, v5  }
0x232: {  	v7 =	vsel vm0, v15, v6;
	v5 =	vsel vm7, v15, v5  }
0x233: {  	v5 =	vsel vm0, v6, v5  }
0x234: {  	v6 =	vsel vm1, $0x29, v8;
	vm1 =	vgt.f32 v16, v7;
	vm5 =	vgt.f32 v16, v5  }
0x235: {  	v8 =	vsel vm4, $0x28, v13;
	v9 =	vsel vm1, v16, v7;
	v5 =	vsel vm5, v16, v5  }
0x236: {  	v6 =	vsel vm9, v8, v6;
	v8 =	vsel vm9, $0x29, v8;
	v5 =	vsel vm1, v7, v5  }
0x237: {  	vm4 =	vgt.f32 v20, v9;
	v7 =	vsel vm2, $0x2A, v8;
	vm9 =	vgt.f32 v20, v5  }
0x238: {  	v11 =	vsel vm4, v20, v9;
	v10 =	vsel vm3, $0x2B, v7;
	v5 =	vsel vm9, v20, v5  }
0x239: {  	v6 =	vsel vm8, $0x2A, v6;
	v12 =	vsel vm0, $0x2C, v10;
	v5 =	vsel vm4, v9, v5  }
0x23a: {  	vm8 =	vgt.f32 v19, v11;
	v9 =	vsel vm1, $0x2D, v12;
	vm10 =	vgt.f32 v19, v5  }
0x23b: {  	v6 =	vsel vm2, v8, v6;
	v8 =	vsel vm4, $0x2E, v9;
	v5 =	vsel vm10, v19, v5  }
0x23c: {  	v6 =	vsel vm6, $0x2B, v6;
	v5 =	vsel vm8, v11, v5;
	v11 =	vsel vm8, v19, v11  }
0x23d: {  	v6 =	vsel vm3, v7, v6;
	vm2 =	vgt.f32 v21, v11;
	vm3 =	vgt.f32 v21, v5  }
0x23e: {  	v6 =	vsel vm7, $0x2C, v6;
	v7 =	vsel vm8, $0x2F, v8;
	v5 =	vsel vm3, v21, v5  }
0x23f: {  	v13 =	vsel vm2, $0x30, v7;
	v5 =	vsel vm2, v11, v5;
	v11 =	vsel vm2, v21, v11  }
0x240: {  	v6 =	vsel vm0, v10, v6;
	vm0 =	vgt.f32 v23, v11;
	vm6 =	vgt.f32 v23, v5  }
0x241: {  	v6 =	vsel vm5, $0x2D, v6;
	v5 =	vsel vm6, v23, v5;
	v10 =	vsel vm0, v23, v11  }
0x242: {  	v6 =	vsel vm1, v12, v6;
	v5 =	vsel vm0, v11, v5;
	v11 =	vsel vm0, $0x31, v13  }
0x243: {  	v6 =	vsel vm9, $0x2E, v6;
	vm1 =	vgt.f32 v25, v10;
	vm5 =	vgt.f32 v25, v5  }
0x244: {  	v6 =	vsel vm4, v9, v6;
	v9 =	vsel vm1, v25, v10;
	v5 =	vsel vm5, v25, v5  }
0x245: {  	v6 =	vsel vm10, $0x2F, v6;
	v5 =	vsel vm1, v10, v5;
	v10 =	vsel vm1, $0x32, v11  }
0x246: {  	v6 =	vsel vm8, v8, v6;
	vm4 =	vgt.f32 v26, v9;
	vm7 =	vgt.f32 v26, v5  }
0x247: {  	v6 =	vsel vm3, $0x30, v6;
	v8 =	vsel vm4, v26, v9;
	v5 =	vsel vm7, v26, v5  }
0x248: {  	v6 =	vsel vm2, v7, v6;
	v7 =	vsel vm4, $0x33, v10;
	v5 =	vsel vm4, v9, v5  }
0x249: {  	v6 =	vsel vm6, $0x31, v6;
	vm2 =	vgt.f32 v27, v8;
	vm3 =	vgt.f32 v27, v5  }
0x24a: {  	v6 =	vsel vm0, v13, v6;
	v9 =	vsel vm2, v27, v8;
	v5 =	vsel vm3, v27, v5  }
0x24b: {  	v6 =	vsel vm5, $0x32, v6;
	v5 =	vsel vm2, v8, v5;
	v8 =	vsel vm2, $0x34, v7  }
0x24c: {  	v6 =	vsel vm1, v11, v6;
	vm0 =	vgt.f32 v29, v9;
	vm1 =	vgt.f32 v29, v5  }
0x24d: {  	v6 =	vsel vm7, $0x33, v6;
	v11 =	vsel vm0, v29, v9;
	v5 =	vsel vm1, v29, v5  }
0x24e: {  	v6 =	vsel vm4, v10, v6;
	v5 =	vsel vm0, v9, v5;
	v9 =	vsel vm0, $0x35, v8  }
0x24f: {  	v6 =	vsel vm3, $0x34, v6;
	vm3 =	vgt.f32 v30, v11;
	vm4 =	vgt.f32 v30, v5  }
0x250: {  	v6 =	vsel vm2, v7, v6;
	v7 =	vsel vm3, v30, v11;
	v5 =	vsel vm4, v30, v5  }
0x251: {  	v6 =	vsel vm1, $0x35, v6;
	v10 =	vsel vm3, $0x36, v9;
	v5 =	vsel vm3, v11, v5  }
0x252: {  	v6 =	vsel vm0, v8, v6;
	vm0 =	vgt.f32 v32, v7;
	vm1 =	vgt.f32 v32, v5  }
0x253: {  	v8 =	vsel vm0, v32, v7;
	v6 =	vsel vm4, $0x36, v6;
	v5 =	vsel vm1, v32, v5  }
0x254: {  	v6 =	vsel vm3, v9, v6;
	v5 =	vsel vm0, v7, v5;
	v7 =	vsel vm0, $0x37, v10  }
0x255: {  	v6 =	vsel vm1, $0x37, v6;
	vm1 =	vgt.f32 v28, v8;
	vm2 =	vgt.f32 v28, v5  }
0x256: {  	v6 =	vsel vm0, v10, v6;
	v9 =	vsel vm1, v28, v8;
	v5 =	vsel vm2, v28, v5  }
0x257: {  	v6 =	vsel vm2, $0x38, v6;
	v5 =	vsel vm1, v8, v5;
	v8 =	vsel vm1, $0x38, v7  }
0x258: {  	vm0 =	vgt.f32 v36, v9;
	v6 =	vsel vm1, v7, v6;
	vm1 =	vgt.f32 v36, v5  }
0x259: {  	v7 =	vsel vm0, v36, v9;
	v5 =	vsel vm1, v36, v5;
	v6 =	vsel vm1, $0x39, v6  }
0x25a: {  	v5 =	vsel vm0, v9, v5;
	v6 =	vsel vm0, v8, v6;
	v8 =	vsel vm0, $0x39, v8  }
0x25b: {  	vm0 =	vgt.f32 v34, v7;
	vm1 =	vgt.f32 v34, v5  }
0x25c: {  	v9 =	vsel vm0, v34, v7;
	v5 =	vsel vm1, v34, v5;
	v6 =	vsel vm1, $0x3A, v6  }
0x25d: {  	v5 =	vsel vm0, v7, v5;
	v6 =	vsel vm0, v8, v6;
	v7 =	vsel vm0, $0x3A, v8  }
0x25e: {  	vm0 =	vgt.f32 v35, v9;
	vm1 =	vgt.f32 v35, v5  }
0x25f: {  	v8 =	vsel vm0, v35, v9;
	v5 =	vsel vm1, v35, v5;
	v6 =	vsel vm1, $0x3B, v6  }
0x260: {  	v5 =	vsel vm0, v9, v5;
	v6 =	vsel vm0, v7, v6;
	v7 =	vsel vm0, $0x3B, v7  }
0x261: {  	vm0 =	vgt.f32 v33, v8;
	vm1 =	vgt.f32 v33, v5  }
0x262: {  	v9 =	vsel vm0, v33, v8;
	v5 =	vsel vm1, v33, v5;
	v6 =	vsel vm1, $0x3C, v6  }
0x263: {  	v5 =	vsel vm0, v8, v5;
	v6 =	vsel vm0, v7, v6;
	v7 =	vsel vm0, $0x3C, v7  }
0x264: {  	vm0 =	vgt.f32 v31, v9;
	vm1 =	vgt.f32 v31, v5  }
0x265: {  	v8 =	vsel vm0, $0x3D, v7;
	v5 =	vsel vm1, v31, v5;
	v6 =	vsel vm1, $0x3D, v6  }
0x266: {  	v5 =	vsel vm0, v9, v5;
	v6 =	vsel vm0, v7, v6;
	v7 =	vsel vm0, v31, v9  }
0x267: {  	vm0 =	vgt.f32 v24, v7;
	vm1 =	vgt.f32 v24, v5  }
0x268: {  	v5 =	vsel vm1, v24, v5;
	v6 =	vsel vm1, $0x3E, v6  }
0x269: {  	v5 =	vsel vm0, v7, v5;
	v6 =	vsel vm0, v8, v6;
	v7 =	vsel vm0, v24, v7  }
0x26a: {  	v8 =	vsel vm0, $0x3E, v8;
	vm0 =	vgt.f32 v22, v7;
	vm1 =	vgt.f32 v22, v5  }
0x26b: {  	v5 =	vsel vm1, v22, v5;
	v6 =	vsel vm1, $0x3F, v6;
	v9 =	vsel vm0, v22, v7  }
0x26c: {  	v7 =	vsel vm0, v7, v5;
	v5 =	vsel vm0, v8, v6  }
0x26d: {  	v6 =	vsub.f32 v7, v9;
	v7 =	vadd.s32 v4, v5;
	_ =	sdelay $0x1  }
0x26e: {  	v6 =	vmul.f32 $1.442695020e+00, v6;
	_ =	sdelay $0x1  }
0x26f: {  	(erf) = vpow2.f32 v6;
	_ =	sdelay $0x8  }
0x270: {  	v9 =	vpop (erf)  }
0x271: {  	v6 =	vadd.f32 $1.000000000e+00, v9;
	_ =	sdelay $0x1  }
0x272: {  	(erf) = vrcp.f32 v6;
	_ =	sdelay $0x3  }
0x273: {  	v6 =	vsel vm0, $0x3F, v8  }
0x274: {  	v8 =	vadd.s32 v4, v6;
	_ =	sdelay $0x2  }
.Ltmp0:
0x275: {  	v4 =	vshll.u32 v3, $0x1;
	(pc) =	sbr.rel @p0 .LBB2_2-.Ltmp0, $3  }
0x276: {  	v3 =	vor.u32 $0x1, v4;
	v10 =	vpop (erf)  }
0x277: {  	v9 =	vmul.f32 v10, v9;
	[tilespmem:v8+s11+$0x0] =	vst.idx.msk $0xffff, v10;
	_ =	sdelay $0x1  }
0x278: {  	[tilespmem:v7+s11+$0x0] =	vst.idx.msk $0xffff, v9  }
0x279: {  	_ =	sdelay $0x3  }
0x27a: {  	[tilespmem:v4+s12+$0x0] =	vst.idx.msk $0xffff, v6  }
0x27b: {  	s15 =	simm.s32 $0x0;
	[tilespmem:v3+s12+$0x0] =	vst.idx.msk $0xffff, v5  }
0x27c: {  	[hbm4b:s4+s15] =	stream.linear.scatter [tilespmem:s11], [sflag:$0x1], $0x8000, $0x38;
	[tilespmem:$0x10400] =	vst v63  }
0x27d: {  	_ =	swait.ge [sflag:s10], $0x8000  }
0x27e: {  	[sflag:s10] =	ssyncset.done $0x0  }
0x27f: {  	[sflag:s10] =	ssyncadd.s32 $0xFFFF8000  }
0x280: {  	[hbm4b:s5+s15] =	stream.linear.scatter [tilespmem:s12], [sflag:$0x1], $0x400, $0x38;
	[tilespmem:$0x10400] =	vst v63  }
0x281: {  	_ =	swait.ge [sflag:s10], $0x400  }
0x282: {  	[sflag:s10] =	ssyncset.done $0x0  }
0x283: {  	[sflag:s10] =	ssyncadd.s32 $0xFFFFFC00  }
0x284: {  	[tilespmem:s15], [sflag:$0x1] =	stream.linear.gather [hbm4b:s6+s15], $0x8000, $0x38;
	[tilespmem:$0x10400] =	vst v63  }
0x285: {  	_ =	swait.ge [sflag:s10], $0x8000  }
0x286: {  	[sflag:s10] =	ssyncset.done $0x0  }
0x287: {  	s14 =	simm.s32 $0x8200;
	[sflag:s10] =	ssyncadd.s32 $0xFFFF8000  }
0x288: {  	[tilespmem:s14+$0x1F0] =	vst v1  }
0x289: {  	[tilespmem:s14+$0x1E0] =	vst v1  }
0x28a: {  	[tilespmem:s14+$0x1D0] =	vst v1  }
0x28b: {  	[tilespmem:s14+$0x1C0] =	vst v1  }
0x28c: {  	[tilespmem:s14+$0x1B0] =	vst v1  }
0x28d: {  	[tilespmem:s14+$0x1A0] =	vst v1  }
0x28e: {  	[tilespmem:s14+$0x190] =	vst v1  }
0x28f: {  	[tilespmem:s14+$0x180] =	vst v1  }
0x290: {  	[tilespmem:s14+$0x170] =	vst v1  }
0x291: {  	[tilespmem:s14+$0x160] =	vst v1  }
0x292: {  	[tilespmem:s14+$0x150] =	vst v1  }
0x293: {  	[tilespmem:s14+$0x140] =	vst v1  }
0x294: {  	[tilespmem:s14+$0x130] =	vst v1  }
0x295: {  	[tilespmem:s14+$0x120] =	vst v1  }
0x296: {  	[tilespmem:s14+$0x110] =	vst v1  }
0x297: {  	[tilespmem:s14+$0x100] =	vst v1  }
0x298: {  	[tilespmem:s14+$0xF0] =	vst v1  }
0x299: {  	[tilespmem:s14+$0xE0] =	vst v1  }
0x29a: {  	[tilespmem:s14+$0xD0] =	vst v1  }
0x29b: {  	[tilespmem:s14+$0xC0] =	vst v1  }
0x29c: {  	[tilespmem:s14+$0xB0] =	vst v1  }
0x29d: {  	[tilespmem:s14+$0xA0] =	vst v1  }
0x29e: {  	[tilespmem:s14+$0x90] =	vst v1  }
0x29f: {  	[tilespmem:s14+$0x80] =	vst v1  }
0x2a0: {  	[tilespmem:s14+$0x70] =	vst v1  }
0x2a1: {  	[tilespmem:s14+$0x60] =	vst v1  }
0x2a2: {  	[tilespmem:s14+$0x50] =	vst v1  }
0x2a3: {  	[tilespmem:s14+$0x40] =	vst v1  }
0x2a4: {  	[tilespmem:s14+$0x30] =	vst v1  }
0x2a5: {  	[tilespmem:s14+$0x20] =	vst v1  }
0x2a6: {  	[tilespmem:s14+$0x10] =	vst v1  }
0x2a7: {  	[tilespmem:s14+$0x0] =	vst v1  }
0x2a8: {  	[tilespmem:s14+$0xFFFFFFF0] =	vst v1  }
0x2a9: {  	[tilespmem:s14+$0xFFFFFFE0] =	vst v1  }
0x2aa: {  	[tilespmem:s14+$0xFFFFFFD0] =	vst v1  }
0x2ab: {  	[tilespmem:s14+$0xFFFFFFC0] =	vst v1  }
0x2ac: {  	[tilespmem:s14+$0xFFFFFFB0] =	vst v1  }
0x2ad: {  	[tilespmem:s14+$0xFFFFFFA0] =	vst v1  }
0x2ae: {  	[tilespmem:s14+$0xFFFFFF90] =	vst v1  }
0x2af: {  	[tilespmem:s14+$0xFFFFFF80] =	vst v1  }
0x2b0: {  	[tilespmem:s14+$0xFFFFFF70] =	vst v1  }
0x2b1: {  	[tilespmem:s14+$0xFFFFFF60] =	vst v1  }
0x2b2: {  	[tilespmem:s14+$0xFFFFFF50] =	vst v1  }
0x2b3: {  	[tilespmem:s14+$0xFFFFFF40] =	vst v1  }
0x2b4: {  	[tilespmem:s14+$0xFFFFFF30] =	vst v1  }
0x2b5: {  	[tilespmem:s14+$0xFFFFFF20] =	vst v1  }
0x2b6: {  	[tilespmem:s14+$0xFFFFFF10] =	vst v1  }
0x2b7: {  	[tilespmem:s14+$0xFFFFFF00] =	vst v1  }
0x2b8: {  	[tilespmem:s14+$0xFFFFFEF0] =	vst v1  }
0x2b9: {  	[tilespmem:s14+$0xFFFFFEE0] =	vst v1  }
0x2ba: {  	[tilespmem:s14+$0xFFFFFED0] =	vst v1  }
0x2bb: {  	[tilespmem:s14+$0xFFFFFEC0] =	vst v1  }
0x2bc: {  	[tilespmem:s14+$0xFFFFFEB0] =	vst v1  }
0x2bd: {  	[tilespmem:s14+$0xFFFFFEA0] =	vst v1  }
0x2be: {  	[tilespmem:s14+$0xFFFFFE90] =	vst v1  }
0x2bf: {  	[tilespmem:s14+$0xFFFFFE80] =	vst v1  }
0x2c0: {  	[tilespmem:s14+$0xFFFFFE70] =	vst v1  }
0x2c1: {  	[tilespmem:s14+$0xFFFFFE60] =	vst v1  }
0x2c2: {  	v3 =	vor.u32 s15, v0;
	[tilespmem:s14+$0xFFFFFE50] =	vst v1  }
0x2c3: {  	v4 =	vshll.u32 v3, $0x6;
	[tilespmem:s14+$0xFFFFFE40] =	vst v1  }
0x2c4: {  	v5 =	vor.u32 $0x1, v4;
	[tilespmem:s14+$0xFFFFFE30] =	vst v1  }
0x2c5: {  	[tilespmem:s14+$0xFFFFFE20] =	vst v1  }
0x2c6: {  	[tilespmem:s14+$0xFFFFFE10] =	vst v1  }
0x2c7: {  	[tilespmem:s14+$0xFFFFFE00] =	vst v1  }
0x2c8: {  	v6 =	vor.u32 $0x2, v4;
	v7 =	vld.idx.msk [tilespmem:v4+s2+$0x0], $0xffff  }
0x2c9: {  	v5 =	vld.idx.msk [tilespmem:v5+s2+$0x0], $0xffff;
	_ =	sdelay $0x1  }
0x2ca: {  	v8 =	vor.u32 $0x3, v4;
	_ =	sdelay $0x1  }
0x2cb: {  	v6 =	vld.idx.msk [tilespmem:v6+s2+$0x0], $0xffff;
	vm0 =	vgt.f32 v7, $-Inf  }
0x2cc: {  	vm12 =	vlt.f32 v5, $-Inf;
	vm2 =	vgt.f32 v5, $-Inf;
	v7 =	vnsel vm0, $0xFF800000, v7  }
0x2cd: {  	v9 =	vor.u32 $0x4, v4;
	vm14 =	vmor vm2, vm12;
	vm1 =	vgt.f32 v5, v7  }
0x2ce: {  	v8 =	vld.idx.msk [tilespmem:v8+s2+$0x0], $0xffff;
	v10 =	vnsel vm14, $0xFF800000, v5;
	vm0 =	vmneg vm1  }
0x2cf: {  	v51 =	vimm.s32 $0x0;
	v10 =	vsel vm0, v10, v7  }
0x2d0: {  	v11 =	vor.u32 $0x5, v4;
	v5 =	vsel vm0, v7, v5;
	vm15 =	vgt.f32 v6, v10  }
0x2d1: {  	v55 =	vimm.s32 $0x0;
	vm2 =	vgt.f32 v6, v5;
	v33 =	vsel vm15, v6, v10  }
0x2d2: {  	v61 =	vimm.s32 $0x0;
	v17 =	vimm.s32 $0x0;
	v7 =	vld.idx.msk [tilespmem:v9+s2+$0x0], $0xffff;
	v9 =	vsel vm2, v5, v33  }
0x2d3: {  	v5 =	vsel vm2, v6, v5;
	v6 =	vimm.s32 $0x0;
	vm4 =	vgt.f32 v8, v9  }
0x2d4: {  	v23 =	vimm.s32 $0x0;
	v34 =	vor.u32 $0x6, v4;
	v6 =	vsel vm4, $0xFFFFFFFF, v6  }
0x2d5: {  	v26 =	vimm.s32 $0x0;
	vm3 =	vgt.f32 v8, v5;
	v9 =	vsel vm4, v8, v9;
	[tilespmem:$0x1F900] =	vst v6;
	v6 =	vld.idx.msk [tilespmem:v11+s2+$0x0], $0xffff  }
0x2d6: {  	v35 =	vor.u32 $0x7, v4;
	v36 =	vor.u32 $0x8, v4;
	v9 =	vsel vm3, v5, v9  }
0x2d7: {  	v5 =	vsel vm3, v8, v5;
	v8 =	vimm.s32 $0x0;
	vm5 =	vgt.f32 v7, v9  }
0x2d8: {  	vm4 =	vgt.f32 v7, v5;
	v8 =	vsel vm5, $0xFFFFFFFF, v8;
	v9 =	vsel vm5, v7, v9  }
0x2d9: {  	v37 =	vor.u32 $0x9, v4;
	v38 =	vor.u32 $0xA, v4;
	[tilespmem:$0x1F910] =	vst v8;
	v8 =	vld.idx.msk [tilespmem:v34+s2+$0x0], $0xffff;
	v9 =	vsel vm4, v5, v9  }
0x2da: {  	v5 =	vsel vm4, v7, v5;
	v7 =	vimm.s32 $0x0;
	vm6 =	vgt.f32 v6, v9  }
0x2db: {  	v39 =	vor.u32 $0xB, v4;
	v40 =	vor.u32 $0xC, v4;
	v7 =	vsel vm6, $0xFFFFFFFF, v7  }
0x2dc: {  	v41 =	vor.u32 $0xD, v4;
	vm5 =	vgt.f32 v6, v5;
	v9 =	vsel vm6, v6, v9;
	[tilespmem:$0x1F920] =	vst v7;
	v7 =	vld.idx.msk [tilespmem:v35+s2+$0x0], $0xffff  }
0x2dd: {  	v42 =	vor.u32 $0xE, v4;
	v43 =	vor.u32 $0xF, v4;
	v9 =	vsel vm5, v5, v9  }
0x2de: {  	v5 =	vsel vm5, v6, v5;
	v6 =	vimm.s32 $0x0;
	vm7 =	vgt.f32 v8, v9  }
0x2df: {  	vm6 =	vgt.f32 v8, v5;
	v6 =	vsel vm7, $0xFFFFFFFF, v6;
	v9 =	vsel vm7, v8, v9  }
0x2e0: {  	v44 =	vor.u32 $0x10, v4;
	v12 =	vor.u32 $0x11, v4;
	[tilespmem:$0x1F930] =	vst v6;
	v6 =	vld.idx.msk [tilespmem:v36+s2+$0x0], $0xffff;
	v9 =	vsel vm6, v5, v9  }
0x2e1: {  	v5 =	vsel vm6, v8, v5;
	v8 =	vimm.s32 $0x0;
	vm8 =	vgt.f32 v7, v9  }
0x2e2: {  	v13 =	vor.u32 $0x12, v4;
	v48 =	vor.u32 $0x13, v4;
	v8 =	vsel vm8, $0xFFFFFFFF, v8  }
0x2e3: {  	v50 =	vor.u32 $0x14, v4;
	vm7 =	vgt.f32 v7, v5;
	v9 =	vsel vm8, v7, v9;
	[tilespmem:$0x1F940] =	vst v8;
	v8 =	vld.idx.msk [tilespmem:v37+s2+$0x0], $0xffff  }
0x2e4: {  	v54 =	vor.u32 $0x15, v4;
	v58 =	vor.u32 $0x16, v4;
	v9 =	vsel vm7, v5, v9  }
0x2e5: {  	v5 =	vsel vm7, v7, v5;
	v7 =	vimm.s32 $0x0;
	vm13 =	vgt.f32 v6, v9  }
0x2e6: {  	vm8 =	vgt.f32 v6, v5;
	v7 =	vsel vm13, $0xFFFFFFFF, v7;
	v9 =	vsel vm13, v6, v9  }
0x2e7: {  	v60 =	vor.u32 $0x17, v4;
	v16 =	vor.u32 $0x18, v4;
	[tilespmem:$0x1F950] =	vst v7;
	v7 =	vld.idx.msk [tilespmem:v38+s2+$0x0], $0xffff;
	v9 =	vsel vm8, v5, v9  }
0x2e8: {  	v5 =	vsel vm8, v6, v5;
	v6 =	vimm.s32 $0x0;
	vm9 =	vgt.f32 v8, v9  }
0x2e9: {  	v20 =	vor.u32 $0x19, v4;
	v22 =	vor.u32 $0x1A, v4;
	v6 =	vsel vm9, $0xFFFFFFFF, v6  }
0x2ea: {  	v25 =	vor.u32 $0x1B, v4;
	v9 =	vsel vm9, v8, v9;
	vm9 =	vgt.f32 v8, v5;
	[tilespmem:$0x1F960] =	vst v6;
	v6 =	vld.idx.msk [tilespmem:v39+s2+$0x0], $0xffff  }
0x2eb: {  	v30 =	vor.u32 $0x1C, v4;
	v32 =	vor.u32 $0x1D, v4;
	v9 =	vsel vm9, v5, v9  }
0x2ec: {  	v52 =	vld.idx.msk [tilespmem:v48+s2+$0x0], $0xffff;
	v5 =	vsel vm9, v8, v5;
	v8 =	vimm.s32 $0x0;
	vm10 =	vgt.f32 v7, v9  }
0x2ed: {  	v62 =	vld.idx.msk [tilespmem:v58+s2+$0x0], $0xffff;
	v8 =	vsel vm10, $0xFFFFFFFF, v8;
	v9 =	vsel vm10, v7, v9;
	vm10 =	vgt.f32 v7, v5  }
0x2ee: {  	v48 =	vimm.s32 $0x0;
	v58 =	vimm.s32 $0x0;
	[tilespmem:$0x1F970] =	vst v8;
	v8 =	vld.idx.msk [tilespmem:v40+s2+$0x0], $0xffff;
	v9 =	vsel vm10, v5, v9  }
0x2ef: {  	v5 =	vsel vm10, v7, v5;
	v7 =	vimm.s32 $0x0;
	vm11 =	vgt.f32 v6, v9  }
0x2f0: {  	v28 =	vld.idx.msk [tilespmem:v22+s2+$0x0], $0xffff;
	v22 =	vimm.s32 $0x0;
	v45 =	vsel vm1, $0x1, v2;
	v7 =	vsel vm11, $0xFFFFFFFF, v7  }
0x2f1: {  	vm0 =	vmand vm14, vm0;
	v9 =	vsel vm11, v6, v9;
	vm11 =	vgt.f32 v6, v5;
	[tilespmem:$0x1F980] =	vst v7;
	v7 =	vld.idx.msk [tilespmem:v41+s2+$0x0], $0xffff  }
0x2f2: {  	v33 =	vld.idx.msk [tilespmem:v30+s2+$0x0], $0xffff;
	v30 =	vimm.s32 $0x0;
	v36 =	vor.u32 $0x1F, v4;
	v9 =	vsel vm11, v5, v9  }
0x2f3: {  	v5 =	vsel vm11, v6, v5;
	v6 =	vimm.s32 $0x0;
	vm12 =	vgt.f32 v8, v9  }
0x2f4: {  	v6 =	vsel vm12, $0xFFFFFFFF, v6;
	v9 =	vsel vm12, v8, v9;
	vm12 =	vgt.f32 v8, v5  }
0x2f5: {  	v34 =	vor.u32 $0x1E, v4;
	v35 =	vimm.s32 $0x0;
	[tilespmem:$0x1F990] =	vst v6;
	v6 =	vld.idx.msk [tilespmem:v42+s2+$0x0], $0xffff;
	v9 =	vsel vm12, v5, v9  }
0x2f6: {  	v47 =	vld [tilespmem:$0x1F900];
	v5 =	vsel vm12, v8, v5;
	v8 =	vimm.s32 $0x0;
	vm13 =	vgt.f32 v7, v9  }
0x2f7: {  	v38 =	vor.u32 $0x20, v4;
	v39 =	vld.idx.msk [tilespmem:v36+s2+$0x0], $0xffff;
	v36 =	vimm.s32 $0x0;
	v8 =	vsel vm13, $0xFFFFFFFF, v8  }
0x2f8: {  	v41 =	vor.u32 $0x21, v4;
	v9 =	vsel vm13, v7, v9;
	vm13 =	vgt.f32 v7, v5;
	[tilespmem:$0x1F9A0] =	vst v8;
	v8 =	vld.idx.msk [tilespmem:v43+s2+$0x0], $0xffff  }
0x2f9: {  	v42 =	vimm.s32 $0x0;
	v9 =	vsel vm13, v5, v9;
	v5 =	vsel vm13, v7, v5  }
0x2fa: {  	v7 =	vsel vm0, $0x1, v2;
	vm14 =	vgt.f32 v6, v9;
	vm1 =	vgt.f32 v6, v5  }
0x2fb: {  	v10 =	vld.idx.msk [tilespmem:v44+s2+$0x0], $0xffff;
	v7 =	vsel vm15, $0x2, v7;
	vm15 =	vnez.u8 v47;
	v9 =	vsel vm14, v6, v9  }
0x2fc: {  	v7 =	vsel vm2, v45, v7;
	v9 =	vsel vm1, v5, v9;
	v5 =	vsel vm1, v6, v5  }
0x2fd: {  	v49 =	vld [tilespmem:$0x1F910];
	v6 =	vsel vm2, $0x2, v45;
	v45 =	vor.u32 $0x22, v4;
	vm0 =	vgt.f32 v8, v9  }
0x2fe: {  	v7 =	vsel vm15, $0x3, v7;
	vm2 =	vgt.f32 v8, v5;
	v9 =	vsel vm0, v8, v9  }
0x2ff: {  	v46 =	vld.idx.msk [tilespmem:v12+s2+$0x0], $0xffff;
	v47 =	vor.u32 $0x23, v4;
	v7 =	vsel vm3, v6, v7;
	v9 =	vsel vm2, v5, v9  }
0x300: {  	v53 =	vld [tilespmem:$0x1F920];
	v5 =	vsel vm2, v8, v5;
	v8 =	vimm.s32 $0x0;
	vm15 =	vgt.f32 v10, v9  }
0x301: {  	v6 =	vsel vm3, $0x3, v6;
	vm3 =	vgt.f32 v10, v5;
	v8 =	vsel vm15, $0xFFFFFFFF, v8  }
0x302: {  	v9 =	vsel vm15, v10, v9;
	vm15 =	vnez.u8 v49;
	v49 =	vld.idx.msk [tilespmem:v45+s2+$0x0], $0xffff;
	v45 =	vimm.s32 $0x0  }
0x303: {  	[tilespmem:$0x1F9B0] =	vst v8;
	v8 =	vld.idx.msk [tilespmem:v13+s2+$0x0], $0xffff;
	v7 =	vsel vm15, $0x4, v7;
	v9 =	vsel vm3, v5, v9;
	v5 =	vsel vm3, v10, v5  }
0x304: {  	v57 =	vld [tilespmem:$0x1F930];
	v7 =	vsel vm4, v6, v7;
	vm15 =	vgt.f32 v46, v9;
	v6 =	vsel vm4, $0x4, v6  }
0x305: {  	v10 =	vsel vm15, $0xFFFFFFFF, v51;
	v9 =	vsel vm15, v46, v9;
	vm15 =	vnez.u8 v53  }
0x306: {  	vm4 =	vgt.f32 v46, v5;
	v51 =	vor.u32 $0x24, v4;
	v7 =	vsel vm15, $0x5, v7  }
0x307: {  	v9 =	vsel vm4, v5, v9;
	v5 =	vsel vm4, v46, v5;
	v7 =	vsel vm5, v6, v7  }
0x308: {  	v59 =	vld [tilespmem:$0x1F940];
	v6 =	vsel vm5, $0x5, v6;
	vm15 =	vgt.f32 v8, v9;
	vm5 =	vgt.f32 v8, v5  }
0x309: {  	v11 =	vsel vm15, $0xFFFFFFFF, v55;
	v9 =	vsel vm15, v8, v9;
	vm15 =	vnez.u8 v57  }
0x30a: {  	v55 =	vor.u32 $0x25, v4;
	v7 =	vsel vm15, $0x6, v7;
	v9 =	vsel vm5, v5, v9  }
0x30b: {  	v56 =	vld.idx.msk [tilespmem:v50+s2+$0x0], $0xffff;
	v5 =	vsel vm5, v8, v5;
	v8 =	vimm.s32 $0x0;
	v7 =	vsel vm6, v6, v7  }
0x30c: {  	v63 =	vld [tilespmem:$0x1F950];
	vm15 =	vgt.f32 v52, v9;
	v6 =	vsel vm6, $0x6, v6;
	vm6 =	vgt.f32 v52, v5  }
0x30d: {  	v8 =	vsel vm15, $0xFFFFFFFF, v8;
	v9 =	vsel vm15, v52, v9;
	vm15 =	vnez.u8 v59  }
0x30e: {  	v57 =	vor.u32 $0x26, v4;
	[tilespmem:$0x1F9E0] =	vst v8;
	v8 =	vld.idx.msk [tilespmem:v54+s2+$0x0], $0xffff;
	v7 =	vsel vm15, $0x7, v7;
	v9 =	vsel vm6, v5, v9  }
0x30f: {  	v19 =	vld [tilespmem:$0x1F960];
	v5 =	vsel vm6, v52, v5;
	v52 =	vimm.s32 $0x0;
	v7 =	vsel vm7, v6, v7  }
0x310: {  	vm15 =	vgt.f32 v56, v9;
	v6 =	vsel vm7, $0x7, v6;
	vm7 =	vgt.f32 v56, v5  }
0x311: {  	[tilespmem:$0x1F9C0] =	vst v10;
	v10 =	vsel vm15, $0xFFFFFFFF, v61;
	v9 =	vsel vm15, v56, v9;
	vm15 =	vnez.u8 v63  }
0x312: {  	v61 =	vor.u32 $0x27, v4;
	v7 =	vsel vm15, $0x8, v7;
	v9 =	vsel vm7, v5, v9  }
0x313: {  	v21 =	vld [tilespmem:$0x1F970];
	v5 =	vsel vm7, v56, v5;
	v7 =	vsel vm8, v6, v7;
	vm15 =	vgt.f32 v8, v9  }
0x314: {  	[tilespmem:$0x1F9D0] =	vst v11;
	v11 =	vsel vm15, $0xFFFFFFFF, v17;
	v9 =	vsel vm15, v8, v9;
	vm15 =	vnez.u8 v19  }
0x315: {  	v6 =	vsel vm8, $0x8, v6;
	vm8 =	vgt.f32 v8, v5;
	v7 =	vsel vm15, $0x9, v7  }
0x316: {  	v18 =	vld.idx.msk [tilespmem:v60+s2+$0x0], $0xffff;
	v9 =	vsel vm8, v5, v9;
	v5 =	vsel vm8, v8, v5;
	v8 =	vimm.s32 $0x0  }
0x317: {  	v7 =	vsel vm9, v6, v7;
	vm15 =	vgt.f32 v62, v9;
	v6 =	vsel vm9, $0x9, v6  }
0x318: {  	v24 =	vld [tilespmem:$0x1F980];
	v8 =	vsel vm15, $0xFFFFFFFF, v8;
	v9 =	vsel vm15, v62, v9;
	vm15 =	vnez.u8 v21  }
0x319: {  	vm9 =	vgt.f32 v62, v5;
	v14 =	vsel vm10, $0xA, v6;
	v7 =	vsel vm15, $0xA, v7  }
0x31a: {  	[tilespmem:$0x1FA10] =	vst v8;
	v8 =	vld.idx.msk [tilespmem:v16+s2+$0x0], $0xffff;
	v9 =	vsel vm9, v5, v9;
	v5 =	vsel vm9, v62, v5;
	v27 =	vsel vm11, $0xB, v14  }
0x31b: {  	v29 =	vld [tilespmem:$0x1F990];
	v62 =	vimm.s32 $0x0;
	v16 =	vimm.s32 $0x0;
	vm15 =	vgt.f32 v18, v9  }
0x31c: {  	v6 =	vsel vm10, v6, v7;
	v7 =	vld.idx.msk [tilespmem:v20+s2+$0x0], $0xffff;
	vm10 =	vgt.f32 v18, v5;
	v20 =	vor.u32 $0x29, v4  }
0x31d: {  	[tilespmem:$0x1F9F0] =	vst v10;
	v10 =	vsel vm15, $0xFFFFFFFF, v23;
	v9 =	vsel vm15, v18, v9;
	vm15 =	vnez.u8 v24  }
0x31e: {  	v24 =	vor.u32 $0x2A, v4;
	v6 =	vsel vm15, $0xB, v6;
	v9 =	vsel vm10, v5, v9  }
0x31f: {  	v31 =	vld [tilespmem:$0x1F9A0];
	v5 =	vsel vm10, v18, v5;
	v6 =	vsel vm11, v14, v6;
	vm15 =	vgt.f32 v8, v9  }
0x320: {  	[tilespmem:$0x1FA00] =	vst v11;
	v11 =	vsel vm15, $0xFFFFFFFF, v26;
	v9 =	vsel vm15, v8, v9;
	vm15 =	vnez.u8 v29  }
0x321: {  	v14 =	vsel vm12, $0xC, v27;
	vm11 =	vgt.f32 v8, v5;
	v6 =	vsel vm15, $0xC, v6  }
0x322: {  	v9 =	vsel vm11, v5, v9;
	v5 =	vsel vm11, v8, v5;
	v8 =	vimm.s32 $0x0  }
0x323: {  	vm15 =	vgt.f32 v7, v9;
	v6 =	vsel vm12, v27, v6;
	vm12 =	vgt.f32 v7, v5  }
0x324: {  	v37 =	vld [tilespmem:$0x1F9B0];
	v8 =	vsel vm15, $0xFFFFFFFF, v8;
	v9 =	vsel vm15, v7, v9;
	vm15 =	vnez.u8 v31  }
0x325: {  	v40 =	vld [tilespmem:$0x1F9C0];
	v18 =	vor.u32 $0x28, v4;
	v6 =	vsel vm15, $0xD, v6;
	v9 =	vsel vm12, v5, v9  }
0x326: {  	[tilespmem:$0x1FA20] =	vst v10;
	v10 =	vld.idx.msk [tilespmem:v32+s2+$0x0], $0xffff;
	v5 =	vsel vm12, v7, v5;
	v7 =	vimm.s32 $0x0;
	vm15 =	vgt.f32 v28, v9  }
0x327: {  	v32 =	vor.u32 $0x2C, v4;
	[tilespmem:$0x1FA40] =	vst v8;
	v8 =	vld.idx.msk [tilespmem:v25+s2+$0x0], $0xffff;
	v6 =	vsel vm13, v14, v6;
	v7 =	vsel vm15, $0xFFFFFFFF, v7  }
0x328: {  	v9 =	vsel vm15, v28, v9;
	[tilespmem:$0x1FA50] =	vst v7;
	v7 =	vsel vm13, $0xD, v14;
	vm13 =	vgt.f32 v28, v5  }
0x329: {  	v25 =	vimm.s32 $0x0;
	v6 =	vsel vm14, $0xE, v6;
	v9 =	vsel vm13, v5, v9  }
0x32a: {  	v6 =	vsel vm1, v7, v6;
	v5 =	vsel vm13, v28, v5;
	v7 =	vsel vm1, $0xE, v7  }
0x32b: {  	vm1 =	vnez.u8 v40;
	v28 =	vor.u32 $0x2B, v4;
	v40 =	vor.u32 $0x30, v4  }
0x32c: {  	vm14 =	vgt.f32 v8, v9;
	v6 =	vsel vm0, $0xF, v6;
	vm0 =	vnez.u8 v37  }
0x32d: {  	v12 =	vsel vm14, $0xFFFFFFFF, v35;
	v9 =	vsel vm14, v8, v9;
	vm14 =	vgt.f32 v8, v5  }
0x32e: {  	v44 =	vld [tilespmem:$0x1F9D0];
	v6 =	vsel vm2, v7, v6;
	v7 =	vsel vm2, $0xF, v7;
	v35 =	vor.u32 $0x2E, v4  }
0x32f: {  	v9 =	vsel vm14, v5, v9;
	v5 =	vsel vm14, v8, v5;
	v6 =	vsel vm0, $0x10, v6  }
0x330: {  	v8 =	vimm.s32 $0x0;
	vm15 =	vgt.f32 v33, v9;
	v6 =	vsel vm3, v7, v6  }
0x331: {  	v46 =	vld [tilespmem:$0x1F9E0];
	v8 =	vsel vm15, $0xFFFFFFFF, v8;
	v9 =	vsel vm15, v33, v9;
	vm15 =	vgt.f32 v33, v5  }
0x332: {  	v7 =	vsel vm3, $0x10, v7;
	v6 =	vsel vm1, $0x11, v6;
	[tilespmem:$0x1FA70] =	vst v8;
	v8 =	vld.idx.msk [tilespmem:v34+s2+$0x0], $0xffff;
	v9 =	vsel vm15, v5, v9  }
0x333: {  	v6 =	vsel vm4, v7, v6;
	v7 =	vsel vm4, $0x11, v7;
	vm4 =	vnez.u8 v44  }
0x334: {  	v5 =	vsel vm15, v33, v5;
	vm0 =	vgt.f32 v10, v9;
	v6 =	vsel vm4, $0x12, v6  }
0x335: {  	v9 =	vsel vm0, v10, v9;
	vm3 =	vmmov vm0;
	vm0 =	vgt.f32 v10, v5  }
0x336: {  	v6 =	vsel vm5, v7, v6;
	v7 =	vsel vm5, $0x12, v7;
	v9 =	vsel vm0, v5, v9  }
0x337: {  	vm5 =	vnez.u8 v46;
	v5 =	vsel vm0, v10, v5;
	vm1 =	vgt.f32 v8, v9  }
0x338: {  	v43 =	vld.idx.msk [tilespmem:v38+s2+$0x0], $0xffff;
	v10 =	vsel vm1, $0xFFFFFFFF, v42;
	v9 =	vsel vm1, v8, v9;
	vm1 =	vgt.f32 v8, v5  }
0x339: {  	v50 =	vld [tilespmem:$0x1F9F0];
	v33 =	vor.u32 $0x2D, v4;
	v6 =	vsel vm5, $0x13, v6;
	v9 =	vsel vm1, v5, v9  }
0x33a: {  	v5 =	vsel vm1, v8, v5;
	v8 =	vimm.s32 $0x0;
	vm4 =	vgt.f32 v39, v9  }
0x33b: {  	v8 =	vsel vm4, $0xFFFFFFFF, v8;
	v9 =	vsel vm4, v39, v9;
	vm4 =	vgt.f32 v39, v5  }
0x33c: {  	v44 =	vor.u32 $0x31, v4;
	v6 =	vsel vm6, v7, v6;
	[tilespmem:$0x1FA90] =	vst v8;
	v8 =	vld.idx.msk [tilespmem:v41+s2+$0x0], $0xffff;
	v9 =	vsel vm4, v5, v9  }
0x33d: {  	v54 =	vld [tilespmem:$0x1FA00];
	v7 =	vsel vm6, $0x13, v7;
	v5 =	vsel vm4, v39, v5;
	vm5 =	vgt.f32 v43, v9  }
0x33e: {  	[tilespmem:$0x1FA30] =	vst v11;
	v11 =	vsel vm5, $0xFFFFFFFF, v48;
	v9 =	vsel vm5, v43, v9;
	vm5 =	vnez.u8 v50  }
0x33f: {  	v37 =	vld.idx.msk [tilespmem:v33+s2+$0x0], $0xffff;
	v33 =	vor.u32 $0x3B, v4;
	vm6 =	vgt.f32 v43, v5;
	v6 =	vsel vm5, $0x14, v6  }
0x340: {  	v9 =	vsel vm6, v5, v9;
	v5 =	vsel vm6, v43, v5;
	v6 =	vsel vm7, v7, v6  }
0x341: {  	v56 =	vld [tilespmem:$0x1FA10];
	v7 =	vsel vm7, $0x14, v7;
	vm5 =	vgt.f32 v8, v9;
	vm7 =	vgt.f32 v8, v5  }
0x342: {  	[tilespmem:$0x1FA80] =	vst v10;
	v10 =	vsel vm5, $0xFFFFFFFF, v52;
	v9 =	vsel vm5, v8, v9;
	vm5 =	vnez.u8 v54  }
0x343: {  	v53 =	vld.idx.msk [tilespmem:v47+s2+$0x0], $0xffff;
	v39 =	vor.u32 $0x2F, v4;
	v6 =	vsel vm5, $0x15, v6;
	v9 =	vsel vm7, v5, v9  }
0x344: {  	v60 =	vld [tilespmem:$0x1FA20];
	v5 =	vsel vm7, v8, v5;
	v8 =	vimm.s32 $0x0;
	v6 =	vsel vm8, v7, v6  }
0x345: {  	vm5 =	vgt.f32 v49, v9;
	v7 =	vsel vm8, $0x15, v7;
	vm8 =	vgt.f32 v49, v5  }
0x346: {  	v8 =	vsel vm5, $0xFFFFFFFF, v8;
	v9 =	vsel vm5, v49, v9;
	vm5 =	vnez.u8 v56  }
0x347: {  	v41 =	vimm.s32 $0x0;
	[tilespmem:$0x1FAC0] =	vst v8;
	v8 =	vld.idx.msk [tilespmem:v51+s2+$0x0], $0xffff;
	v6 =	vsel vm5, $0x16, v6;
	v9 =	vsel vm8, v5, v9  }
0x348: {  	v17 =	vld [tilespmem:$0x1FA30];
	v5 =	vsel vm8, v49, v5;
	v6 =	vsel vm9, v7, v6;
	vm5 =	vgt.f32 v53, v9  }
0x349: {  	[tilespmem:$0x1FAA0] =	vst v11;
	v7 =	vsel vm9, $0x16, v7;
	vm9 =	vnez.u8 v60;
	v11 =	vsel vm5, $0xFFFFFFFF, v58  }
0x34a: {  	v9 =	vsel vm5, v53, v9;
	vm5 =	vgt.f32 v53, v5;
	v6 =	vsel vm9, $0x17, v6  }
0x34b: {  	v59 =	vld.idx.msk [tilespmem:v55+s2+$0x0], $0xffff;
	v9 =	vsel vm5, v5, v9;
	v6 =	vsel vm10, v7, v6;
	v5 =	vsel vm5, v53, v5  }
0x34c: {  	v19 =	vld [tilespmem:$0x1FA40];
	v7 =	vsel vm10, $0x17, v7;
	vm9 =	vgt.f32 v8, v9;
	vm2 =	vgt.f32 v8, v5  }
0x34d: {  	v23 =	vld [tilespmem:$0x1FA50];
	[tilespmem:$0x1FAB0] =	vst v10;
	v10 =	vsel vm9, $0xFFFFFFFF, v62;
	v9 =	vsel vm9, v8, v9;
	vm9 =	vnez.u8 v17  }
0x34e: {  	v13 =	vsel vm2, $0xFFFFFFFF, v16;
	v6 =	vsel vm9, $0x18, v6;
	v9 =	vsel vm2, v5, v9  }
0x34f: {  	v63 =	vld.idx.msk [tilespmem:v57+s2+$0x0], $0xffff;
	v5 =	vsel vm2, v8, v5;
	v8 =	vimm.s32 $0x0;
	v6 =	vsel vm11, v7, v6  }
0x350: {  	[tilespmem:$0x1FA60] =	vst v12;
	vm10 =	vgt.f32 v59, v9;
	v7 =	vsel vm11, $0x18, v7;
	vm9 =	vgt.f32 v59, v5  }
0x351: {  	v27 =	vld [tilespmem:$0x1FA60];
	vm11 =	vnez.u8 v19;
	v8 =	vsel vm10, $0xFFFFFFFF, v8;
	v9 =	vsel vm10, v59, v9  }
0x352: {  	v6 =	vsel vm11, $0x19, v6;
	v21 =	vsel vm12, $0x19, v7;
	vm11 =	vnez.u8 v23;
	[tilespmem:$0x1FB00] =	vst v8;
	v8 =	vld.idx.msk [tilespmem:v61+s2+$0x0], $0xffff  }
0x353: {  	v9 =	vsel vm9, v5, v9;
	v5 =	vsel vm9, v59, v5;
	v6 =	vsel vm12, v7, v6  }
0x354: {  	v26 =	vsel vm13, $0x1A, v21;
	vm10 =	vgt.f32 v63, v9;
	v6 =	vsel vm11, $0x1A, v6  }
0x355: {  	[tilespmem:$0x1FAD0] =	vst v11;
	v7 =	vld.idx.msk [tilespmem:v18+s2+$0x0], $0xffff;
	v11 =	vsel vm10, $0xFFFFFFFF, v22;
	v9 =	vsel vm10, v63, v9;
	vm10 =	vgt.f32 v63, v5  }
0x356: {  	v31 =	vld [tilespmem:$0x1FA70];
	v6 =	vsel vm13, v21, v6;
	vm13 =	vnez.u8 v27;
	v9 =	vsel vm10, v5, v9  }
0x357: {  	v5 =	vsel vm10, v63, v5;
	v6 =	vsel vm13, $0x1B, v6;
	vm12 =	vgt.f32 v8, v9  }
0x358: {  	v12 =	vld.idx.msk [tilespmem:v20+s2+$0x0], $0xffff;
	v6 =	vsel vm14, v26, v6;
	vm11 =	vgt.f32 v8, v5;
	v9 =	vsel vm12, v8, v9  }
0x359: {  	[tilespmem:$0x1FAE0] =	vst v10;
	v10 =	vsel vm12, $0xFFFFFFFF, v25;
	v9 =	vsel vm11, v5, v9;
	v5 =	vsel vm11, v8, v5  }
0x35a: {  	v8 =	vimm.s32 $0x0;
	vm12 =	vgt.f32 v7, v9;
	vm2 =	vgt.f32 v7, v5  }
0x35b: {  	v8 =	vsel vm12, $0xFFFFFFFF, v8;
	v9 =	vsel vm12, v7, v9;
	vm12 =	vnez.u8 v31  }
0x35c: {  	v29 =	vld.idx.msk [tilespmem:v24+s2+$0x0], $0xffff;
	[tilespmem:$0x1FB30] =	vst v8;
	v8 =	vsel vm14, $0x1B, v26;
	v6 =	vsel vm12, $0x1C, v6;
	v9 =	vsel vm2, v5, v9  }
0x35d: {  	v5 =	vsel vm2, v7, v5;
	v7 =	vimm.s32 $0x0;
	vm13 =	vgt.f32 v12, v9  }
0x35e: {  	v48 =	vor.u32 $0x32, v4;
	v6 =	vsel vm15, v8, v6;
	v7 =	vsel vm13, $0xFFFFFFFF, v7  }
0x35f: {  	vm12 =	vgt.f32 v12, v5;
	v9 =	vsel vm13, v12, v9;
	[tilespmem:$0x1FB50] =	vst v7;
	v7 =	vsel vm15, $0x1C, v8;
	v8 =	vld.idx.msk [tilespmem:v28+s2+$0x0], $0xffff  }
0x360: {  	v50 =	vor.u32 $0x33, v4;
	v54 =	vor.u32 $0x34, v4;
	v9 =	vsel vm12, v5, v9  }
0x361: {  	[tilespmem:$0x1FB10] =	vst v11;
	v11 =	vsel vm2, $0xFFFFFFFF, v30;
	v5 =	vsel vm12, v12, v5;
	vm15 =	vgt.f32 v29, v9  }
0x362: {  	v56 =	vimm.s32 $0x0;
	[tilespmem:$0x1FB40] =	vst v11;
	v11 =	vld.idx.msk [tilespmem:v32+s2+$0x0], $0xffff;
	vm2 =	vgt.f32 v29, v5;
	v9 =	vsel vm15, v29, v9  }
0x363: {  	v51 =	vimm.s32 $0x0;
	v62 =	vor.u32 $0x36, v4;
	v9 =	vsel vm2, v5, v9  }
0x364: {  	v34 =	vld [tilespmem:$0x1FA80];
	v16 =	vimm.s32 $0x0;
	v5 =	vsel vm2, v29, v5;
	vm13 =	vgt.f32 v8, v9  }
0x365: {  	v6 =	vsel vm3, $0x1D, v6;
	vm3 =	vgt.f32 v8, v5;
	v9 =	vsel vm13, v8, v9  }
0x366: {  	v38 =	vld [tilespmem:$0x1FA90];
	v19 =	vor.u32 $0x37, v4;
	[tilespmem:$0x1FB20] =	vst v10;
	v10 =	vsel vm13, $0xFFFFFFFF, v36;
	v9 =	vsel vm3, v5, v9  }
0x367: {  	[tilespmem:$0x1FAF0] =	vst v13;
	v5 =	vsel vm3, v8, v5;
	v8 =	vimm.s32 $0x0;
	vm13 =	vgt.f32 v11, v9  }
0x368: {  	v55 =	vld [tilespmem:$0x1FAF0];
	v23 =	vor.u32 $0x38, v4;
	v59 =	vor.u32 $0x35, v4;
	v8 =	vsel vm13, $0xFFFFFFFF, v8  }
0x369: {  	v21 =	vimm.s32 $0x0;
	vm14 =	vnez.u8 v34;
	v6 =	vsel vm0, v7, v6;
	[tilespmem:$0x1FB70] =	vst v8;
	v8 =	vld [tilespmem:$0x1FAA0]  }
0x36a: {  	v25 =	vor.u32 $0x39, v4;
	v7 =	vsel vm0, $0x1D, v7;
	v6 =	vsel vm14, $0x1E, v6  }
0x36b: {  	v43 =	vld [tilespmem:$0x1FAB0];
	vm14 =	vnez.u8 v38;
	v6 =	vsel vm1, v7, v6;
	v7 =	vsel vm1, $0x1E, v7  }
0x36c: {  	v6 =	vsel vm14, $0x1F, v6;
	v9 =	vsel vm13, v11, v9;
	vm13 =	vgt.f32 v11, v5  }
0x36d: {  	v47 =	vld [tilespmem:$0x1FAC0];
	vm1 =	vnez.u8 v55;
	v6 =	vsel vm4, v7, v6;
	v9 =	vsel vm13, v5, v9  }
0x36e: {  	v7 =	vsel vm4, $0x1F, v7;
	vm4 =	vgt.f32 v37, v9;
	vm14 =	vnez.u8 v8;
	v8 =	vld.idx.msk [tilespmem:v35+s2+$0x0], $0xffff  }
0x36f: {  	v5 =	vsel vm13, v11, v5;
	v11 =	vsel vm4, $0xFFFFFFFF, v41;
	v6 =	vsel vm14, $0x20, v6  }
0x370: {  	v49 =	vld [tilespmem:$0x1FAD0];
	v9 =	vsel vm4, v37, v9;
	vm14 =	vnez.u8 v43;
	v6 =	vsel vm6, v7, v6  }
0x371: {  	v42 =	vld.idx.msk [tilespmem:v39+s2+$0x0], $0xffff;
	vm4 =	vgt.f32 v37, v5;
	v7 =	vsel vm6, $0x20, v7;
	v6 =	vsel vm14, $0x21, v6  }
0x372: {  	v9 =	vsel vm4, v5, v9;
	v5 =	vsel vm4, v37, v5;
	v6 =	vsel vm7, v7, v6  }
0x373: {  	v7 =	vsel vm7, $0x21, v7;
	vm7 =	vnez.u8 v47;
	vm6 =	vgt.f32 v8, v9  }
0x374: {  	v52 =	vld [tilespmem:$0x1FAE0];
	[tilespmem:$0x1FB60] =	vst v10;
	v10 =	vsel vm6, $0xFFFFFFFF, v45;
	v9 =	vsel vm6, v8, v9;
	vm6 =	vgt.f32 v8, v5  }
0x375: {  	v46 =	vld.idx.msk [tilespmem:v40+s2+$0x0], $0xffff;
	v6 =	vsel vm7, $0x22, v6;
	vm7 =	vnez.u8 v49;
	v9 =	vsel vm6, v5, v9  }
0x376: {  	v5 =	vsel vm6, v8, v5;
	v8 =	vimm.s32 $0x0;
	vm14 =	vgt.f32 v42, v9  }
0x377: {  	v57 =	vld [tilespmem:$0x1FB00];
	v6 =	vsel vm8, v7, v6;
	v7 =	vsel vm8, $0x22, v7;
	v8 =	vsel vm14, $0xFFFFFFFF, v8  }
0x378: {  	v6 =	vsel vm7, $0x23, v6;
	vm8 =	vgt.f32 v42, v5;
	v9 =	vsel vm14, v42, v9;
	[tilespmem:$0x1FBA0] =	vst v8;
	v8 =	vld.idx.msk [tilespmem:v44+s2+$0x0], $0xffff  }
0x379: {  	vm7 =	vnez.u8 v52;
	v6 =	vsel vm5, v7, v6;
	v9 =	vsel vm8, v5, v9  }
0x37a: {  	v7 =	vsel vm5, $0x23, v7;
	v5 =	vsel vm8, v42, v5;
	vm14 =	vgt.f32 v46, v9  }
0x37b: {  	v53 =	vld.idx.msk [tilespmem:v48+s2+$0x0], $0xffff;
	v6 =	vsel vm7, $0x24, v6;
	vm0 =	vgt.f32 v46, v5;
	v9 =	vsel vm14, v46, v9  }
0x37c: {  	v61 =	vld [tilespmem:$0x1FB10];
	[tilespmem:$0x1FB80] =	vst v11;
	v6 =	vsel vm1, v7, v6;
	v11 =	vsel vm14, $0xFFFFFFFF, v51;
	v9 =	vsel vm0, v5, v9  }
0x37d: {  	vm14 =	vnez.u8 v57;
	v5 =	vsel vm0, v46, v5;
	vm5 =	vgt.f32 v8, v9  }
0x37e: {  	v58 =	vld.idx.msk [tilespmem:v50+s2+$0x0], $0xffff;
	[tilespmem:$0x1FB90] =	vst v10;
	v10 =	vsel vm5, $0xFFFFFFFF, v56;
	v9 =	vsel vm5, v8, v9;
	vm5 =	vgt.f32 v8, v5  }
0x37f: {  	v18 =	vld [tilespmem:$0x1FB20];
	v7 =	vsel vm1, $0x24, v7;
	v6 =	vsel vm14, $0x25, v6;
	v9 =	vsel vm5, v5, v9  }
0x380: {  	v5 =	vsel vm5, v8, v5;
	v8 =	vimm.s32 $0x0;
	vm14 =	vgt.f32 v53, v9  }
0x381: {  	vm7 =	vnez.u8 v61;
	v6 =	vsel vm9, v7, v6;
	v8 =	vsel vm14, $0xFFFFFFFF, v8  }
0x382: {  	v60 =	vsel vm9, $0x25, v7;
	v7 =	vld.idx.msk [tilespmem:v54+s2+$0x0], $0xffff;
	[tilespmem:$0x1FBD0] =	vst v8;
	v8 =	vsel vm14, v53, v9;
	vm14 =	vgt.f32 v53, v5  }
0x383: {  	v63 =	vsel vm10, $0x26, v60;
	v6 =	vsel vm7, $0x26, v6;
	v8 =	vsel vm14, v5, v8  }
0x384: {  	vm7 =	vnez.u8 v18;
	v5 =	vsel vm14, v53, v5;
	vm9 =	vgt.f32 v58, v8  }
0x385: {  	v17 =	vld.idx.msk [tilespmem:v59+s2+$0x0], $0xffff;
	v6 =	vsel vm10, v60, v6;
	vm10 =	vgt.f32 v58, v5;
	v8 =	vsel vm9, v58, v8  }
0x386: {  	v24 =	vld [tilespmem:$0x1FB40];
	v20 =	vsel vm11, $0x27, v63;
	v6 =	vsel vm7, $0x27, v6;
	v8 =	vsel vm10, v5, v8  }
0x387: {  	[tilespmem:$0x1FBB0] =	vst v11;
	v11 =	vsel vm9, $0xFFFFFFFF, v16;
	v5 =	vsel vm10, v58, v5;
	vm9 =	vgt.f32 v7, v8  }
0x388: {  	v6 =	vsel vm11, v63, v6;
	vm11 =	vgt.f32 v7, v5;
	v8 =	vsel vm9, v7, v8  }
0x389: {  	v30 =	vimm.s32 $0x0;
	[tilespmem:$0x1FBC0] =	vst v10;
	v10 =	vsel vm9, $0xFFFFFFFF, v21;
	v8 =	vsel vm11, v5, v8  }
0x38a: {  	v22 =	vld [tilespmem:$0x1FB30];
	v5 =	vsel vm11, v7, v5;
	v7 =	vimm.s32 $0x0;
	vm9 =	vgt.f32 v17, v8  }
0x38b: {  	v26 =	vimm.s32 $0x0;
	vm1 =	vnez.u8 v24;
	v7 =	vsel vm9, $0xFFFFFFFF, v7  }
0x38c: {  	v28 =	vor.u32 $0x3A, v4;
	v38 =	vimm.s32 $0x0;
	v12 =	vsel vm1, $0x28, v20;
	[tilespmem:$0x1FC00] =	vst v7;
	v7 =	vld [tilespmem:$0x1FB50]  }
0x38d: {  	v36 =	vor.u32 $0x3C, v4;
	v41 =	vor.u32 $0x3D, v4;
	v27 =	vsel vm12, $0x29, v12  }
0x38e: {  	v43 =	vimm.s32 $0x0;
	v49 =	vor.u32 $0x3F, v4;
	v29 =	vsel vm2, $0x2A, v27  }
0x38f: {  	v51 =	vimm.s32 $0x0;
	vm7 =	vnez.u8 v22;
	v34 =	vsel vm3, $0x2B, v29;
	v9 =	vld.idx.msk [tilespmem:v62+s2+$0x0], $0xffff  }
0x390: {  	v32 =	vld [tilespmem:$0x1FB60];
	v46 =	vor.u32 $0x3E, v4;
	v37 =	vsel vm13, $0x2C, v34;
	v6 =	vsel vm7, $0x28, v6  }
0x391: {  	v35 =	vld [tilespmem:$0x1FB70];
	v42 =	vsel vm4, $0x2D, v37;
	v6 =	vsel vm1, v20, v6;
	vm7 =	vnez.u8 v7  }
0x392: {  	v8 =	vsel vm9, v17, v8;
	v7 =	vld.idx.msk [tilespmem:v19+s2+$0x0], $0xffff;
	v6 =	vsel vm7, $0x29, v6;
	vm7 =	vgt.f32 v17, v5  }
0x393: {  	v8 =	vsel vm7, v5, v8;
	v6 =	vsel vm12, v12, v6;
	v5 =	vsel vm7, v17, v5  }
0x394: {  	[tilespmem:$0x1FBE0] =	vst v11;
	vm9 =	vgt.f32 v9, v8;
	vm12 =	vgt.f32 v9, v5;
	v6 =	vsel vm15, $0x2A, v6  }
0x395: {  	[tilespmem:$0x1FBF0] =	vst v10;
	v10 =	vld.idx.msk [tilespmem:v23+s2+$0x0], $0xffff;
	v11 =	vsel vm9, $0xFFFFFFFF, v26;
	v8 =	vsel vm9, v9, v8;
	v6 =	vsel vm2, v27, v6  }
0x396: {  	vm9 =	vnez.u8 v32;
	v8 =	vsel vm12, v5, v8;
	v5 =	vsel vm12, v9, v5  }
0x397: {  	v40 =	vld [tilespmem:$0x1FB80];
	v6 =	vsel vm9, $0x2B, v6;
	vm9 =	vnez.u8 v35;
	vm15 =	vgt.f32 v7, v8  }
0x398: {  	v31 =	vld.idx.msk [tilespmem:v25+s2+$0x0], $0xffff;
	vm2 =	vgt.f32 v7, v5;
	v6 =	vsel vm3, v29, v6;
	v8 =	vsel vm15, v7, v8  }
0x399: {  	v45 =	vld [tilespmem:$0x1FB90];
	v9 =	vsel vm15, $0xFFFFFFFF, v30;
	v6 =	vsel vm9, $0x2C, v6;
	v8 =	vsel vm2, v5, v8  }
0x39a: {  	v5 =	vsel vm2, v7, v5;
	v7 =	vimm.s32 $0x0;
	vm15 =	vgt.f32 v10, v8  }
0x39b: {  	v48 =	vld [tilespmem:$0x1FBA0];
	v47 =	vsel vm6, $0x2E, v42;
	v6 =	vsel vm13, v34, v6;
	v7 =	vsel vm15, $0xFFFFFFFF, v7  }
0x39c: {  	vm9 =	vnez.u8 v40;
	vm3 =	vgt.f32 v10, v5;
	v8 =	vsel vm15, v10, v8;
	[tilespmem:$0x1FC30] =	vst v7;
	v7 =	vld.idx.msk [tilespmem:v28+s2+$0x0], $0xffff  }
0x39d: {  	v50 =	vsel vm8, $0x2F, v47;
	v6 =	vsel vm9, $0x2D, v6;
	v8 =	vsel vm3, v5, v8  }
0x39e: {  	vm9 =	vnez.u8 v45;
	v5 =	vsel vm3, v10, v5;
	vm15 =	vgt.f32 v31, v8  }
0x39f: {  	v39 =	vld.idx.msk [tilespmem:v33+s2+$0x0], $0xffff;
	v6 =	vsel vm4, v37, v6;
	vm13 =	vgt.f32 v31, v5;
	v8 =	vsel vm15, v31, v8  }
0x3a0: {  	v6 =	vsel vm9, $0x2E, v6;
	vm9 =	vnez.u8 v48;
	v8 =	vsel vm13, v5, v8  }
0x3a1: {  	v53 =	vld [tilespmem:$0x1FBB0];
	v10 =	vsel vm15, $0xFFFFFFFF, v38;
	v5 =	vsel vm13, v31, v5;
	vm15 =	vgt.f32 v7, v8  }
0x3a2: {  	v6 =	vsel vm6, v42, v6;
	vm4 =	vgt.f32 v7, v5;
	v8 =	vsel vm15, v7, v8  }
0x3a3: {  	v44 =	vld.idx.msk [tilespmem:v36+s2+$0x0], $0xffff;
	[tilespmem:$0x1FC20] =	vst v9;
	v6 =	vsel vm9, $0x2F, v6;
	v9 =	vsel vm15, $0xFFFFFFFF, v43;
	v8 =	vsel vm4, v5, v8  }
0x3a4: {  	v55 =	vld [tilespmem:$0x1FBC0];
	v5 =	vsel vm4, v7, v5;
	v7 =	vimm.s32 $0x0;
	vm15 =	vgt.f32 v39, v8  }
0x3a5: {  	v54 =	vsel vm0, $0x30, v50;
	v6 =	vsel vm8, v47, v6;
	v7 =	vsel vm15, $0xFFFFFFFF, v7  }
0x3a6: {  	vm9 =	vnez.u8 v53;
	vm6 =	vgt.f32 v39, v5;
	v8 =	vsel vm15, v39, v8;
	[tilespmem:$0x1FC60] =	vst v7;
	v7 =	vld.idx.msk [tilespmem:v41+s2+$0x0], $0xffff  }
0x3a7: {  	v58 =	vld [tilespmem:$0x1FBD0];
	v6 =	vsel vm9, $0x30, v6;
	v8 =	vsel vm6, v5, v8;
	v5 =	vsel vm6, v39, v5  }
0x3a8: {  	v6 =	vsel vm0, v50, v6;
	vm15 =	vgt.f32 v44, v8;
	vm8 =	vgt.f32 v44, v5  }
0x3a9: {  	v52 =	vld.idx.msk [tilespmem:v46+s2+$0x0], $0xffff;
	[tilespmem:$0x1FC40] =	vst v10;
	v10 =	vsel vm15, $0xFFFFFFFF, v51;
	v8 =	vsel vm15, v44, v8;
	vm15 =	vnez.u8 v55  }
0x3aa: {  	v57 =	vsel vm5, $0x31, v54;
	v59 =	vld [tilespmem:$0x1FBE0];
	v8 =	vsel vm8, v5, v8;
	v6 =	vsel vm15, $0x31, v6  }
0x3ab: {  	v5 =	vsel vm8, v44, v5;
	v6 =	vsel vm5, v54, v6;
	vm9 =	vgt.f32 v7, v8  }
0x3ac: {  	vm5 =	vnez.u8 v58;
	vm1 =	vgt.f32 v7, v5;
	v8 =	vsel vm9, v7, v8  }
0x3ad: {  	v6 =	vsel vm5, $0x32, v6;
	v8 =	vsel vm1, v5, v8  }
0x3ae: {  	v6 =	vsel vm14, v57, v6;
	v5 =	vsel vm1, v7, v5;
	vm5 =	vgt.f32 v52, v8  }
0x3af: {  	v56 =	vld.idx.msk [tilespmem:v49+s2+$0x0], $0xffff;
	v7 =	vsel vm5, v52, v8;
	v8 =	vsel vm14, $0x32, v57;
	vm14 =	vnez.u8 v59  }
0x3b0: {  	v6 =	vsel vm14, $0x33, v6  }
0x3b1: {  	v60 =	vsel vm10, $0x33, v8;
	v6 =	vsel vm10, v8, v6;
	v8 =	vld [tilespmem:$0x1FBF0]  }
0x3b2: {  	vm0 =	vgt.f32 v52, v5  }
0x3b3: {  	v7 =	vsel vm0, v5, v7  }
0x3b4: {  	v5 =	vsel vm0, v52, v5;
	vm14 =	vgt.f32 v56, v7  }
0x3b5: {  	vm10 =	vgt.f32 v56, v5;
	v7 =	vsel vm14, v56, v7  }
0x3b6: {  	vm15 =	vnez.u8 v8;
	v8 =	vsel vm10, v56, v5;
	v5 =	vsel vm10, v5, v7  }
0x3b7: {  	v5 =	vsub.f32 v5, v8;
	v8 =	vld [tilespmem:$0x1FC00];
	_ =	sdelay $0x3  }
0x3b8: {  	[tilespmem:$0x1FC10] =	vst v11  }
0x3b9: {  	v6 =	vsel vm15, $0x34, v6;
	vm15 =	vnez.u8 v8;
	v8 =	vld [tilespmem:$0x1FC10];
	_ =	sdelay $0x2  }
0x3ba: {  	v6 =	vsel vm11, v60, v6  }
0x3bb: {  	v7 =	vsel vm11, $0x34, v60;
	v6 =	vsel vm15, $0x35, v6  }
0x3bc: {  	v5 =	vmul.f32 $1.442695020e+00, v5;
	v6 =	vsel vm7, v7, v6;
	vm11 =	vnez.u8 v8  }
0x3bd: {  	v7 =	vsel vm7, $0x35, v7;
	v6 =	vsel vm11, $0x36, v6  }
0x3be: {  	(erf) = vpow2.f32 v5;
	v5 =	vsel vm12, $0x36, v7;
	v6 =	vsel vm12, v7, v6;
	v7 =	vld [tilespmem:$0x1FC20];
	_ =	sdelay $0x4  }
0x3bf: {  	vm15 =	vnez.u8 v7;
	v7 =	vld [tilespmem:$0x1FC30];
	_ =	sdelay $0x4  }
0x3c0: {  	vm7 =	vnez.u8 v7;
	v7 =	vld [tilespmem:$0x1FC40];
	_ =	sdelay $0x3  }
0x3c1: {  	[tilespmem:$0x1FC50] =	vst v9  }
0x3c2: {  	vm11 =	vnez.u8 v7;
	v7 =	vld [tilespmem:$0x1FC50];
	_ =	sdelay $0x2  }
0x3c3: {  	v6 =	vsel vm15, $0x37, v6  }
0x3c4: {  	v6 =	vsel vm2, v5, v6  }
0x3c5: {  	v5 =	vsel vm2, $0x37, v5;
	v6 =	vsel vm7, $0x38, v6;
	vm12 =	vnez.u8 v7;
	v7 =	vld [tilespmem:$0x1FC60]  }
0x3c6: {  	[tilespmem:$0x1FC70] =	vst v10;
	v6 =	vsel vm3, v5, v6  }
0x3c7: {  	v61 =	vld [tilespmem:$0x1FC70];
	v5 =	vsel vm3, $0x38, v5;
	v6 =	vsel vm11, $0x39, v6  }
0x3c8: {  	v6 =	vsel vm13, v5, v6  }
0x3c9: {  	v5 =	vsel vm13, $0x39, v5;
	v6 =	vsel vm12, $0x3A, v6  }
0x3ca: {  	v6 =	vsel vm4, v5, v6;
	vm13 =	vnez.u8 v7  }
0x3cb: {  	v5 =	vsel vm4, $0x3A, v5;
	v7 =	vpop (erf);
	v6 =	vsel vm13, $0x3B, v6  }
0x3cc: {  	vm15 =	vnez.u8 v61;
	v8 =	vadd.f32 $1.000000000e+00, v7;
	v6 =	vsel vm6, v5, v6  }
0x3cd: {  	v5 =	vsel vm6, $0x3B, v5;
	v6 =	vsel vm15, $0x3C, v6  }
0x3ce: {  	(erf) = vrcp.f32 v8;
	v6 =	vsel vm8, v5, v6  }
0x3cf: {  	v5 =	vsel vm8, $0x3C, v5;
	v6 =	vsel vm9, $0x3D, v6  }
0x3d0: {  	v6 =	vsel vm1, v5, v6  }
0x3d1: {  	v5 =	vsel vm1, $0x3D, v5;
	v6 =	vsel vm5, $0x3E, v6  }
0x3d2: {  	v6 =	vsel vm0, v5, v6;
	v5 =	vsel vm0, $0x3E, v5  }
0x3d3: {  	v8 =	vsel vm14, $0x3F, v6;
	v6 =	vsel vm10, $0x3F, v5  }
0x3d4: {  	v5 =	vsel vm10, v5, v8;
	v8 =	vadd.s32 v4, v6  }
0x3d5: {  	v62 =	vadd.s32 v4, v5;
	_ =	sdelay $0x1  }
0x3d6: {  	v4 =	vshll.u32 v3, $0x1;
	v63 =	vpop (erf)  }
0x3d7: {  	v3 =	vor.u32 $0x1, v4;
	v7 =	vmul.f32 v63, v7  }
0x3d8: {  	[tilespmem:v8+s11+$0x0] =	vst.idx.msk $0xffff, v63  }
0x3d9: {  	s15 =	simm.s32 $0x10;
	[tilespmem:v62+s11+$0x0] =	vst.idx.msk $0xffff, v7  }
.LBB2_4:
0x3da: {  	p0 =	sne.s32 s15, $0x1F0  }
0x3db: {  	[tilespmem:v4+s12+$0x0] =	vst.idx.msk $0xffff, v6;
	s14 =	sadd.s32 $0x400, s14;
	s16 =	smov.u32 s15;
	s15 =	sadd.s32 $0x10, s15  }
0x3dc: {  	[tilespmem:v3+s12+$0x0] =	vst.idx.msk $0xffff, v5  }
0x3dd: {  	[tilespmem:s14+$0x1F0] =	vst v1  }
0x3de: {  	[tilespmem:s14+$0x1E0] =	vst v1  }
0x3df: {  	[tilespmem:s14+$0x1D0] =	vst v1  }
0x3e0: {  	[tilespmem:s14+$0x1C0] =	vst v1  }
0x3e1: {  	[tilespmem:s14+$0x1B0] =	vst v1  }
0x3e2: {  	[tilespmem:s14+$0x1A0] =	vst v1  }
0x3e3: {  	[tilespmem:s14+$0x190] =	vst v1  }
0x3e4: {  	[tilespmem:s14+$0x180] =	vst v1  }
0x3e5: {  	[tilespmem:s14+$0x170] =	vst v1  }
0x3e6: {  	[tilespmem:s14+$0x160] =	vst v1  }
0x3e7: {  	[tilespmem:s14+$0x150] =	vst v1  }
0x3e8: {  	[tilespmem:s14+$0x140] =	vst v1  }
0x3e9: {  	[tilespmem:s14+$0x130] =	vst v1  }
0x3ea: {  	[tilespmem:s14+$0x120] =	vst v1  }
0x3eb: {  	[tilespmem:s14+$0x110] =	vst v1  }
0x3ec: {  	[tilespmem:s14+$0x100] =	vst v1  }
0x3ed: {  	[tilespmem:s14+$0xF0] =	vst v1  }
0x3ee: {  	[tilespmem:s14+$0xE0] =	vst v1  }
0x3ef: {  	[tilespmem:s14+$0xD0] =	vst v1  }
0x3f0: {  	[tilespmem:s14+$0xC0] =	vst v1  }
0x3f1: {  	[tilespmem:s14+$0xB0] =	vst v1  }
0x3f2: {  	[tilespmem:s14+$0xA0] =	vst v1  }
0x3f3: {  	[tilespmem:s14+$0x90] =	vst v1  }
0x3f4: {  	[tilespmem:s14+$0x80] =	vst v1  }
0x3f5: {  	[tilespmem:s14+$0x70] =	vst v1  }
0x3f6: {  	[tilespmem:s14+$0x60] =	vst v1  }
0x3f7: {  	[tilespmem:s14+$0x50] =	vst v1  }
0x3f8: {  	[tilespmem:s14+$0x40] =	vst v1  }
0x3f9: {  	[tilespmem:s14+$0x30] =	vst v1  }
0x3fa: {  	[tilespmem:s14+$0x20] =	vst v1  }
0x3fb: {  	[tilespmem:s14+$0x10] =	vst v1  }
0x3fc: {  	[tilespmem:s14+$0x0] =	vst v1  }
0x3fd: {  	[tilespmem:s14+$0xFFFFFFF0] =	vst v1  }
0x3fe: {  	[tilespmem:s14+$0xFFFFFFE0] =	vst v1  }
0x3ff: {  	[tilespmem:s14+$0xFFFFFFD0] =	vst v1  }
0x400: {  	[tilespmem:s14+$0xFFFFFFC0] =	vst v1  }
0x401: {  	[tilespmem:s14+$0xFFFFFFB0] =	vst v1  }
0x402: {  	[tilespmem:s14+$0xFFFFFFA0] =	vst v1  }
0x403: {  	[tilespmem:s14+$0xFFFFFF90] =	vst v1  }
0x404: {  	[tilespmem:s14+$0xFFFFFF80] =	vst v1  }
0x405: {  	[tilespmem:s14+$0xFFFFFF70] =	vst v1  }
0x406: {  	[tilespmem:s14+$0xFFFFFF60] =	vst v1  }
0x407: {  	[tilespmem:s14+$0xFFFFFF50] =	vst v1  }
0x408: {  	[tilespmem:s14+$0xFFFFFF40] =	vst v1  }
0x409: {  	[tilespmem:s14+$0xFFFFFF30] =	vst v1  }
0x40a: {  	[tilespmem:s14+$0xFFFFFF20] =	vst v1  }
0x40b: {  	[tilespmem:s14+$0xFFFFFF10] =	vst v1  }
0x40c: {  	[tilespmem:s14+$0xFFFFFF00] =	vst v1  }
0x40d: {  	[tilespmem:s14+$0xFFFFFEF0] =	vst v1  }
0x40e: {  	[tilespmem:s14+$0xFFFFFEE0] =	vst v1  }
0x40f: {  	[tilespmem:s14+$0xFFFFFED0] =	vst v1  }
0x410: {  	[tilespmem:s14+$0xFFFFFEC0] =	vst v1  }
0x411: {  	[tilespmem:s14+$0xFFFFFEB0] =	vst v1  }
0x412: {  	[tilespmem:s14+$0xFFFFFEA0] =	vst v1  }
0x413: {  	[tilespmem:s14+$0xFFFFFE90] =	vst v1  }
0x414: {  	[tilespmem:s14+$0xFFFFFE80] =	vst v1  }
0x415: {  	[tilespmem:s14+$0xFFFFFE70] =	vst v1  }
0x416: {  	[tilespmem:s14+$0xFFFFFE60] =	vst v1  }
0x417: {  	v3 =	vor.u32 s16, v0;
	[tilespmem:s14+$0xFFFFFE50] =	vst v1  }
0x418: {  	v4 =	vshll.u32 v3, $0x6;
	[tilespmem:s14+$0xFFFFFE40] =	vst v1  }
0x419: {  	v10 =	vor.u32 $0x1, v4;
	v11 =	vor.u32 $0x2, v4;
	v13 =	vor.u32 $0x3, v4;
	[tilespmem:s14+$0xFFFFFE30] =	vst v1  }
0x41a: {  	v14 =	vor.u32 $0x4, v4;
	v17 =	vor.u32 $0x8, v4;
	v8 =	vor.u32 $0x9, v4;
	[tilespmem:s14+$0xFFFFFE20] =	vst v1  }
0x41b: {  	v7 =	vor.u32 $0xA, v4;
	v5 =	vor.u32 $0xB, v4;
	v6 =	vor.u32 $0xC, v4;
	[tilespmem:s14+$0xFFFFFE10] =	vst v1  }
0x41c: {  	v9 =	vor.u32 $0xD, v4;
	v12 =	vor.u32 $0xE, v4;
	v15 =	vor.u32 $0xF, v4;
	[tilespmem:s14+$0xFFFFFE00] =	vst v1  }
0x41d: {  	v16 =	vor.u32 $0x10, v4;
	v20 =	vor.u32 $0x11, v4;
	v19 =	vor.u32 $0x12, v4;
	v18 =	vld.idx.msk [tilespmem:v4+s2+$0x0], $0xffff  }
0x41e: {  	v21 =	vor.u32 $0x13, v4;
	v23 =	vor.u32 $0x14, v4;
	v25 =	vor.u32 $0x15, v4;
	v10 =	vld.idx.msk [tilespmem:v10+s2+$0x0], $0xffff  }
0x41f: {  	v22 =	vor.u32 $0x16, v4;
	v24 =	vor.u32 $0x17, v4;
	v26 =	vor.u32 $0x18, v4  }
0x420: {  	v27 =	vor.u32 $0x19, v4;
	v29 =	vor.u32 $0x1A, v4;
	v31 =	vor.u32 $0x1B, v4  }
0x421: {  	v33 =	vor.u32 $0x1C, v4;
	v37 =	vor.u32 $0x1D, v4;
	v38 =	vor.u32 $0x1E, v4  }
0x422: {  	v39 =	vor.u32 $0x1F, v4;
	v40 =	vor.u32 $0x20, v4;
	v41 =	vor.u32 $0x21, v4;
	v11 =	vld.idx.msk [tilespmem:v11+s2+$0x0], $0xffff  }
0x423: {  	v42 =	vor.u32 $0x22, v4;
	v43 =	vor.u32 $0x23, v4;
	vm0 =	vgt.f32 v18, $-Inf  }
0x424: {  	v18 =	vnsel vm0, $0xFF800000, v18;
	vm0 =	vlt.f32 v10, $-Inf;
	vm1 =	vgt.f32 v10, $-Inf;
	v30 =	vld.idx.msk [tilespmem:v22+s2+$0x0], $0xffff  }
0x425: {  	vm2 =	vgt.f32 v10, v18;
	vm0 =	vmor vm1, vm0;
	v22 =	vor.u32 $0x5, v4;
	v13 =	vld.idx.msk [tilespmem:v13+s2+$0x0], $0xffff  }
0x426: {  	vm1 =	vmneg vm2;
	v28 =	vnsel vm0, $0xFF800000, v10;
	v35 =	vsel vm2, $0x1, v2;
	v32 =	vld.idx.msk [tilespmem:v24+s2+$0x0], $0xffff  }
0x427: {  	v24 =	vsel vm1, v28, v18;
	vm0 =	vmand vm0, vm1;
	v10 =	vsel vm1, v18, v10;
	v28 =	vld.idx.msk [tilespmem:v26+s2+$0x0], $0xffff  }
0x428: {  	v18 =	vsel vm0, $0x1, v2;
	vm0 =	vgt.f32 v11, v24;
	v26 =	vor.u32 $0x6, v4;
	v14 =	vld.idx.msk [tilespmem:v14+s2+$0x0], $0xffff  }
0x429: {  	vm1 =	vgt.f32 v11, v10;
	v24 =	vsel vm0, v11, v24;
	v18 =	vsel vm0, $0x2, v18;
	v36 =	vld.idx.msk [tilespmem:v27+s2+$0x0], $0xffff  }
0x42a: {  	v24 =	vsel vm1, v10, v24;
	v18 =	vsel vm1, v35, v18;
	v10 =	vsel vm1, v11, v10;
	v34 =	vld.idx.msk [tilespmem:v29+s2+$0x0], $0xffff  }
0x42b: {  	v11 =	vsel vm1, $0x2, v35;
	vm0 =	vgt.f32 v13, v24;
	v27 =	vld.idx.msk [tilespmem:v22+s2+$0x0], $0xffff;
	v22 =	vor.u32 $0x7, v4  }
0x42c: {  	vm1 =	vgt.f32 v13, v10;
	v24 =	vsel vm0, v13, v24;
	v18 =	vsel vm0, $0x3, v18;
	v35 =	vld.idx.msk [tilespmem:v31+s2+$0x0], $0xffff  }
0x42d: {  	v24 =	vsel vm1, v10, v24;
	v18 =	vsel vm1, v11, v18;
	v10 =	vsel vm1, v13, v10;
	v33 =	vld.idx.msk [tilespmem:v33+s2+$0x0], $0xffff  }
0x42e: {  	v11 =	vsel vm1, $0x3, v11;
	vm0 =	vgt.f32 v14, v24;
	v13 =	vld.idx.msk [tilespmem:v26+s2+$0x0], $0xffff;
	v26 =	vor.u32 $0x24, v4  }
0x42f: {  	vm1 =	vgt.f32 v14, v10;
	v24 =	vsel vm0, v14, v24;
	v18 =	vsel vm0, $0x4, v18;
	v31 =	vld.idx.msk [tilespmem:v37+s2+$0x0], $0xffff  }
0x430: {  	v29 =	vsel vm1, v10, v24;
	v18 =	vsel vm1, v11, v18;
	v10 =	vsel vm1, v14, v10;
	v24 =	vld.idx.msk [tilespmem:v38+s2+$0x0], $0xffff  }
0x431: {  	v11 =	vsel vm1, $0x4, v11;
	vm0 =	vgt.f32 v27, v29;
	v38 =	vor.u32 $0x25, v4;
	v37 =	vld.idx.msk [tilespmem:v22+s2+$0x0], $0xffff  }
0x432: {  	vm1 =	vgt.f32 v27, v10;
	v14 =	vsel vm0, v27, v29;
	v18 =	vsel vm0, $0x5, v18;
	v22 =	vld.idx.msk [tilespmem:v39+s2+$0x0], $0xffff  }
0x433: {  	v14 =	vsel vm1, v10, v14;
	v29 =	vsel vm1, v11, v18;
	v11 =	vsel vm1, $0x5, v11;
	v18 =	vld.idx.msk [tilespmem:v40+s2+$0x0], $0xffff  }
0x434: {  	v10 =	vsel vm1, v27, v10;
	v39 =	vor.u32 $0x26, v4;
	vm0 =	vgt.f32 v13, v14;
	v27 =	vld.idx.msk [tilespmem:v17+s2+$0x0], $0xffff  }
0x435: {  	vm1 =	vgt.f32 v13, v10;
	v14 =	vsel vm0, v13, v14;
	v29 =	vsel vm0, $0x6, v29;
	v17 =	vld.idx.msk [tilespmem:v41+s2+$0x0], $0xffff  }
0x436: {  	v40 =	vsel vm1, v10, v14;
	v29 =	vsel vm1, v11, v29;
	v41 =	vsel vm1, $0x6, v11;
	v14 =	vld.idx.msk [tilespmem:v42+s2+$0x0], $0xffff  }
0x437: {  	v44 =	vor.u32 $0x27, v4;
	v10 =	vsel vm1, v13, v10;
	vm0 =	vgt.f32 v37, v40;
	v42 =	vld.idx.msk [tilespmem:v8+s2+$0x0], $0xffff  }
0x438: {  	vm1 =	vgt.f32 v37, v10;
	v8 =	vsel vm0, v37, v40;
	v11 =	vsel vm0, $0x7, v29;
	v13 =	vld.idx.msk [tilespmem:v43+s2+$0x0], $0xffff  }
0x439: {  	v37 =	vsel vm1, v37, v10;
	v8 =	vsel vm1, v10, v8;
	v29 =	vsel vm1, v41, v11;
	v11 =	vld.idx.msk [tilespmem:v26+s2+$0x0], $0xffff  }
0x43a: {  	v26 =	vsel vm1, $0x7, v41;
	vm0 =	vgt.f32 v27, v8;
	v41 =	vor.u32 $0x28, v4;
	v40 =	vld.idx.msk [tilespmem:v7+s2+$0x0], $0xffff  }
0x43b: {  	vm1 =	vgt.f32 v27, v37;
	v7 =	vsel vm0, v27, v8;
	v8 =	vsel vm0, $0x8, v29;
	v10 =	vld.idx.msk [tilespmem:v38+s2+$0x0], $0xffff  }
0x43c: {  	v27 =	vsel vm1, v27, v37;
	v7 =	vsel vm1, v37, v7;
	v29 =	vsel vm1, v26, v8;
	v8 =	vld.idx.msk [tilespmem:v39+s2+$0x0], $0xffff  }
0x43d: {  	v26 =	vsel vm1, $0x8, v26;
	v38 =	vor.u32 $0x29, v4;
	vm0 =	vgt.f32 v42, v7;
	v37 =	vld.idx.msk [tilespmem:v5+s2+$0x0], $0xffff  }
0x43e: {  	vm1 =	vgt.f32 v42, v27;
	v5 =	vsel vm0, v42, v7;
	v29 =	vsel vm0, $0x9, v29;
	v7 =	vld.idx.msk [tilespmem:v44+s2+$0x0], $0xffff  }
0x43f: {  	v39 =	vsel vm1, v27, v5;
	v29 =	vsel vm1, v26, v29;
	v27 =	vsel vm1, v42, v27;
	v5 =	vld.idx.msk [tilespmem:v41+s2+$0x0], $0xffff  }
0x440: {  	v26 =	vsel vm1, $0x9, v26;
	v42 =	vor.u32 $0x2A, v4;
	vm0 =	vgt.f32 v40, v39;
	v41 =	vld.idx.msk [tilespmem:v6+s2+$0x0], $0xffff  }
0x441: {  	vm1 =	vgt.f32 v40, v27;
	v6 =	vsel vm0, v40, v39;
	v29 =	vsel vm0, $0xA, v29  }
0x442: {  	v39 =	vsel vm1, v27, v6;
	v27 =	vsel vm1, v40, v27;
	v40 =	vsel vm1, $0xA, v26;
	v6 =	vld.idx.msk [tilespmem:v38+s2+$0x0], $0xffff  }
0x443: {  	v26 =	vsel vm1, v26, v29;
	vm0 =	vgt.f32 v37, v39;
	v38 =	vor.u32 $0x2B, v4;
	v29 =	vld.idx.msk [tilespmem:v9+s2+$0x0], $0xffff  }
0x444: {  	vm1 =	vgt.f32 v37, v27;
	v9 =	vsel vm0, v37, v39;
	v26 =	vsel vm0, $0xB, v26  }
0x445: {  	v39 =	vsel vm1, v27, v9;
	v26 =	vsel vm1, v40, v26;
	v27 =	vsel vm1, v37, v27;
	v9 =	vld.idx.msk [tilespmem:v42+s2+$0x0], $0xffff  }
0x446: {  	v37 =	vsel vm1, $0xB, v40;
	vm0 =	vgt.f32 v41, v39;
	v42 =	vor.u32 $0x2C, v4;
	v40 =	vld.idx.msk [tilespmem:v12+s2+$0x0], $0xffff  }
0x447: {  	vm1 =	vgt.f32 v41, v27;
	v12 =	vsel vm0, v41, v39;
	v26 =	vsel vm0, $0xC, v26  }
0x448: {  	v43 =	vsel vm1, $0xC, v37;
	v39 =	vsel vm1, v27, v12;
	v12 =	vld.idx.msk [tilespmem:v38+s2+$0x0], $0xffff;
	v38 =	vor.u32 $0x2D, v4  }
0x449: {  	v26 =	vsel vm1, v37, v26;
	v27 =	vsel vm1, v41, v27;
	vm0 =	vgt.f32 v29, v39;
	v37 =	vld.idx.msk [tilespmem:v15+s2+$0x0], $0xffff  }
0x44a: {  	vm1 =	vgt.f32 v29, v27;
	v15 =	vsel vm0, v29, v39;
	v26 =	vsel vm0, $0xD, v26  }
0x44b: {  	v41 =	vsel vm1, $0xD, v43;
	v39 =	vsel vm1, v27, v15;
	v26 =	vsel vm1, v43, v26;
	v15 =	vld.idx.msk [tilespmem:v42+s2+$0x0], $0xffff  }
0x44c: {  	v27 =	vsel vm1, v29, v27;
	vm0 =	vgt.f32 v40, v39;
	v42 =	vor.u32 $0x2E, v4;
	v29 =	vld.idx.msk [tilespmem:v16+s2+$0x0], $0xffff  }
0x44d: {  	vm1 =	vgt.f32 v40, v27;
	v39 =	vsel vm0, v40, v39;
	v26 =	vsel vm0, $0xE, v26;
	v16 =	vld.idx.msk [tilespmem:v38+s2+$0x0], $0xffff  }
0x44e: {  	v38 =	vsel vm1, v27, v39;
	v26 =	vsel vm1, v41, v26;
	v39 =	vsel vm1, $0xE, v41  }
0x44f: {  	v27 =	vsel vm1, v40, v27;
	v41 =	vor.u32 $0x2F, v4;
	vm0 =	vgt.f32 v37, v38;
	v40 =	vld.idx.msk [tilespmem:v20+s2+$0x0], $0xffff  }
0x450: {  	vm1 =	vgt.f32 v37, v27;
	v20 =	vsel vm0, v37, v38;
	v26 =	vsel vm0, $0xF, v26  }
0x451: {  	v38 =	vsel vm1, v27, v20;
	v26 =	vsel vm1, v39, v26;
	v39 =	vsel vm1, $0xF, v39;
	v20 =	vld.idx.msk [tilespmem:v42+s2+$0x0], $0xffff  }
0x452: {  	v27 =	vsel vm1, v37, v27;
	vm0 =	vgt.f32 v29, v38;
	v42 =	vor.u32 $0x30, v4;
	v37 =	vld.idx.msk [tilespmem:v19+s2+$0x0], $0xffff  }
0x453: {  	vm1 =	vgt.f32 v29, v27;
	v19 =	vsel vm0, v29, v38;
	v26 =	vsel vm0, $0x10, v26  }
0x454: {  	v38 =	vsel vm1, v27, v19;
	v26 =	vsel vm1, v39, v26;
	v39 =	vsel vm1, $0x10, v39;
	v19 =	vld.idx.msk [tilespmem:v41+s2+$0x0], $0xffff  }
0x455: {  	v27 =	vsel vm1, v29, v27;
	vm0 =	vgt.f32 v40, v38;
	v41 =	vor.u32 $0x31, v4;
	v29 =	vld.idx.msk [tilespmem:v21+s2+$0x0], $0xffff  }
0x456: {  	vm1 =	vgt.f32 v40, v27;
	v21 =	vsel vm0, v40, v38;
	v26 =	vsel vm0, $0x11, v26  }
0x457: {  	v38 =	vsel vm1, v27, v21;
	v26 =	vsel vm1, v39, v26;
	v39 =	vsel vm1, $0x11, v39;
	v21 =	vld.idx.msk [tilespmem:v42+s2+$0x0], $0xffff  }
0x458: {  	v27 =	vsel vm1, v40, v27;
	vm0 =	vgt.f32 v37, v38;
	v42 =	vor.u32 $0x32, v4;
	v40 =	vld.idx.msk [tilespmem:v23+s2+$0x0], $0xffff  }
0x459: {  	vm1 =	vgt.f32 v37, v27;
	v23 =	vsel vm0, v37, v38;
	v26 =	vsel vm0, $0x12, v26  }
0x45a: {  	v38 =	vsel vm1, v27, v23;
	v26 =	vsel vm1, v39, v26;
	v27 =	vsel vm1, v37, v27;
	v23 =	vld.idx.msk [tilespmem:v41+s2+$0x0], $0xffff  }
0x45b: {  	v37 =	vsel vm1, $0x12, v39;
	vm0 =	vgt.f32 v29, v38;
	v41 =	vor.u32 $0x33, v4;
	v39 =	vld.idx.msk [tilespmem:v25+s2+$0x0], $0xffff  }
0x45c: {  	vm1 =	vgt.f32 v29, v27;
	v25 =	vsel vm0, v29, v38;
	v26 =	vsel vm0, $0x13, v26  }
0x45d: {  	v38 =	vsel vm1, v27, v25;
	v26 =	vsel vm1, v37, v26;
	v27 =	vsel vm1, v29, v27;
	v25 =	vld.idx.msk [tilespmem:v42+s2+$0x0], $0xffff  }
0x45e: {  	v29 =	vsel vm1, $0x13, v37;
	v37 =	vor.u32 $0x34, v4;
	vm0 =	vgt.f32 v40, v38  }
0x45f: {  	vm1 =	vgt.f32 v40, v27;
	v38 =	vsel vm0, v40, v38;
	v26 =	vsel vm0, $0x14, v26  }
0x460: {  	v38 =	vsel vm1, v27, v38;
	v42 =	vsel vm1, v29, v26;
	v29 =	vsel vm1, $0x14, v29;
	v26 =	vld.idx.msk [tilespmem:v41+s2+$0x0], $0xffff  }
0x461: {  	v40 =	vsel vm1, v40, v27;
	vm0 =	vgt.f32 v39, v38;
	v41 =	vor.u32 $0x35, v4  }
0x462: {  	vm1 =	vgt.f32 v39, v40;
	v27 =	vsel vm0, v39, v38;
	v38 =	vsel vm0, $0x15, v42  }
0x463: {  	v42 =	vsel vm1, v40, v27;
	v38 =	vsel vm1, v29, v38;
	v29 =	vsel vm1, $0x15, v29;
	v27 =	vld.idx.msk [tilespmem:v37+s2+$0x0], $0xffff  }
0x464: {  	v37 =	vsel vm1, v39, v40;
	vm0 =	vgt.f32 v30, v42;
	v39 =	vor.u32 $0x36, v4  }
0x465: {  	vm1 =	vgt.f32 v30, v37;
	v40 =	vsel vm0, v30, v42;
	v38 =	vsel vm0, $0x16, v38  }
0x466: {  	v40 =	vsel vm1, v37, v40;
	v38 =	vsel vm1, v29, v38;
	v42 =	vsel vm1, $0x16, v29;
	v29 =	vld.idx.msk [tilespmem:v41+s2+$0x0], $0xffff  }
0x467: {  	v37 =	vsel vm1, v30, v37;
	vm0 =	vgt.f32 v32, v40;
	v41 =	vor.u32 $0x37, v4  }
0x468: {  	vm1 =	vgt.f32 v32, v37;
	v30 =	vsel vm0, v32, v40;
	v38 =	vsel vm0, $0x17, v38  }
0x469: {  	v40 =	vsel vm1, v37, v30;
	v38 =	vsel vm1, v42, v38;
	v30 =	vld.idx.msk [tilespmem:v39+s2+$0x0], $0xffff;
	v39 =	vor.u32 $0x38, v4  }
0x46a: {  	v32 =	vsel vm1, v32, v37;
	v37 =	vsel vm1, $0x17, v42;
	vm0 =	vgt.f32 v28, v40  }
0x46b: {  	vm1 =	vgt.f32 v28, v32;
	v40 =	vsel vm0, v28, v40;
	v38 =	vsel vm0, $0x18, v38  }
0x46c: {  	v42 =	vsel vm1, v28, v32;
	v40 =	vsel vm1, v32, v40;
	v38 =	vsel vm1, v37, v38;
	v32 =	vld.idx.msk [tilespmem:v41+s2+$0x0], $0xffff  }
0x46d: {  	vm0 =	vgt.f32 v36, v42;
	v37 =	vsel vm1, $0x18, v37;
	vm1 =	vgt.f32 v36, v40  }
0x46e: {  	v41 =	vsel vm0, $0x19, v37;
	v40 =	vsel vm1, v36, v40;
	v38 =	vsel vm1, $0x19, v38;
	v28 =	vld.idx.msk [tilespmem:v39+s2+$0x0], $0xffff  }
0x46f: {  	v39 =	vsel vm0, v42, v40;
	v37 =	vsel vm0, v37, v38;
	v38 =	vor.u32 $0x39, v4  }
0x470: {  	v36 =	vsel vm0, v36, v42;
	v40 =	vor.u32 $0x3A, v4;
	vm0 =	vgt.f32 v34, v39  }
0x471: {  	vm1 =	vgt.f32 v34, v36;
	v39 =	vsel vm0, v34, v39;
	v37 =	vsel vm0, $0x1A, v37  }
0x472: {  	v42 =	vsel vm1, v34, v36;
	v39 =	vsel vm1, v36, v39;
	v37 =	vsel vm1, v41, v37  }
0x473: {  	v34 =	vsel vm1, $0x1A, v41;
	v41 =	vor.u32 $0x3B, v4;
	vm0 =	vgt.f32 v35, v39  }
0x474: {  	vm1 =	vgt.f32 v35, v42;
	v39 =	vsel vm0, v35, v39;
	v37 =	vsel vm0, $0x1B, v37;
	v36 =	vld.idx.msk [tilespmem:v38+s2+$0x0], $0xffff  }
0x475: {  	v38 =	vsel vm1, v42, v39;
	v37 =	vsel vm1, v34, v37;
	v39 =	vsel vm1, $0x1B, v34;
	v34 =	vld.idx.msk [tilespmem:v40+s2+$0x0], $0xffff  }
0x476: {  	v40 =	vsel vm1, v35, v42;
	vm0 =	vgt.f32 v33, v38;
	v42 =	vor.u32 $0x3C, v4  }
0x477: {  	vm1 =	vgt.f32 v33, v40;
	v35 =	vsel vm0, v33, v38;
	v37 =	vsel vm0, $0x1C, v37  }
0x478: {  	v38 =	vsel vm1, v40, v35;
	v37 =	vsel vm1, v39, v37;
	v35 =	vld.idx.msk [tilespmem:v41+s2+$0x0], $0xffff;
	v41 =	vor.u32 $0x3D, v4  }
0x479: {  	v40 =	vsel vm1, v33, v40;
	v33 =	vsel vm1, $0x1C, v39;
	vm0 =	vgt.f32 v31, v38  }
0x47a: {  	vm1 =	vgt.f32 v31, v40;
	v38 =	vsel vm0, v31, v38;
	v37 =	vsel vm0, $0x1D, v37  }
0x47b: {  	v39 =	vsel vm1, $0x1D, v33;
	v38 =	vsel vm1, v40, v38;
	v37 =	vsel vm1, v33, v37;
	v33 =	vld.idx.msk [tilespmem:v42+s2+$0x0], $0xffff  }
0x47c: {  	v40 =	vsel vm1, v31, v40;
	vm0 =	vgt.f32 v24, v38;
	v42 =	vor.u32 $0x3E, v4  }
0x47d: {  	vm1 =	vgt.f32 v24, v40;
	v38 =	vsel vm0, v24, v38;
	v37 =	vsel vm0, $0x1E, v37;
	v31 =	vld.idx.msk [tilespmem:v41+s2+$0x0], $0xffff  }
0x47e: {  	v38 =	vsel vm1, v40, v38;
	v37 =	vsel vm1, v39, v37;
	v40 =	vsel vm1, v24, v40  }
0x47f: {  	v39 =	vsel vm1, $0x1E, v39;
	v41 =	vor.u32 $0x3F, v4;
	vm0 =	vgt.f32 v22, v38  }
0x480: {  	vm1 =	vgt.f32 v22, v40;
	v24 =	vsel vm0, v22, v38;
	v37 =	vsel vm0, $0x1F, v37  }
0x481: {  	v38 =	vsel vm1, v40, v24;
	v37 =	vsel vm1, v39, v37;
	v24 =	vld.idx.msk [tilespmem:v42+s2+$0x0], $0xffff  }
0x482: {  	v40 =	vsel vm1, v22, v40;
	vm0 =	vgt.f32 v18, v38  }
0x483: {  	vm2 =	vgt.f32 v18, v40;
	v22 =	vsel vm0, v18, v38;
	v37 =	vsel vm0, $0x20, v37  }
0x484: {  	v38 =	vsel vm1, $0x1F, v39;
	v39 =	vsel vm2, v40, v22;
	v22 =	vld.idx.msk [tilespmem:v41+s2+$0x0], $0xffff  }
0x485: {  	v18 =	vsel vm2, v18, v40;
	v37 =	vsel vm2, v38, v37;
	vm0 =	vgt.f32 v17, v39  }
0x486: {  	v38 =	vsel vm2, $0x20, v38;
	v39 =	vsel vm0, v17, v39;
	v37 =	vsel vm0, $0x21, v37  }
0x487: {  	vm0 =	vgt.f32 v17, v18  }
0x488: {  	v39 =	vsel vm0, v18, v39;
	v37 =	vsel vm0, v38, v37;
	v17 =	vsel vm0, v17, v18  }
0x489: {  	v18 =	vsel vm0, $0x21, v38;
	vm0 =	vgt.f32 v14, v17;
	vm1 =	vgt.f32 v14, v39  }
0x48a: {  	v38 =	vsel vm1, v14, v39;
	v37 =	vsel vm1, $0x22, v37;
	v14 =	vsel vm0, v14, v17  }
0x48b: {  	v17 =	vsel vm0, v17, v38;
	v37 =	vsel vm0, v18, v37  }
0x48c: {  	v18 =	vsel vm0, $0x22, v18;
	vm0 =	vgt.f32 v13, v14;
	vm1 =	vgt.f32 v13, v17  }
0x48d: {  	v17 =	vsel vm1, v13, v17;
	v37 =	vsel vm1, $0x23, v37;
	v13 =	vsel vm0, v13, v14  }
0x48e: {  	v14 =	vsel vm0, v14, v17;
	v17 =	vsel vm0, v18, v37  }
0x48f: {  	vm1 =	vgt.f32 v11, v13;
	vm2 =	vgt.f32 v11, v14  }
0x490: {  	v14 =	vsel vm2, v11, v14;
	v17 =	vsel vm2, $0x24, v17;
	v11 =	vsel vm1, v11, v13  }
0x491: {  	v18 =	vsel vm0, $0x23, v18;
	v13 =	vsel vm1, v13, v14  }
0x492: {  	v14 =	vsel vm1, v18, v17;
	vm0 =	vgt.f32 v10, v11;
	vm2 =	vgt.f32 v10, v13  }
0x493: {  	v13 =	vsel vm2, v10, v13;
	v14 =	vsel vm2, $0x25, v14;
	v10 =	vsel vm0, v10, v11  }
0x494: {  	v17 =	vsel vm1, $0x24, v18;
	v11 =	vsel vm0, v11, v13  }
0x495: {  	v13 =	vsel vm0, $0x25, v17;
	vm1 =	vgt.f32 v8, v10;
	vm2 =	vgt.f32 v8, v11  }
0x496: {  	v14 =	vsel vm0, v17, v14;
	v11 =	vsel vm2, v8, v11;
	v8 =	vsel vm1, v8, v10  }
0x497: {  	v10 =	vsel vm1, v10, v11;
	v11 =	vsel vm2, $0x26, v14;
	v14 =	vsel vm1, $0x26, v13  }
0x498: {  	vm0 =	vgt.f32 v7, v8;
	v11 =	vsel vm1, v13, v11;
	vm1 =	vgt.f32 v7, v10  }
0x499: {  	v13 =	vsel vm0, $0x27, v14;
	v10 =	vsel vm1, v7, v10;
	v7 =	vsel vm0, v7, v8  }
0x49a: {  	v8 =	vsel vm0, v8, v10;
	v10 =	vsel vm1, $0x27, v11  }
0x49b: {  	vm4 =	vgt.f32 v5, v7;
	v10 =	vsel vm0, v14, v10;
	vm0 =	vgt.f32 v5, v8  }
0x49c: {  	v8 =	vsel vm0, v5, v8;
	v10 =	vsel vm0, $0x28, v10;
	v5 =	vsel vm4, v5, v7  }
0x49d: {  	v7 =	vsel vm4, v7, v8;
	v8 =	vsel vm4, v13, v10  }
0x49e: {  	vm9 =	vgt.f32 v6, v5;
	vm1 =	vgt.f32 v6, v7  }
0x49f: {  	v7 =	vsel vm1, v6, v7;
	v6 =	vsel vm9, v6, v5  }
0x4a0: {  	v5 =	vsel vm9, v5, v7  }
0x4a1: {  	vm2 =	vgt.f32 v9, v6;
	vm8 =	vgt.f32 v9, v5  }
0x4a2: {  	v7 =	vsel vm2, v9, v6;
	v5 =	vsel vm8, v9, v5  }
0x4a3: {  	v5 =	vsel vm2, v6, v5  }
0x4a4: {  	vm3 =	vgt.f32 v12, v7;
	vm6 =	vgt.f32 v12, v5  }
0x4a5: {  	v6 =	vsel vm3, v12, v7;
	v5 =	vsel vm6, v12, v5  }
0x4a6: {  	v5 =	vsel vm3, v7, v5  }
0x4a7: {  	vm0 =	vgt.f32 v15, v6;
	vm7 =	vgt.f32 v15, v5  }
0x4a8: {  	v7 =	vsel vm0, v15, v6;
	v5 =	vsel vm7, v15, v5  }
0x4a9: {  	v5 =	vsel vm0, v6, v5  }
0x4aa: {  	v6 =	vsel vm1, $0x29, v8;
	vm1 =	vgt.f32 v16, v7;
	vm5 =	vgt.f32 v16, v5  }
0x4ab: {  	v8 =	vsel vm4, $0x28, v13;
	v9 =	vsel vm1, v16, v7;
	v5 =	vsel vm5, v16, v5  }
0x4ac: {  	v6 =	vsel vm9, v8, v6;
	v8 =	vsel vm9, $0x29, v8;
	v5 =	vsel vm1, v7, v5  }
0x4ad: {  	vm4 =	vgt.f32 v20, v9;
	v7 =	vsel vm2, $0x2A, v8;
	vm9 =	vgt.f32 v20, v5  }
0x4ae: {  	v11 =	vsel vm4, v20, v9;
	v10 =	vsel vm3, $0x2B, v7;
	v5 =	vsel vm9, v20, v5  }
0x4af: {  	v6 =	vsel vm8, $0x2A, v6;
	v12 =	vsel vm0, $0x2C, v10;
	v5 =	vsel vm4, v9, v5  }
0x4b0: {  	vm8 =	vgt.f32 v19, v11;
	v9 =	vsel vm1, $0x2D, v12;
	vm10 =	vgt.f32 v19, v5  }
0x4b1: {  	v6 =	vsel vm2, v8, v6;
	v8 =	vsel vm4, $0x2E, v9;
	v5 =	vsel vm10, v19, v5  }
0x4b2: {  	v6 =	vsel vm6, $0x2B, v6;
	v5 =	vsel vm8, v11, v5;
	v11 =	vsel vm8, v19, v11  }
0x4b3: {  	v6 =	vsel vm3, v7, v6;
	vm2 =	vgt.f32 v21, v11;
	vm3 =	vgt.f32 v21, v5  }
0x4b4: {  	v6 =	vsel vm7, $0x2C, v6;
	v7 =	vsel vm8, $0x2F, v8;
	v5 =	vsel vm3, v21, v5  }
0x4b5: {  	v13 =	vsel vm2, $0x30, v7;
	v5 =	vsel vm2, v11, v5;
	v11 =	vsel vm2, v21, v11  }
0x4b6: {  	v6 =	vsel vm0, v10, v6;
	vm0 =	vgt.f32 v23, v11;
	vm6 =	vgt.f32 v23, v5  }
0x4b7: {  	v6 =	vsel vm5, $0x2D, v6;
	v5 =	vsel vm6, v23, v5;
	v10 =	vsel vm0, v23, v11  }
0x4b8: {  	v6 =	vsel vm1, v12, v6;
	v5 =	vsel vm0, v11, v5;
	v11 =	vsel vm0, $0x31, v13  }
0x4b9: {  	v6 =	vsel vm9, $0x2E, v6;
	vm1 =	vgt.f32 v25, v10;
	vm5 =	vgt.f32 v25, v5  }
0x4ba: {  	v6 =	vsel vm4, v9, v6;
	v9 =	vsel vm1, v25, v10;
	v5 =	vsel vm5, v25, v5  }
0x4bb: {  	v6 =	vsel vm10, $0x2F, v6;
	v5 =	vsel vm1, v10, v5;
	v10 =	vsel vm1, $0x32, v11  }
0x4bc: {  	v6 =	vsel vm8, v8, v6;
	vm4 =	vgt.f32 v26, v9;
	vm7 =	vgt.f32 v26, v5  }
0x4bd: {  	v6 =	vsel vm3, $0x30, v6;
	v8 =	vsel vm4, v26, v9;
	v5 =	vsel vm7, v26, v5  }
0x4be: {  	v6 =	vsel vm2, v7, v6;
	v7 =	vsel vm4, $0x33, v10;
	v5 =	vsel vm4, v9, v5  }
0x4bf: {  	v6 =	vsel vm6, $0x31, v6;
	vm2 =	vgt.f32 v27, v8;
	vm3 =	vgt.f32 v27, v5  }
0x4c0: {  	v6 =	vsel vm0, v13, v6;
	v9 =	vsel vm2, v27, v8;
	v5 =	vsel vm3, v27, v5  }
0x4c1: {  	v6 =	vsel vm5, $0x32, v6;
	v5 =	vsel vm2, v8, v5;
	v8 =	vsel vm2, $0x34, v7  }
0x4c2: {  	v6 =	vsel vm1, v11, v6;
	vm0 =	vgt.f32 v29, v9;
	vm1 =	vgt.f32 v29, v5  }
0x4c3: {  	v6 =	vsel vm7, $0x33, v6;
	v11 =	vsel vm0, v29, v9;
	v5 =	vsel vm1, v29, v5  }
0x4c4: {  	v6 =	vsel vm4, v10, v6;
	v5 =	vsel vm0, v9, v5;
	v9 =	vsel vm0, $0x35, v8  }
0x4c5: {  	v6 =	vsel vm3, $0x34, v6;
	vm3 =	vgt.f32 v30, v11;
	vm4 =	vgt.f32 v30, v5  }
0x4c6: {  	v6 =	vsel vm2, v7, v6;
	v7 =	vsel vm3, v30, v11;
	v5 =	vsel vm4, v30, v5  }
0x4c7: {  	v6 =	vsel vm1, $0x35, v6;
	v10 =	vsel vm3, $0x36, v9;
	v5 =	vsel vm3, v11, v5  }
0x4c8: {  	v6 =	vsel vm0, v8, v6;
	vm0 =	vgt.f32 v32, v7;
	vm1 =	vgt.f32 v32, v5  }
0x4c9: {  	v8 =	vsel vm0, v32, v7;
	v6 =	vsel vm4, $0x36, v6;
	v5 =	vsel vm1, v32, v5  }
0x4ca: {  	v6 =	vsel vm3, v9, v6;
	v5 =	vsel vm0, v7, v5;
	v7 =	vsel vm0, $0x37, v10  }
0x4cb: {  	v6 =	vsel vm1, $0x37, v6;
	vm1 =	vgt.f32 v28, v8;
	vm2 =	vgt.f32 v28, v5  }
0x4cc: {  	v6 =	vsel vm0, v10, v6;
	v9 =	vsel vm1, v28, v8;
	v5 =	vsel vm2, v28, v5  }
0x4cd: {  	v6 =	vsel vm2, $0x38, v6;
	v5 =	vsel vm1, v8, v5;
	v8 =	vsel vm1, $0x38, v7  }
0x4ce: {  	vm0 =	vgt.f32 v36, v9;
	v6 =	vsel vm1, v7, v6;
	vm1 =	vgt.f32 v36, v5  }
0x4cf: {  	v7 =	vsel vm0, v36, v9;
	v5 =	vsel vm1, v36, v5;
	v6 =	vsel vm1, $0x39, v6  }
0x4d0: {  	v5 =	vsel vm0, v9, v5;
	v6 =	vsel vm0, v8, v6;
	v8 =	vsel vm0, $0x39, v8  }
0x4d1: {  	vm0 =	vgt.f32 v34, v7;
	vm1 =	vgt.f32 v34, v5  }
0x4d2: {  	v9 =	vsel vm0, v34, v7;
	v5 =	vsel vm1, v34, v5;
	v6 =	vsel vm1, $0x3A, v6  }
0x4d3: {  	v5 =	vsel vm0, v7, v5;
	v6 =	vsel vm0, v8, v6;
	v7 =	vsel vm0, $0x3A, v8  }
0x4d4: {  	vm0 =	vgt.f32 v35, v9;
	vm1 =	vgt.f32 v35, v5  }
0x4d5: {  	v8 =	vsel vm0, v35, v9;
	v5 =	vsel vm1, v35, v5;
	v6 =	vsel vm1, $0x3B, v6  }
0x4d6: {  	v5 =	vsel vm0, v9, v5;
	v6 =	vsel vm0, v7, v6;
	v7 =	vsel vm0, $0x3B, v7  }
0x4d7: {  	vm0 =	vgt.f32 v33, v8;
	vm1 =	vgt.f32 v33, v5  }
0x4d8: {  	v9 =	vsel vm0, v33, v8;
	v5 =	vsel vm1, v33, v5;
	v6 =	vsel vm1, $0x3C, v6  }
0x4d9: {  	v5 =	vsel vm0, v8, v5;
	v6 =	vsel vm0, v7, v6;
	v7 =	vsel vm0, $0x3C, v7  }
0x4da: {  	vm0 =	vgt.f32 v31, v9;
	vm1 =	vgt.f32 v31, v5  }
0x4db: {  	v8 =	vsel vm0, $0x3D, v7;
	v5 =	vsel vm1, v31, v5;
	v6 =	vsel vm1, $0x3D, v6  }
0x4dc: {  	v5 =	vsel vm0, v9, v5;
	v6 =	vsel vm0, v7, v6;
	v7 =	vsel vm0, v31, v9  }
0x4dd: {  	vm0 =	vgt.f32 v24, v7;
	vm1 =	vgt.f32 v24, v5  }
0x4de: {  	v5 =	vsel vm1, v24, v5;
	v6 =	vsel vm1, $0x3E, v6  }
0x4df: {  	v5 =	vsel vm0, v7, v5;
	v6 =	vsel vm0, v8, v6;
	v7 =	vsel vm0, v24, v7  }
0x4e0: {  	v8 =	vsel vm0, $0x3E, v8;
	vm0 =	vgt.f32 v22, v7;
	vm1 =	vgt.f32 v22, v5  }
0x4e1: {  	v5 =	vsel vm1, v22, v5;
	v6 =	vsel vm1, $0x3F, v6;
	v9 =	vsel vm0, v22, v7  }
0x4e2: {  	v7 =	vsel vm0, v7, v5;
	v5 =	vsel vm0, v8, v6  }
0x4e3: {  	v6 =	vsub.f32 v7, v9;
	v7 =	vadd.s32 v4, v5;
	_ =	sdelay $0x1  }
0x4e4: {  	v6 =	vmul.f32 $1.442695020e+00, v6;
	_ =	sdelay $0x1  }
0x4e5: {  	(erf) = vpow2.f32 v6;
	_ =	sdelay $0x8  }
0x4e6: {  	v9 =	vpop (erf)  }
0x4e7: {  	v6 =	vadd.f32 $1.000000000e+00, v9;
	_ =	sdelay $0x1  }
0x4e8: {  	(erf) = vrcp.f32 v6;
	_ =	sdelay $0x3  }
0x4e9: {  	v6 =	vsel vm0, $0x3F, v8  }
0x4ea: {  	v8 =	vadd.s32 v4, v6;
	_ =	sdelay $0x2  }
.Ltmp1:
0x4eb: {  	v4 =	vshll.u32 v3, $0x1;
	(pc) =	sbr.rel @p0 .LBB2_4-.Ltmp1, $3  }
0x4ec: {  	v3 =	vor.u32 $0x1, v4;
	v10 =	vpop (erf)  }
0x4ed: {  	v9 =	vmul.f32 v10, v9;
	[tilespmem:v8+s11+$0x0] =	vst.idx.msk $0xffff, v10;
	_ =	sdelay $0x1  }
0x4ee: {  	[tilespmem:v7+s11+$0x0] =	vst.idx.msk $0xffff, v9  }
0x4ef: {  	_ =	sdelay $0x3  }
0x4f0: {  	[tilespmem:v4+s12+$0x0] =	vst.idx.msk $0xffff, v6  }
0x4f1: {  	[tilespmem:v3+s12+$0x0] =	vst.idx.msk $0xffff, v5  }
0x4f2: {  	[hbm4b:s7+s2] =	stream.linear.scatter [tilespmem:s11], [sflag:$0x1], $0x8000, $0x38;
	[tilespmem:$0x10400] =	vst v63  }
0x4f3: {  	s13 =	sadd.s32 $0x1, s13;
	_ =	swait.ge [sflag:s10], $0x8000  }
0x4f4: {  	p0 =	sne.s32 s13, s9;
	[sflag:s10] =	ssyncset.done $0x0  }
.Ltmp2:
0x4f5: {  	[sflag:s10] =	ssyncadd.s32 $0xFFFF8000;
	(pc) =	sbr.rel @p0 .LBB2_1-.Ltmp2, $4  }
0x4f6: {  	[hbm4b:s8+s2] =	stream.linear.scatter [tilespmem:s12], [sflag:$0x1], $0x400, $0x38;
	[tilespmem:$0x10400] =	vst v63  }
0x4f7: {  	_ =	swait.ge [sflag:s10], $0x400  }
0x4f8: {  	[sflag:s10] =	ssyncset.done $0x0  }
0x4f9: {  	[sflag:s10] =	ssyncadd.s32 $0xFFFFFC00  }
0x4fa: {  	_ =	sfence.sel $0x180000  }
0x4fb: {  	[bflag:$0x0] =	sbarrier.arrive $0xFFFF  }
0x4fc: {  	p0 =	sne.s32 s1, $0x0;
	_ =	strace $0x90000047  }
0x4fd: {  	s0 =	sadd.s32 @!p0 $0x100000, s0;
	[bflag:$0x2] =	sbarrier.arrive $0xFFFF  }
0x4fe: {  	[sflag:s0] =	ssyncadd.tile.s32 @!p0 $0x1;
	_ =	shalt  }
.Lfunc_end2:
_tile_overlayer_lowered:
.L_overlay_start_2:
0x4ff: {  	(tag) =	ssettag $0x2  }
0x500: {  	s0 =	rddreg [dreg:$0x0];
	s2 =	stileid.u32  }
0x501: {  	s1 =	rddreg [dreg:$0x1];
	p0 =	sne.s32 s2, $0x0  }
0x502: {  	s3 =	rddreg [dreg:$0x2];
	[bflag:$0x3] =	sbarrier.arrive $0xFFFF;
	s2 =	simm.s32 @!p0 $0x1C01  }
0x503: {  	[timem:s3], [sflag:s2] =	dma.local @!p0 [hbm:s0], s1  }
0x504: {  	s0 =	simm.s32 @!p0 $0x1  }
0x505: {  	_ =	swait.ge @!p0 [sflag:s0], s1  }
0x506: {  	s1 =	ssub.s32 @!p0 $0x0, s1;
	[sflag:s0] =	ssyncset.done @!p0 $0x0  }
0x507: {  	[sflag:s0] =	ssyncadd.s32 @!p0 s1  }
0x508: {  	[bflag:$0x3] =	sbarrier.arrive $0xFFFF  }
0x509: {  	_ =	shalt  }

</sc_bundles>
